<compile_context>
chip_gen: v7x
topology: tpu7x:2x2x1
jax: 0.10.2.dev20260603
libtpu: 0.0.44.dev20260713+nightly
codegen_flags: <defaults>
</compile_context>

<pallas_src>
import jax
import jax.numpy as jnp
from jax import lax
from jax.experimental import pallas as pl
from jax.experimental.pallas import tpu as pltpu
from jax.experimental.pallas import tpu_sc as plsc

_CONF_THRES = 0.001
_IOU_THRES = 0.45
_MAX_DET = 100
_MAX_WH = 4096.0
_N = 5000
_NPAD = 5120
_NC = 80
_B = 4
_NEG_INF = float("-inf")

_NW = 8
_PER = 640
_NV = 40
_ROW = 656
_NF = 11


def _prep_body(pred_ref, out_ref):
    pt = pred_ref[...]
    p = jnp.concatenate(
        [pt, jnp.zeros((1, 85, _NPAD - _N), jnp.float32)], axis=2)
    cx = p[:, 0]
    cy = p[:, 1]
    w = p[:, 2]
    h = p[:, 3]
    obj = p[:, 4]
    bx1 = cx - w / 2.0
    by1 = cy - h / 2.0
    bx2 = cx + w / 2.0
    by2 = cy + h / 2.0

    cs = p[:, 5:] * obj[:, None]
    conf = jnp.max(cs, axis=1)
    cls_iota = lax.broadcasted_iota(jnp.int32, (1, _NC, 1), 1)
    j = jnp.min(jnp.where(cs == conf[:, None], cls_iota, _NC), axis=1)
    cls_f = j.astype(jnp.float32)

    off = cls_f * _MAX_WH
    x1 = bx1 + off
    y1 = by1 + off
    x2 = bx2 + off
    y2 = by2 + off
    areas = (x2 - x1) * (y2 - y1)
    s0 = jnp.where(conf > _CONF_THRES, conf, _NEG_INF)

    out_ref[...] = jnp.stack(
        [s0, x1, y1, x2, y2, areas, bx1, by1, bx2, by2, cls_f], axis=1)


_GDN = lax.GatherDimensionNumbers(offset_dims=(), collapsed_slice_dims=(0,),
                                 start_index_map=(0,))


def _rot(x, sh, iota16):
    perm = jnp.bitwise_and(iota16 + sh, 15)
    return lax.gather(x, perm[:, None], _GDN, (1,),
                      mode=lax.GatherScatterMode.PROMISE_IN_BOUNDS)


def _sc_body(feat_hbm, out_hbm, feats, rows, rec, allrec, shared):
    c = lax.axis_index("c")
    sid = lax.axis_index("s")
    g = sid // _NW
    w = sid - g * _NW
    b = 2 * c + g
    base = w * _PER

    for f in range(_NF):
        pltpu.sync_copy(
            feat_hbm.at[pl.ds((b * _NF + f) * _NPAD + base, _PER)],
            feats.at[pl.ds(f * _ROW, _PER)])

    iota16 = lax.broadcasted_iota(jnp.int32, (16,), 0)
    zeros16 = jnp.zeros((16,), jnp.float32)

    def zero_rows(i, carry):
        rows[pl.ds(i * 16, 16)] = zeros16
        return carry
    lax.fori_loop(0, _MAX_DET, zero_rows, 0)

    def body(k, carry):
        x1w, y1w, x2w, y2w, areaw, miw = carry

        accs = []
        for a in range(4):
            best = jnp.full((16,), _NEG_INF, jnp.float32)
            bestidx = (base + 160 * a) + iota16
            for jv in range(10 * a, 10 * a + 10):
                o = 16 * jv
                sj = feats[pl.ds(o, 16)]
                x1 = feats[pl.ds(1 * _ROW + o, 16)]
                y1 = feats[pl.ds(2 * _ROW + o, 16)]
                x2 = feats[pl.ds(3 * _ROW + o, 16)]
                y2 = feats[pl.ds(4 * _ROW + o, 16)]
                ar = feats[pl.ds(5 * _ROW + o, 16)]
                xx1 = jnp.maximum(x1w, x1)
                yy1 = jnp.maximum(y1w, y1)
                xx2 = jnp.minimum(x2w, x2)
                yy2 = jnp.minimum(y2w, y2)
                inter = jnp.maximum(xx2 - xx1, 0.0) * jnp.maximum(yy2 - yy1, 0.0)
                iou = inter / (areaw + ar - inter + 1e-9)
                idxv = (base + o) + iota16
                sj = jnp.where((iou > _IOU_THRES) | (idxv == miw), _NEG_INF, sj)
                feats[pl.ds(o, 16)] = sj
                upd = sj > best
                best = jnp.where(upd, sj, best)
                bestidx = jnp.where(upd, idxv, bestidx)
            accs.append((best, bestidx))

        def mg_stripe(p, q):
            t = q[0] > p[0]
            return jnp.where(t, q[0], p[0]), jnp.where(t, q[1], p[1])
        m01 = mg_stripe(accs[0], accs[1])
        m23 = mg_stripe(accs[2], accs[3])
        v, ix = mg_stripe(m01, m23)

        for sh in (8, 4, 2, 1):
            v2 = _rot(v, sh, iota16)
            i2 = _rot(ix, sh, iota16)
            take = (v2 > v) | ((v2 == v) & (i2 < ix))
            v = jnp.where(take, v2, v)
            ix = jnp.where(take, i2, ix)
        mv = v[0]
        mi = ix[0]
        li = mi - base

        parts = [jnp.where(iota16 == 0, mv, 0.0)]
        for f in range(1, _NF):
            val = feats[pl.ds(f * _ROW + li, 16)][0]
            parts.append(jnp.where(iota16 == f, val, 0.0))
        parts.append(jnp.where(iota16 == _NF, mi.astype(jnp.float32), 0.0))
        while len(parts) > 1:
            parts = [parts[i] + parts[i + 1] for i in range(0, len(parts) - 1, 2)] \
                + ([parts[-1]] if len(parts) % 2 else [])
        rec[...] = parts[0]

        par = jnp.bitwise_and(k, 1)
        pltpu.sync_copy(rec, shared.at[pl.ds(par * 256 + g * 128 + w * 16, 16)])
        plsc.subcore_barrier()
        pltpu.sync_copy(shared.at[pl.ds(par * 256 + g * 128, 128)], allrec)

        r = [allrec[pl.ds(16 * wi, 16)] for wi in range(_NW)]

        def mg(p, q):
            return jnp.where(q[0] > p[0], q, p)
        gvec = mg(mg(mg(r[0], r[1]), mg(r[2], r[3])),
                  mg(mg(r[4], r[5]), mg(r[6], r[7])))

        gmv = gvec[0]
        x1w_n = gvec[1]
        y1w_n = gvec[2]
        x2w_n = gvec[3]
        y2w_n = gvec[4]
        areaw_n = gvec[5]
        miw_n = gvec[11].astype(jnp.int32)
        keep = gmv > _CONF_THRES

        @pl.when(w == 0)
        def _():
            row = jnp.where(iota16 == 0, gvec[6], zeros16)
            row = jnp.where(iota16 == 1, gvec[7], row)
            row = jnp.where(iota16 == 2, gvec[8], row)
            row = jnp.where(iota16 == 3, gvec[9], row)
            row = jnp.where(iota16 == 4, gmv, row)
            row = jnp.where(iota16 == 5, gvec[10], row)
            row = jnp.where(keep, row, zeros16)
            rows[pl.ds(k * 16, 16)] = row

        return x1w_n, y1w_n, x2w_n, y2w_n, areaw_n, miw_n

    init = (jnp.float32(-1e30), jnp.float32(-1e30), jnp.float32(-1e30),
            jnp.float32(-1e30), jnp.float32(0.0), jnp.int32(-1))
    lax.fori_loop(0, _MAX_DET, body, init)

    @pl.when(w == 0)
    def _():
        pltpu.sync_copy(rows, out_hbm.at[pl.ds(b * _MAX_DET * 16, _MAX_DET * 16)])


def _sc_nms(feat):
    mesh = plsc.VectorSubcoreMesh(core_axis_name="c", subcore_axis_name="s",
                                  num_cores=2, num_subcores=16)
    f = pl.kernel(
        _sc_body,
        out_type=jax.ShapeDtypeStruct((_B * _MAX_DET * 16,), jnp.float32),
        mesh=mesh,
        scratch_types=[
            pltpu.VMEM((_NF * _ROW,), jnp.float32),
            pltpu.VMEM((_MAX_DET * 16,), jnp.float32),
            pltpu.VMEM((16,), jnp.float32),
            pltpu.VMEM((_NW * 16,), jnp.float32),
            pltpu.VMEM_SHARED((2 * 2 * _NW * 16,), jnp.float32),
        ],
    )
    return f(feat)


def kernel(x):
    pred = x[0]
    pt = jnp.transpose(pred, (0, 2, 1))
    feat = pl.pallas_call(
        _prep_body,
        grid=(_B,),
        in_specs=[pl.BlockSpec((1, 85, _N), lambda b: (b, 0, 0))],
        out_specs=pl.BlockSpec((1, _NF, _NPAD), lambda b: (b, 0, 0)),
        out_shape=jax.ShapeDtypeStruct((_B, _NF, _NPAD), jnp.float32),
    )(pt)
    feat = feat.reshape(_NF * _B * _NPAD)
    out16 = _sc_nms(feat)
    return out16.reshape(_B, _MAX_DET, 16)[:, :, :6]

# --- scband reference (transcript-rebuilt; emitter-appended) ---
"""Pipeline reference for scband-nms-export-73804718014593 (READ-ONLY COPY).

The authoritative reference and input builder live on the scoring server;
editing this copy changes nothing except your own understanding.
"""

import jax, jax.numpy as jnp
import numpy as np

CONF_THRES = 0.001
IOU_THRES = 0.45
MAX_DET = 100
MAX_WH = 4096.0


def setup_inputs(seed: int = 0) -> dict:
    key = jax.random.key(seed)
    x = jax.random.uniform(key, (1, 4, 5000, 85), dtype=jnp.float32)
    return {"x": x}


def _xywh2xyxy(b):
    cx, cy, w, h = b[:, 0], b[:, 1], b[:, 2], b[:, 3]
    return jnp.stack([cx - w / 2.0, cy - h / 2.0, cx + w / 2.0, cy + h / 2.0], axis=1)


def _nms_image(box, conf, cls_id):
    # class-offset boxes so NMS is per-class (classes=None, non-agnostic)
    off = cls_id.astype(jnp.float32) * MAX_WH
    b = box + off[:, None]
    x1, y1, x2, y2 = b[:, 0], b[:, 1], b[:, 2], b[:, 3]
    areas = (x2 - x1) * (y2 - y1)
    s = jnp.where(conf > CONF_THRES, conf, -jnp.inf)
    rows = []
    for _ in range(MAX_DET):
        i = jnp.argmax(s)
        si = s[i]
        keep = si > CONF_THRES
        row = jnp.concatenate([box[i], conf[i][None], cls_id[i].astype(jnp.float32)[None]])
        rows.append(jnp.where(keep, row, jnp.zeros(6, dtype=row.dtype)))
        xx1 = jnp.maximum(x1[i], x1)
        yy1 = jnp.maximum(y1[i], y1)
        xx2 = jnp.minimum(x2[i], x2)
        yy2 = jnp.minimum(y2[i], y2)
        inter = jnp.clip(xx2 - xx1, 0.0, None) * jnp.clip(yy2 - yy1, 0.0, None)
        iou = inter / (areas[i] + areas - inter + 1e-9)
        s = jnp.where(iou > IOU_THRES, -jnp.inf, s)
        s = s.at[i].set(-jnp.inf)
    return jnp.stack(rows, axis=0)


def reference(x):
    # NMS_Export.forward: non_max_suppression_export(x[0], conf_thres, iou_thres)
    pred = x[0]  # [B, N, 5 + nc]
    B = pred.shape[0]
    outs = []
    for bi in range(B):
        p = pred[bi]
        box = _xywh2xyxy(p[:, :4])
        obj = p[:, 4:5]
        cls_scores = p[:, 5:] * obj  # conf = obj_conf * cls_conf
        conf = jnp.max(cls_scores, axis=1)
        j = jnp.argmax(cls_scores, axis=1)
        outs.append(_nms_image(box, conf, j))
    return jnp.stack(outs, axis=0)  # [B, MAX_DET, 6] zero-padded detections (x1,y1,x2,y2,conf,cls)

if __name__ == "__main__":
    import jax
    _d = setup_inputs()
    print(jax.jit(kernel)(*tuple(_d.values())))

</pallas_src>

<mosaic_0001>
#map = affine_map<(d0, d1) -> (0)>
module attributes {stable_mosaic.version = 14 : i64} {
  func.func @_sc_body(%arg0: i32, %arg1: i32, %arg2: memref<225280xf32, #tpu.memory_space<hbm>>, %arg3: memref<6400xf32, #tpu.memory_space<hbm>>, %arg4: memref<7216xf32, #tpu.memory_space<vmem>>, %arg5: memref<1600xf32, #tpu.memory_space<vmem>>, %arg6: memref<16xf32, #tpu.memory_space<vmem>>, %arg7: memref<128xf32, #tpu.memory_space<vmem>>, %arg8: memref<512xf32, #tpu.memory_space<vmem_shared>>) attributes {dimension_semantics = [#tpu.dimension_semantics<core_parallel>, #tpu.dimension_semantics<subcore_parallel>], iteration_bounds = array<i64: 2, 16>, scalar_prefetch = 0 : i64, scratch_operands = 5 : i64, tpu.core_type = #tpu.core_type<sc_vector_subcore>, window_params = [{transform_indices = #map}, {transform_indices = #map}]} {
    %jit3A = arith.constant 8 : i32
    %div3A = arith.divsi %arg1, %jit3A : i32
    %sign3A = arith.constant 0 : i32
    %sign3A_0 = arith.cmpi sgt, %arg1, %sign3A : i32
    %sign3A_1 = arith.extui %sign3A_0 : i1 to i32
    %sign3A_2 = arith.constant 0 : i32
    %sign3A_3 = arith.cmpi slt, %arg1, %sign3A_2 : i32
    %sign3A_4 = arith.extui %sign3A_3 : i1 to i32
    %sign3A_5 = arith.subi %sign3A_1, %sign3A_4 : i32
    %sign3A_6 = arith.constant 0 : i32
    %sign3A_7 = arith.cmpi sgt, %jit3A, %sign3A_6 : i32
    %sign3A_8 = arith.extui %sign3A_7 : i1 to i32
    %sign3A_9 = arith.constant 0 : i32
    %sign3A_10 = arith.cmpi slt, %jit3A, %sign3A_9 : i32
    %sign3A_11 = arith.extui %sign3A_10 : i1 to i32
    %sign3A_12 = arith.subi %sign3A_8, %sign3A_11 : i32
    %ne3A = arith.cmpi ne, %sign3A_5, %sign3A_12 : i32
    %rem3A = arith.remsi %arg1, %jit3A : i32
    %ne3A_13 = arith.constant 0 : i32
    %ne3A_14 = arith.cmpi ne, %rem3A, %ne3A_13 : i32
    %and3A = arith.andi %ne3A, %ne3A_14 : i1
    %sub3A = arith.constant 1 : i32
    %sub3A_15 = arith.subi %div3A, %sub3A : i32
    %select_n3A = arith.select %and3A, %sub3A_15, %div3A : i32
    %mul3A = arith.constant 8 : i32
    %mul3A_16 = arith.muli %select_n3A, %mul3A : i32
    %sub3A_17 = arith.subi %arg1, %mul3A_16 : i32
    %mul3A_18 = arith.constant 2 : i32
    %mul3A_19 = arith.muli %mul3A_18, %arg0 : i32
    %add3A = arith.addi %mul3A_19, %select_n3A : i32
    %mul3A_20 = arith.constant 640 : i32
    %mul3A_21 = arith.muli %sub3A_17, %mul3A_20 : i32
    %mul3A_22 = arith.constant 11 : i32
    %mul3A_23 = arith.muli %add3A, %mul3A_22 : i32
    %add3A_24 = arith.constant 0 : i32
    %add3A_25 = arith.addi %mul3A_23, %add3A_24 : i32
    %mul3A_26 = arith.constant 5120 : i32
    %mul3A_27 = arith.muli %add3A_25, %mul3A_26 : i32
    %add3A_28 = arith.addi %mul3A_27, %mul3A_21 : i32
    "tpu.region"() ({
      %run_scoped3A = tpu.sem_alloc : memref<!tpu.dma_semaphore, #tpu.memory_space<semaphore_mem>>
      %dma_start3A = arith.constant 0 : i32
      %dma_start3A_119 = tpu.memref_slice %arg4[%dma_start3A] : memref<7216xf32, #tpu.memory_space<vmem>> -> memref<640xf32, #tpu.memory_space<vmem>>
      %dma_start3A_120 = tpu.memref_slice %arg2[%add3A_28] : memref<225280xf32, #tpu.memory_space<hbm>> -> memref<640xf32, #tpu.memory_space<hbm>>
      %dma_start3A_121 = arith.constant 0 : i32
      %dma_start3A_122 = tpu.memref_slice %arg4[%dma_start3A_121] : memref<7216xf32, #tpu.memory_space<vmem>> -> memref<640xf32, #tpu.memory_space<vmem>>
      %dma_start3A_123 = tpu.memref_slice %arg2[%add3A_28] : memref<225280xf32, #tpu.memory_space<hbm>> -> memref<640xf32, #tpu.memory_space<hbm>>
      tpu.enqueue_dma source(%dma_start3A_123 : memref<640xf32, #tpu.memory_space<hbm>>) target(%dma_start3A_122 : memref<640xf32, #tpu.memory_space<vmem>>) target_semaphore(%run_scoped3A : memref<!tpu.dma_semaphore, #tpu.memory_space<semaphore_mem>>)
      %dma_wait3A = arith.constant 0 : i32
      %dma_wait3A_124 = tpu.memref_slice %arg4[%dma_wait3A] : memref<7216xf32, #tpu.memory_space<vmem>> -> memref<640xf32, #tpu.memory_space<vmem>>
      %dma_wait3A_125 = tpu.memref_slice %arg2[%add3A_28] : memref<225280xf32, #tpu.memory_space<hbm>> -> memref<640xf32, #tpu.memory_space<hbm>>
      %dma_wait3A_126 = arith.constant 0 : i32
      %dma_wait3A_127 = tpu.memref_slice %arg4[%dma_wait3A_126] : memref<7216xf32, #tpu.memory_space<vmem>> -> memref<640xf32, #tpu.memory_space<vmem>>
      %dma_wait3A_128 = tpu.memref_slice %arg2[%add3A_28] : memref<225280xf32, #tpu.memory_space<hbm>> -> memref<640xf32, #tpu.memory_space<hbm>>
      tpu.wait_dma2 semaphore(%run_scoped3A : memref<!tpu.dma_semaphore, #tpu.memory_space<semaphore_mem>>) src(%dma_wait3A_128 : memref<640xf32, #tpu.memory_space<hbm>>) dst(%dma_wait3A_127 : memref<640xf32, #tpu.memory_space<vmem>>)
      tpu.yield
    }) : () -> ()
    %mul3A_29 = arith.constant 11 : i32
    %mul3A_30 = arith.muli %add3A, %mul3A_29 : i32
    %add3A_31 = arith.constant 1 : i32
    %add3A_32 = arith.addi %mul3A_30, %add3A_31 : i32
    %mul3A_33 = arith.constant 5120 : i32
    %mul3A_34 = arith.muli %add3A_32, %mul3A_33 : i32
    %add3A_35 = arith.addi %mul3A_34, %mul3A_21 : i32
    "tpu.region"() ({
      %run_scoped3A = tpu.sem_alloc : memref<!tpu.dma_semaphore, #tpu.memory_space<semaphore_mem>>
      %dma_start3A = arith.constant 656 : i32
      %dma_start3A_119 = tpu.memref_slice %arg4[%dma_start3A] : memref<7216xf32, #tpu.memory_space<vmem>> -> memref<640xf32, #tpu.memory_space<vmem>>
      %dma_start3A_120 = tpu.memref_slice %arg2[%add3A_35] : memref<225280xf32, #tpu.memory_space<hbm>> -> memref<640xf32, #tpu.memory_space<hbm>>
      %dma_start3A_121 = arith.constant 656 : i32
      %dma_start3A_122 = tpu.memref_slice %arg4[%dma_start3A_121] : memref<7216xf32, #tpu.memory_space<vmem>> -> memref<640xf32, #tpu.memory_space<vmem>>
      %dma_start3A_123 = tpu.memref_slice %arg2[%add3A_35] : memref<225280xf32, #tpu.memory_space<hbm>> -> memref<640xf32, #tpu.memory_space<hbm>>
      tpu.enqueue_dma source(%dma_start3A_123 : memref<640xf32, #tpu.memory_space<hbm>>) target(%dma_start3A_122 : memref<640xf32, #tpu.memory_space<vmem>>) target_semaphore(%run_scoped3A : memref<!tpu.dma_semaphore, #tpu.memory_space<semaphore_mem>>)
      %dma_wait3A = arith.constant 656 : i32
      %dma_wait3A_124 = tpu.memref_slice %arg4[%dma_wait3A] : memref<7216xf32, #tpu.memory_space<vmem>> -> memref<640xf32, #tpu.memory_space<vmem>>
      %dma_wait3A_125 = tpu.memref_slice %arg2[%add3A_35] : memref<225280xf32, #tpu.memory_space<hbm>> -> memref<640xf32, #tpu.memory_space<hbm>>
      %dma_wait3A_126 = arith.constant 656 : i32
      %dma_wait3A_127 = tpu.memref_slice %arg4[%dma_wait3A_126] : memref<7216xf32, #tpu.memory_space<vmem>> -> memref<640xf32, #tpu.memory_space<vmem>>
      %dma_wait3A_128 = tpu.memref_slice %arg2[%add3A_35] : memref<225280xf32, #tpu.memory_space<hbm>> -> memref<640xf32, #tpu.memory_space<hbm>>
      tpu.wait_dma2 semaphore(%run_scoped3A : memref<!tpu.dma_semaphore, #tpu.memory_space<semaphore_mem>>) src(%dma_wait3A_128 : memref<640xf32, #tpu.memory_space<hbm>>) dst(%dma_wait3A_127 : memref<640xf32, #tpu.memory_space<vmem>>)
      tpu.yield
    }) : () -> ()
    %mul3A_36 = arith.constant 11 : i32
    %mul3A_37 = arith.muli %add3A, %mul3A_36 : i32
    %add3A_38 = arith.constant 2 : i32
    %add3A_39 = arith.addi %mul3A_37, %add3A_38 : i32
    %mul3A_40 = arith.constant 5120 : i32
    %mul3A_41 = arith.muli %add3A_39, %mul3A_40 : i32
    %add3A_42 = arith.addi %mul3A_41, %mul3A_21 : i32
    "tpu.region"() ({
      %run_scoped3A = tpu.sem_alloc : memref<!tpu.dma_semaphore, #tpu.memory_space<semaphore_mem>>
      %dma_start3A = arith.constant 1312 : i32
      %dma_start3A_119 = tpu.memref_slice %arg4[%dma_start3A] : memref<7216xf32, #tpu.memory_space<vmem>> -> memref<640xf32, #tpu.memory_space<vmem>>
      %dma_start3A_120 = tpu.memref_slice %arg2[%add3A_42] : memref<225280xf32, #tpu.memory_space<hbm>> -> memref<640xf32, #tpu.memory_space<hbm>>
      %dma_start3A_121 = arith.constant 1312 : i32
      %dma_start3A_122 = tpu.memref_slice %arg4[%dma_start3A_121] : memref<7216xf32, #tpu.memory_space<vmem>> -> memref<640xf32, #tpu.memory_space<vmem>>
      %dma_start3A_123 = tpu.memref_slice %arg2[%add3A_42] : memref<225280xf32, #tpu.memory_space<hbm>> -> memref<640xf32, #tpu.memory_space<hbm>>
      tpu.enqueue_dma source(%dma_start3A_123 : memref<640xf32, #tpu.memory_space<hbm>>) target(%dma_start3A_122 : memref<640xf32, #tpu.memory_space<vmem>>) target_semaphore(%run_scoped3A : memref<!tpu.dma_semaphore, #tpu.memory_space<semaphore_mem>>)
      %dma_wait3A = arith.constant 1312 : i32
      %dma_wait3A_124 = tpu.memref_slice %arg4[%dma_wait3A] : memref<7216xf32, #tpu.memory_space<vmem>> -> memref<640xf32, #tpu.memory_space<vmem>>
      %dma_wait3A_125 = tpu.memref_slice %arg2[%add3A_42] : memref<225280xf32, #tpu.memory_space<hbm>> -> memref<640xf32, #tpu.memory_space<hbm>>
      %dma_wait3A_126 = arith.constant 1312 : i32
      %dma_wait3A_127 = tpu.memref_slice %arg4[%dma_wait3A_126] : memref<7216xf32, #tpu.memory_space<vmem>> -> memref<640xf32, #tpu.memory_space<vmem>>
      %dma_wait3A_128 = tpu.memref_slice %arg2[%add3A_42] : memref<225280xf32, #tpu.memory_space<hbm>> -> memref<640xf32, #tpu.memory_space<hbm>>
      tpu.wait_dma2 semaphore(%run_scoped3A : memref<!tpu.dma_semaphore, #tpu.memory_space<semaphore_mem>>) src(%dma_wait3A_128 : memref<640xf32, #tpu.memory_space<hbm>>) dst(%dma_wait3A_127 : memref<640xf32, #tpu.memory_space<vmem>>)
      tpu.yield
    }) : () -> ()
    %mul3A_43 = arith.constant 11 : i32
    %mul3A_44 = arith.muli %add3A, %mul3A_43 : i32
    %add3A_45 = arith.constant 3 : i32
    %add3A_46 = arith.addi %mul3A_44, %add3A_45 : i32
    %mul3A_47 = arith.constant 5120 : i32
    %mul3A_48 = arith.muli %add3A_46, %mul3A_47 : i32
    %add3A_49 = arith.addi %mul3A_48, %mul3A_21 : i32
    "tpu.region"() ({
      %run_scoped3A = tpu.sem_alloc : memref<!tpu.dma_semaphore, #tpu.memory_space<semaphore_mem>>
      %dma_start3A = arith.constant 1968 : i32
      %dma_start3A_119 = tpu.memref_slice %arg4[%dma_start3A] : memref<7216xf32, #tpu.memory_space<vmem>> -> memref<640xf32, #tpu.memory_space<vmem>>
      %dma_start3A_120 = tpu.memref_slice %arg2[%add3A_49] : memref<225280xf32, #tpu.memory_space<hbm>> -> memref<640xf32, #tpu.memory_space<hbm>>
      %dma_start3A_121 = arith.constant 1968 : i32
      %dma_start3A_122 = tpu.memref_slice %arg4[%dma_start3A_121] : memref<7216xf32, #tpu.memory_space<vmem>> -> memref<640xf32, #tpu.memory_space<vmem>>
      %dma_start3A_123 = tpu.memref_slice %arg2[%add3A_49] : memref<225280xf32, #tpu.memory_space<hbm>> -> memref<640xf32, #tpu.memory_space<hbm>>
      tpu.enqueue_dma source(%dma_start3A_123 : memref<640xf32, #tpu.memory_space<hbm>>) target(%dma_start3A_122 : memref<640xf32, #tpu.memory_space<vmem>>) target_semaphore(%run_scoped3A : memref<!tpu.dma_semaphore, #tpu.memory_space<semaphore_mem>>)
      %dma_wait3A = arith.constant 1968 : i32
      %dma_wait3A_124 = tpu.memref_slice %arg4[%dma_wait3A] : memref<7216xf32, #tpu.memory_space<vmem>> -> memref<640xf32, #tpu.memory_space<vmem>>
      %dma_wait3A_125 = tpu.memref_slice %arg2[%add3A_49] : memref<225280xf32, #tpu.memory_space<hbm>> -> memref<640xf32, #tpu.memory_space<hbm>>
      %dma_wait3A_126 = arith.constant 1968 : i32
      %dma_wait3A_127 = tpu.memref_slice %arg4[%dma_wait3A_126] : memref<7216xf32, #tpu.memory_space<vmem>> -> memref<640xf32, #tpu.memory_space<vmem>>
      %dma_wait3A_128 = tpu.memref_slice %arg2[%add3A_49] : memref<225280xf32, #tpu.memory_space<hbm>> -> memref<640xf32, #tpu.memory_space<hbm>>
      tpu.wait_dma2 semaphore(%run_scoped3A : memref<!tpu.dma_semaphore, #tpu.memory_space<semaphore_mem>>) src(%dma_wait3A_128 : memref<640xf32, #tpu.memory_space<hbm>>) dst(%dma_wait3A_127 : memref<640xf32, #tpu.memory_space<vmem>>)
      tpu.yield
    }) : () -> ()
    %mul3A_50 = arith.constant 11 : i32
    %mul3A_51 = arith.muli %add3A, %mul3A_50 : i32
    %add3A_52 = arith.constant 4 : i32
    %add3A_53 = arith.addi %mul3A_51, %add3A_52 : i32
    %mul3A_54 = arith.constant 5120 : i32
    %mul3A_55 = arith.muli %add3A_53, %mul3A_54 : i32
    %add3A_56 = arith.addi %mul3A_55, %mul3A_21 : i32
    "tpu.region"() ({
      %run_scoped3A = tpu.sem_alloc : memref<!tpu.dma_semaphore, #tpu.memory_space<semaphore_mem>>
      %dma_start3A = arith.constant 2624 : i32
      %dma_start3A_119 = tpu.memref_slice %arg4[%dma_start3A] : memref<7216xf32, #tpu.memory_space<vmem>> -> memref<640xf32, #tpu.memory_space<vmem>>
      %dma_start3A_120 = tpu.memref_slice %arg2[%add3A_56] : memref<225280xf32, #tpu.memory_space<hbm>> -> memref<640xf32, #tpu.memory_space<hbm>>
      %dma_start3A_121 = arith.constant 2624 : i32
      %dma_start3A_122 = tpu.memref_slice %arg4[%dma_start3A_121] : memref<7216xf32, #tpu.memory_space<vmem>> -> memref<640xf32, #tpu.memory_space<vmem>>
      %dma_start3A_123 = tpu.memref_slice %arg2[%add3A_56] : memref<225280xf32, #tpu.memory_space<hbm>> -> memref<640xf32, #tpu.memory_space<hbm>>
      tpu.enqueue_dma source(%dma_start3A_123 : memref<640xf32, #tpu.memory_space<hbm>>) target(%dma_start3A_122 : memref<640xf32, #tpu.memory_space<vmem>>) target_semaphore(%run_scoped3A : memref<!tpu.dma_semaphore, #tpu.memory_space<semaphore_mem>>)
      %dma_wait3A = arith.constant 2624 : i32
      %dma_wait3A_124 = tpu.memref_slice %arg4[%dma_wait3A] : memref<7216xf32, #tpu.memory_space<vmem>> -> memref<640xf32, #tpu.memory_space<vmem>>
      %dma_wait3A_125 = tpu.memref_slice %arg2[%add3A_56] : memref<225280xf32, #tpu.memory_space<hbm>> -> memref<640xf32, #tpu.memory_space<hbm>>
      %dma_wait3A_126 = arith.constant 2624 : i32
      %dma_wait3A_127 = tpu.memref_slice %arg4[%dma_wait3A_126] : memref<7216xf32, #tpu.memory_space<vmem>> -> memref<640xf32, #tpu.memory_space<vmem>>
      %dma_wait3A_128 = tpu.memref_slice %arg2[%add3A_56] : memref<225280xf32, #tpu.memory_space<hbm>> -> memref<640xf32, #tpu.memory_space<hbm>>
      tpu.wait_dma2 semaphore(%run_scoped3A : memref<!tpu.dma_semaphore, #tpu.memory_space<semaphore_mem>>) src(%dma_wait3A_128 : memref<640xf32, #tpu.memory_space<hbm>>) dst(%dma_wait3A_127 : memref<640xf32, #tpu.memory_space<vmem>>)
      tpu.yield
    }) : () -> ()
    %mul3A_57 = arith.constant 11 : i32
    %mul3A_58 = arith.muli %add3A, %mul3A_57 : i32
    %add3A_59 = arith.constant 5 : i32
    %add3A_60 = arith.addi %mul3A_58, %add3A_59 : i32
    %mul3A_61 = arith.constant 5120 : i32
    %mul3A_62 = arith.muli %add3A_60, %mul3A_61 : i32
    %add3A_63 = arith.addi %mul3A_62, %mul3A_21 : i32
    "tpu.region"() ({
      %run_scoped3A = tpu.sem_alloc : memref<!tpu.dma_semaphore, #tpu.memory_space<semaphore_mem>>
      %dma_start3A = arith.constant 3280 : i32
      %dma_start3A_119 = tpu.memref_slice %arg4[%dma_start3A] : memref<7216xf32, #tpu.memory_space<vmem>> -> memref<640xf32, #tpu.memory_space<vmem>>
      %dma_start3A_120 = tpu.memref_slice %arg2[%add3A_63] : memref<225280xf32, #tpu.memory_space<hbm>> -> memref<640xf32, #tpu.memory_space<hbm>>
      %dma_start3A_121 = arith.constant 3280 : i32
      %dma_start3A_122 = tpu.memref_slice %arg4[%dma_start3A_121] : memref<7216xf32, #tpu.memory_space<vmem>> -> memref<640xf32, #tpu.memory_space<vmem>>
      %dma_start3A_123 = tpu.memref_slice %arg2[%add3A_63] : memref<225280xf32, #tpu.memory_space<hbm>> -> memref<640xf32, #tpu.memory_space<hbm>>
      tpu.enqueue_dma source(%dma_start3A_123 : memref<640xf32, #tpu.memory_space<hbm>>) target(%dma_start3A_122 : memref<640xf32, #tpu.memory_space<vmem>>) target_semaphore(%run_scoped3A : memref<!tpu.dma_semaphore, #tpu.memory_space<semaphore_mem>>)
      %dma_wait3A = arith.constant 3280 : i32
      %dma_wait3A_124 = tpu.memref_slice %arg4[%dma_wait3A] : memref<7216xf32, #tpu.memory_space<vmem>> -> memref<640xf32, #tpu.memory_space<vmem>>
      %dma_wait3A_125 = tpu.memref_slice %arg2[%add3A_63] : memref<225280xf32, #tpu.memory_space<hbm>> -> memref<640xf32, #tpu.memory_space<hbm>>
      %dma_wait3A_126 = arith.constant 3280 : i32
      %dma_wait3A_127 = tpu.memref_slice %arg4[%dma_wait3A_126] : memref<7216xf32, #tpu.memory_space<vmem>> -> memref<640xf32, #tpu.memory_space<vmem>>
      %dma_wait3A_128 = tpu.memref_slice %arg2[%add3A_63] : memref<225280xf32, #tpu.memory_space<hbm>> -> memref<640xf32, #tpu.memory_space<hbm>>
      tpu.wait_dma2 semaphore(%run_scoped3A : memref<!tpu.dma_semaphore, #tpu.memory_space<semaphore_mem>>) src(%dma_wait3A_128 : memref<640xf32, #tpu.memory_space<hbm>>) dst(%dma_wait3A_127 : memref<640xf32, #tpu.memory_space<vmem>>)
      tpu.yield
    }) : () -> ()
    %mul3A_64 = arith.constant 11 : i32
    %mul3A_65 = arith.muli %add3A, %mul3A_64 : i32
    %add3A_66 = arith.constant 6 : i32
    %add3A_67 = arith.addi %mul3A_65, %add3A_66 : i32
    %mul3A_68 = arith.constant 5120 : i32
    %mul3A_69 = arith.muli %add3A_67, %mul3A_68 : i32
    %add3A_70 = arith.addi %mul3A_69, %mul3A_21 : i32
    "tpu.region"() ({
      %run_scoped3A = tpu.sem_alloc : memref<!tpu.dma_semaphore, #tpu.memory_space<semaphore_mem>>
      %dma_start3A = arith.constant 3936 : i32
      %dma_start3A_119 = tpu.memref_slice %arg4[%dma_start3A] : memref<7216xf32, #tpu.memory_space<vmem>> -> memref<640xf32, #tpu.memory_space<vmem>>
      %dma_start3A_120 = tpu.memref_slice %arg2[%add3A_70] : memref<225280xf32, #tpu.memory_space<hbm>> -> memref<640xf32, #tpu.memory_space<hbm>>
      %dma_start3A_121 = arith.constant 3936 : i32
      %dma_start3A_122 = tpu.memref_slice %arg4[%dma_start3A_121] : memref<7216xf32, #tpu.memory_space<vmem>> -> memref<640xf32, #tpu.memory_space<vmem>>
      %dma_start3A_123 = tpu.memref_slice %arg2[%add3A_70] : memref<225280xf32, #tpu.memory_space<hbm>> -> memref<640xf32, #tpu.memory_space<hbm>>
      tpu.enqueue_dma source(%dma_start3A_123 : memref<640xf32, #tpu.memory_space<hbm>>) target(%dma_start3A_122 : memref<640xf32, #tpu.memory_space<vmem>>) target_semaphore(%run_scoped3A : memref<!tpu.dma_semaphore, #tpu.memory_space<semaphore_mem>>)
      %dma_wait3A = arith.constant 3936 : i32
      %dma_wait3A_124 = tpu.memref_slice %arg4[%dma_wait3A] : memref<7216xf32, #tpu.memory_space<vmem>> -> memref<640xf32, #tpu.memory_space<vmem>>
      %dma_wait3A_125 = tpu.memref_slice %arg2[%add3A_70] : memref<225280xf32, #tpu.memory_space<hbm>> -> memref<640xf32, #tpu.memory_space<hbm>>
      %dma_wait3A_126 = arith.constant 3936 : i32
      %dma_wait3A_127 = tpu.memref_slice %arg4[%dma_wait3A_126] : memref<7216xf32, #tpu.memory_space<vmem>> -> memref<640xf32, #tpu.memory_space<vmem>>
      %dma_wait3A_128 = tpu.memref_slice %arg2[%add3A_70] : memref<225280xf32, #tpu.memory_space<hbm>> -> memref<640xf32, #tpu.memory_space<hbm>>
      tpu.wait_dma2 semaphore(%run_scoped3A : memref<!tpu.dma_semaphore, #tpu.memory_space<semaphore_mem>>) src(%dma_wait3A_128 : memref<640xf32, #tpu.memory_space<hbm>>) dst(%dma_wait3A_127 : memref<640xf32, #tpu.memory_space<vmem>>)
      tpu.yield
    }) : () -> ()
    %mul3A_71 = arith.constant 11 : i32
    %mul3A_72 = arith.muli %add3A, %mul3A_71 : i32
    %add3A_73 = arith.constant 7 : i32
    %add3A_74 = arith.addi %mul3A_72, %add3A_73 : i32
    %mul3A_75 = arith.constant 5120 : i32
    %mul3A_76 = arith.muli %add3A_74, %mul3A_75 : i32
    %add3A_77 = arith.addi %mul3A_76, %mul3A_21 : i32
    "tpu.region"() ({
      %run_scoped3A = tpu.sem_alloc : memref<!tpu.dma_semaphore, #tpu.memory_space<semaphore_mem>>
      %dma_start3A = arith.constant 4592 : i32
      %dma_start3A_119 = tpu.memref_slice %arg4[%dma_start3A] : memref<7216xf32, #tpu.memory_space<vmem>> -> memref<640xf32, #tpu.memory_space<vmem>>
      %dma_start3A_120 = tpu.memref_slice %arg2[%add3A_77] : memref<225280xf32, #tpu.memory_space<hbm>> -> memref<640xf32, #tpu.memory_space<hbm>>
      %dma_start3A_121 = arith.constant 4592 : i32
      %dma_start3A_122 = tpu.memref_slice %arg4[%dma_start3A_121] : memref<7216xf32, #tpu.memory_space<vmem>> -> memref<640xf32, #tpu.memory_space<vmem>>
      %dma_start3A_123 = tpu.memref_slice %arg2[%add3A_77] : memref<225280xf32, #tpu.memory_space<hbm>> -> memref<640xf32, #tpu.memory_space<hbm>>
      tpu.enqueue_dma source(%dma_start3A_123 : memref<640xf32, #tpu.memory_space<hbm>>) target(%dma_start3A_122 : memref<640xf32, #tpu.memory_space<vmem>>) target_semaphore(%run_scoped3A : memref<!tpu.dma_semaphore, #tpu.memory_space<semaphore_mem>>)
      %dma_wait3A = arith.constant 4592 : i32
      %dma_wait3A_124 = tpu.memref_slice %arg4[%dma_wait3A] : memref<7216xf32, #tpu.memory_space<vmem>> -> memref<640xf32, #tpu.memory_space<vmem>>
      %dma_wait3A_125 = tpu.memref_slice %arg2[%add3A_77] : memref<225280xf32, #tpu.memory_space<hbm>> -> memref<640xf32, #tpu.memory_space<hbm>>
      %dma_wait3A_126 = arith.constant 4592 : i32
      %dma_wait3A_127 = tpu.memref_slice %arg4[%dma_wait3A_126] : memref<7216xf32, #tpu.memory_space<vmem>> -> memref<640xf32, #tpu.memory_space<vmem>>
      %dma_wait3A_128 = tpu.memref_slice %arg2[%add3A_77] : memref<225280xf32, #tpu.memory_space<hbm>> -> memref<640xf32, #tpu.memory_space<hbm>>
      tpu.wait_dma2 semaphore(%run_scoped3A : memref<!tpu.dma_semaphore, #tpu.memory_space<semaphore_mem>>) src(%dma_wait3A_128 : memref<640xf32, #tpu.memory_space<hbm>>) dst(%dma_wait3A_127 : memref<640xf32, #tpu.memory_space<vmem>>)
      tpu.yield
    }) : () -> ()
    %mul3A_78 = arith.constant 11 : i32
    %mul3A_79 = arith.muli %add3A, %mul3A_78 : i32
    %add3A_80 = arith.constant 8 : i32
    %add3A_81 = arith.addi %mul3A_79, %add3A_80 : i32
    %mul3A_82 = arith.constant 5120 : i32
    %mul3A_83 = arith.muli %add3A_81, %mul3A_82 : i32
    %add3A_84 = arith.addi %mul3A_83, %mul3A_21 : i32
    "tpu.region"() ({
      %run_scoped3A = tpu.sem_alloc : memref<!tpu.dma_semaphore, #tpu.memory_space<semaphore_mem>>
      %dma_start3A = arith.constant 5248 : i32
      %dma_start3A_119 = tpu.memref_slice %arg4[%dma_start3A] : memref<7216xf32, #tpu.memory_space<vmem>> -> memref<640xf32, #tpu.memory_space<vmem>>
      %dma_start3A_120 = tpu.memref_slice %arg2[%add3A_84] : memref<225280xf32, #tpu.memory_space<hbm>> -> memref<640xf32, #tpu.memory_space<hbm>>
      %dma_start3A_121 = arith.constant 5248 : i32
      %dma_start3A_122 = tpu.memref_slice %arg4[%dma_start3A_121] : memref<7216xf32, #tpu.memory_space<vmem>> -> memref<640xf32, #tpu.memory_space<vmem>>
      %dma_start3A_123 = tpu.memref_slice %arg2[%add3A_84] : memref<225280xf32, #tpu.memory_space<hbm>> -> memref<640xf32, #tpu.memory_space<hbm>>
      tpu.enqueue_dma source(%dma_start3A_123 : memref<640xf32, #tpu.memory_space<hbm>>) target(%dma_start3A_122 : memref<640xf32, #tpu.memory_space<vmem>>) target_semaphore(%run_scoped3A : memref<!tpu.dma_semaphore, #tpu.memory_space<semaphore_mem>>)
      %dma_wait3A = arith.constant 5248 : i32
      %dma_wait3A_124 = tpu.memref_slice %arg4[%dma_wait3A] : memref<7216xf32, #tpu.memory_space<vmem>> -> memref<640xf32, #tpu.memory_space<vmem>>
      %dma_wait3A_125 = tpu.memref_slice %arg2[%add3A_84] : memref<225280xf32, #tpu.memory_space<hbm>> -> memref<640xf32, #tpu.memory_space<hbm>>
      %dma_wait3A_126 = arith.constant 5248 : i32
      %dma_wait3A_127 = tpu.memref_slice %arg4[%dma_wait3A_126] : memref<7216xf32, #tpu.memory_space<vmem>> -> memref<640xf32, #tpu.memory_space<vmem>>
      %dma_wait3A_128 = tpu.memref_slice %arg2[%add3A_84] : memref<225280xf32, #tpu.memory_space<hbm>> -> memref<640xf32, #tpu.memory_space<hbm>>
      tpu.wait_dma2 semaphore(%run_scoped3A : memref<!tpu.dma_semaphore, #tpu.memory_space<semaphore_mem>>) src(%dma_wait3A_128 : memref<640xf32, #tpu.memory_space<hbm>>) dst(%dma_wait3A_127 : memref<640xf32, #tpu.memory_space<vmem>>)
      tpu.yield
    }) : () -> ()
    %mul3A_85 = arith.constant 11 : i32
    %mul3A_86 = arith.muli %add3A, %mul3A_85 : i32
    %add3A_87 = arith.constant 9 : i32
    %add3A_88 = arith.addi %mul3A_86, %add3A_87 : i32
    %mul3A_89 = arith.constant 5120 : i32
    %mul3A_90 = arith.muli %add3A_88, %mul3A_89 : i32
    %add3A_91 = arith.addi %mul3A_90, %mul3A_21 : i32
    "tpu.region"() ({
      %run_scoped3A = tpu.sem_alloc : memref<!tpu.dma_semaphore, #tpu.memory_space<semaphore_mem>>
      %dma_start3A = arith.constant 5904 : i32
      %dma_start3A_119 = tpu.memref_slice %arg4[%dma_start3A] : memref<7216xf32, #tpu.memory_space<vmem>> -> memref<640xf32, #tpu.memory_space<vmem>>
      %dma_start3A_120 = tpu.memref_slice %arg2[%add3A_91] : memref<225280xf32, #tpu.memory_space<hbm>> -> memref<640xf32, #tpu.memory_space<hbm>>
      %dma_start3A_121 = arith.constant 5904 : i32
      %dma_start3A_122 = tpu.memref_slice %arg4[%dma_start3A_121] : memref<7216xf32, #tpu.memory_space<vmem>> -> memref<640xf32, #tpu.memory_space<vmem>>
      %dma_start3A_123 = tpu.memref_slice %arg2[%add3A_91] : memref<225280xf32, #tpu.memory_space<hbm>> -> memref<640xf32, #tpu.memory_space<hbm>>
      tpu.enqueue_dma source(%dma_start3A_123 : memref<640xf32, #tpu.memory_space<hbm>>) target(%dma_start3A_122 : memref<640xf32, #tpu.memory_space<vmem>>) target_semaphore(%run_scoped3A : memref<!tpu.dma_semaphore, #tpu.memory_space<semaphore_mem>>)
      %dma_wait3A = arith.constant 5904 : i32
      %dma_wait3A_124 = tpu.memref_slice %arg4[%dma_wait3A] : memref<7216xf32, #tpu.memory_space<vmem>> -> memref<640xf32, #tpu.memory_space<vmem>>
      %dma_wait3A_125 = tpu.memref_slice %arg2[%add3A_91] : memref<225280xf32, #tpu.memory_space<hbm>> -> memref<640xf32, #tpu.memory_space<hbm>>
      %dma_wait3A_126 = arith.constant 5904 : i32
      %dma_wait3A_127 = tpu.memref_slice %arg4[%dma_wait3A_126] : memref<7216xf32, #tpu.memory_space<vmem>> -> memref<640xf32, #tpu.memory_space<vmem>>
      %dma_wait3A_128 = tpu.memref_slice %arg2[%add3A_91] : memref<225280xf32, #tpu.memory_space<hbm>> -> memref<640xf32, #tpu.memory_space<hbm>>
      tpu.wait_dma2 semaphore(%run_scoped3A : memref<!tpu.dma_semaphore, #tpu.memory_space<semaphore_mem>>) src(%dma_wait3A_128 : memref<640xf32, #tpu.memory_space<hbm>>) dst(%dma_wait3A_127 : memref<640xf32, #tpu.memory_space<vmem>>)
      tpu.yield
    }) : () -> ()
    %mul3A_92 = arith.constant 11 : i32
    %mul3A_93 = arith.muli %add3A, %mul3A_92 : i32
    %add3A_94 = arith.constant 10 : i32
    %add3A_95 = arith.addi %mul3A_93, %add3A_94 : i32
    %mul3A_96 = arith.constant 5120 : i32
    %mul3A_97 = arith.muli %add3A_95, %mul3A_96 : i32
    %add3A_98 = arith.addi %mul3A_97, %mul3A_21 : i32
    "tpu.region"() ({
      %run_scoped3A = tpu.sem_alloc : memref<!tpu.dma_semaphore, #tpu.memory_space<semaphore_mem>>
      %dma_start3A = arith.constant 6560 : i32
      %dma_start3A_119 = tpu.memref_slice %arg4[%dma_start3A] : memref<7216xf32, #tpu.memory_space<vmem>> -> memref<640xf32, #tpu.memory_space<vmem>>
      %dma_start3A_120 = tpu.memref_slice %arg2[%add3A_98] : memref<225280xf32, #tpu.memory_space<hbm>> -> memref<640xf32, #tpu.memory_space<hbm>>
      %dma_start3A_121 = arith.constant 6560 : i32
      %dma_start3A_122 = tpu.memref_slice %arg4[%dma_start3A_121] : memref<7216xf32, #tpu.memory_space<vmem>> -> memref<640xf32, #tpu.memory_space<vmem>>
      %dma_start3A_123 = tpu.memref_slice %arg2[%add3A_98] : memref<225280xf32, #tpu.memory_space<hbm>> -> memref<640xf32, #tpu.memory_space<hbm>>
      tpu.enqueue_dma source(%dma_start3A_123 : memref<640xf32, #tpu.memory_space<hbm>>) target(%dma_start3A_122 : memref<640xf32, #tpu.memory_space<vmem>>) target_semaphore(%run_scoped3A : memref<!tpu.dma_semaphore, #tpu.memory_space<semaphore_mem>>)
      %dma_wait3A = arith.constant 6560 : i32
      %dma_wait3A_124 = tpu.memref_slice %arg4[%dma_wait3A] : memref<7216xf32, #tpu.memory_space<vmem>> -> memref<640xf32, #tpu.memory_space<vmem>>
      %dma_wait3A_125 = tpu.memref_slice %arg2[%add3A_98] : memref<225280xf32, #tpu.memory_space<hbm>> -> memref<640xf32, #tpu.memory_space<hbm>>
      %dma_wait3A_126 = arith.constant 6560 : i32
      %dma_wait3A_127 = tpu.memref_slice %arg4[%dma_wait3A_126] : memref<7216xf32, #tpu.memory_space<vmem>> -> memref<640xf32, #tpu.memory_space<vmem>>
      %dma_wait3A_128 = tpu.memref_slice %arg2[%add3A_98] : memref<225280xf32, #tpu.memory_space<hbm>> -> memref<640xf32, #tpu.memory_space<hbm>>
      tpu.wait_dma2 semaphore(%run_scoped3A : memref<!tpu.dma_semaphore, #tpu.memory_space<semaphore_mem>>) src(%dma_wait3A_128 : memref<640xf32, #tpu.memory_space<hbm>>) dst(%dma_wait3A_127 : memref<640xf32, #tpu.memory_space<vmem>>)
      tpu.yield
    }) : () -> ()
    %iota3A = tpu.iota {dimensions = array<i32: 0>} : vector<16xi32>
    %broadcast_in_dim3A = arith.constant 0.000000e+00 : f32
    %broadcast_in_dim3A_99 = vector.broadcast %broadcast_in_dim3A : f32 to vector<16xf32>
    %scan3A = arith.constant 0 : i32
    %scan3A_100 = arith.constant 0 : i32
    %scan3A_101 = arith.constant 100 : i32
    %scan3A_102 = arith.addi %scan3A_100, %scan3A_101 : i32
    %scan3A_103 = arith.constant 1 : i32
    scf.for %scan3A_119 = %scan3A_100 to %scan3A_102 step %scan3A_103  : i32 {
      %mul3A_120 = arith.constant 16 : i32
      %mul3A_121 = arith.muli %scan3A_119, %mul3A_120 : i32
      %swap3A = arith.index_cast %mul3A_121 : i32 to index
      %swap3A_122 = tpu.vector_load %arg5[%swap3A] {strides = array<i32>} : memref<1600xf32, #tpu.memory_space<vmem>>, vector<16xf32>,
      %swap3A_123 = vector.shape_cast %swap3A_122 : vector<16xf32> to vector<16xf32>
      %swap3A_124 = vector.shape_cast %broadcast_in_dim3A_99 : vector<16xf32> to vector<16xf32>
      tpu.vector_store %arg5[%swap3A], %swap3A_124 {strides = array<i32>} : memref<1600xf32, #tpu.memory_space<vmem>>, vector<16xf32>,
    }
    %scan3A_104 = arith.constant 100 : i32
    %scan3A_105 = arith.constant -1.000000e+30 : f32
    %scan3A_106 = arith.constant -1.000000e+30 : f32
    %scan3A_107 = arith.constant -1.000000e+30 : f32
    %scan3A_108 = arith.constant -1.000000e+30 : f32
    %scan3A_109 = arith.constant 0.000000e+00 : f32
    %scan3A_110 = arith.constant -1 : i32
    %scan3A_111 = arith.constant 0 : i32
    %scan3A_112 = arith.constant 100 : i32
    %scan3A_113 = arith.addi %scan3A_111, %scan3A_112 : i32
    %scan3A_114 = arith.constant 1 : i32
    %scan3A_115:6 = scf.for %scan3A_119 = %scan3A_111 to %scan3A_113 step %scan3A_114 iter_args(%scan3A_120 = %scan3A_105, %scan3A_121 = %scan3A_106, %scan3A_122 = %scan3A_107, %scan3A_123 = %scan3A_108, %scan3A_124 = %scan3A_109, %scan3A_125 = %scan3A_110) -> (f32, f32, f32, f32, f32, i32)  : i32 {
      %broadcast_in_dim3A_126 = arith.constant 0xFF800000 : f32
      %broadcast_in_dim3A_127 = vector.broadcast %broadcast_in_dim3A_126 : f32 to vector<16xf32>
      %add3A_128 = arith.constant 0 : i32
      %add3A_129 = arith.addi %mul3A_21, %add3A_128 : i32
      %add3A_130 = vector.broadcast %add3A_129 : i32 to vector<16xi32>
      %add3A_131 = arith.addi %add3A_130, %iota3A : vector<16xi32>
      %get3A = arith.constant 0 : index
      %get3A_132 = tpu.vector_load %arg4[%get3A] {strides = array<i32>} : memref<7216xf32, #tpu.memory_space<vmem>>, vector<16xf32>,
      %get3A_133 = vector.shape_cast %get3A_132 : vector<16xf32> to vector<16xf32>
      %get3A_134 = arith.constant 656 : index
      %get3A_135 = tpu.vector_load %arg4[%get3A_134] {strides = array<i32>} : memref<7216xf32, #tpu.memory_space<vmem>>, vector<16xf32>,
      %get3A_136 = vector.shape_cast %get3A_135 : vector<16xf32> to vector<16xf32>
      %get3A_137 = arith.constant 1312 : index
      %get3A_138 = tpu.vector_load %arg4[%get3A_137] {strides = array<i32>} : memref<7216xf32, #tpu.memory_space<vmem>>, vector<16xf32>,
      %get3A_139 = vector.shape_cast %get3A_138 : vector<16xf32> to vector<16xf32>
      %get3A_140 = arith.constant 1968 : index
      %get3A_141 = tpu.vector_load %arg4[%get3A_140] {strides = array<i32>} : memref<7216xf32, #tpu.memory_space<vmem>>, vector<16xf32>,
      %get3A_142 = vector.shape_cast %get3A_141 : vector<16xf32> to vector<16xf32>
      %get3A_143 = arith.constant 2624 : index
      %get3A_144 = tpu.vector_load %arg4[%get3A_143] {strides = array<i32>} : memref<7216xf32, #tpu.memory_space<vmem>>, vector<16xf32>,
      %get3A_145 = vector.shape_cast %get3A_144 : vector<16xf32> to vector<16xf32>
      %get3A_146 = arith.constant 3280 : index
      %get3A_147 = tpu.vector_load %arg4[%get3A_146] {strides = array<i32>} : memref<7216xf32, #tpu.memory_space<vmem>>, vector<16xf32>,
      %get3A_148 = vector.shape_cast %get3A_147 : vector<16xf32> to vector<16xf32>
      %max3A = vector.broadcast %scan3A_120 : f32 to vector<16xf32>
      %max3A_149 = arith.maximumf %max3A, %get3A_136 : vector<16xf32>
      %max3A_150 = vector.broadcast %scan3A_121 : f32 to vector<16xf32>
      %max3A_151 = arith.maximumf %max3A_150, %get3A_139 : vector<16xf32>
      %min3A = vector.broadcast %scan3A_122 : f32 to vector<16xf32>
      %min3A_152 = arith.minimumf %min3A, %get3A_142 : vector<16xf32>
      %min3A_153 = vector.broadcast %scan3A_123 : f32 to vector<16xf32>
      %min3A_154 = arith.minimumf %min3A_153, %get3A_145 : vector<16xf32>
      %sub3A_155 = arith.subf %min3A_152, %max3A_149 : vector<16xf32>
      %max3A_156 = arith.constant 0.000000e+00 : f32
      %max3A_157 = vector.broadcast %max3A_156 : f32 to vector<16xf32>
      %max3A_158 = arith.maximumf %sub3A_155, %max3A_157 : vector<16xf32>
      %sub3A_159 = arith.subf %min3A_154, %max3A_151 : vector<16xf32>
      %max3A_160 = arith.constant 0.000000e+00 : f32
      %max3A_161 = vector.broadcast %max3A_160 : f32 to vector<16xf32>
      %max3A_162 = arith.maximumf %sub3A_159, %max3A_161 : vector<16xf32>
      %mul3A_163 = arith.mulf %max3A_158, %max3A_162 : vector<16xf32>
      %add3A_164 = vector.broadcast %scan3A_124 : f32 to vector<16xf32>
      %add3A_165 = arith.addf %add3A_164, %get3A_148 : vector<16xf32>
      %sub3A_166 = arith.subf %add3A_165, %mul3A_163 : vector<16xf32>
      %add3A_167 = arith.constant 9.99999971E-10 : f32
      %add3A_168 = vector.broadcast %add3A_167 : f32 to vector<16xf32>
      %add3A_169 = arith.addf %sub3A_166, %add3A_168 : vector<16xf32>
      %div3A_170 = arith.divf %mul3A_163, %add3A_169 : vector<16xf32>
      %add3A_171 = arith.constant 0 : i32
      %add3A_172 = arith.addi %mul3A_21, %add3A_171 : i32
      %add3A_173 = vector.broadcast %add3A_172 : i32 to vector<16xi32>
      %add3A_174 = arith.addi %add3A_173, %iota3A : vector<16xi32>
      %gt3A = arith.constant 4.500000e-01 : f32
      %gt3A_175 = vector.broadcast %gt3A : f32 to vector<16xf32>
      %gt3A_176 = arith.cmpf ogt, %div3A_170, %gt3A_175 : vector<16xf32>
      %eq3A_177 = vector.broadcast %scan3A_125 : i32 to vector<16xi32>
      %eq3A_178 = arith.cmpi eq, %add3A_174, %eq3A_177 : vector<16xi32>
      %or3A = arith.ori %gt3A_176, %eq3A_178 : vector<16xi1>
      %jit3A_179 = arith.constant 0xFF800000 : f32
      %broadcast_in_dim3A_180 = vector.broadcast %jit3A_179 : f32 to vector<16xf32>
      %select_n3A_181 = arith.select %or3A, %broadcast_in_dim3A_180, %get3A_133 : vector<16xi1>, vector<16xf32>
      %swap3A = arith.constant 0 : index
      %swap3A_182 = tpu.vector_load %arg4[%swap3A] {strides = array<i32>} : memref<7216xf32, #tpu.memory_space<vmem>>, vector<16xf32>,
      %swap3A_183 = vector.shape_cast %swap3A_182 : vector<16xf32> to vector<16xf32>
      %swap3A_184 = vector.shape_cast %select_n3A_181 : vector<16xf32> to vector<16xf32>
      tpu.vector_store %arg4[%swap3A], %swap3A_184 {strides = array<i32>} : memref<7216xf32, #tpu.memory_space<vmem>>, vector<16xf32>,
      %gt3A_185 = arith.cmpf ogt, %select_n3A_181, %broadcast_in_dim3A_127 : vector<16xf32>
      %select_n3A_186 = arith.select %gt3A_185, %select_n3A_181, %broadcast_in_dim3A_127 : vector<16xi1>, vector<16xf32>
      %select_n3A_187 = arith.select %gt3A_185, %add3A_174, %add3A_131 : vector<16xi1>, vector<16xi32>
      %get3A_188 = arith.constant 16 : index
      %get3A_189 = tpu.vector_load %arg4[%get3A_188] {strides = array<i32>} : memref<7216xf32, #tpu.memory_space<vmem>>, vector<16xf32>,
      %get3A_190 = vector.shape_cast %get3A_189 : vector<16xf32> to vector<16xf32>
      %get3A_191 = arith.constant 672 : index
      %get3A_192 = tpu.vector_load %arg4[%get3A_191] {strides = array<i32>} : memref<7216xf32, #tpu.memory_space<vmem>>, vector<16xf32>,
      %get3A_193 = vector.shape_cast %get3A_192 : vector<16xf32> to vector<16xf32>
      %get3A_194 = arith.constant 1328 : index
      %get3A_195 = tpu.vector_load %arg4[%get3A_194] {strides = array<i32>} : memref<7216xf32, #tpu.memory_space<vmem>>, vector<16xf32>,
      %get3A_196 = vector.shape_cast %get3A_195 : vector<16xf32> to vector<16xf32>
      %get3A_197 = arith.constant 1984 : index
      %get3A_198 = tpu.vector_load %arg4[%get3A_197] {strides = array<i32>} : memref<7216xf32, #tpu.memory_space<vmem>>, vector<16xf32>,
      %get3A_199 = vector.shape_cast %get3A_198 : vector<16xf32> to vector<16xf32>
      %get3A_200 = arith.constant 2640 : index
      %get3A_201 = tpu.vector_load %arg4[%get3A_200] {strides = array<i32>} : memref<7216xf32, #tpu.memory_space<vmem>>, vector<16xf32>,
      %get3A_202 = vector.shape_cast %get3A_201 : vector<16xf32> to vector<16xf32>
      %get3A_203 = arith.constant 3296 : index
      %get3A_204 = tpu.vector_load %arg4[%get3A_203] {strides = array<i32>} : memref<7216xf32, #tpu.memory_space<vmem>>, vector<16xf32>,
      %get3A_205 = vector.shape_cast %get3A_204 : vector<16xf32> to vector<16xf32>
      %max3A_206 = vector.broadcast %scan3A_120 : f32 to vector<16xf32>
      %max3A_207 = arith.maximumf %max3A_206, %get3A_193 : vector<16xf32>
      %max3A_208 = vector.broadcast %scan3A_121 : f32 to vector<16xf32>
      %max3A_209 = arith.maximumf %max3A_208, %get3A_196 : vector<16xf32>
      %min3A_210 = vector.broadcast %scan3A_122 : f32 to vector<16xf32>
      %min3A_211 = arith.minimumf %min3A_210, %get3A_199 : vector<16xf32>
      %min3A_212 = vector.broadcast %scan3A_123 : f32 to vector<16xf32>
      %min3A_213 = arith.minimumf %min3A_212, %get3A_202 : vector<16xf32>
      %sub3A_214 = arith.subf %min3A_211, %max3A_207 : vector<16xf32>
      %max3A_215 = arith.constant 0.000000e+00 : f32
      %max3A_216 = vector.broadcast %max3A_215 : f32 to vector<16xf32>
      %max3A_217 = arith.maximumf %sub3A_214, %max3A_216 : vector<16xf32>
      %sub3A_218 = arith.subf %min3A_213, %max3A_209 : vector<16xf32>
      %max3A_219 = arith.constant 0.000000e+00 : f32
      %max3A_220 = vector.broadcast %max3A_219 : f32 to vector<16xf32>
      %max3A_221 = arith.maximumf %sub3A_218, %max3A_220 : vector<16xf32>
      %mul3A_222 = arith.mulf %max3A_217, %max3A_221 : vector<16xf32>
      %add3A_223 = vector.broadcast %scan3A_124 : f32 to vector<16xf32>
      %add3A_224 = arith.addf %add3A_223, %get3A_205 : vector<16xf32>
      %sub3A_225 = arith.subf %add3A_224, %mul3A_222 : vector<16xf32>
      %add3A_226 = arith.constant 9.99999971E-10 : f32
      %add3A_227 = vector.broadcast %add3A_226 : f32 to vector<16xf32>
      %add3A_228 = arith.addf %sub3A_225, %add3A_227 : vector<16xf32>
      %div3A_229 = arith.divf %mul3A_222, %add3A_228 : vector<16xf32>
      %add3A_230 = arith.constant 16 : i32
      %add3A_231 = arith.addi %mul3A_21, %add3A_230 : i32
      %add3A_232 = vector.broadcast %add3A_231 : i32 to vector<16xi32>
      %add3A_233 = arith.addi %add3A_232, %iota3A : vector<16xi32>
      %gt3A_234 = arith.constant 4.500000e-01 : f32
      %gt3A_235 = vector.broadcast %gt3A_234 : f32 to vector<16xf32>
      %gt3A_236 = arith.cmpf ogt, %div3A_229, %gt3A_235 : vector<16xf32>
      %eq3A_237 = vector.broadcast %scan3A_125 : i32 to vector<16xi32>
      %eq3A_238 = arith.cmpi eq, %add3A_233, %eq3A_237 : vector<16xi32>
      %or3A_239 = arith.ori %gt3A_236, %eq3A_238 : vector<16xi1>
      %jit3A_240 = arith.constant 0xFF800000 : f32
      %broadcast_in_dim3A_241 = vector.broadcast %jit3A_240 : f32 to vector<16xf32>
      %select_n3A_242 = arith.select %or3A_239, %broadcast_in_dim3A_241, %get3A_190 : vector<16xi1>, vector<16xf32>
      %swap3A_243 = arith.constant 16 : index
      %swap3A_244 = tpu.vector_load %arg4[%swap3A_243] {strides = array<i32>} : memref<7216xf32, #tpu.memory_space<vmem>>, vector<16xf32>,
      %swap3A_245 = vector.shape_cast %swap3A_244 : vector<16xf32> to vector<16xf32>
      %swap3A_246 = vector.shape_cast %select_n3A_242 : vector<16xf32> to vector<16xf32>
      tpu.vector_store %arg4[%swap3A_243], %swap3A_246 {strides = array<i32>} : memref<7216xf32, #tpu.memory_space<vmem>>, vector<16xf32>,
      %gt3A_247 = arith.cmpf ogt, %select_n3A_242, %select_n3A_186 : vector<16xf32>
      %select_n3A_248 = arith.select %gt3A_247, %select_n3A_242, %select_n3A_186 : vector<16xi1>, vector<16xf32>
      %select_n3A_249 = arith.select %gt3A_247, %add3A_233, %select_n3A_187 : vector<16xi1>, vector<16xi32>
      %get3A_250 = arith.constant 32 : index
      %get3A_251 = tpu.vector_load %arg4[%get3A_250] {strides = array<i32>} : memref<7216xf32, #tpu.memory_space<vmem>>, vector<16xf32>,
      %get3A_252 = vector.shape_cast %get3A_251 : vector<16xf32> to vector<16xf32>
      %get3A_253 = arith.constant 688 : index
      %get3A_254 = tpu.vector_load %arg4[%get3A_253] {strides = array<i32>} : memref<7216xf32, #tpu.memory_space<vmem>>, vector<16xf32>,
      %get3A_255 = vector.shape_cast %get3A_254 : vector<16xf32> to vector<16xf32>
      %get3A_256 = arith.constant 1344 : index
      %get3A_257 = tpu.vector_load %arg4[%get3A_256] {strides = array<i32>} : memref<7216xf32, #tpu.memory_space<vmem>>, vector<16xf32>,
      %get3A_258 = vector.shape_cast %get3A_257 : vector<16xf32> to vector<16xf32>
      %get3A_259 = arith.constant 2000 : index
      %get3A_260 = tpu.vector_load %arg4[%get3A_259] {strides = array<i32>} : memref<7216xf32, #tpu.memory_space<vmem>>, vector<16xf32>,
      %get3A_261 = vector.shape_cast %get3A_260 : vector<16xf32> to vector<16xf32>
      %get3A_262 = arith.constant 2656 : index
      %get3A_263 = tpu.vector_load %arg4[%get3A_262] {strides = array<i32>} : memref<7216xf32, #tpu.memory_space<vmem>>, vector<16xf32>,
      %get3A_264 = vector.shape_cast %get3A_263 : vector<16xf32> to vector<16xf32>
      %get3A_265 = arith.constant 3312 : index
      %get3A_266 = tpu.vector_load %arg4[%get3A_265] {strides = array<i32>} : memref<7216xf32, #tpu.memory_space<vmem>>, vector<16xf32>,
      %get3A_267 = vector.shape_cast %get3A_266 : vector<16xf32> to vector<16xf32>
      %max3A_268 = vector.broadcast %scan3A_120 : f32 to vector<16xf32>
      %max3A_269 = arith.maximumf %max3A_268, %get3A_255 : vector<16xf32>
      %max3A_270 = vector.broadcast %scan3A_121 : f32 to vector<16xf32>
      %max3A_271 = arith.maximumf %max3A_270, %get3A_258 : vector<16xf32>
      %min3A_272 = vector.broadcast %scan3A_122 : f32 to vector<16xf32>
      %min3A_273 = arith.minimumf %min3A_272, %get3A_261 : vector<16xf32>
      %min3A_274 = vector.broadcast %scan3A_123 : f32 to vector<16xf32>
      %min3A_275 = arith.minimumf %min3A_274, %get3A_264 : vector<16xf32>
      %sub3A_276 = arith.subf %min3A_273, %max3A_269 : vector<16xf32>
      %max3A_277 = arith.constant 0.000000e+00 : f32
      %max3A_278 = vector.broadcast %max3A_277 : f32 to vector<16xf32>
      %max3A_279 = arith.maximumf %sub3A_276, %max3A_278 : vector<16xf32>
      %sub3A_280 = arith.subf %min3A_275, %max3A_271 : vector<16xf32>
      %max3A_281 = arith.constant 0.000000e+00 : f32
      %max3A_282 = vector.broadcast %max3A_281 : f32 to vector<16xf32>
      %max3A_283 = arith.maximumf %sub3A_280, %max3A_282 : vector<16xf32>
      %mul3A_284 = arith.mulf %max3A_279, %max3A_283 : vector<16xf32>
      %add3A_285 = vector.broadcast %scan3A_124 : f32 to vector<16xf32>
      %add3A_286 = arith.addf %add3A_285, %get3A_267 : vector<16xf32>
      %sub3A_287 = arith.subf %add3A_286, %mul3A_284 : vector<16xf32>
      %add3A_288 = arith.constant 9.99999971E-10 : f32
      %add3A_289 = vector.broadcast %add3A_288 : f32 to vector<16xf32>
      %add3A_290 = arith.addf %sub3A_287, %add3A_289 : vector<16xf32>
      %div3A_291 = arith.divf %mul3A_284, %add3A_290 : vector<16xf32>
      %add3A_292 = arith.constant 32 : i32
      %add3A_293 = arith.addi %mul3A_21, %add3A_292 : i32
      %add3A_294 = vector.broadcast %add3A_293 : i32 to vector<16xi32>
      %add3A_295 = arith.addi %add3A_294, %iota3A : vector<16xi32>
      %gt3A_296 = arith.constant 4.500000e-01 : f32
      %gt3A_297 = vector.broadcast %gt3A_296 : f32 to vector<16xf32>
      %gt3A_298 = arith.cmpf ogt, %div3A_291, %gt3A_297 : vector<16xf32>
      %eq3A_299 = vector.broadcast %scan3A_125 : i32 to vector<16xi32>
      %eq3A_300 = arith.cmpi eq, %add3A_295, %eq3A_299 : vector<16xi32>
      %or3A_301 = arith.ori %gt3A_298, %eq3A_300 : vector<16xi1>
      %jit3A_302 = arith.constant 0xFF800000 : f32
      %broadcast_in_dim3A_303 = vector.broadcast %jit3A_302 : f32 to vector<16xf32>
      %select_n3A_304 = arith.select %or3A_301, %broadcast_in_dim3A_303, %get3A_252 : vector<16xi1>, vector<16xf32>
      %swap3A_305 = arith.constant 32 : index
      %swap3A_306 = tpu.vector_load %arg4[%swap3A_305] {strides = array<i32>} : memref<7216xf32, #tpu.memory_space<vmem>>, vector<16xf32>,
      %swap3A_307 = vector.shape_cast %swap3A_306 : vector<16xf32> to vector<16xf32>
      %swap3A_308 = vector.shape_cast %select_n3A_304 : vector<16xf32> to vector<16xf32>
      tpu.vector_store %arg4[%swap3A_305], %swap3A_308 {strides = array<i32>} : memref<7216xf32, #tpu.memory_space<vmem>>, vector<16xf32>,
      %gt3A_309 = arith.cmpf ogt, %select_n3A_304, %select_n3A_248 : vector<16xf32>
      %select_n3A_310 = arith.select %gt3A_309, %select_n3A_304, %select_n3A_248 : vector<16xi1>, vector<16xf32>
      %select_n3A_311 = arith.select %gt3A_309, %add3A_295, %select_n3A_249 : vector<16xi1>, vector<16xi32>
      %get3A_312 = arith.constant 48 : index
      %get3A_313 = tpu.vector_load %arg4[%get3A_312] {strides = array<i32>} : memref<7216xf32, #tpu.memory_space<vmem>>, vector<16xf32>,
      %get3A_314 = vector.shape_cast %get3A_313 : vector<16xf32> to vector<16xf32>
      %get3A_315 = arith.constant 704 : index
      %get3A_316 = tpu.vector_load %arg4[%get3A_315] {strides = array<i32>} : memref<7216xf32, #tpu.memory_space<vmem>>, vector<16xf32>,
      %get3A_317 = vector.shape_cast %get3A_316 : vector<16xf32> to vector<16xf32>
      %get3A_318 = arith.constant 1360 : index
      %get3A_319 = tpu.vector_load %arg4[%get3A_318] {strides = array<i32>} : memref<7216xf32, #tpu.memory_space<vmem>>, vector<16xf32>,
      %get3A_320 = vector.shape_cast %get3A_319 : vector<16xf32> to vector<16xf32>
      %get3A_321 = arith.constant 2016 : index
      %get3A_322 = tpu.vector_load %arg4[%get3A_321] {strides = array<i32>} : memref<7216xf32, #tpu.memory_space<vmem>>, vector<16xf32>,
      %get3A_323 = vector.shape_cast %get3A_322 : vector<16xf32> to vector<16xf32>
      %get3A_324 = arith.constant 2672 : index
      %get3A_325 = tpu.vector_load %arg4[%get3A_324] {strides = array<i32>} : memref<7216xf32, #tpu.memory_space<vmem>>, vector<16xf32>,
      %get3A_326 = vector.shape_cast %get3A_325 : vector<16xf32> to vector<16xf32>
      %get3A_327 = arith.constant 3328 : index
      %get3A_328 = tpu.vector_load %arg4[%get3A_327] {strides = array<i32>} : memref<7216xf32, #tpu.memory_space<vmem>>, vector<16xf32>,
      %get3A_329 = vector.shape_cast %get3A_328 : vector<16xf32> to vector<16xf32>
      %max3A_330 = vector.broadcast %scan3A_120 : f32 to vector<16xf32>
      %max3A_331 = arith.maximumf %max3A_330, %get3A_317 : vector<16xf32>
      %max3A_332 = vector.broadcast %scan3A_121 : f32 to vector<16xf32>
      %max3A_333 = arith.maximumf %max3A_332, %get3A_320 : vector<16xf32>
      %min3A_334 = vector.broadcast %scan3A_122 : f32 to vector<16xf32>
      %min3A_335 = arith.minimumf %min3A_334, %get3A_323 : vector<16xf32>
      %min3A_336 = vector.broadcast %scan3A_123 : f32 to vector<16xf32>
      %min3A_337 = arith.minimumf %min3A_336, %get3A_326 : vector<16xf32>
      %sub3A_338 = arith.subf %min3A_335, %max3A_331 : vector<16xf32>
      %max3A_339 = arith.constant 0.000000e+00 : f32
      %max3A_340 = vector.broadcast %max3A_339 : f32 to vector<16xf32>
      %max3A_341 = arith.maximumf %sub3A_338, %max3A_340 : vector<16xf32>
      %sub3A_342 = arith.subf %min3A_337, %max3A_333 : vector<16xf32>
      %max3A_343 = arith.constant 0.000000e+00 : f32
      %max3A_344 = vector.broadcast %max3A_343 : f32 to vector<16xf32>
      %max3A_345 = arith.maximumf %sub3A_342, %max3A_344 : vector<16xf32>
      %mul3A_346 = arith.mulf %max3A_341, %max3A_345 : vector<16xf32>
      %add3A_347 = vector.broadcast %scan3A_124 : f32 to vector<16xf32>
      %add3A_348 = arith.addf %add3A_347, %get3A_329 : vector<16xf32>
      %sub3A_349 = arith.subf %add3A_348, %mul3A_346 : vector<16xf32>
      %add3A_350 = arith.constant 9.99999971E-10 : f32
      %add3A_351 = vector.broadcast %add3A_350 : f32 to vector<16xf32>
      %add3A_352 = arith.addf %sub3A_349, %add3A_351 : vector<16xf32>
      %div3A_353 = arith.divf %mul3A_346, %add3A_352 : vector<16xf32>
      %add3A_354 = arith.constant 48 : i32
      %add3A_355 = arith.addi %mul3A_21, %add3A_354 : i32
      %add3A_356 = vector.broadcast %add3A_355 : i32 to vector<16xi32>
      %add3A_357 = arith.addi %add3A_356, %iota3A : vector<16xi32>
      %gt3A_358 = arith.constant 4.500000e-01 : f32
      %gt3A_359 = vector.broadcast %gt3A_358 : f32 to vector<16xf32>
      %gt3A_360 = arith.cmpf ogt, %div3A_353, %gt3A_359 : vector<16xf32>
      %eq3A_361 = vector.broadcast %scan3A_125 : i32 to vector<16xi32>
      %eq3A_362 = arith.cmpi eq, %add3A_357, %eq3A_361 : vector<16xi32>
      %or3A_363 = arith.ori %gt3A_360, %eq3A_362 : vector<16xi1>
      %jit3A_364 = arith.constant 0xFF800000 : f32
      %broadcast_in_dim3A_365 = vector.broadcast %jit3A_364 : f32 to vector<16xf32>
      %select_n3A_366 = arith.select %or3A_363, %broadcast_in_dim3A_365, %get3A_314 : vector<16xi1>, vector<16xf32>
      %swap3A_367 = arith.constant 48 : index
      %swap3A_368 = tpu.vector_load %arg4[%swap3A_367] {strides = array<i32>} : memref<7216xf32, #tpu.memory_space<vmem>>, vector<16xf32>,
      %swap3A_369 = vector.shape_cast %swap3A_368 : vector<16xf32> to vector<16xf32>
      %swap3A_370 = vector.shape_cast %select_n3A_366 : vector<16xf32> to vector<16xf32>
      tpu.vector_store %arg4[%swap3A_367], %swap3A_370 {strides = array<i32>} : memref<7216xf32, #tpu.memory_space<vmem>>, vector<16xf32>,
      %gt3A_371 = arith.cmpf ogt, %select_n3A_366, %select_n3A_310 : vector<16xf32>
      %select_n3A_372 = arith.select %gt3A_371, %select_n3A_366, %select_n3A_310 : vector<16xi1>, vector<16xf32>
      %select_n3A_373 = arith.select %gt3A_371, %add3A_357, %select_n3A_311 : vector<16xi1>, vector<16xi32>
      %get3A_374 = arith.constant 64 : index
      %get3A_375 = tpu.vector_load %arg4[%get3A_374] {strides = array<i32>} : memref<7216xf32, #tpu.memory_space<vmem>>, vector<16xf32>,
      %get3A_376 = vector.shape_cast %get3A_375 : vector<16xf32> to vector<16xf32>
      %get3A_377 = arith.constant 720 : index
      %get3A_378 = tpu.vector_load %arg4[%get3A_377] {strides = array<i32>} : memref<7216xf32, #tpu.memory_space<vmem>>, vector<16xf32>,
      %get3A_379 = vector.shape_cast %get3A_378 : vector<16xf32> to vector<16xf32>
      %get3A_380 = arith.constant 1376 : index
      %get3A_381 = tpu.vector_load %arg4[%get3A_380] {strides = array<i32>} : memref<7216xf32, #tpu.memory_space<vmem>>, vector<16xf32>,
      %get3A_382 = vector.shape_cast %get3A_381 : vector<16xf32> to vector<16xf32>
      %get3A_383 = arith.constant 2032 : index
      %get3A_384 = tpu.vector_load %arg4[%get3A_383] {strides = array<i32>} : memref<7216xf32, #tpu.memory_space<vmem>>, vector<16xf32>,
      %get3A_385 = vector.shape_cast %get3A_384 : vector<16xf32> to vector<16xf32>
      %get3A_386 = arith.constant 2688 : index
      %get3A_387 = tpu.vector_load %arg4[%get3A_386] {strides = array<i32>} : memref<7216xf32, #tpu.memory_space<vmem>>, vector<16xf32>,
      %get3A_388 = vector.shape_cast %get3A_387 : vector<16xf32> to vector<16xf32>
      %get3A_389 = arith.constant 3344 : index
      %get3A_390 = tpu.vector_load %arg4[%get3A_389] {strides = array<i32>} : memref<7216xf32, #tpu.memory_space<vmem>>, vector<16xf32>,
      %get3A_391 = vector.shape_cast %get3A_390 : vector<16xf32> to vector<16xf32>
      %max3A_392 = vector.broadcast %scan3A_120 : f32 to vector<16xf32>
      %max3A_393 = arith.maximumf %max3A_392, %get3A_379 : vector<16xf32>
      %max3A_394 = vector.broadcast %scan3A_121 : f32 to vector<16xf32>
      %max3A_395 = arith.maximumf %max3A_394, %get3A_382 : vector<16xf32>
      %min3A_396 = vector.broadcast %scan3A_122 : f32 to vector<16xf32>
      %min3A_397 = arith.minimumf %min3A_396, %get3A_385 : vector<16xf32>
      %min3A_398 = vector.broadcast %scan3A_123 : f32 to vector<16xf32>
      %min3A_399 = arith.minimumf %min3A_398, %get3A_388 : vector<16xf32>
      %sub3A_400 = arith.subf %min3A_397, %max3A_393 : vector<16xf32>
      %max3A_401 = arith.constant 0.000000e+00 : f32
      %max3A_402 = vector.broadcast %max3A_401 : f32 to vector<16xf32>
      %max3A_403 = arith.maximumf %sub3A_400, %max3A_402 : vector<16xf32>
      %sub3A_404 = arith.subf %min3A_399, %max3A_395 : vector<16xf32>
      %max3A_405 = arith.constant 0.000000e+00 : f32
      %max3A_406 = vector.broadcast %max3A_405 : f32 to vector<16xf32>
      %max3A_407 = arith.maximumf %sub3A_404, %max3A_406 : vector<16xf32>
      %mul3A_408 = arith.mulf %max3A_403, %max3A_407 : vector<16xf32>
      %add3A_409 = vector.broadcast %scan3A_124 : f32 to vector<16xf32>
      %add3A_410 = arith.addf %add3A_409, %get3A_391 : vector<16xf32>
      %sub3A_411 = arith.subf %add3A_410, %mul3A_408 : vector<16xf32>
      %add3A_412 = arith.constant 9.99999971E-10 : f32
      %add3A_413 = vector.broadcast %add3A_412 : f32 to vector<16xf32>
      %add3A_414 = arith.addf %sub3A_411, %add3A_413 : vector<16xf32>
      %div3A_415 = arith.divf %mul3A_408, %add3A_414 : vector<16xf32>
      %add3A_416 = arith.constant 64 : i32
      %add3A_417 = arith.addi %mul3A_21, %add3A_416 : i32
      %add3A_418 = vector.broadcast %add3A_417 : i32 to vector<16xi32>
      %add3A_419 = arith.addi %add3A_418, %iota3A : vector<16xi32>
      %gt3A_420 = arith.constant 4.500000e-01 : f32
      %gt3A_421 = vector.broadcast %gt3A_420 : f32 to vector<16xf32>
      %gt3A_422 = arith.cmpf ogt, %div3A_415, %gt3A_421 : vector<16xf32>
      %eq3A_423 = vector.broadcast %scan3A_125 : i32 to vector<16xi32>
      %eq3A_424 = arith.cmpi eq, %add3A_419, %eq3A_423 : vector<16xi32>
      %or3A_425 = arith.ori %gt3A_422, %eq3A_424 : vector<16xi1>
      %jit3A_426 = arith.constant 0xFF800000 : f32
      %broadcast_in_dim3A_427 = vector.broadcast %jit3A_426 : f32 to vector<16xf32>
      %select_n3A_428 = arith.select %or3A_425, %broadcast_in_dim3A_427, %get3A_376 : vector<16xi1>, vector<16xf32>
      %swap3A_429 = arith.constant 64 : index
      %swap3A_430 = tpu.vector_load %arg4[%swap3A_429] {strides = array<i32>} : memref<7216xf32, #tpu.memory_space<vmem>>, vector<16xf32>,
      %swap3A_431 = vector.shape_cast %swap3A_430 : vector<16xf32> to vector<16xf32>
      %swap3A_432 = vector.shape_cast %select_n3A_428 : vector<16xf32> to vector<16xf32>
      tpu.vector_store %arg4[%swap3A_429], %swap3A_432 {strides = array<i32>} : memref<7216xf32, #tpu.memory_space<vmem>>, vector<16xf32>,
      %gt3A_433 = arith.cmpf ogt, %select_n3A_428, %select_n3A_372 : vector<16xf32>
      %select_n3A_434 = arith.select %gt3A_433, %select_n3A_428, %select_n3A_372 : vector<16xi1>, vector<16xf32>
      %select_n3A_435 = arith.select %gt3A_433, %add3A_419, %select_n3A_373 : vector<16xi1>, vector<16xi32>
      %get3A_436 = arith.constant 80 : index
      %get3A_437 = tpu.vector_load %arg4[%get3A_436] {strides = array<i32>} : memref<7216xf32, #tpu.memory_space<vmem>>, vector<16xf32>,
      %get3A_438 = vector.shape_cast %get3A_437 : vector<16xf32> to vector<16xf32>
      %get3A_439 = arith.constant 736 : index
      %get3A_440 = tpu.vector_load %arg4[%get3A_439] {strides = array<i32>} : memref<7216xf32, #tpu.memory_space<vmem>>, vector<16xf32>,
      %get3A_441 = vector.shape_cast %get3A_440 : vector<16xf32> to vector<16xf32>
      %get3A_442 = arith.constant 1392 : index
      %get3A_443 = tpu.vector_load %arg4[%get3A_442] {strides = array<i32>} : memref<7216xf32, #tpu.memory_space<vmem>>, vector<16xf32>,
      %get3A_444 = vector.shape_cast %get3A_443 : vector<16xf32> to vector<16xf32>
      %get3A_445 = arith.constant 2048 : index
      %get3A_446 = tpu.vector_load %arg4[%get3A_445] {strides = array<i32>} : memref<7216xf32, #tpu.memory_space<vmem>>, vector<16xf32>,
      %get3A_447 = vector.shape_cast %get3A_446 : vector<16xf32> to vector<16xf32>
      %get3A_448 = arith.constant 2704 : index
      %get3A_449 = tpu.vector_load %arg4[%get3A_448] {strides = array<i32>} : memref<7216xf32, #tpu.memory_space<vmem>>, vector<16xf32>,
      %get3A_450 = vector.shape_cast %get3A_449 : vector<16xf32> to vector<16xf32>
      %get3A_451 = arith.constant 3360 : index
      %get3A_452 = tpu.vector_load %arg4[%get3A_451] {strides = array<i32>} : memref<7216xf32, #tpu.memory_space<vmem>>, vector<16xf32>,
      %get3A_453 = vector.shape_cast %get3A_452 : vector<16xf32> to vector<16xf32>
      %max3A_454 = vector.broadcast %scan3A_120 : f32 to vector<16xf32>
      %max3A_455 = arith.maximumf %max3A_454, %get3A_441 : vector<16xf32>
      %max3A_456 = vector.broadcast %scan3A_121 : f32 to vector<16xf32>
      %max3A_457 = arith.maximumf %max3A_456, %get3A_444 : vector<16xf32>
      %min3A_458 = vector.broadcast %scan3A_122 : f32 to vector<16xf32>
      %min3A_459 = arith.minimumf %min3A_458, %get3A_447 : vector<16xf32>
      %min3A_460 = vector.broadcast %scan3A_123 : f32 to vector<16xf32>
      %min3A_461 = arith.minimumf %min3A_460, %get3A_450 : vector<16xf32>
      %sub3A_462 = arith.subf %min3A_459, %max3A_455 : vector<16xf32>
      %max3A_463 = arith.constant 0.000000e+00 : f32
      %max3A_464 = vector.broadcast %max3A_463 : f32 to vector<16xf32>
      %max3A_465 = arith.maximumf %sub3A_462, %max3A_464 : vector<16xf32>
      %sub3A_466 = arith.subf %min3A_461, %max3A_457 : vector<16xf32>
      %max3A_467 = arith.constant 0.000000e+00 : f32
      %max3A_468 = vector.broadcast %max3A_467 : f32 to vector<16xf32>
      %max3A_469 = arith.maximumf %sub3A_466, %max3A_468 : vector<16xf32>
      %mul3A_470 = arith.mulf %max3A_465, %max3A_469 : vector<16xf32>
      %add3A_471 = vector.broadcast %scan3A_124 : f32 to vector<16xf32>
      %add3A_472 = arith.addf %add3A_471, %get3A_453 : vector<16xf32>
      %sub3A_473 = arith.subf %add3A_472, %mul3A_470 : vector<16xf32>
      %add3A_474 = arith.constant 9.99999971E-10 : f32
      %add3A_475 = vector.broadcast %add3A_474 : f32 to vector<16xf32>
      %add3A_476 = arith.addf %sub3A_473, %add3A_475 : vector<16xf32>
      %div3A_477 = arith.divf %mul3A_470, %add3A_476 : vector<16xf32>
      %add3A_478 = arith.constant 80 : i32
      %add3A_479 = arith.addi %mul3A_21, %add3A_478 : i32
      %add3A_480 = vector.broadcast %add3A_479 : i32 to vector<16xi32>
      %add3A_481 = arith.addi %add3A_480, %iota3A : vector<16xi32>
      %gt3A_482 = arith.constant 4.500000e-01 : f32
      %gt3A_483 = vector.broadcast %gt3A_482 : f32 to vector<16xf32>
      %gt3A_484 = arith.cmpf ogt, %div3A_477, %gt3A_483 : vector<16xf32>
      %eq3A_485 = vector.broadcast %scan3A_125 : i32 to vector<16xi32>
      %eq3A_486 = arith.cmpi eq, %add3A_481, %eq3A_485 : vector<16xi32>
      %or3A_487 = arith.ori %gt3A_484, %eq3A_486 : vector<16xi1>
      %jit3A_488 = arith.constant 0xFF800000 : f32
      %broadcast_in_dim3A_489 = vector.broadcast %jit3A_488 : f32 to vector<16xf32>
      %select_n3A_490 = arith.select %or3A_487, %broadcast_in_dim3A_489, %get3A_438 : vector<16xi1>, vector<16xf32>
      %swap3A_491 = arith.constant 80 : index
      %swap3A_492 = tpu.vector_load %arg4[%swap3A_491] {strides = array<i32>} : memref<7216xf32, #tpu.memory_space<vmem>>, vector<16xf32>,
      %swap3A_493 = vector.shape_cast %swap3A_492 : vector<16xf32> to vector<16xf32>
      %swap3A_494 = vector.shape_cast %select_n3A_490 : vector<16xf32> to vector<16xf32>
      tpu.vector_store %arg4[%swap3A_491], %swap3A_494 {strides = array<i32>} : memref<7216xf32, #tpu.memory_space<vmem>>, vector<16xf32>,
      %gt3A_495 = arith.cmpf ogt, %select_n3A_490, %select_n3A_434 : vector<16xf32>
      %select_n3A_496 = arith.select %gt3A_495, %select_n3A_490, %select_n3A_434 : vector<16xi1>, vector<16xf32>
      %select_n3A_497 = arith.select %gt3A_495, %add3A_481, %select_n3A_435 : vector<16xi1>, vector<16xi32>
      %get3A_498 = arith.constant 96 : index
      %get3A_499 = tpu.vector_load %arg4[%get3A_498] {strides = array<i32>} : memref<7216xf32, #tpu.memory_space<vmem>>, vector<16xf32>,
      %get3A_500 = vector.shape_cast %get3A_499 : vector<16xf32> to vector<16xf32>
      %get3A_501 = arith.constant 752 : index
      %get3A_502 = tpu.vector_load %arg4[%get3A_501] {strides = array<i32>} : memref<7216xf32, #tpu.memory_space<vmem>>, vector<16xf32>,
      %get3A_503 = vector.shape_cast %get3A_502 : vector<16xf32> to vector<16xf32>
      %get3A_504 = arith.constant 1408 : index
      %get3A_505 = tpu.vector_load %arg4[%get3A_504] {strides = array<i32>} : memref<7216xf32, #tpu.memory_space<vmem>>, vector<16xf32>,
      %get3A_506 = vector.shape_cast %get3A_505 : vector<16xf32> to vector<16xf32>
      %get3A_507 = arith.constant 2064 : index
      %get3A_508 = tpu.vector_load %arg4[%get3A_507] {strides = array<i32>} : memref<7216xf32, #tpu.memory_space<vmem>>, vector<16xf32>,
      %get3A_509 = vector.shape_cast %get3A_508 : vector<16xf32> to vector<16xf32>
      %get3A_510 = arith.constant 2720 : index
      %get3A_511 = tpu.vector_load %arg4[%get3A_510] {strides = array<i32>} : memref<7216xf32, #tpu.memory_space<vmem>>, vector<16xf32>,
      %get3A_512 = vector.shape_cast %get3A_511 : vector<16xf32> to vector<16xf32>
      %get3A_513 = arith.constant 3376 : index
      %get3A_514 = tpu.vector_load %arg4[%get3A_513] {strides = array<i32>} : memref<7216xf32, #tpu.memory_space<vmem>>, vector<16xf32>,
      %get3A_515 = vector.shape_cast %get3A_514 : vector<16xf32> to vector<16xf32>
      %max3A_516 = vector.broadcast %scan3A_120 : f32 to vector<16xf32>
      %max3A_517 = arith.maximumf %max3A_516, %get3A_503 : vector<16xf32>
      %max3A_518 = vector.broadcast %scan3A_121 : f32 to vector<16xf32>
      %max3A_519 = arith.maximumf %max3A_518, %get3A_506 : vector<16xf32>
      %min3A_520 = vector.broadcast %scan3A_122 : f32 to vector<16xf32>
      %min3A_521 = arith.minimumf %min3A_520, %get3A_509 : vector<16xf32>
      %min3A_522 = vector.broadcast %scan3A_123 : f32 to vector<16xf32>
      %min3A_523 = arith.minimumf %min3A_522, %get3A_512 : vector<16xf32>
      %sub3A_524 = arith.subf %min3A_521, %max3A_517 : vector<16xf32>
      %max3A_525 = arith.constant 0.000000e+00 : f32
      %max3A_526 = vector.broadcast %max3A_525 : f32 to vector<16xf32>
      %max3A_527 = arith.maximumf %sub3A_524, %max3A_526 : vector<16xf32>
      %sub3A_528 = arith.subf %min3A_523, %max3A_519 : vector<16xf32>
      %max3A_529 = arith.constant 0.000000e+00 : f32
      %max3A_530 = vector.broadcast %max3A_529 : f32 to vector<16xf32>
      %max3A_531 = arith.maximumf %sub3A_528, %max3A_530 : vector<16xf32>
      %mul3A_532 = arith.mulf %max3A_527, %max3A_531 : vector<16xf32>
      %add3A_533 = vector.broadcast %scan3A_124 : f32 to vector<16xf32>
      %add3A_534 = arith.addf %add3A_533, %get3A_515 : vector<16xf32>
      %sub3A_535 = arith.subf %add3A_534, %mul3A_532 : vector<16xf32>
      %add3A_536 = arith.constant 9.99999971E-10 : f32
      %add3A_537 = vector.broadcast %add3A_536 : f32 to vector<16xf32>
      %add3A_538 = arith.addf %sub3A_535, %add3A_537 : vector<16xf32>
      %div3A_539 = arith.divf %mul3A_532, %add3A_538 : vector<16xf32>
      %add3A_540 = arith.constant 96 : i32
      %add3A_541 = arith.addi %mul3A_21, %add3A_540 : i32
      %add3A_542 = vector.broadcast %add3A_541 : i32 to vector<16xi32>
      %add3A_543 = arith.addi %add3A_542, %iota3A : vector<16xi32>
      %gt3A_544 = arith.constant 4.500000e-01 : f32
      %gt3A_545 = vector.broadcast %gt3A_544 : f32 to vector<16xf32>
      %gt3A_546 = arith.cmpf ogt, %div3A_539, %gt3A_545 : vector<16xf32>
      %eq3A_547 = vector.broadcast %scan3A_125 : i32 to vector<16xi32>
      %eq3A_548 = arith.cmpi eq, %add3A_543, %eq3A_547 : vector<16xi32>
      %or3A_549 = arith.ori %gt3A_546, %eq3A_548 : vector<16xi1>
      %jit3A_550 = arith.constant 0xFF800000 : f32
      %broadcast_in_dim3A_551 = vector.broadcast %jit3A_550 : f32 to vector<16xf32>
      %select_n3A_552 = arith.select %or3A_549, %broadcast_in_dim3A_551, %get3A_500 : vector<16xi1>, vector<16xf32>
      %swap3A_553 = arith.constant 96 : index
      %swap3A_554 = tpu.vector_load %arg4[%swap3A_553] {strides = array<i32>} : memref<7216xf32, #tpu.memory_space<vmem>>, vector<16xf32>,
      %swap3A_555 = vector.shape_cast %swap3A_554 : vector<16xf32> to vector<16xf32>
      %swap3A_556 = vector.shape_cast %select_n3A_552 : vector<16xf32> to vector<16xf32>
      tpu.vector_store %arg4[%swap3A_553], %swap3A_556 {strides = array<i32>} : memref<7216xf32, #tpu.memory_space<vmem>>, vector<16xf32>,
      %gt3A_557 = arith.cmpf ogt, %select_n3A_552, %select_n3A_496 : vector<16xf32>
      %select_n3A_558 = arith.select %gt3A_557, %select_n3A_552, %select_n3A_496 : vector<16xi1>, vector<16xf32>
      %select_n3A_559 = arith.select %gt3A_557, %add3A_543, %select_n3A_497 : vector<16xi1>, vector<16xi32>
      %get3A_560 = arith.constant 112 : index
      %get3A_561 = tpu.vector_load %arg4[%get3A_560] {strides = array<i32>} : memref<7216xf32, #tpu.memory_space<vmem>>, vector<16xf32>,
      %get3A_562 = vector.shape_cast %get3A_561 : vector<16xf32> to vector<16xf32>
      %get3A_563 = arith.constant 768 : index
      %get3A_564 = tpu.vector_load %arg4[%get3A_563] {strides = array<i32>} : memref<7216xf32, #tpu.memory_space<vmem>>, vector<16xf32>,
      %get3A_565 = vector.shape_cast %get3A_564 : vector<16xf32> to vector<16xf32>
      %get3A_566 = arith.constant 1424 : index
      %get3A_567 = tpu.vector_load %arg4[%get3A_566] {strides = array<i32>} : memref<7216xf32, #tpu.memory_space<vmem>>, vector<16xf32>,
      %get3A_568 = vector.shape_cast %get3A_567 : vector<16xf32> to vector<16xf32>
      %get3A_569 = arith.constant 2080 : index
      %get3A_570 = tpu.vector_load %arg4[%get3A_569] {strides = array<i32>} : memref<7216xf32, #tpu.memory_space<vmem>>, vector<16xf32>,
      %get3A_571 = vector.shape_cast %get3A_570 : vector<16xf32> to vector<16xf32>
      %get3A_572 = arith.constant 2736 : index
      %get3A_573 = tpu.vector_load %arg4[%get3A_572] {strides = array<i32>} : memref<7216xf32, #tpu.memory_space<vmem>>, vector<16xf32>,
      %get3A_574 = vector.shape_cast %get3A_573 : vector<16xf32> to vector<16xf32>
      %get3A_575 = arith.constant 3392 : index
      %get3A_576 = tpu.vector_load %arg4[%get3A_575] {strides = array<i32>} : memref<7216xf32, #tpu.memory_space<vmem>>, vector<16xf32>,
      %get3A_577 = vector.shape_cast %get3A_576 : vector<16xf32> to vector<16xf32>
      %max3A_578 = vector.broadcast %scan3A_120 : f32 to vector<16xf32>
      %max3A_579 = arith.maximumf %max3A_578, %get3A_565 : vector<16xf32>
      %max3A_580 = vector.broadcast %scan3A_121 : f32 to vector<16xf32>
      %max3A_581 = arith.maximumf %max3A_580, %get3A_568 : vector<16xf32>
      %min3A_582 = vector.broadcast %scan3A_122 : f32 to vector<16xf32>
      %min3A_583 = arith.minimumf %min3A_582, %get3A_571 : vector<16xf32>
      %min3A_584 = vector.broadcast %scan3A_123 : f32 to vector<16xf32>
      %min3A_585 = arith.minimumf %min3A_584, %get3A_574 : vector<16xf32>
      %sub3A_586 = arith.subf %min3A_583, %max3A_579 : vector<16xf32>
      %max3A_587 = arith.constant 0.000000e+00 : f32
      %max3A_588 = vector.broadcast %max3A_587 : f32 to vector<16xf32>
      %max3A_589 = arith.maximumf %sub3A_586, %max3A_588 : vector<16xf32>
      %sub3A_590 = arith.subf %min3A_585, %max3A_581 : vector<16xf32>
      %max3A_591 = arith.constant 0.000000e+00 : f32
      %max3A_592 = vector.broadcast %max3A_591 : f32 to vector<16xf32>
      %max3A_593 = arith.maximumf %sub3A_590, %max3A_592 : vector<16xf32>
      %mul3A_594 = arith.mulf %max3A_589, %max3A_593 : vector<16xf32>
      %add3A_595 = vector.broadcast %scan3A_124 : f32 to vector<16xf32>
      %add3A_596 = arith.addf %add3A_595, %get3A_577 : vector<16xf32>
      %sub3A_597 = arith.subf %add3A_596, %mul3A_594 : vector<16xf32>
      %add3A_598 = arith.constant 9.99999971E-10 : f32
      %add3A_599 = vector.broadcast %add3A_598 : f32 to vector<16xf32>
      %add3A_600 = arith.addf %sub3A_597, %add3A_599 : vector<16xf32>
      %div3A_601 = arith.divf %mul3A_594, %add3A_600 : vector<16xf32>
      %add3A_602 = arith.constant 112 : i32
      %add3A_603 = arith.addi %mul3A_21, %add3A_602 : i32
      %add3A_604 = vector.broadcast %add3A_603 : i32 to vector<16xi32>
      %add3A_605 = arith.addi %add3A_604, %iota3A : vector<16xi32>
      %gt3A_606 = arith.constant 4.500000e-01 : f32
      %gt3A_607 = vector.broadcast %gt3A_606 : f32 to vector<16xf32>
      %gt3A_608 = arith.cmpf ogt, %div3A_601, %gt3A_607 : vector<16xf32>
      %eq3A_609 = vector.broadcast %scan3A_125 : i32 to vector<16xi32>
      %eq3A_610 = arith.cmpi eq, %add3A_605, %eq3A_609 : vector<16xi32>
      %or3A_611 = arith.ori %gt3A_608, %eq3A_610 : vector<16xi1>
      %jit3A_612 = arith.constant 0xFF800000 : f32
      %broadcast_in_dim3A_613 = vector.broadcast %jit3A_612 : f32 to vector<16xf32>
      %select_n3A_614 = arith.select %or3A_611, %broadcast_in_dim3A_613, %get3A_562 : vector<16xi1>, vector<16xf32>
      %swap3A_615 = arith.constant 112 : index
      %swap3A_616 = tpu.vector_load %arg4[%swap3A_615] {strides = array<i32>} : memref<7216xf32, #tpu.memory_space<vmem>>, vector<16xf32>,
      %swap3A_617 = vector.shape_cast %swap3A_616 : vector<16xf32> to vector<16xf32>
      %swap3A_618 = vector.shape_cast %select_n3A_614 : vector<16xf32> to vector<16xf32>
      tpu.vector_store %arg4[%swap3A_615], %swap3A_618 {strides = array<i32>} : memref<7216xf32, #tpu.memory_space<vmem>>, vector<16xf32>,
      %gt3A_619 = arith.cmpf ogt, %select_n3A_614, %select_n3A_558 : vector<16xf32>
      %select_n3A_620 = arith.select %gt3A_619, %select_n3A_614, %select_n3A_558 : vector<16xi1>, vector<16xf32>
      %select_n3A_621 = arith.select %gt3A_619, %add3A_605, %select_n3A_559 : vector<16xi1>, vector<16xi32>
      %get3A_622 = arith.constant 128 : index
      %get3A_623 = tpu.vector_load %arg4[%get3A_622] {strides = array<i32>} : memref<7216xf32, #tpu.memory_space<vmem>>, vector<16xf32>,
      %get3A_624 = vector.shape_cast %get3A_623 : vector<16xf32> to vector<16xf32>
      %get3A_625 = arith.constant 784 : index
      %get3A_626 = tpu.vector_load %arg4[%get3A_625] {strides = array<i32>} : memref<7216xf32, #tpu.memory_space<vmem>>, vector<16xf32>,
      %get3A_627 = vector.shape_cast %get3A_626 : vector<16xf32> to vector<16xf32>
      %get3A_628 = arith.constant 1440 : index
      %get3A_629 = tpu.vector_load %arg4[%get3A_628] {strides = array<i32>} : memref<7216xf32, #tpu.memory_space<vmem>>, vector<16xf32>,
      %get3A_630 = vector.shape_cast %get3A_629 : vector<16xf32> to vector<16xf32>
      %get3A_631 = arith.constant 2096 : index
      %get3A_632 = tpu.vector_load %arg4[%get3A_631] {strides = array<i32>} : memref<7216xf32, #tpu.memory_space<vmem>>, vector<16xf32>,
      %get3A_633 = vector.shape_cast %get3A_632 : vector<16xf32> to vector<16xf32>
      %get3A_634 = arith.constant 2752 : index
      %get3A_635 = tpu.vector_load %arg4[%get3A_634] {strides = array<i32>} : memref<7216xf32, #tpu.memory_space<vmem>>, vector<16xf32>,
      %get3A_636 = vector.shape_cast %get3A_635 : vector<16xf32> to vector<16xf32>
      %get3A_637 = arith.constant 3408 : index
      %get3A_638 = tpu.vector_load %arg4[%get3A_637] {strides = array<i32>} : memref<7216xf32, #tpu.memory_space<vmem>>, vector<16xf32>,
      %get3A_639 = vector.shape_cast %get3A_638 : vector<16xf32> to vector<16xf32>
      %max3A_640 = vector.broadcast %scan3A_120 : f32 to vector<16xf32>
      %max3A_641 = arith.maximumf %max3A_640, %get3A_627 : vector<16xf32>
      %max3A_642 = vector.broadcast %scan3A_121 : f32 to vector<16xf32>
      %max3A_643 = arith.maximumf %max3A_642, %get3A_630 : vector<16xf32>
      %min3A_644 = vector.broadcast %scan3A_122 : f32 to vector<16xf32>
      %min3A_645 = arith.minimumf %min3A_644, %get3A_633 : vector<16xf32>
      %min3A_646 = vector.broadcast %scan3A_123 : f32 to vector<16xf32>
      %min3A_647 = arith.minimumf %min3A_646, %get3A_636 : vector<16xf32>
      %sub3A_648 = arith.subf %min3A_645, %max3A_641 : vector<16xf32>
      %max3A_649 = arith.constant 0.000000e+00 : f32
      %max3A_650 = vector.broadcast %max3A_649 : f32 to vector<16xf32>
      %max3A_651 = arith.maximumf %sub3A_648, %max3A_650 : vector<16xf32>
      %sub3A_652 = arith.subf %min3A_647, %max3A_643 : vector<16xf32>
      %max3A_653 = arith.constant 0.000000e+00 : f32
      %max3A_654 = vector.broadcast %max3A_653 : f32 to vector<16xf32>
      %max3A_655 = arith.maximumf %sub3A_652, %max3A_654 : vector<16xf32>
      %mul3A_656 = arith.mulf %max3A_651, %max3A_655 : vector<16xf32>
      %add3A_657 = vector.broadcast %scan3A_124 : f32 to vector<16xf32>
      %add3A_658 = arith.addf %add3A_657, %get3A_639 : vector<16xf32>
      %sub3A_659 = arith.subf %add3A_658, %mul3A_656 : vector<16xf32>
      %add3A_660 = arith.constant 9.99999971E-10 : f32
      %add3A_661 = vector.broadcast %add3A_660 : f32 to vector<16xf32>
      %add3A_662 = arith.addf %sub3A_659, %add3A_661 : vector<16xf32>
      %div3A_663 = arith.divf %mul3A_656, %add3A_662 : vector<16xf32>
      %add3A_664 = arith.constant 128 : i32
      %add3A_665 = arith.addi %mul3A_21, %add3A_664 : i32
      %add3A_666 = vector.broadcast %add3A_665 : i32 to vector<16xi32>
      %add3A_667 = arith.addi %add3A_666, %iota3A : vector<16xi32>
      %gt3A_668 = arith.constant 4.500000e-01 : f32
      %gt3A_669 = vector.broadcast %gt3A_668 : f32 to vector<16xf32>
      %gt3A_670 = arith.cmpf ogt, %div3A_663, %gt3A_669 : vector<16xf32>
      %eq3A_671 = vector.broadcast %scan3A_125 : i32 to vector<16xi32>
      %eq3A_672 = arith.cmpi eq, %add3A_667, %eq3A_671 : vector<16xi32>
      %or3A_673 = arith.ori %gt3A_670, %eq3A_672 : vector<16xi1>
      %jit3A_674 = arith.constant 0xFF800000 : f32
      %broadcast_in_dim3A_675 = vector.broadcast %jit3A_674 : f32 to vector<16xf32>
      %select_n3A_676 = arith.select %or3A_673, %broadcast_in_dim3A_675, %get3A_624 : vector<16xi1>, vector<16xf32>
      %swap3A_677 = arith.constant 128 : index
      %swap3A_678 = tpu.vector_load %arg4[%swap3A_677] {strides = array<i32>} : memref<7216xf32, #tpu.memory_space<vmem>>, vector<16xf32>,
      %swap3A_679 = vector.shape_cast %swap3A_678 : vector<16xf32> to vector<16xf32>
      %swap3A_680 = vector.shape_cast %select_n3A_676 : vector<16xf32> to vector<16xf32>
      tpu.vector_store %arg4[%swap3A_677], %swap3A_680 {strides = array<i32>} : memref<7216xf32, #tpu.memory_space<vmem>>, vector<16xf32>,
      %gt3A_681 = arith.cmpf ogt, %select_n3A_676, %select_n3A_620 : vector<16xf32>
      %select_n3A_682 = arith.select %gt3A_681, %select_n3A_676, %select_n3A_620 : vector<16xi1>, vector<16xf32>
      %select_n3A_683 = arith.select %gt3A_681, %add3A_667, %select_n3A_621 : vector<16xi1>, vector<16xi32>
      %get3A_684 = arith.constant 144 : index
      %get3A_685 = tpu.vector_load %arg4[%get3A_684] {strides = array<i32>} : memref<7216xf32, #tpu.memory_space<vmem>>, vector<16xf32>,
      %get3A_686 = vector.shape_cast %get3A_685 : vector<16xf32> to vector<16xf32>
      %get3A_687 = arith.constant 800 : index
      %get3A_688 = tpu.vector_load %arg4[%get3A_687] {strides = array<i32>} : memref<7216xf32, #tpu.memory_space<vmem>>, vector<16xf32>,
      %get3A_689 = vector.shape_cast %get3A_688 : vector<16xf32> to vector<16xf32>
      %get3A_690 = arith.constant 1456 : index
      %get3A_691 = tpu.vector_load %arg4[%get3A_690] {strides = array<i32>} : memref<7216xf32, #tpu.memory_space<vmem>>, vector<16xf32>,
      %get3A_692 = vector.shape_cast %get3A_691 : vector<16xf32> to vector<16xf32>
      %get3A_693 = arith.constant 2112 : index
      %get3A_694 = tpu.vector_load %arg4[%get3A_693] {strides = array<i32>} : memref<7216xf32, #tpu.memory_space<vmem>>, vector<16xf32>,
      %get3A_695 = vector.shape_cast %get3A_694 : vector<16xf32> to vector<16xf32>
      %get3A_696 = arith.constant 2768 : index
      %get3A_697 = tpu.vector_load %arg4[%get3A_696] {strides = array<i32>} : memref<7216xf32, #tpu.memory_space<vmem>>, vector<16xf32>,
      %get3A_698 = vector.shape_cast %get3A_697 : vector<16xf32> to vector<16xf32>
      %get3A_699 = arith.constant 3424 : index
      %get3A_700 = tpu.vector_load %arg4[%get3A_699] {strides = array<i32>} : memref<7216xf32, #tpu.memory_space<vmem>>, vector<16xf32>,
      %get3A_701 = vector.shape_cast %get3A_700 : vector<16xf32> to vector<16xf32>
      %max3A_702 = vector.broadcast %scan3A_120 : f32 to vector<16xf32>
      %max3A_703 = arith.maximumf %max3A_702, %get3A_689 : vector<16xf32>
      %max3A_704 = vector.broadcast %scan3A_121 : f32 to vector<16xf32>
      %max3A_705 = arith.maximumf %max3A_704, %get3A_692 : vector<16xf32>
      %min3A_706 = vector.broadcast %scan3A_122 : f32 to vector<16xf32>
      %min3A_707 = arith.minimumf %min3A_706, %get3A_695 : vector<16xf32>
      %min3A_708 = vector.broadcast %scan3A_123 : f32 to vector<16xf32>
      %min3A_709 = arith.minimumf %min3A_708, %get3A_698 : vector<16xf32>
      %sub3A_710 = arith.subf %min3A_707, %max3A_703 : vector<16xf32>
      %max3A_711 = arith.constant 0.000000e+00 : f32
      %max3A_712 = vector.broadcast %max3A_711 : f32 to vector<16xf32>
      %max3A_713 = arith.maximumf %sub3A_710, %max3A_712 : vector<16xf32>
      %sub3A_714 = arith.subf %min3A_709, %max3A_705 : vector<16xf32>
      %max3A_715 = arith.constant 0.000000e+00 : f32
      %max3A_716 = vector.broadcast %max3A_715 : f32 to vector<16xf32>
      %max3A_717 = arith.maximumf %sub3A_714, %max3A_716 : vector<16xf32>
      %mul3A_718 = arith.mulf %max3A_713, %max3A_717 : vector<16xf32>
      %add3A_719 = vector.broadcast %scan3A_124 : f32 to vector<16xf32>
      %add3A_720 = arith.addf %add3A_719, %get3A_701 : vector<16xf32>
      %sub3A_721 = arith.subf %add3A_720, %mul3A_718 : vector<16xf32>
      %add3A_722 = arith.constant 9.99999971E-10 : f32
      %add3A_723 = vector.broadcast %add3A_722 : f32 to vector<16xf32>
      %add3A_724 = arith.addf %sub3A_721, %add3A_723 : vector<16xf32>
      %div3A_725 = arith.divf %mul3A_718, %add3A_724 : vector<16xf32>
      %add3A_726 = arith.constant 144 : i32
      %add3A_727 = arith.addi %mul3A_21, %add3A_726 : i32
      %add3A_728 = vector.broadcast %add3A_727 : i32 to vector<16xi32>
      %add3A_729 = arith.addi %add3A_728, %iota3A : vector<16xi32>
      %gt3A_730 = arith.constant 4.500000e-01 : f32
      %gt3A_731 = vector.broadcast %gt3A_730 : f32 to vector<16xf32>
      %gt3A_732 = arith.cmpf ogt, %div3A_725, %gt3A_731 : vector<16xf32>
      %eq3A_733 = vector.broadcast %scan3A_125 : i32 to vector<16xi32>
      %eq3A_734 = arith.cmpi eq, %add3A_729, %eq3A_733 : vector<16xi32>
      %or3A_735 = arith.ori %gt3A_732, %eq3A_734 : vector<16xi1>
      %jit3A_736 = arith.constant 0xFF800000 : f32
      %broadcast_in_dim3A_737 = vector.broadcast %jit3A_736 : f32 to vector<16xf32>
      %select_n3A_738 = arith.select %or3A_735, %broadcast_in_dim3A_737, %get3A_686 : vector<16xi1>, vector<16xf32>
      %swap3A_739 = arith.constant 144 : index
      %swap3A_740 = tpu.vector_load %arg4[%swap3A_739] {strides = array<i32>} : memref<7216xf32, #tpu.memory_space<vmem>>, vector<16xf32>,
      %swap3A_741 = vector.shape_cast %swap3A_740 : vector<16xf32> to vector<16xf32>
      %swap3A_742 = vector.shape_cast %select_n3A_738 : vector<16xf32> to vector<16xf32>
      tpu.vector_store %arg4[%swap3A_739], %swap3A_742 {strides = array<i32>} : memref<7216xf32, #tpu.memory_space<vmem>>, vector<16xf32>,
      %gt3A_743 = arith.cmpf ogt, %select_n3A_738, %select_n3A_682 : vector<16xf32>
      %select_n3A_744 = arith.select %gt3A_743, %select_n3A_738, %select_n3A_682 : vector<16xi1>, vector<16xf32>
      %select_n3A_745 = arith.select %gt3A_743, %add3A_729, %select_n3A_683 : vector<16xi1>, vector<16xi32>
      %broadcast_in_dim3A_746 = arith.constant 0xFF800000 : f32
      %broadcast_in_dim3A_747 = vector.broadcast %broadcast_in_dim3A_746 : f32 to vector<16xf32>
      %add3A_748 = arith.constant 160 : i32
      %add3A_749 = arith.addi %mul3A_21, %add3A_748 : i32
      %add3A_750 = vector.broadcast %add3A_749 : i32 to vector<16xi32>
      %add3A_751 = arith.addi %add3A_750, %iota3A : vector<16xi32>
      %get3A_752 = arith.constant 160 : index
      %get3A_753 = tpu.vector_load %arg4[%get3A_752] {strides = array<i32>} : memref<7216xf32, #tpu.memory_space<vmem>>, vector<16xf32>,
      %get3A_754 = vector.shape_cast %get3A_753 : vector<16xf32> to vector<16xf32>
      %get3A_755 = arith.constant 816 : index
      %get3A_756 = tpu.vector_load %arg4[%get3A_755] {strides = array<i32>} : memref<7216xf32, #tpu.memory_space<vmem>>, vector<16xf32>,
      %get3A_757 = vector.shape_cast %get3A_756 : vector<16xf32> to vector<16xf32>
      %get3A_758 = arith.constant 1472 : index
      %get3A_759 = tpu.vector_load %arg4[%get3A_758] {strides = array<i32>} : memref<7216xf32, #tpu.memory_space<vmem>>, vector<16xf32>,
      %get3A_760 = vector.shape_cast %get3A_759 : vector<16xf32> to vector<16xf32>
      %get3A_761 = arith.constant 2128 : index
      %get3A_762 = tpu.vector_load %arg4[%get3A_761] {strides = array<i32>} : memref<7216xf32, #tpu.memory_space<vmem>>, vector<16xf32>,
      %get3A_763 = vector.shape_cast %get3A_762 : vector<16xf32> to vector<16xf32>
      %get3A_764 = arith.constant 2784 : index
      %get3A_765 = tpu.vector_load %arg4[%get3A_764] {strides = array<i32>} : memref<7216xf32, #tpu.memory_space<vmem>>, vector<16xf32>,
      %get3A_766 = vector.shape_cast %get3A_765 : vector<16xf32> to vector<16xf32>
      %get3A_767 = arith.constant 3440 : index
      %get3A_768 = tpu.vector_load %arg4[%get3A_767] {strides = array<i32>} : memref<7216xf32, #tpu.memory_space<vmem>>, vector<16xf32>,
      %get3A_769 = vector.shape_cast %get3A_768 : vector<16xf32> to vector<16xf32>
      %max3A_770 = vector.broadcast %scan3A_120 : f32 to vector<16xf32>
      %max3A_771 = arith.maximumf %max3A_770, %get3A_757 : vector<16xf32>
      %max3A_772 = vector.broadcast %scan3A_121 : f32 to vector<16xf32>
      %max3A_773 = arith.maximumf %max3A_772, %get3A_760 : vector<16xf32>
      %min3A_774 = vector.broadcast %scan3A_122 : f32 to vector<16xf32>
      %min3A_775 = arith.minimumf %min3A_774, %get3A_763 : vector<16xf32>
      %min3A_776 = vector.broadcast %scan3A_123 : f32 to vector<16xf32>
      %min3A_777 = arith.minimumf %min3A_776, %get3A_766 : vector<16xf32>
      %sub3A_778 = arith.subf %min3A_775, %max3A_771 : vector<16xf32>
      %max3A_779 = arith.constant 0.000000e+00 : f32
      %max3A_780 = vector.broadcast %max3A_779 : f32 to vector<16xf32>
      %max3A_781 = arith.maximumf %sub3A_778, %max3A_780 : vector<16xf32>
      %sub3A_782 = arith.subf %min3A_777, %max3A_773 : vector<16xf32>
      %max3A_783 = arith.constant 0.000000e+00 : f32
      %max3A_784 = vector.broadcast %max3A_783 : f32 to vector<16xf32>
      %max3A_785 = arith.maximumf %sub3A_782, %max3A_784 : vector<16xf32>
      %mul3A_786 = arith.mulf %max3A_781, %max3A_785 : vector<16xf32>
      %add3A_787 = vector.broadcast %scan3A_124 : f32 to vector<16xf32>
      %add3A_788 = arith.addf %add3A_787, %get3A_769 : vector<16xf32>
      %sub3A_789 = arith.subf %add3A_788, %mul3A_786 : vector<16xf32>
      %add3A_790 = arith.constant 9.99999971E-10 : f32
      %add3A_791 = vector.broadcast %add3A_790 : f32 to vector<16xf32>
      %add3A_792 = arith.addf %sub3A_789, %add3A_791 : vector<16xf32>
      %div3A_793 = arith.divf %mul3A_786, %add3A_792 : vector<16xf32>
      %add3A_794 = arith.constant 160 : i32
      %add3A_795 = arith.addi %mul3A_21, %add3A_794 : i32
      %add3A_796 = vector.broadcast %add3A_795 : i32 to vector<16xi32>
      %add3A_797 = arith.addi %add3A_796, %iota3A : vector<16xi32>
      %gt3A_798 = arith.constant 4.500000e-01 : f32
      %gt3A_799 = vector.broadcast %gt3A_798 : f32 to vector<16xf32>
      %gt3A_800 = arith.cmpf ogt, %div3A_793, %gt3A_799 : vector<16xf32>
      %eq3A_801 = vector.broadcast %scan3A_125 : i32 to vector<16xi32>
      %eq3A_802 = arith.cmpi eq, %add3A_797, %eq3A_801 : vector<16xi32>
      %or3A_803 = arith.ori %gt3A_800, %eq3A_802 : vector<16xi1>
      %jit3A_804 = arith.constant 0xFF800000 : f32
      %broadcast_in_dim3A_805 = vector.broadcast %jit3A_804 : f32 to vector<16xf32>
      %select_n3A_806 = arith.select %or3A_803, %broadcast_in_dim3A_805, %get3A_754 : vector<16xi1>, vector<16xf32>
      %swap3A_807 = arith.constant 160 : index
      %swap3A_808 = tpu.vector_load %arg4[%swap3A_807] {strides = array<i32>} : memref<7216xf32, #tpu.memory_space<vmem>>, vector<16xf32>,
      %swap3A_809 = vector.shape_cast %swap3A_808 : vector<16xf32> to vector<16xf32>
      %swap3A_810 = vector.shape_cast %select_n3A_806 : vector<16xf32> to vector<16xf32>
      tpu.vector_store %arg4[%swap3A_807], %swap3A_810 {strides = array<i32>} : memref<7216xf32, #tpu.memory_space<vmem>>, vector<16xf32>,
      %gt3A_811 = arith.cmpf ogt, %select_n3A_806, %broadcast_in_dim3A_747 : vector<16xf32>
      %select_n3A_812 = arith.select %gt3A_811, %select_n3A_806, %broadcast_in_dim3A_747 : vector<16xi1>, vector<16xf32>
      %select_n3A_813 = arith.select %gt3A_811, %add3A_797, %add3A_751 : vector<16xi1>, vector<16xi32>
      %get3A_814 = arith.constant 176 : index
      %get3A_815 = tpu.vector_load %arg4[%get3A_814] {strides = array<i32>} : memref<7216xf32, #tpu.memory_space<vmem>>, vector<16xf32>,
      %get3A_816 = vector.shape_cast %get3A_815 : vector<16xf32> to vector<16xf32>
      %get3A_817 = arith.constant 832 : index
      %get3A_818 = tpu.vector_load %arg4[%get3A_817] {strides = array<i32>} : memref<7216xf32, #tpu.memory_space<vmem>>, vector<16xf32>,
      %get3A_819 = vector.shape_cast %get3A_818 : vector<16xf32> to vector<16xf32>
      %get3A_820 = arith.constant 1488 : index
      %get3A_821 = tpu.vector_load %arg4[%get3A_820] {strides = array<i32>} : memref<7216xf32, #tpu.memory_space<vmem>>, vector<16xf32>,
      %get3A_822 = vector.shape_cast %get3A_821 : vector<16xf32> to vector<16xf32>
      %get3A_823 = arith.constant 2144 : index
      %get3A_824 = tpu.vector_load %arg4[%get3A_823] {strides = array<i32>} : memref<7216xf32, #tpu.memory_space<vmem>>, vector<16xf32>,
      %get3A_825 = vector.shape_cast %get3A_824 : vector<16xf32> to vector<16xf32>
      %get3A_826 = arith.constant 2800 : index
      %get3A_827 = tpu.vector_load %arg4[%get3A_826] {strides = array<i32>} : memref<7216xf32, #tpu.memory_space<vmem>>, vector<16xf32>,
      %get3A_828 = vector.shape_cast %get3A_827 : vector<16xf32> to vector<16xf32>
      %get3A_829 = arith.constant 3456 : index
      %get3A_830 = tpu.vector_load %arg4[%get3A_829] {strides = array<i32>} : memref<7216xf32, #tpu.memory_space<vmem>>, vector<16xf32>,
      %get3A_831 = vector.shape_cast %get3A_830 : vector<16xf32> to vector<16xf32>
      %max3A_832 = vector.broadcast %scan3A_120 : f32 to vector<16xf32>
      %max3A_833 = arith.maximumf %max3A_832, %get3A_819 : vector<16xf32>
      %max3A_834 = vector.broadcast %scan3A_121 : f32 to vector<16xf32>
      %max3A_835 = arith.maximumf %max3A_834, %get3A_822 : vector<16xf32>
      %min3A_836 = vector.broadcast %scan3A_122 : f32 to vector<16xf32>
      %min3A_837 = arith.minimumf %min3A_836, %get3A_825 : vector<16xf32>
      %min3A_838 = vector.broadcast %scan3A_123 : f32 to vector<16xf32>
      %min3A_839 = arith.minimumf %min3A_838, %get3A_828 : vector<16xf32>
      %sub3A_840 = arith.subf %min3A_837, %max3A_833 : vector<16xf32>
      %max3A_841 = arith.constant 0.000000e+00 : f32
      %max3A_842 = vector.broadcast %max3A_841 : f32 to vector<16xf32>
      %max3A_843 = arith.maximumf %sub3A_840, %max3A_842 : vector<16xf32>
      %sub3A_844 = arith.subf %min3A_839, %max3A_835 : vector<16xf32>
      %max3A_845 = arith.constant 0.000000e+00 : f32
      %max3A_846 = vector.broadcast %max3A_845 : f32 to vector<16xf32>
      %max3A_847 = arith.maximumf %sub3A_844, %max3A_846 : vector<16xf32>
      %mul3A_848 = arith.mulf %max3A_843, %max3A_847 : vector<16xf32>
      %add3A_849 = vector.broadcast %scan3A_124 : f32 to vector<16xf32>
      %add3A_850 = arith.addf %add3A_849, %get3A_831 : vector<16xf32>
      %sub3A_851 = arith.subf %add3A_850, %mul3A_848 : vector<16xf32>
      %add3A_852 = arith.constant 9.99999971E-10 : f32
      %add3A_853 = vector.broadcast %add3A_852 : f32 to vector<16xf32>
      %add3A_854 = arith.addf %sub3A_851, %add3A_853 : vector<16xf32>
      %div3A_855 = arith.divf %mul3A_848, %add3A_854 : vector<16xf32>
      %add3A_856 = arith.constant 176 : i32
      %add3A_857 = arith.addi %mul3A_21, %add3A_856 : i32
      %add3A_858 = vector.broadcast %add3A_857 : i32 to vector<16xi32>
      %add3A_859 = arith.addi %add3A_858, %iota3A : vector<16xi32>
      %gt3A_860 = arith.constant 4.500000e-01 : f32
      %gt3A_861 = vector.broadcast %gt3A_860 : f32 to vector<16xf32>
      %gt3A_862 = arith.cmpf ogt, %div3A_855, %gt3A_861 : vector<16xf32>
      %eq3A_863 = vector.broadcast %scan3A_125 : i32 to vector<16xi32>
      %eq3A_864 = arith.cmpi eq, %add3A_859, %eq3A_863 : vector<16xi32>
      %or3A_865 = arith.ori %gt3A_862, %eq3A_864 : vector<16xi1>
      %jit3A_866 = arith.constant 0xFF800000 : f32
      %broadcast_in_dim3A_867 = vector.broadcast %jit3A_866 : f32 to vector<16xf32>
      %select_n3A_868 = arith.select %or3A_865, %broadcast_in_dim3A_867, %get3A_816 : vector<16xi1>, vector<16xf32>
      %swap3A_869 = arith.constant 176 : index
      %swap3A_870 = tpu.vector_load %arg4[%swap3A_869] {strides = array<i32>} : memref<7216xf32, #tpu.memory_space<vmem>>, vector<16xf32>,
      %swap3A_871 = vector.shape_cast %swap3A_870 : vector<16xf32> to vector<16xf32>
      %swap3A_872 = vector.shape_cast %select_n3A_868 : vector<16xf32> to vector<16xf32>
      tpu.vector_store %arg4[%swap3A_869], %swap3A_872 {strides = array<i32>} : memref<7216xf32, #tpu.memory_space<vmem>>, vector<16xf32>,
      %gt3A_873 = arith.cmpf ogt, %select_n3A_868, %select_n3A_812 : vector<16xf32>
      %select_n3A_874 = arith.select %gt3A_873, %select_n3A_868, %select_n3A_812 : vector<16xi1>, vector<16xf32>
      %select_n3A_875 = arith.select %gt3A_873, %add3A_859, %select_n3A_813 : vector<16xi1>, vector<16xi32>
      %get3A_876 = arith.constant 192 : index
      %get3A_877 = tpu.vector_load %arg4[%get3A_876] {strides = array<i32>} : memref<7216xf32, #tpu.memory_space<vmem>>, vector<16xf32>,
      %get3A_878 = vector.shape_cast %get3A_877 : vector<16xf32> to vector<16xf32>
      %get3A_879 = arith.constant 848 : index
      %get3A_880 = tpu.vector_load %arg4[%get3A_879] {strides = array<i32>} : memref<7216xf32, #tpu.memory_space<vmem>>, vector<16xf32>,
      %get3A_881 = vector.shape_cast %get3A_880 : vector<16xf32> to vector<16xf32>
      %get3A_882 = arith.constant 1504 : index
      %get3A_883 = tpu.vector_load %arg4[%get3A_882] {strides = array<i32>} : memref<7216xf32, #tpu.memory_space<vmem>>, vector<16xf32>,
      %get3A_884 = vector.shape_cast %get3A_883 : vector<16xf32> to vector<16xf32>
      %get3A_885 = arith.constant 2160 : index
      %get3A_886 = tpu.vector_load %arg4[%get3A_885] {strides = array<i32>} : memref<7216xf32, #tpu.memory_space<vmem>>, vector<16xf32>,
      %get3A_887 = vector.shape_cast %get3A_886 : vector<16xf32> to vector<16xf32>
      %get3A_888 = arith.constant 2816 : index
      %get3A_889 = tpu.vector_load %arg4[%get3A_888] {strides = array<i32>} : memref<7216xf32, #tpu.memory_space<vmem>>, vector<16xf32>,
      %get3A_890 = vector.shape_cast %get3A_889 : vector<16xf32> to vector<16xf32>
      %get3A_891 = arith.constant 3472 : index
      %get3A_892 = tpu.vector_load %arg4[%get3A_891] {strides = array<i32>} : memref<7216xf32, #tpu.memory_space<vmem>>, vector<16xf32>,
      %get3A_893 = vector.shape_cast %get3A_892 : vector<16xf32> to vector<16xf32>
      %max3A_894 = vector.broadcast %scan3A_120 : f32 to vector<16xf32>
      %max3A_895 = arith.maximumf %max3A_894, %get3A_881 : vector<16xf32>
      %max3A_896 = vector.broadcast %scan3A_121 : f32 to vector<16xf32>
      %max3A_897 = arith.maximumf %max3A_896, %get3A_884 : vector<16xf32>
      %min3A_898 = vector.broadcast %scan3A_122 : f32 to vector<16xf32>
      %min3A_899 = arith.minimumf %min3A_898, %get3A_887 : vector<16xf32>
      %min3A_900 = vector.broadcast %scan3A_123 : f32 to vector<16xf32>
      %min3A_901 = arith.minimumf %min3A_900, %get3A_890 : vector<16xf32>
      %sub3A_902 = arith.subf %min3A_899, %max3A_895 : vector<16xf32>
      %max3A_903 = arith.constant 0.000000e+00 : f32
      %max3A_904 = vector.broadcast %max3A_903 : f32 to vector<16xf32>
      %max3A_905 = arith.maximumf %sub3A_902, %max3A_904 : vector<16xf32>
      %sub3A_906 = arith.subf %min3A_901, %max3A_897 : vector<16xf32>
      %max3A_907 = arith.constant 0.000000e+00 : f32
      %max3A_908 = vector.broadcast %max3A_907 : f32 to vector<16xf32>
      %max3A_909 = arith.maximumf %sub3A_906, %max3A_908 : vector<16xf32>
      %mul3A_910 = arith.mulf %max3A_905, %max3A_909 : vector<16xf32>
      %add3A_911 = vector.broadcast %scan3A_124 : f32 to vector<16xf32>
      %add3A_912 = arith.addf %add3A_911, %get3A_893 : vector<16xf32>
      %sub3A_913 = arith.subf %add3A_912, %mul3A_910 : vector<16xf32>
      %add3A_914 = arith.constant 9.99999971E-10 : f32
      %add3A_915 = vector.broadcast %add3A_914 : f32 to vector<16xf32>
      %add3A_916 = arith.addf %sub3A_913, %add3A_915 : vector<16xf32>
      %div3A_917 = arith.divf %mul3A_910, %add3A_916 : vector<16xf32>
      %add3A_918 = arith.constant 192 : i32
      %add3A_919 = arith.addi %mul3A_21, %add3A_918 : i32
      %add3A_920 = vector.broadcast %add3A_919 : i32 to vector<16xi32>
      %add3A_921 = arith.addi %add3A_920, %iota3A : vector<16xi32>
      %gt3A_922 = arith.constant 4.500000e-01 : f32
      %gt3A_923 = vector.broadcast %gt3A_922 : f32 to vector<16xf32>
      %gt3A_924 = arith.cmpf ogt, %div3A_917, %gt3A_923 : vector<16xf32>
      %eq3A_925 = vector.broadcast %scan3A_125 : i32 to vector<16xi32>
      %eq3A_926 = arith.cmpi eq, %add3A_921, %eq3A_925 : vector<16xi32>
      %or3A_927 = arith.ori %gt3A_924, %eq3A_926 : vector<16xi1>
      %jit3A_928 = arith.constant 0xFF800000 : f32
      %broadcast_in_dim3A_929 = vector.broadcast %jit3A_928 : f32 to vector<16xf32>
      %select_n3A_930 = arith.select %or3A_927, %broadcast_in_dim3A_929, %get3A_878 : vector<16xi1>, vector<16xf32>
      %swap3A_931 = arith.constant 192 : index
      %swap3A_932 = tpu.vector_load %arg4[%swap3A_931] {strides = array<i32>} : memref<7216xf32, #tpu.memory_space<vmem>>, vector<16xf32>,
      %swap3A_933 = vector.shape_cast %swap3A_932 : vector<16xf32> to vector<16xf32>
      %swap3A_934 = vector.shape_cast %select_n3A_930 : vector<16xf32> to vector<16xf32>
      tpu.vector_store %arg4[%swap3A_931], %swap3A_934 {strides = array<i32>} : memref<7216xf32, #tpu.memory_space<vmem>>, vector<16xf32>,
      %gt3A_935 = arith.cmpf ogt, %select_n3A_930, %select_n3A_874 : vector<16xf32>
      %select_n3A_936 = arith.select %gt3A_935, %select_n3A_930, %select_n3A_874 : vector<16xi1>, vector<16xf32>
      %select_n3A_937 = arith.select %gt3A_935, %add3A_921, %select_n3A_875 : vector<16xi1>, vector<16xi32>
      %get3A_938 = arith.constant 208 : index
      %get3A_939 = tpu.vector_load %arg4[%get3A_938] {strides = array<i32>} : memref<7216xf32, #tpu.memory_space<vmem>>, vector<16xf32>,
      %get3A_940 = vector.shape_cast %get3A_939 : vector<16xf32> to vector<16xf32>
      %get3A_941 = arith.constant 864 : index
      %get3A_942 = tpu.vector_load %arg4[%get3A_941] {strides = array<i32>} : memref<7216xf32, #tpu.memory_space<vmem>>, vector<16xf32>,
      %get3A_943 = vector.shape_cast %get3A_942 : vector<16xf32> to vector<16xf32>
      %get3A_944 = arith.constant 1520 : index
      %get3A_945 = tpu.vector_load %arg4[%get3A_944] {strides = array<i32>} : memref<7216xf32, #tpu.memory_space<vmem>>, vector<16xf32>,
      %get3A_946 = vector.shape_cast %get3A_945 : vector<16xf32> to vector<16xf32>
      %get3A_947 = arith.constant 2176 : index
      %get3A_948 = tpu.vector_load %arg4[%get3A_947] {strides = array<i32>} : memref<7216xf32, #tpu.memory_space<vmem>>, vector<16xf32>,
      %get3A_949 = vector.shape_cast %get3A_948 : vector<16xf32> to vector<16xf32>
      %get3A_950 = arith.constant 2832 : index
      %get3A_951 = tpu.vector_load %arg4[%get3A_950] {strides = array<i32>} : memref<7216xf32, #tpu.memory_space<vmem>>, vector<16xf32>,
      %get3A_952 = vector.shape_cast %get3A_951 : vector<16xf32> to vector<16xf32>
      %get3A_953 = arith.constant 3488 : index
      %get3A_954 = tpu.vector_load %arg4[%get3A_953] {strides = array<i32>} : memref<7216xf32, #tpu.memory_space<vmem>>, vector<16xf32>,
      %get3A_955 = vector.shape_cast %get3A_954 : vector<16xf32> to vector<16xf32>
      %max3A_956 = vector.broadcast %scan3A_120 : f32 to vector<16xf32>
      %max3A_957 = arith.maximumf %max3A_956, %get3A_943 : vector<16xf32>
      %max3A_958 = vector.broadcast %scan3A_121 : f32 to vector<16xf32>
      %max3A_959 = arith.maximumf %max3A_958, %get3A_946 : vector<16xf32>
      %min3A_960 = vector.broadcast %scan3A_122 : f32 to vector<16xf32>
      %min3A_961 = arith.minimumf %min3A_960, %get3A_949 : vector<16xf32>
      %min3A_962 = vector.broadcast %scan3A_123 : f32 to vector<16xf32>
      %min3A_963 = arith.minimumf %min3A_962, %get3A_952 : vector<16xf32>
      %sub3A_964 = arith.subf %min3A_961, %max3A_957 : vector<16xf32>
      %max3A_965 = arith.constant 0.000000e+00 : f32
      %max3A_966 = vector.broadcast %max3A_965 : f32 to vector<16xf32>
      %max3A_967 = arith.maximumf %sub3A_964, %max3A_966 : vector<16xf32>
      %sub3A_968 = arith.subf %min3A_963, %max3A_959 : vector<16xf32>
      %max3A_969 = arith.constant 0.000000e+00 : f32
      %max3A_970 = vector.broadcast %max3A_969 : f32 to vector<16xf32>
      %max3A_971 = arith.maximumf %sub3A_968, %max3A_970 : vector<16xf32>
      %mul3A_972 = arith.mulf %max3A_967, %max3A_971 : vector<16xf32>
      %add3A_973 = vector.broadcast %scan3A_124 : f32 to vector<16xf32>
      %add3A_974 = arith.addf %add3A_973, %get3A_955 : vector<16xf32>
      %sub3A_975 = arith.subf %add3A_974, %mul3A_972 : vector<16xf32>
      %add3A_976 = arith.constant 9.99999971E-10 : f32
      %add3A_977 = vector.broadcast %add3A_976 : f32 to vector<16xf32>
      %add3A_978 = arith.addf %sub3A_975, %add3A_977 : vector<16xf32>
      %div3A_979 = arith.divf %mul3A_972, %add3A_978 : vector<16xf32>
      %add3A_980 = arith.constant 208 : i32
      %add3A_981 = arith.addi %mul3A_21, %add3A_980 : i32
      %add3A_982 = vector.broadcast %add3A_981 : i32 to vector<16xi32>
      %add3A_983 = arith.addi %add3A_982, %iota3A : vector<16xi32>
      %gt3A_984 = arith.constant 4.500000e-01 : f32
      %gt3A_985 = vector.broadcast %gt3A_984 : f32 to vector<16xf32>
      %gt3A_986 = arith.cmpf ogt, %div3A_979, %gt3A_985 : vector<16xf32>
      %eq3A_987 = vector.broadcast %scan3A_125 : i32 to vector<16xi32>
      %eq3A_988 = arith.cmpi eq, %add3A_983, %eq3A_987 : vector<16xi32>
      %or3A_989 = arith.ori %gt3A_986, %eq3A_988 : vector<16xi1>
      %jit3A_990 = arith.constant 0xFF800000 : f32
      %broadcast_in_dim3A_991 = vector.broadcast %jit3A_990 : f32 to vector<16xf32>
      %select_n3A_992 = arith.select %or3A_989, %broadcast_in_dim3A_991, %get3A_940 : vector<16xi1>, vector<16xf32>
      %swap3A_993 = arith.constant 208 : index
      %swap3A_994 = tpu.vector_load %arg4[%swap3A_993] {strides = array<i32>} : memref<7216xf32, #tpu.memory_space<vmem>>, vector<16xf32>,
      %swap3A_995 = vector.shape_cast %swap3A_994 : vector<16xf32> to vector<16xf32>
      %swap3A_996 = vector.shape_cast %select_n3A_992 : vector<16xf32> to vector<16xf32>
      tpu.vector_store %arg4[%swap3A_993], %swap3A_996 {strides = array<i32>} : memref<7216xf32, #tpu.memory_space<vmem>>, vector<16xf32>,
      %gt3A_997 = arith.cmpf ogt, %select_n3A_992, %select_n3A_936 : vector<16xf32>
      %select_n3A_998 = arith.select %gt3A_997, %select_n3A_992, %select_n3A_936 : vector<16xi1>, vector<16xf32>
      %select_n3A_999 = arith.select %gt3A_997, %add3A_983, %select_n3A_937 : vector<16xi1>, vector<16xi32>
      %get3A_1000 = arith.constant 224 : index
      %get3A_1001 = tpu.vector_load %arg4[%get3A_1000] {strides = array<i32>} : memref<7216xf32, #tpu.memory_space<vmem>>, vector<16xf32>,
      %get3A_1002 = vector.shape_cast %get3A_1001 : vector<16xf32> to vector<16xf32>
      %get3A_1003 = arith.constant 880 : index
      %get3A_1004 = tpu.vector_load %arg4[%get3A_1003] {strides = array<i32>} : memref<7216xf32, #tpu.memory_space<vmem>>, vector<16xf32>,
      %get3A_1005 = vector.shape_cast %get3A_1004 : vector<16xf32> to vector<16xf32>
      %get3A_1006 = arith.constant 1536 : index
      %get3A_1007 = tpu.vector_load %arg4[%get3A_1006] {strides = array<i32>} : memref<7216xf32, #tpu.memory_space<vmem>>, vector<16xf32>,
      %get3A_1008 = vector.shape_cast %get3A_1007 : vector<16xf32> to vector<16xf32>
      %get3A_1009 = arith.constant 2192 : index
      %get3A_1010 = tpu.vector_load %arg4[%get3A_1009] {strides = array<i32>} : memref<7216xf32, #tpu.memory_space<vmem>>, vector<16xf32>,
      %get3A_1011 = vector.shape_cast %get3A_1010 : vector<16xf32> to vector<16xf32>
      %get3A_1012 = arith.constant 2848 : index
      %get3A_1013 = tpu.vector_load %arg4[%get3A_1012] {strides = array<i32>} : memref<7216xf32, #tpu.memory_space<vmem>>, vector<16xf32>,
      %get3A_1014 = vector.shape_cast %get3A_1013 : vector<16xf32> to vector<16xf32>
      %get3A_1015 = arith.constant 3504 : index
      %get3A_1016 = tpu.vector_load %arg4[%get3A_1015] {strides = array<i32>} : memref<7216xf32, #tpu.memory_space<vmem>>, vector<16xf32>,
      %get3A_1017 = vector.shape_cast %get3A_1016 : vector<16xf32> to vector<16xf32>
      %max3A_1018 = vector.broadcast %scan3A_120 : f32 to vector<16xf32>
      %max3A_1019 = arith.maximumf %max3A_1018, %get3A_1005 : vector<16xf32>
      %max3A_1020 = vector.broadcast %scan3A_121 : f32 to vector<16xf32>
      %max3A_1021 = arith.maximumf %max3A_1020, %get3A_1008 : vector<16xf32>
      %min3A_1022 = vector.broadcast %scan3A_122 : f32 to vector<16xf32>
      %min3A_1023 = arith.minimumf %min3A_1022, %get3A_1011 : vector<16xf32>
      %min3A_1024 = vector.broadcast %scan3A_123 : f32 to vector<16xf32>
      %min3A_1025 = arith.minimumf %min3A_1024, %get3A_1014 : vector<16xf32>
      %sub3A_1026 = arith.subf %min3A_1023, %max3A_1019 : vector<16xf32>
      %max3A_1027 = arith.constant 0.000000e+00 : f32
      %max3A_1028 = vector.broadcast %max3A_1027 : f32 to vector<16xf32>
      %max3A_1029 = arith.maximumf %sub3A_1026, %max3A_1028 : vector<16xf32>
      %sub3A_1030 = arith.subf %min3A_1025, %max3A_1021 : vector<16xf32>
      %max3A_1031 = arith.constant 0.000000e+00 : f32
      %max3A_1032 = vector.broadcast %max3A_1031 : f32 to vector<16xf32>
      %max3A_1033 = arith.maximumf %sub3A_1030, %max3A_1032 : vector<16xf32>
      %mul3A_1034 = arith.mulf %max3A_1029, %max3A_1033 : vector<16xf32>
      %add3A_1035 = vector.broadcast %scan3A_124 : f32 to vector<16xf32>
      %add3A_1036 = arith.addf %add3A_1035, %get3A_1017 : vector<16xf32>
      %sub3A_1037 = arith.subf %add3A_1036, %mul3A_1034 : vector<16xf32>
      %add3A_1038 = arith.constant 9.99999971E-10 : f32
      %add3A_1039 = vector.broadcast %add3A_1038 : f32 to vector<16xf32>
      %add3A_1040 = arith.addf %sub3A_1037, %add3A_1039 : vector<16xf32>
      %div3A_1041 = arith.divf %mul3A_1034, %add3A_1040 : vector<16xf32>
      %add3A_1042 = arith.constant 224 : i32
      %add3A_1043 = arith.addi %mul3A_21, %add3A_1042 : i32
      %add3A_1044 = vector.broadcast %add3A_1043 : i32 to vector<16xi32>
      %add3A_1045 = arith.addi %add3A_1044, %iota3A : vector<16xi32>
      %gt3A_1046 = arith.constant 4.500000e-01 : f32
      %gt3A_1047 = vector.broadcast %gt3A_1046 : f32 to vector<16xf32>
      %gt3A_1048 = arith.cmpf ogt, %div3A_1041, %gt3A_1047 : vector<16xf32>
      %eq3A_1049 = vector.broadcast %scan3A_125 : i32 to vector<16xi32>
      %eq3A_1050 = arith.cmpi eq, %add3A_1045, %eq3A_1049 : vector<16xi32>
      %or3A_1051 = arith.ori %gt3A_1048, %eq3A_1050 : vector<16xi1>
      %jit3A_1052 = arith.constant 0xFF800000 : f32
      %broadcast_in_dim3A_1053 = vector.broadcast %jit3A_1052 : f32 to vector<16xf32>
      %select_n3A_1054 = arith.select %or3A_1051, %broadcast_in_dim3A_1053, %get3A_1002 : vector<16xi1>, vector<16xf32>
      %swap3A_1055 = arith.constant 224 : index
      %swap3A_1056 = tpu.vector_load %arg4[%swap3A_1055] {strides = array<i32>} : memref<7216xf32, #tpu.memory_space<vmem>>, vector<16xf32>,
      %swap3A_1057 = vector.shape_cast %swap3A_1056 : vector<16xf32> to vector<16xf32>
      %swap3A_1058 = vector.shape_cast %select_n3A_1054 : vector<16xf32> to vector<16xf32>
      tpu.vector_store %arg4[%swap3A_1055], %swap3A_1058 {strides = array<i32>} : memref<7216xf32, #tpu.memory_space<vmem>>, vector<16xf32>,
      %gt3A_1059 = arith.cmpf ogt, %select_n3A_1054, %select_n3A_998 : vector<16xf32>
      %select_n3A_1060 = arith.select %gt3A_1059, %select_n3A_1054, %select_n3A_998 : vector<16xi1>, vector<16xf32>
      %select_n3A_1061 = arith.select %gt3A_1059, %add3A_1045, %select_n3A_999 : vector<16xi1>, vector<16xi32>
      %get3A_1062 = arith.constant 240 : index
      %get3A_1063 = tpu.vector_load %arg4[%get3A_1062] {strides = array<i32>} : memref<7216xf32, #tpu.memory_space<vmem>>, vector<16xf32>,
      %get3A_1064 = vector.shape_cast %get3A_1063 : vector<16xf32> to vector<16xf32>
      %get3A_1065 = arith.constant 896 : index
      %get3A_1066 = tpu.vector_load %arg4[%get3A_1065] {strides = array<i32>} : memref<7216xf32, #tpu.memory_space<vmem>>, vector<16xf32>,
      %get3A_1067 = vector.shape_cast %get3A_1066 : vector<16xf32> to vector<16xf32>
      %get3A_1068 = arith.constant 1552 : index
      %get3A_1069 = tpu.vector_load %arg4[%get3A_1068] {strides = array<i32>} : memref<7216xf32, #tpu.memory_space<vmem>>, vector<16xf32>,
      %get3A_1070 = vector.shape_cast %get3A_1069 : vector<16xf32> to vector<16xf32>
      %get3A_1071 = arith.constant 2208 : index
      %get3A_1072 = tpu.vector_load %arg4[%get3A_1071] {strides = array<i32>} : memref<7216xf32, #tpu.memory_space<vmem>>, vector<16xf32>,
      %get3A_1073 = vector.shape_cast %get3A_1072 : vector<16xf32> to vector<16xf32>
      %get3A_1074 = arith.constant 2864 : index
      %get3A_1075 = tpu.vector_load %arg4[%get3A_1074] {strides = array<i32>} : memref<7216xf32, #tpu.memory_space<vmem>>, vector<16xf32>,
      %get3A_1076 = vector.shape_cast %get3A_1075 : vector<16xf32> to vector<16xf32>
      %get3A_1077 = arith.constant 3520 : index
      %get3A_1078 = tpu.vector_load %arg4[%get3A_1077] {strides = array<i32>} : memref<7216xf32, #tpu.memory_space<vmem>>, vector<16xf32>,
      %get3A_1079 = vector.shape_cast %get3A_1078 : vector<16xf32> to vector<16xf32>
      %max3A_1080 = vector.broadcast %scan3A_120 : f32 to vector<16xf32>
      %max3A_1081 = arith.maximumf %max3A_1080, %get3A_1067 : vector<16xf32>
      %max3A_1082 = vector.broadcast %scan3A_121 : f32 to vector<16xf32>
      %max3A_1083 = arith.maximumf %max3A_1082, %get3A_1070 : vector<16xf32>
      %min3A_1084 = vector.broadcast %scan3A_122 : f32 to vector<16xf32>
      %min3A_1085 = arith.minimumf %min3A_1084, %get3A_1073 : vector<16xf32>
      %min3A_1086 = vector.broadcast %scan3A_123 : f32 to vector<16xf32>
      %min3A_1087 = arith.minimumf %min3A_1086, %get3A_1076 : vector<16xf32>
      %sub3A_1088 = arith.subf %min3A_1085, %max3A_1081 : vector<16xf32>
      %max3A_1089 = arith.constant 0.000000e+00 : f32
      %max3A_1090 = vector.broadcast %max3A_1089 : f32 to vector<16xf32>
      %max3A_1091 = arith.maximumf %sub3A_1088, %max3A_1090 : vector<16xf32>
      %sub3A_1092 = arith.subf %min3A_1087, %max3A_1083 : vector<16xf32>
      %max3A_1093 = arith.constant 0.000000e+00 : f32
      %max3A_1094 = vector.broadcast %max3A_1093 : f32 to vector<16xf32>
      %max3A_1095 = arith.maximumf %sub3A_1092, %max3A_1094 : vector<16xf32>
      %mul3A_1096 = arith.mulf %max3A_1091, %max3A_1095 : vector<16xf32>
      %add3A_1097 = vector.broadcast %scan3A_124 : f32 to vector<16xf32>
      %add3A_1098 = arith.addf %add3A_1097, %get3A_1079 : vector<16xf32>
      %sub3A_1099 = arith.subf %add3A_1098, %mul3A_1096 : vector<16xf32>
      %add3A_1100 = arith.constant 9.99999971E-10 : f32
      %add3A_1101 = vector.broadcast %add3A_1100 : f32 to vector<16xf32>
      %add3A_1102 = arith.addf %sub3A_1099, %add3A_1101 : vector<16xf32>
      %div3A_1103 = arith.divf %mul3A_1096, %add3A_1102 : vector<16xf32>
      %add3A_1104 = arith.constant 240 : i32
      %add3A_1105 = arith.addi %mul3A_21, %add3A_1104 : i32
      %add3A_1106 = vector.broadcast %add3A_1105 : i32 to vector<16xi32>
      %add3A_1107 = arith.addi %add3A_1106, %iota3A : vector<16xi32>
      %gt3A_1108 = arith.constant 4.500000e-01 : f32
      %gt3A_1109 = vector.broadcast %gt3A_1108 : f32 to vector<16xf32>
      %gt3A_1110 = arith.cmpf ogt, %div3A_1103, %gt3A_1109 : vector<16xf32>
      %eq3A_1111 = vector.broadcast %scan3A_125 : i32 to vector<16xi32>
      %eq3A_1112 = arith.cmpi eq, %add3A_1107, %eq3A_1111 : vector<16xi32>
      %or3A_1113 = arith.ori %gt3A_1110, %eq3A_1112 : vector<16xi1>
      %jit3A_1114 = arith.constant 0xFF800000 : f32
      %broadcast_in_dim3A_1115 = vector.broadcast %jit3A_1114 : f32 to vector<16xf32>
      %select_n3A_1116 = arith.select %or3A_1113, %broadcast_in_dim3A_1115, %get3A_1064 : vector<16xi1>, vector<16xf32>
      %swap3A_1117 = arith.constant 240 : index
      %swap3A_1118 = tpu.vector_load %arg4[%swap3A_1117] {strides = array<i32>} : memref<7216xf32, #tpu.memory_space<vmem>>, vector<16xf32>,
      %swap3A_1119 = vector.shape_cast %swap3A_1118 : vector<16xf32> to vector<16xf32>
      %swap3A_1120 = vector.shape_cast %select_n3A_1116 : vector<16xf32> to vector<16xf32>
      tpu.vector_store %arg4[%swap3A_1117], %swap3A_1120 {strides = array<i32>} : memref<7216xf32, #tpu.memory_space<vmem>>, vector<16xf32>,
      %gt3A_1121 = arith.cmpf ogt, %select_n3A_1116, %select_n3A_1060 : vector<16xf32>
      %select_n3A_1122 = arith.select %gt3A_1121, %select_n3A_1116, %select_n3A_1060 : vector<16xi1>, vector<16xf32>
      %select_n3A_1123 = arith.select %gt3A_1121, %add3A_1107, %select_n3A_1061 : vector<16xi1>, vector<16xi32>
      %get3A_1124 = arith.constant 256 : index
      %get3A_1125 = tpu.vector_load %arg4[%get3A_1124] {strides = array<i32>} : memref<7216xf32, #tpu.memory_space<vmem>>, vector<16xf32>,
      %get3A_1126 = vector.shape_cast %get3A_1125 : vector<16xf32> to vector<16xf32>
      %get3A_1127 = arith.constant 912 : index
      %get3A_1128 = tpu.vector_load %arg4[%get3A_1127] {strides = array<i32>} : memref<7216xf32, #tpu.memory_space<vmem>>, vector<16xf32>,
      %get3A_1129 = vector.shape_cast %get3A_1128 : vector<16xf32> to vector<16xf32>
      %get3A_1130 = arith.constant 1568 : index
      %get3A_1131 = tpu.vector_load %arg4[%get3A_1130] {strides = array<i32>} : memref<7216xf32, #tpu.memory_space<vmem>>, vector<16xf32>,
      %get3A_1132 = vector.shape_cast %get3A_1131 : vector<16xf32> to vector<16xf32>
      %get3A_1133 = arith.constant 2224 : index
      %get3A_1134 = tpu.vector_load %arg4[%get3A_1133] {strides = array<i32>} : memref<7216xf32, #tpu.memory_space<vmem>>, vector<16xf32>,
      %get3A_1135 = vector.shape_cast %get3A_1134 : vector<16xf32> to vector<16xf32>
      %get3A_1136 = arith.constant 2880 : index
      %get3A_1137 = tpu.vector_load %arg4[%get3A_1136] {strides = array<i32>} : memref<7216xf32, #tpu.memory_space<vmem>>, vector<16xf32>,
      %get3A_1138 = vector.shape_cast %get3A_1137 : vector<16xf32> to vector<16xf32>
      %get3A_1139 = arith.constant 3536 : index
      %get3A_1140 = tpu.vector_load %arg4[%get3A_1139] {strides = array<i32>} : memref<7216xf32, #tpu.memory_space<vmem>>, vector<16xf32>,
      %get3A_1141 = vector.shape_cast %get3A_1140 : vector<16xf32> to vector<16xf32>
      %max3A_1142 = vector.broadcast %scan3A_120 : f32 to vector<16xf32>
      %max3A_1143 = arith.maximumf %max3A_1142, %get3A_1129 : vector<16xf32>
      %max3A_1144 = vector.broadcast %scan3A_121 : f32 to vector<16xf32>
      %max3A_1145 = arith.maximumf %max3A_1144, %get3A_1132 : vector<16xf32>
      %min3A_1146 = vector.broadcast %scan3A_122 : f32 to vector<16xf32>
      %min3A_1147 = arith.minimumf %min3A_1146, %get3A_1135 : vector<16xf32>
      %min3A_1148 = vector.broadcast %scan3A_123 : f32 to vector<16xf32>
      %min3A_1149 = arith.minimumf %min3A_1148, %get3A_1138 : vector<16xf32>
      %sub3A_1150 = arith.subf %min3A_1147, %max3A_1143 : vector<16xf32>
      %max3A_1151 = arith.constant 0.000000e+00 : f32
      %max3A_1152 = vector.broadcast %max3A_1151 : f32 to vector<16xf32>
      %max3A_1153 = arith.maximumf %sub3A_1150, %max3A_1152 : vector<16xf32>
      %sub3A_1154 = arith.subf %min3A_1149, %max3A_1145 : vector<16xf32>
      %max3A_1155 = arith.constant 0.000000e+00 : f32
      %max3A_1156 = vector.broadcast %max3A_1155 : f32 to vector<16xf32>
      %max3A_1157 = arith.maximumf %sub3A_1154, %max3A_1156 : vector<16xf32>
      %mul3A_1158 = arith.mulf %max3A_1153, %max3A_1157 : vector<16xf32>
      %add3A_1159 = vector.broadcast %scan3A_124 : f32 to vector<16xf32>
      %add3A_1160 = arith.addf %add3A_1159, %get3A_1141 : vector<16xf32>
      %sub3A_1161 = arith.subf %add3A_1160, %mul3A_1158 : vector<16xf32>
      %add3A_1162 = arith.constant 9.99999971E-10 : f32
      %add3A_1163 = vector.broadcast %add3A_1162 : f32 to vector<16xf32>
      %add3A_1164 = arith.addf %sub3A_1161, %add3A_1163 : vector<16xf32>
      %div3A_1165 = arith.divf %mul3A_1158, %add3A_1164 : vector<16xf32>
      %add3A_1166 = arith.constant 256 : i32
      %add3A_1167 = arith.addi %mul3A_21, %add3A_1166 : i32
      %add3A_1168 = vector.broadcast %add3A_1167 : i32 to vector<16xi32>
      %add3A_1169 = arith.addi %add3A_1168, %iota3A : vector<16xi32>
      %gt3A_1170 = arith.constant 4.500000e-01 : f32
      %gt3A_1171 = vector.broadcast %gt3A_1170 : f32 to vector<16xf32>
      %gt3A_1172 = arith.cmpf ogt, %div3A_1165, %gt3A_1171 : vector<16xf32>
      %eq3A_1173 = vector.broadcast %scan3A_125 : i32 to vector<16xi32>
      %eq3A_1174 = arith.cmpi eq, %add3A_1169, %eq3A_1173 : vector<16xi32>
      %or3A_1175 = arith.ori %gt3A_1172, %eq3A_1174 : vector<16xi1>
      %jit3A_1176 = arith.constant 0xFF800000 : f32
      %broadcast_in_dim3A_1177 = vector.broadcast %jit3A_1176 : f32 to vector<16xf32>
      %select_n3A_1178 = arith.select %or3A_1175, %broadcast_in_dim3A_1177, %get3A_1126 : vector<16xi1>, vector<16xf32>
      %swap3A_1179 = arith.constant 256 : index
      %swap3A_1180 = tpu.vector_load %arg4[%swap3A_1179] {strides = array<i32>} : memref<7216xf32, #tpu.memory_space<vmem>>, vector<16xf32>,
      %swap3A_1181 = vector.shape_cast %swap3A_1180 : vector<16xf32> to vector<16xf32>
      %swap3A_1182 = vector.shape_cast %select_n3A_1178 : vector<16xf32> to vector<16xf32>
      tpu.vector_store %arg4[%swap3A_1179], %swap3A_1182 {strides = array<i32>} : memref<7216xf32, #tpu.memory_space<vmem>>, vector<16xf32>,
      %gt3A_1183 = arith.cmpf ogt, %select_n3A_1178, %select_n3A_1122 : vector<16xf32>
      %select_n3A_1184 = arith.select %gt3A_1183, %select_n3A_1178, %select_n3A_1122 : vector<16xi1>, vector<16xf32>
      %select_n3A_1185 = arith.select %gt3A_1183, %add3A_1169, %select_n3A_1123 : vector<16xi1>, vector<16xi32>
      %get3A_1186 = arith.constant 272 : index
      %get3A_1187 = tpu.vector_load %arg4[%get3A_1186] {strides = array<i32>} : memref<7216xf32, #tpu.memory_space<vmem>>, vector<16xf32>,
      %get3A_1188 = vector.shape_cast %get3A_1187 : vector<16xf32> to vector<16xf32>
      %get3A_1189 = arith.constant 928 : index
      %get3A_1190 = tpu.vector_load %arg4[%get3A_1189] {strides = array<i32>} : memref<7216xf32, #tpu.memory_space<vmem>>, vector<16xf32>,
      %get3A_1191 = vector.shape_cast %get3A_1190 : vector<16xf32> to vector<16xf32>
      %get3A_1192 = arith.constant 1584 : index
      %get3A_1193 = tpu.vector_load %arg4[%get3A_1192] {strides = array<i32>} : memref<7216xf32, #tpu.memory_space<vmem>>, vector<16xf32>,
      %get3A_1194 = vector.shape_cast %get3A_1193 : vector<16xf32> to vector<16xf32>
      %get3A_1195 = arith.constant 2240 : index
      %get3A_1196 = tpu.vector_load %arg4[%get3A_1195] {strides = array<i32>} : memref<7216xf32, #tpu.memory_space<vmem>>, vector<16xf32>,
      %get3A_1197 = vector.shape_cast %get3A_1196 : vector<16xf32> to vector<16xf32>
      %get3A_1198 = arith.constant 2896 : index
      %get3A_1199 = tpu.vector_load %arg4[%get3A_1198] {strides = array<i32>} : memref<7216xf32, #tpu.memory_space<vmem>>, vector<16xf32>,
      %get3A_1200 = vector.shape_cast %get3A_1199 : vector<16xf32> to vector<16xf32>
      %get3A_1201 = arith.constant 3552 : index
      %get3A_1202 = tpu.vector_load %arg4[%get3A_1201] {strides = array<i32>} : memref<7216xf32, #tpu.memory_space<vmem>>, vector<16xf32>,
      %get3A_1203 = vector.shape_cast %get3A_1202 : vector<16xf32> to vector<16xf32>
      %max3A_1204 = vector.broadcast %scan3A_120 : f32 to vector<16xf32>
      %max3A_1205 = arith.maximumf %max3A_1204, %get3A_1191 : vector<16xf32>
      %max3A_1206 = vector.broadcast %scan3A_121 : f32 to vector<16xf32>
      %max3A_1207 = arith.maximumf %max3A_1206, %get3A_1194 : vector<16xf32>
      %min3A_1208 = vector.broadcast %scan3A_122 : f32 to vector<16xf32>
      %min3A_1209 = arith.minimumf %min3A_1208, %get3A_1197 : vector<16xf32>
      %min3A_1210 = vector.broadcast %scan3A_123 : f32 to vector<16xf32>
      %min3A_1211 = arith.minimumf %min3A_1210, %get3A_1200 : vector<16xf32>
      %sub3A_1212 = arith.subf %min3A_1209, %max3A_1205 : vector<16xf32>
      %max3A_1213 = arith.constant 0.000000e+00 : f32
      %max3A_1214 = vector.broadcast %max3A_1213 : f32 to vector<16xf32>
      %max3A_1215 = arith.maximumf %sub3A_1212, %max3A_1214 : vector<16xf32>
      %sub3A_1216 = arith.subf %min3A_1211, %max3A_1207 : vector<16xf32>
      %max3A_1217 = arith.constant 0.000000e+00 : f32
      %max3A_1218 = vector.broadcast %max3A_1217 : f32 to vector<16xf32>
      %max3A_1219 = arith.maximumf %sub3A_1216, %max3A_1218 : vector<16xf32>
      %mul3A_1220 = arith.mulf %max3A_1215, %max3A_1219 : vector<16xf32>
      %add3A_1221 = vector.broadcast %scan3A_124 : f32 to vector<16xf32>
      %add3A_1222 = arith.addf %add3A_1221, %get3A_1203 : vector<16xf32>
      %sub3A_1223 = arith.subf %add3A_1222, %mul3A_1220 : vector<16xf32>
      %add3A_1224 = arith.constant 9.99999971E-10 : f32
      %add3A_1225 = vector.broadcast %add3A_1224 : f32 to vector<16xf32>
      %add3A_1226 = arith.addf %sub3A_1223, %add3A_1225 : vector<16xf32>
      %div3A_1227 = arith.divf %mul3A_1220, %add3A_1226 : vector<16xf32>
      %add3A_1228 = arith.constant 272 : i32
      %add3A_1229 = arith.addi %mul3A_21, %add3A_1228 : i32
      %add3A_1230 = vector.broadcast %add3A_1229 : i32 to vector<16xi32>
      %add3A_1231 = arith.addi %add3A_1230, %iota3A : vector<16xi32>
      %gt3A_1232 = arith.constant 4.500000e-01 : f32
      %gt3A_1233 = vector.broadcast %gt3A_1232 : f32 to vector<16xf32>
      %gt3A_1234 = arith.cmpf ogt, %div3A_1227, %gt3A_1233 : vector<16xf32>
      %eq3A_1235 = vector.broadcast %scan3A_125 : i32 to vector<16xi32>
      %eq3A_1236 = arith.cmpi eq, %add3A_1231, %eq3A_1235 : vector<16xi32>
      %or3A_1237 = arith.ori %gt3A_1234, %eq3A_1236 : vector<16xi1>
      %jit3A_1238 = arith.constant 0xFF800000 : f32
      %broadcast_in_dim3A_1239 = vector.broadcast %jit3A_1238 : f32 to vector<16xf32>
      %select_n3A_1240 = arith.select %or3A_1237, %broadcast_in_dim3A_1239, %get3A_1188 : vector<16xi1>, vector<16xf32>
      %swap3A_1241 = arith.constant 272 : index
      %swap3A_1242 = tpu.vector_load %arg4[%swap3A_1241] {strides = array<i32>} : memref<7216xf32, #tpu.memory_space<vmem>>, vector<16xf32>,
      %swap3A_1243 = vector.shape_cast %swap3A_1242 : vector<16xf32> to vector<16xf32>
      %swap3A_1244 = vector.shape_cast %select_n3A_1240 : vector<16xf32> to vector<16xf32>
      tpu.vector_store %arg4[%swap3A_1241], %swap3A_1244 {strides = array<i32>} : memref<7216xf32, #tpu.memory_space<vmem>>, vector<16xf32>,
      %gt3A_1245 = arith.cmpf ogt, %select_n3A_1240, %select_n3A_1184 : vector<16xf32>
      %select_n3A_1246 = arith.select %gt3A_1245, %select_n3A_1240, %select_n3A_1184 : vector<16xi1>, vector<16xf32>
      %select_n3A_1247 = arith.select %gt3A_1245, %add3A_1231, %select_n3A_1185 : vector<16xi1>, vector<16xi32>
      %get3A_1248 = arith.constant 288 : index
      %get3A_1249 = tpu.vector_load %arg4[%get3A_1248] {strides = array<i32>} : memref<7216xf32, #tpu.memory_space<vmem>>, vector<16xf32>,
      %get3A_1250 = vector.shape_cast %get3A_1249 : vector<16xf32> to vector<16xf32>
      %get3A_1251 = arith.constant 944 : index
      %get3A_1252 = tpu.vector_load %arg4[%get3A_1251] {strides = array<i32>} : memref<7216xf32, #tpu.memory_space<vmem>>, vector<16xf32>,
      %get3A_1253 = vector.shape_cast %get3A_1252 : vector<16xf32> to vector<16xf32>
      %get3A_1254 = arith.constant 1600 : index
      %get3A_1255 = tpu.vector_load %arg4[%get3A_1254] {strides = array<i32>} : memref<7216xf32, #tpu.memory_space<vmem>>, vector<16xf32>,
      %get3A_1256 = vector.shape_cast %get3A_1255 : vector<16xf32> to vector<16xf32>
      %get3A_1257 = arith.constant 2256 : index
      %get3A_1258 = tpu.vector_load %arg4[%get3A_1257] {strides = array<i32>} : memref<7216xf32, #tpu.memory_space<vmem>>, vector<16xf32>,
      %get3A_1259 = vector.shape_cast %get3A_1258 : vector<16xf32> to vector<16xf32>
      %get3A_1260 = arith.constant 2912 : index
      %get3A_1261 = tpu.vector_load %arg4[%get3A_1260] {strides = array<i32>} : memref<7216xf32, #tpu.memory_space<vmem>>, vector<16xf32>,
      %get3A_1262 = vector.shape_cast %get3A_1261 : vector<16xf32> to vector<16xf32>
      %get3A_1263 = arith.constant 3568 : index
      %get3A_1264 = tpu.vector_load %arg4[%get3A_1263] {strides = array<i32>} : memref<7216xf32, #tpu.memory_space<vmem>>, vector<16xf32>,
      %get3A_1265 = vector.shape_cast %get3A_1264 : vector<16xf32> to vector<16xf32>
      %max3A_1266 = vector.broadcast %scan3A_120 : f32 to vector<16xf32>
      %max3A_1267 = arith.maximumf %max3A_1266, %get3A_1253 : vector<16xf32>
      %max3A_1268 = vector.broadcast %scan3A_121 : f32 to vector<16xf32>
      %max3A_1269 = arith.maximumf %max3A_1268, %get3A_1256 : vector<16xf32>
      %min3A_1270 = vector.broadcast %scan3A_122 : f32 to vector<16xf32>
      %min3A_1271 = arith.minimumf %min3A_1270, %get3A_1259 : vector<16xf32>
      %min3A_1272 = vector.broadcast %scan3A_123 : f32 to vector<16xf32>
      %min3A_1273 = arith.minimumf %min3A_1272, %get3A_1262 : vector<16xf32>
      %sub3A_1274 = arith.subf %min3A_1271, %max3A_1267 : vector<16xf32>
      %max3A_1275 = arith.constant 0.000000e+00 : f32
      %max3A_1276 = vector.broadcast %max3A_1275 : f32 to vector<16xf32>
      %max3A_1277 = arith.maximumf %sub3A_1274, %max3A_1276 : vector<16xf32>
      %sub3A_1278 = arith.subf %min3A_1273, %max3A_1269 : vector<16xf32>
      %max3A_1279 = arith.constant 0.000000e+00 : f32
      %max3A_1280 = vector.broadcast %max3A_1279 : f32 to vector<16xf32>
      %max3A_1281 = arith.maximumf %sub3A_1278, %max3A_1280 : vector<16xf32>
      %mul3A_1282 = arith.mulf %max3A_1277, %max3A_1281 : vector<16xf32>
      %add3A_1283 = vector.broadcast %scan3A_124 : f32 to vector<16xf32>
      %add3A_1284 = arith.addf %add3A_1283, %get3A_1265 : vector<16xf32>
      %sub3A_1285 = arith.subf %add3A_1284, %mul3A_1282 : vector<16xf32>
      %add3A_1286 = arith.constant 9.99999971E-10 : f32
      %add3A_1287 = vector.broadcast %add3A_1286 : f32 to vector<16xf32>
      %add3A_1288 = arith.addf %sub3A_1285, %add3A_1287 : vector<16xf32>
      %div3A_1289 = arith.divf %mul3A_1282, %add3A_1288 : vector<16xf32>
      %add3A_1290 = arith.constant 288 : i32
      %add3A_1291 = arith.addi %mul3A_21, %add3A_1290 : i32
      %add3A_1292 = vector.broadcast %add3A_1291 : i32 to vector<16xi32>
      %add3A_1293 = arith.addi %add3A_1292, %iota3A : vector<16xi32>
      %gt3A_1294 = arith.constant 4.500000e-01 : f32
      %gt3A_1295 = vector.broadcast %gt3A_1294 : f32 to vector<16xf32>
      %gt3A_1296 = arith.cmpf ogt, %div3A_1289, %gt3A_1295 : vector<16xf32>
      %eq3A_1297 = vector.broadcast %scan3A_125 : i32 to vector<16xi32>
      %eq3A_1298 = arith.cmpi eq, %add3A_1293, %eq3A_1297 : vector<16xi32>
      %or3A_1299 = arith.ori %gt3A_1296, %eq3A_1298 : vector<16xi1>
      %jit3A_1300 = arith.constant 0xFF800000 : f32
      %broadcast_in_dim3A_1301 = vector.broadcast %jit3A_1300 : f32 to vector<16xf32>
      %select_n3A_1302 = arith.select %or3A_1299, %broadcast_in_dim3A_1301, %get3A_1250 : vector<16xi1>, vector<16xf32>
      %swap3A_1303 = arith.constant 288 : index
      %swap3A_1304 = tpu.vector_load %arg4[%swap3A_1303] {strides = array<i32>} : memref<7216xf32, #tpu.memory_space<vmem>>, vector<16xf32>,
      %swap3A_1305 = vector.shape_cast %swap3A_1304 : vector<16xf32> to vector<16xf32>
      %swap3A_1306 = vector.shape_cast %select_n3A_1302 : vector<16xf32> to vector<16xf32>
      tpu.vector_store %arg4[%swap3A_1303], %swap3A_1306 {strides = array<i32>} : memref<7216xf32, #tpu.memory_space<vmem>>, vector<16xf32>,
      %gt3A_1307 = arith.cmpf ogt, %select_n3A_1302, %select_n3A_1246 : vector<16xf32>
      %select_n3A_1308 = arith.select %gt3A_1307, %select_n3A_1302, %select_n3A_1246 : vector<16xi1>, vector<16xf32>
      %select_n3A_1309 = arith.select %gt3A_1307, %add3A_1293, %select_n3A_1247 : vector<16xi1>, vector<16xi32>
      %get3A_1310 = arith.constant 304 : index
      %get3A_1311 = tpu.vector_load %arg4[%get3A_1310] {strides = array<i32>} : memref<7216xf32, #tpu.memory_space<vmem>>, vector<16xf32>,
      %get3A_1312 = vector.shape_cast %get3A_1311 : vector<16xf32> to vector<16xf32>
      %get3A_1313 = arith.constant 960 : index
      %get3A_1314 = tpu.vector_load %arg4[%get3A_1313] {strides = array<i32>} : memref<7216xf32, #tpu.memory_space<vmem>>, vector<16xf32>,
      %get3A_1315 = vector.shape_cast %get3A_1314 : vector<16xf32> to vector<16xf32>
      %get3A_1316 = arith.constant 1616 : index
      %get3A_1317 = tpu.vector_load %arg4[%get3A_1316] {strides = array<i32>} : memref<7216xf32, #tpu.memory_space<vmem>>, vector<16xf32>,
      %get3A_1318 = vector.shape_cast %get3A_1317 : vector<16xf32> to vector<16xf32>
      %get3A_1319 = arith.constant 2272 : index
      %get3A_1320 = tpu.vector_load %arg4[%get3A_1319] {strides = array<i32>} : memref<7216xf32, #tpu.memory_space<vmem>>, vector<16xf32>,
      %get3A_1321 = vector.shape_cast %get3A_1320 : vector<16xf32> to vector<16xf32>
      %get3A_1322 = arith.constant 2928 : index
      %get3A_1323 = tpu.vector_load %arg4[%get3A_1322] {strides = array<i32>} : memref<7216xf32, #tpu.memory_space<vmem>>, vector<16xf32>,
      %get3A_1324 = vector.shape_cast %get3A_1323 : vector<16xf32> to vector<16xf32>
      %get3A_1325 = arith.constant 3584 : index
      %get3A_1326 = tpu.vector_load %arg4[%get3A_1325] {strides = array<i32>} : memref<7216xf32, #tpu.memory_space<vmem>>, vector<16xf32>,
      %get3A_1327 = vector.shape_cast %get3A_1326 : vector<16xf32> to vector<16xf32>
      %max3A_1328 = vector.broadcast %scan3A_120 : f32 to vector<16xf32>
      %max3A_1329 = arith.maximumf %max3A_1328, %get3A_1315 : vector<16xf32>
      %max3A_1330 = vector.broadcast %scan3A_121 : f32 to vector<16xf32>
      %max3A_1331 = arith.maximumf %max3A_1330, %get3A_1318 : vector<16xf32>
      %min3A_1332 = vector.broadcast %scan3A_122 : f32 to vector<16xf32>
      %min3A_1333 = arith.minimumf %min3A_1332, %get3A_1321 : vector<16xf32>
      %min3A_1334 = vector.broadcast %scan3A_123 : f32 to vector<16xf32>
      %min3A_1335 = arith.minimumf %min3A_1334, %get3A_1324 : vector<16xf32>
      %sub3A_1336 = arith.subf %min3A_1333, %max3A_1329 : vector<16xf32>
      %max3A_1337 = arith.constant 0.000000e+00 : f32
      %max3A_1338 = vector.broadcast %max3A_1337 : f32 to vector<16xf32>
      %max3A_1339 = arith.maximumf %sub3A_1336, %max3A_1338 : vector<16xf32>
      %sub3A_1340 = arith.subf %min3A_1335, %max3A_1331 : vector<16xf32>
      %max3A_1341 = arith.constant 0.000000e+00 : f32
      %max3A_1342 = vector.broadcast %max3A_1341 : f32 to vector<16xf32>
      %max3A_1343 = arith.maximumf %sub3A_1340, %max3A_1342 : vector<16xf32>
      %mul3A_1344 = arith.mulf %max3A_1339, %max3A_1343 : vector<16xf32>
      %add3A_1345 = vector.broadcast %scan3A_124 : f32 to vector<16xf32>
      %add3A_1346 = arith.addf %add3A_1345, %get3A_1327 : vector<16xf32>
      %sub3A_1347 = arith.subf %add3A_1346, %mul3A_1344 : vector<16xf32>
      %add3A_1348 = arith.constant 9.99999971E-10 : f32
      %add3A_1349 = vector.broadcast %add3A_1348 : f32 to vector<16xf32>
      %add3A_1350 = arith.addf %sub3A_1347, %add3A_1349 : vector<16xf32>
      %div3A_1351 = arith.divf %mul3A_1344, %add3A_1350 : vector<16xf32>
      %add3A_1352 = arith.constant 304 : i32
      %add3A_1353 = arith.addi %mul3A_21, %add3A_1352 : i32
      %add3A_1354 = vector.broadcast %add3A_1353 : i32 to vector<16xi32>
      %add3A_1355 = arith.addi %add3A_1354, %iota3A : vector<16xi32>
      %gt3A_1356 = arith.constant 4.500000e-01 : f32
      %gt3A_1357 = vector.broadcast %gt3A_1356 : f32 to vector<16xf32>
      %gt3A_1358 = arith.cmpf ogt, %div3A_1351, %gt3A_1357 : vector<16xf32>
      %eq3A_1359 = vector.broadcast %scan3A_125 : i32 to vector<16xi32>
      %eq3A_1360 = arith.cmpi eq, %add3A_1355, %eq3A_1359 : vector<16xi32>
      %or3A_1361 = arith.ori %gt3A_1358, %eq3A_1360 : vector<16xi1>
      %jit3A_1362 = arith.constant 0xFF800000 : f32
      %broadcast_in_dim3A_1363 = vector.broadcast %jit3A_1362 : f32 to vector<16xf32>
      %select_n3A_1364 = arith.select %or3A_1361, %broadcast_in_dim3A_1363, %get3A_1312 : vector<16xi1>, vector<16xf32>
      %swap3A_1365 = arith.constant 304 : index
      %swap3A_1366 = tpu.vector_load %arg4[%swap3A_1365] {strides = array<i32>} : memref<7216xf32, #tpu.memory_space<vmem>>, vector<16xf32>,
      %swap3A_1367 = vector.shape_cast %swap3A_1366 : vector<16xf32> to vector<16xf32>
      %swap3A_1368 = vector.shape_cast %select_n3A_1364 : vector<16xf32> to vector<16xf32>
      tpu.vector_store %arg4[%swap3A_1365], %swap3A_1368 {strides = array<i32>} : memref<7216xf32, #tpu.memory_space<vmem>>, vector<16xf32>,
      %gt3A_1369 = arith.cmpf ogt, %select_n3A_1364, %select_n3A_1308 : vector<16xf32>
      %select_n3A_1370 = arith.select %gt3A_1369, %select_n3A_1364, %select_n3A_1308 : vector<16xi1>, vector<16xf32>
      %select_n3A_1371 = arith.select %gt3A_1369, %add3A_1355, %select_n3A_1309 : vector<16xi1>, vector<16xi32>
      %broadcast_in_dim3A_1372 = arith.constant 0xFF800000 : f32
      %broadcast_in_dim3A_1373 = vector.broadcast %broadcast_in_dim3A_1372 : f32 to vector<16xf32>
      %add3A_1374 = arith.constant 320 : i32
      %add3A_1375 = arith.addi %mul3A_21, %add3A_1374 : i32
      %add3A_1376 = vector.broadcast %add3A_1375 : i32 to vector<16xi32>
      %add3A_1377 = arith.addi %add3A_1376, %iota3A : vector<16xi32>
      %get3A_1378 = arith.constant 320 : index
      %get3A_1379 = tpu.vector_load %arg4[%get3A_1378] {strides = array<i32>} : memref<7216xf32, #tpu.memory_space<vmem>>, vector<16xf32>,
      %get3A_1380 = vector.shape_cast %get3A_1379 : vector<16xf32> to vector<16xf32>
      %get3A_1381 = arith.constant 976 : index
      %get3A_1382 = tpu.vector_load %arg4[%get3A_1381] {strides = array<i32>} : memref<7216xf32, #tpu.memory_space<vmem>>, vector<16xf32>,
      %get3A_1383 = vector.shape_cast %get3A_1382 : vector<16xf32> to vector<16xf32>
      %get3A_1384 = arith.constant 1632 : index
      %get3A_1385 = tpu.vector_load %arg4[%get3A_1384] {strides = array<i32>} : memref<7216xf32, #tpu.memory_space<vmem>>, vector<16xf32>,
      %get3A_1386 = vector.shape_cast %get3A_1385 : vector<16xf32> to vector<16xf32>
      %get3A_1387 = arith.constant 2288 : index
      %get3A_1388 = tpu.vector_load %arg4[%get3A_1387] {strides = array<i32>} : memref<7216xf32, #tpu.memory_space<vmem>>, vector<16xf32>,
      %get3A_1389 = vector.shape_cast %get3A_1388 : vector<16xf32> to vector<16xf32>
      %get3A_1390 = arith.constant 2944 : index
      %get3A_1391 = tpu.vector_load %arg4[%get3A_1390] {strides = array<i32>} : memref<7216xf32, #tpu.memory_space<vmem>>, vector<16xf32>,
      %get3A_1392 = vector.shape_cast %get3A_1391 : vector<16xf32> to vector<16xf32>
      %get3A_1393 = arith.constant 3600 : index
      %get3A_1394 = tpu.vector_load %arg4[%get3A_1393] {strides = array<i32>} : memref<7216xf32, #tpu.memory_space<vmem>>, vector<16xf32>,
      %get3A_1395 = vector.shape_cast %get3A_1394 : vector<16xf32> to vector<16xf32>
      %max3A_1396 = vector.broadcast %scan3A_120 : f32 to vector<16xf32>
      %max3A_1397 = arith.maximumf %max3A_1396, %get3A_1383 : vector<16xf32>
      %max3A_1398 = vector.broadcast %scan3A_121 : f32 to vector<16xf32>
      %max3A_1399 = arith.maximumf %max3A_1398, %get3A_1386 : vector<16xf32>
      %min3A_1400 = vector.broadcast %scan3A_122 : f32 to vector<16xf32>
      %min3A_1401 = arith.minimumf %min3A_1400, %get3A_1389 : vector<16xf32>
      %min3A_1402 = vector.broadcast %scan3A_123 : f32 to vector<16xf32>
      %min3A_1403 = arith.minimumf %min3A_1402, %get3A_1392 : vector<16xf32>
      %sub3A_1404 = arith.subf %min3A_1401, %max3A_1397 : vector<16xf32>
      %max3A_1405 = arith.constant 0.000000e+00 : f32
      %max3A_1406 = vector.broadcast %max3A_1405 : f32 to vector<16xf32>
      %max3A_1407 = arith.maximumf %sub3A_1404, %max3A_1406 : vector<16xf32>
      %sub3A_1408 = arith.subf %min3A_1403, %max3A_1399 : vector<16xf32>
      %max3A_1409 = arith.constant 0.000000e+00 : f32
      %max3A_1410 = vector.broadcast %max3A_1409 : f32 to vector<16xf32>
      %max3A_1411 = arith.maximumf %sub3A_1408, %max3A_1410 : vector<16xf32>
      %mul3A_1412 = arith.mulf %max3A_1407, %max3A_1411 : vector<16xf32>
      %add3A_1413 = vector.broadcast %scan3A_124 : f32 to vector<16xf32>
      %add3A_1414 = arith.addf %add3A_1413, %get3A_1395 : vector<16xf32>
      %sub3A_1415 = arith.subf %add3A_1414, %mul3A_1412 : vector<16xf32>
      %add3A_1416 = arith.constant 9.99999971E-10 : f32
      %add3A_1417 = vector.broadcast %add3A_1416 : f32 to vector<16xf32>
      %add3A_1418 = arith.addf %sub3A_1415, %add3A_1417 : vector<16xf32>
      %div3A_1419 = arith.divf %mul3A_1412, %add3A_1418 : vector<16xf32>
      %add3A_1420 = arith.constant 320 : i32
      %add3A_1421 = arith.addi %mul3A_21, %add3A_1420 : i32
      %add3A_1422 = vector.broadcast %add3A_1421 : i32 to vector<16xi32>
      %add3A_1423 = arith.addi %add3A_1422, %iota3A : vector<16xi32>
      %gt3A_1424 = arith.constant 4.500000e-01 : f32
      %gt3A_1425 = vector.broadcast %gt3A_1424 : f32 to vector<16xf32>
      %gt3A_1426 = arith.cmpf ogt, %div3A_1419, %gt3A_1425 : vector<16xf32>
      %eq3A_1427 = vector.broadcast %scan3A_125 : i32 to vector<16xi32>
      %eq3A_1428 = arith.cmpi eq, %add3A_1423, %eq3A_1427 : vector<16xi32>
      %or3A_1429 = arith.ori %gt3A_1426, %eq3A_1428 : vector<16xi1>
      %jit3A_1430 = arith.constant 0xFF800000 : f32
      %broadcast_in_dim3A_1431 = vector.broadcast %jit3A_1430 : f32 to vector<16xf32>
      %select_n3A_1432 = arith.select %or3A_1429, %broadcast_in_dim3A_1431, %get3A_1380 : vector<16xi1>, vector<16xf32>
      %swap3A_1433 = arith.constant 320 : index
      %swap3A_1434 = tpu.vector_load %arg4[%swap3A_1433] {strides = array<i32>} : memref<7216xf32, #tpu.memory_space<vmem>>, vector<16xf32>,
      %swap3A_1435 = vector.shape_cast %swap3A_1434 : vector<16xf32> to vector<16xf32>
      %swap3A_1436 = vector.shape_cast %select_n3A_1432 : vector<16xf32> to vector<16xf32>
      tpu.vector_store %arg4[%swap3A_1433], %swap3A_1436 {strides = array<i32>} : memref<7216xf32, #tpu.memory_space<vmem>>, vector<16xf32>,
      %gt3A_1437 = arith.cmpf ogt, %select_n3A_1432, %broadcast_in_dim3A_1373 : vector<16xf32>
      %select_n3A_1438 = arith.select %gt3A_1437, %select_n3A_1432, %broadcast_in_dim3A_1373 : vector<16xi1>, vector<16xf32>
      %select_n3A_1439 = arith.select %gt3A_1437, %add3A_1423, %add3A_1377 : vector<16xi1>, vector<16xi32>
      %get3A_1440 = arith.constant 336 : index
      %get3A_1441 = tpu.vector_load %arg4[%get3A_1440] {strides = array<i32>} : memref<7216xf32, #tpu.memory_space<vmem>>, vector<16xf32>,
      %get3A_1442 = vector.shape_cast %get3A_1441 : vector<16xf32> to vector<16xf32>
      %get3A_1443 = arith.constant 992 : index
      %get3A_1444 = tpu.vector_load %arg4[%get3A_1443] {strides = array<i32>} : memref<7216xf32, #tpu.memory_space<vmem>>, vector<16xf32>,
      %get3A_1445 = vector.shape_cast %get3A_1444 : vector<16xf32> to vector<16xf32>
      %get3A_1446 = arith.constant 1648 : index
      %get3A_1447 = tpu.vector_load %arg4[%get3A_1446] {strides = array<i32>} : memref<7216xf32, #tpu.memory_space<vmem>>, vector<16xf32>,
      %get3A_1448 = vector.shape_cast %get3A_1447 : vector<16xf32> to vector<16xf32>
      %get3A_1449 = arith.constant 2304 : index
      %get3A_1450 = tpu.vector_load %arg4[%get3A_1449] {strides = array<i32>} : memref<7216xf32, #tpu.memory_space<vmem>>, vector<16xf32>,
      %get3A_1451 = vector.shape_cast %get3A_1450 : vector<16xf32> to vector<16xf32>
      %get3A_1452 = arith.constant 2960 : index
      %get3A_1453 = tpu.vector_load %arg4[%get3A_1452] {strides = array<i32>} : memref<7216xf32, #tpu.memory_space<vmem>>, vector<16xf32>,
      %get3A_1454 = vector.shape_cast %get3A_1453 : vector<16xf32> to vector<16xf32>
      %get3A_1455 = arith.constant 3616 : index
      %get3A_1456 = tpu.vector_load %arg4[%get3A_1455] {strides = array<i32>} : memref<7216xf32, #tpu.memory_space<vmem>>, vector<16xf32>,
      %get3A_1457 = vector.shape_cast %get3A_1456 : vector<16xf32> to vector<16xf32>
      %max3A_1458 = vector.broadcast %scan3A_120 : f32 to vector<16xf32>
      %max3A_1459 = arith.maximumf %max3A_1458, %get3A_1445 : vector<16xf32>
      %max3A_1460 = vector.broadcast %scan3A_121 : f32 to vector<16xf32>
      %max3A_1461 = arith.maximumf %max3A_1460, %get3A_1448 : vector<16xf32>
      %min3A_1462 = vector.broadcast %scan3A_122 : f32 to vector<16xf32>
      %min3A_1463 = arith.minimumf %min3A_1462, %get3A_1451 : vector<16xf32>
      %min3A_1464 = vector.broadcast %scan3A_123 : f32 to vector<16xf32>
      %min3A_1465 = arith.minimumf %min3A_1464, %get3A_1454 : vector<16xf32>
      %sub3A_1466 = arith.subf %min3A_1463, %max3A_1459 : vector<16xf32>
      %max3A_1467 = arith.constant 0.000000e+00 : f32
      %max3A_1468 = vector.broadcast %max3A_1467 : f32 to vector<16xf32>
      %max3A_1469 = arith.maximumf %sub3A_1466, %max3A_1468 : vector<16xf32>
      %sub3A_1470 = arith.subf %min3A_1465, %max3A_1461 : vector<16xf32>
      %max3A_1471 = arith.constant 0.000000e+00 : f32
      %max3A_1472 = vector.broadcast %max3A_1471 : f32 to vector<16xf32>
      %max3A_1473 = arith.maximumf %sub3A_1470, %max3A_1472 : vector<16xf32>
      %mul3A_1474 = arith.mulf %max3A_1469, %max3A_1473 : vector<16xf32>
      %add3A_1475 = vector.broadcast %scan3A_124 : f32 to vector<16xf32>
      %add3A_1476 = arith.addf %add3A_1475, %get3A_1457 : vector<16xf32>
      %sub3A_1477 = arith.subf %add3A_1476, %mul3A_1474 : vector<16xf32>
      %add3A_1478 = arith.constant 9.99999971E-10 : f32
      %add3A_1479 = vector.broadcast %add3A_1478 : f32 to vector<16xf32>
      %add3A_1480 = arith.addf %sub3A_1477, %add3A_1479 : vector<16xf32>
      %div3A_1481 = arith.divf %mul3A_1474, %add3A_1480 : vector<16xf32>
      %add3A_1482 = arith.constant 336 : i32
      %add3A_1483 = arith.addi %mul3A_21, %add3A_1482 : i32
      %add3A_1484 = vector.broadcast %add3A_1483 : i32 to vector<16xi32>
      %add3A_1485 = arith.addi %add3A_1484, %iota3A : vector<16xi32>
      %gt3A_1486 = arith.constant 4.500000e-01 : f32
      %gt3A_1487 = vector.broadcast %gt3A_1486 : f32 to vector<16xf32>
      %gt3A_1488 = arith.cmpf ogt, %div3A_1481, %gt3A_1487 : vector<16xf32>
      %eq3A_1489 = vector.broadcast %scan3A_125 : i32 to vector<16xi32>
      %eq3A_1490 = arith.cmpi eq, %add3A_1485, %eq3A_1489 : vector<16xi32>
      %or3A_1491 = arith.ori %gt3A_1488, %eq3A_1490 : vector<16xi1>
      %jit3A_1492 = arith.constant 0xFF800000 : f32
      %broadcast_in_dim3A_1493 = vector.broadcast %jit3A_1492 : f32 to vector<16xf32>
      %select_n3A_1494 = arith.select %or3A_1491, %broadcast_in_dim3A_1493, %get3A_1442 : vector<16xi1>, vector<16xf32>
      %swap3A_1495 = arith.constant 336 : index
      %swap3A_1496 = tpu.vector_load %arg4[%swap3A_1495] {strides = array<i32>} : memref<7216xf32, #tpu.memory_space<vmem>>, vector<16xf32>,
      %swap3A_1497 = vector.shape_cast %swap3A_1496 : vector<16xf32> to vector<16xf32>
      %swap3A_1498 = vector.shape_cast %select_n3A_1494 : vector<16xf32> to vector<16xf32>
      tpu.vector_store %arg4[%swap3A_1495], %swap3A_1498 {strides = array<i32>} : memref<7216xf32, #tpu.memory_space<vmem>>, vector<16xf32>,
      %gt3A_1499 = arith.cmpf ogt, %select_n3A_1494, %select_n3A_1438 : vector<16xf32>
      %select_n3A_1500 = arith.select %gt3A_1499, %select_n3A_1494, %select_n3A_1438 : vector<16xi1>, vector<16xf32>
      %select_n3A_1501 = arith.select %gt3A_1499, %add3A_1485, %select_n3A_1439 : vector<16xi1>, vector<16xi32>
      %get3A_1502 = arith.constant 352 : index
      %get3A_1503 = tpu.vector_load %arg4[%get3A_1502] {strides = array<i32>} : memref<7216xf32, #tpu.memory_space<vmem>>, vector<16xf32>,
      %get3A_1504 = vector.shape_cast %get3A_1503 : vector<16xf32> to vector<16xf32>
      %get3A_1505 = arith.constant 1008 : index
      %get3A_1506 = tpu.vector_load %arg4[%get3A_1505] {strides = array<i32>} : memref<7216xf32, #tpu.memory_space<vmem>>, vector<16xf32>,
      %get3A_1507 = vector.shape_cast %get3A_1506 : vector<16xf32> to vector<16xf32>
      %get3A_1508 = arith.constant 1664 : index
      %get3A_1509 = tpu.vector_load %arg4[%get3A_1508] {strides = array<i32>} : memref<7216xf32, #tpu.memory_space<vmem>>, vector<16xf32>,
      %get3A_1510 = vector.shape_cast %get3A_1509 : vector<16xf32> to vector<16xf32>
      %get3A_1511 = arith.constant 2320 : index
      %get3A_1512 = tpu.vector_load %arg4[%get3A_1511] {strides = array<i32>} : memref<7216xf32, #tpu.memory_space<vmem>>, vector<16xf32>,
      %get3A_1513 = vector.shape_cast %get3A_1512 : vector<16xf32> to vector<16xf32>
      %get3A_1514 = arith.constant 2976 : index
      %get3A_1515 = tpu.vector_load %arg4[%get3A_1514] {strides = array<i32>} : memref<7216xf32, #tpu.memory_space<vmem>>, vector<16xf32>,
      %get3A_1516 = vector.shape_cast %get3A_1515 : vector<16xf32> to vector<16xf32>
      %get3A_1517 = arith.constant 3632 : index
      %get3A_1518 = tpu.vector_load %arg4[%get3A_1517] {strides = array<i32>} : memref<7216xf32, #tpu.memory_space<vmem>>, vector<16xf32>,
      %get3A_1519 = vector.shape_cast %get3A_1518 : vector<16xf32> to vector<16xf32>
      %max3A_1520 = vector.broadcast %scan3A_120 : f32 to vector<16xf32>
      %max3A_1521 = arith.maximumf %max3A_1520, %get3A_1507 : vector<16xf32>
      %max3A_1522 = vector.broadcast %scan3A_121 : f32 to vector<16xf32>
      %max3A_1523 = arith.maximumf %max3A_1522, %get3A_1510 : vector<16xf32>
      %min3A_1524 = vector.broadcast %scan3A_122 : f32 to vector<16xf32>
      %min3A_1525 = arith.minimumf %min3A_1524, %get3A_1513 : vector<16xf32>
      %min3A_1526 = vector.broadcast %scan3A_123 : f32 to vector<16xf32>
      %min3A_1527 = arith.minimumf %min3A_1526, %get3A_1516 : vector<16xf32>
      %sub3A_1528 = arith.subf %min3A_1525, %max3A_1521 : vector<16xf32>
      %max3A_1529 = arith.constant 0.000000e+00 : f32
      %max3A_1530 = vector.broadcast %max3A_1529 : f32 to vector<16xf32>
      %max3A_1531 = arith.maximumf %sub3A_1528, %max3A_1530 : vector<16xf32>
      %sub3A_1532 = arith.subf %min3A_1527, %max3A_1523 : vector<16xf32>
      %max3A_1533 = arith.constant 0.000000e+00 : f32
      %max3A_1534 = vector.broadcast %max3A_1533 : f32 to vector<16xf32>
      %max3A_1535 = arith.maximumf %sub3A_1532, %max3A_1534 : vector<16xf32>
      %mul3A_1536 = arith.mulf %max3A_1531, %max3A_1535 : vector<16xf32>
      %add3A_1537 = vector.broadcast %scan3A_124 : f32 to vector<16xf32>
      %add3A_1538 = arith.addf %add3A_1537, %get3A_1519 : vector<16xf32>
      %sub3A_1539 = arith.subf %add3A_1538, %mul3A_1536 : vector<16xf32>
      %add3A_1540 = arith.constant 9.99999971E-10 : f32
      %add3A_1541 = vector.broadcast %add3A_1540 : f32 to vector<16xf32>
      %add3A_1542 = arith.addf %sub3A_1539, %add3A_1541 : vector<16xf32>
      %div3A_1543 = arith.divf %mul3A_1536, %add3A_1542 : vector<16xf32>
      %add3A_1544 = arith.constant 352 : i32
      %add3A_1545 = arith.addi %mul3A_21, %add3A_1544 : i32
      %add3A_1546 = vector.broadcast %add3A_1545 : i32 to vector<16xi32>
      %add3A_1547 = arith.addi %add3A_1546, %iota3A : vector<16xi32>
      %gt3A_1548 = arith.constant 4.500000e-01 : f32
      %gt3A_1549 = vector.broadcast %gt3A_1548 : f32 to vector<16xf32>
      %gt3A_1550 = arith.cmpf ogt, %div3A_1543, %gt3A_1549 : vector<16xf32>
      %eq3A_1551 = vector.broadcast %scan3A_125 : i32 to vector<16xi32>
      %eq3A_1552 = arith.cmpi eq, %add3A_1547, %eq3A_1551 : vector<16xi32>
      %or3A_1553 = arith.ori %gt3A_1550, %eq3A_1552 : vector<16xi1>
      %jit3A_1554 = arith.constant 0xFF800000 : f32
      %broadcast_in_dim3A_1555 = vector.broadcast %jit3A_1554 : f32 to vector<16xf32>
      %select_n3A_1556 = arith.select %or3A_1553, %broadcast_in_dim3A_1555, %get3A_1504 : vector<16xi1>, vector<16xf32>
      %swap3A_1557 = arith.constant 352 : index
      %swap3A_1558 = tpu.vector_load %arg4[%swap3A_1557] {strides = array<i32>} : memref<7216xf32, #tpu.memory_space<vmem>>, vector<16xf32>,
      %swap3A_1559 = vector.shape_cast %swap3A_1558 : vector<16xf32> to vector<16xf32>
      %swap3A_1560 = vector.shape_cast %select_n3A_1556 : vector<16xf32> to vector<16xf32>
      tpu.vector_store %arg4[%swap3A_1557], %swap3A_1560 {strides = array<i32>} : memref<7216xf32, #tpu.memory_space<vmem>>, vector<16xf32>,
      %gt3A_1561 = arith.cmpf ogt, %select_n3A_1556, %select_n3A_1500 : vector<16xf32>
      %select_n3A_1562 = arith.select %gt3A_1561, %select_n3A_1556, %select_n3A_1500 : vector<16xi1>, vector<16xf32>
      %select_n3A_1563 = arith.select %gt3A_1561, %add3A_1547, %select_n3A_1501 : vector<16xi1>, vector<16xi32>
      %get3A_1564 = arith.constant 368 : index
      %get3A_1565 = tpu.vector_load %arg4[%get3A_1564] {strides = array<i32>} : memref<7216xf32, #tpu.memory_space<vmem>>, vector<16xf32>,
      %get3A_1566 = vector.shape_cast %get3A_1565 : vector<16xf32> to vector<16xf32>
      %get3A_1567 = arith.constant 1024 : index
      %get3A_1568 = tpu.vector_load %arg4[%get3A_1567] {strides = array<i32>} : memref<7216xf32, #tpu.memory_space<vmem>>, vector<16xf32>,
      %get3A_1569 = vector.shape_cast %get3A_1568 : vector<16xf32> to vector<16xf32>
      %get3A_1570 = arith.constant 1680 : index
      %get3A_1571 = tpu.vector_load %arg4[%get3A_1570] {strides = array<i32>} : memref<7216xf32, #tpu.memory_space<vmem>>, vector<16xf32>,
      %get3A_1572 = vector.shape_cast %get3A_1571 : vector<16xf32> to vector<16xf32>
      %get3A_1573 = arith.constant 2336 : index
      %get3A_1574 = tpu.vector_load %arg4[%get3A_1573] {strides = array<i32>} : memref<7216xf32, #tpu.memory_space<vmem>>, vector<16xf32>,
      %get3A_1575 = vector.shape_cast %get3A_1574 : vector<16xf32> to vector<16xf32>
      %get3A_1576 = arith.constant 2992 : index
      %get3A_1577 = tpu.vector_load %arg4[%get3A_1576] {strides = array<i32>} : memref<7216xf32, #tpu.memory_space<vmem>>, vector<16xf32>,
      %get3A_1578 = vector.shape_cast %get3A_1577 : vector<16xf32> to vector<16xf32>
      %get3A_1579 = arith.constant 3648 : index
      %get3A_1580 = tpu.vector_load %arg4[%get3A_1579] {strides = array<i32>} : memref<7216xf32, #tpu.memory_space<vmem>>, vector<16xf32>,
      %get3A_1581 = vector.shape_cast %get3A_1580 : vector<16xf32> to vector<16xf32>
      %max3A_1582 = vector.broadcast %scan3A_120 : f32 to vector<16xf32>
      %max3A_1583 = arith.maximumf %max3A_1582, %get3A_1569 : vector<16xf32>
      %max3A_1584 = vector.broadcast %scan3A_121 : f32 to vector<16xf32>
      %max3A_1585 = arith.maximumf %max3A_1584, %get3A_1572 : vector<16xf32>
      %min3A_1586 = vector.broadcast %scan3A_122 : f32 to vector<16xf32>
      %min3A_1587 = arith.minimumf %min3A_1586, %get3A_1575 : vector<16xf32>
      %min3A_1588 = vector.broadcast %scan3A_123 : f32 to vector<16xf32>
      %min3A_1589 = arith.minimumf %min3A_1588, %get3A_1578 : vector<16xf32>
      %sub3A_1590 = arith.subf %min3A_1587, %max3A_1583 : vector<16xf32>
      %max3A_1591 = arith.constant 0.000000e+00 : f32
      %max3A_1592 = vector.broadcast %max3A_1591 : f32 to vector<16xf32>
      %max3A_1593 = arith.maximumf %sub3A_1590, %max3A_1592 : vector<16xf32>
      %sub3A_1594 = arith.subf %min3A_1589, %max3A_1585 : vector<16xf32>
      %max3A_1595 = arith.constant 0.000000e+00 : f32
      %max3A_1596 = vector.broadcast %max3A_1595 : f32 to vector<16xf32>
      %max3A_1597 = arith.maximumf %sub3A_1594, %max3A_1596 : vector<16xf32>
      %mul3A_1598 = arith.mulf %max3A_1593, %max3A_1597 : vector<16xf32>
      %add3A_1599 = vector.broadcast %scan3A_124 : f32 to vector<16xf32>
      %add3A_1600 = arith.addf %add3A_1599, %get3A_1581 : vector<16xf32>
      %sub3A_1601 = arith.subf %add3A_1600, %mul3A_1598 : vector<16xf32>
      %add3A_1602 = arith.constant 9.99999971E-10 : f32
      %add3A_1603 = vector.broadcast %add3A_1602 : f32 to vector<16xf32>
      %add3A_1604 = arith.addf %sub3A_1601, %add3A_1603 : vector<16xf32>
      %div3A_1605 = arith.divf %mul3A_1598, %add3A_1604 : vector<16xf32>
      %add3A_1606 = arith.constant 368 : i32
      %add3A_1607 = arith.addi %mul3A_21, %add3A_1606 : i32
      %add3A_1608 = vector.broadcast %add3A_1607 : i32 to vector<16xi32>
      %add3A_1609 = arith.addi %add3A_1608, %iota3A : vector<16xi32>
      %gt3A_1610 = arith.constant 4.500000e-01 : f32
      %gt3A_1611 = vector.broadcast %gt3A_1610 : f32 to vector<16xf32>
      %gt3A_1612 = arith.cmpf ogt, %div3A_1605, %gt3A_1611 : vector<16xf32>
      %eq3A_1613 = vector.broadcast %scan3A_125 : i32 to vector<16xi32>
      %eq3A_1614 = arith.cmpi eq, %add3A_1609, %eq3A_1613 : vector<16xi32>
      %or3A_1615 = arith.ori %gt3A_1612, %eq3A_1614 : vector<16xi1>
      %jit3A_1616 = arith.constant 0xFF800000 : f32
      %broadcast_in_dim3A_1617 = vector.broadcast %jit3A_1616 : f32 to vector<16xf32>
      %select_n3A_1618 = arith.select %or3A_1615, %broadcast_in_dim3A_1617, %get3A_1566 : vector<16xi1>, vector<16xf32>
      %swap3A_1619 = arith.constant 368 : index
      %swap3A_1620 = tpu.vector_load %arg4[%swap3A_1619] {strides = array<i32>} : memref<7216xf32, #tpu.memory_space<vmem>>, vector<16xf32>,
      %swap3A_1621 = vector.shape_cast %swap3A_1620 : vector<16xf32> to vector<16xf32>
      %swap3A_1622 = vector.shape_cast %select_n3A_1618 : vector<16xf32> to vector<16xf32>
      tpu.vector_store %arg4[%swap3A_1619], %swap3A_1622 {strides = array<i32>} : memref<7216xf32, #tpu.memory_space<vmem>>, vector<16xf32>,
      %gt3A_1623 = arith.cmpf ogt, %select_n3A_1618, %select_n3A_1562 : vector<16xf32>
      %select_n3A_1624 = arith.select %gt3A_1623, %select_n3A_1618, %select_n3A_1562 : vector<16xi1>, vector<16xf32>
      %select_n3A_1625 = arith.select %gt3A_1623, %add3A_1609, %select_n3A_1563 : vector<16xi1>, vector<16xi32>
      %get3A_1626 = arith.constant 384 : index
      %get3A_1627 = tpu.vector_load %arg4[%get3A_1626] {strides = array<i32>} : memref<7216xf32, #tpu.memory_space<vmem>>, vector<16xf32>,
      %get3A_1628 = vector.shape_cast %get3A_1627 : vector<16xf32> to vector<16xf32>
      %get3A_1629 = arith.constant 1040 : index
      %get3A_1630 = tpu.vector_load %arg4[%get3A_1629] {strides = array<i32>} : memref<7216xf32, #tpu.memory_space<vmem>>, vector<16xf32>,
      %get3A_1631 = vector.shape_cast %get3A_1630 : vector<16xf32> to vector<16xf32>
      %get3A_1632 = arith.constant 1696 : index
      %get3A_1633 = tpu.vector_load %arg4[%get3A_1632] {strides = array<i32>} : memref<7216xf32, #tpu.memory_space<vmem>>, vector<16xf32>,
      %get3A_1634 = vector.shape_cast %get3A_1633 : vector<16xf32> to vector<16xf32>
      %get3A_1635 = arith.constant 2352 : index
      %get3A_1636 = tpu.vector_load %arg4[%get3A_1635] {strides = array<i32>} : memref<7216xf32, #tpu.memory_space<vmem>>, vector<16xf32>,
      %get3A_1637 = vector.shape_cast %get3A_1636 : vector<16xf32> to vector<16xf32>
      %get3A_1638 = arith.constant 3008 : index
      %get3A_1639 = tpu.vector_load %arg4[%get3A_1638] {strides = array<i32>} : memref<7216xf32, #tpu.memory_space<vmem>>, vector<16xf32>,
      %get3A_1640 = vector.shape_cast %get3A_1639 : vector<16xf32> to vector<16xf32>
      %get3A_1641 = arith.constant 3664 : index
      %get3A_1642 = tpu.vector_load %arg4[%get3A_1641] {strides = array<i32>} : memref<7216xf32, #tpu.memory_space<vmem>>, vector<16xf32>,
      %get3A_1643 = vector.shape_cast %get3A_1642 : vector<16xf32> to vector<16xf32>
      %max3A_1644 = vector.broadcast %scan3A_120 : f32 to vector<16xf32>
      %max3A_1645 = arith.maximumf %max3A_1644, %get3A_1631 : vector<16xf32>
      %max3A_1646 = vector.broadcast %scan3A_121 : f32 to vector<16xf32>
      %max3A_1647 = arith.maximumf %max3A_1646, %get3A_1634 : vector<16xf32>
      %min3A_1648 = vector.broadcast %scan3A_122 : f32 to vector<16xf32>
      %min3A_1649 = arith.minimumf %min3A_1648, %get3A_1637 : vector<16xf32>
      %min3A_1650 = vector.broadcast %scan3A_123 : f32 to vector<16xf32>
      %min3A_1651 = arith.minimumf %min3A_1650, %get3A_1640 : vector<16xf32>
      %sub3A_1652 = arith.subf %min3A_1649, %max3A_1645 : vector<16xf32>
      %max3A_1653 = arith.constant 0.000000e+00 : f32
      %max3A_1654 = vector.broadcast %max3A_1653 : f32 to vector<16xf32>
      %max3A_1655 = arith.maximumf %sub3A_1652, %max3A_1654 : vector<16xf32>
      %sub3A_1656 = arith.subf %min3A_1651, %max3A_1647 : vector<16xf32>
      %max3A_1657 = arith.constant 0.000000e+00 : f32
      %max3A_1658 = vector.broadcast %max3A_1657 : f32 to vector<16xf32>
      %max3A_1659 = arith.maximumf %sub3A_1656, %max3A_1658 : vector<16xf32>
      %mul3A_1660 = arith.mulf %max3A_1655, %max3A_1659 : vector<16xf32>
      %add3A_1661 = vector.broadcast %scan3A_124 : f32 to vector<16xf32>
      %add3A_1662 = arith.addf %add3A_1661, %get3A_1643 : vector<16xf32>
      %sub3A_1663 = arith.subf %add3A_1662, %mul3A_1660 : vector<16xf32>
      %add3A_1664 = arith.constant 9.99999971E-10 : f32
      %add3A_1665 = vector.broadcast %add3A_1664 : f32 to vector<16xf32>
      %add3A_1666 = arith.addf %sub3A_1663, %add3A_1665 : vector<16xf32>
      %div3A_1667 = arith.divf %mul3A_1660, %add3A_1666 : vector<16xf32>
      %add3A_1668 = arith.constant 384 : i32
      %add3A_1669 = arith.addi %mul3A_21, %add3A_1668 : i32
      %add3A_1670 = vector.broadcast %add3A_1669 : i32 to vector<16xi32>
      %add3A_1671 = arith.addi %add3A_1670, %iota3A : vector<16xi32>
      %gt3A_1672 = arith.constant 4.500000e-01 : f32
      %gt3A_1673 = vector.broadcast %gt3A_1672 : f32 to vector<16xf32>
      %gt3A_1674 = arith.cmpf ogt, %div3A_1667, %gt3A_1673 : vector<16xf32>
      %eq3A_1675 = vector.broadcast %scan3A_125 : i32 to vector<16xi32>
      %eq3A_1676 = arith.cmpi eq, %add3A_1671, %eq3A_1675 : vector<16xi32>
      %or3A_1677 = arith.ori %gt3A_1674, %eq3A_1676 : vector<16xi1>
      %jit3A_1678 = arith.constant 0xFF800000 : f32
      %broadcast_in_dim3A_1679 = vector.broadcast %jit3A_1678 : f32 to vector<16xf32>
      %select_n3A_1680 = arith.select %or3A_1677, %broadcast_in_dim3A_1679, %get3A_1628 : vector<16xi1>, vector<16xf32>
      %swap3A_1681 = arith.constant 384 : index
      %swap3A_1682 = tpu.vector_load %arg4[%swap3A_1681] {strides = array<i32>} : memref<7216xf32, #tpu.memory_space<vmem>>, vector<16xf32>,
      %swap3A_1683 = vector.shape_cast %swap3A_1682 : vector<16xf32> to vector<16xf32>
      %swap3A_1684 = vector.shape_cast %select_n3A_1680 : vector<16xf32> to vector<16xf32>
      tpu.vector_store %arg4[%swap3A_1681], %swap3A_1684 {strides = array<i32>} : memref<7216xf32, #tpu.memory_space<vmem>>, vector<16xf32>,
      %gt3A_1685 = arith.cmpf ogt, %select_n3A_1680, %select_n3A_1624 : vector<16xf32>
      %select_n3A_1686 = arith.select %gt3A_1685, %select_n3A_1680, %select_n3A_1624 : vector<16xi1>, vector<16xf32>
      %select_n3A_1687 = arith.select %gt3A_1685, %add3A_1671, %select_n3A_1625 : vector<16xi1>, vector<16xi32>
      %get3A_1688 = arith.constant 400 : index
      %get3A_1689 = tpu.vector_load %arg4[%get3A_1688] {strides = array<i32>} : memref<7216xf32, #tpu.memory_space<vmem>>, vector<16xf32>,
      %get3A_1690 = vector.shape_cast %get3A_1689 : vector<16xf32> to vector<16xf32>
      %get3A_1691 = arith.constant 1056 : index
      %get3A_1692 = tpu.vector_load %arg4[%get3A_1691] {strides = array<i32>} : memref<7216xf32, #tpu.memory_space<vmem>>, vector<16xf32>,
      %get3A_1693 = vector.shape_cast %get3A_1692 : vector<16xf32> to vector<16xf32>
      %get3A_1694 = arith.constant 1712 : index
      %get3A_1695 = tpu.vector_load %arg4[%get3A_1694] {strides = array<i32>} : memref<7216xf32, #tpu.memory_space<vmem>>, vector<16xf32>,
      %get3A_1696 = vector.shape_cast %get3A_1695 : vector<16xf32> to vector<16xf32>
      %get3A_1697 = arith.constant 2368 : index
      %get3A_1698 = tpu.vector_load %arg4[%get3A_1697] {strides = array<i32>} : memref<7216xf32, #tpu.memory_space<vmem>>, vector<16xf32>,
      %get3A_1699 = vector.shape_cast %get3A_1698 : vector<16xf32> to vector<16xf32>
      %get3A_1700 = arith.constant 3024 : index
      %get3A_1701 = tpu.vector_load %arg4[%get3A_1700] {strides = array<i32>} : memref<7216xf32, #tpu.memory_space<vmem>>, vector<16xf32>,
      %get3A_1702 = vector.shape_cast %get3A_1701 : vector<16xf32> to vector<16xf32>
      %get3A_1703 = arith.constant 3680 : index
      %get3A_1704 = tpu.vector_load %arg4[%get3A_1703] {strides = array<i32>} : memref<7216xf32, #tpu.memory_space<vmem>>, vector<16xf32>,
      %get3A_1705 = vector.shape_cast %get3A_1704 : vector<16xf32> to vector<16xf32>
      %max3A_1706 = vector.broadcast %scan3A_120 : f32 to vector<16xf32>
      %max3A_1707 = arith.maximumf %max3A_1706, %get3A_1693 : vector<16xf32>
      %max3A_1708 = vector.broadcast %scan3A_121 : f32 to vector<16xf32>
      %max3A_1709 = arith.maximumf %max3A_1708, %get3A_1696 : vector<16xf32>
      %min3A_1710 = vector.broadcast %scan3A_122 : f32 to vector<16xf32>
      %min3A_1711 = arith.minimumf %min3A_1710, %get3A_1699 : vector<16xf32>
      %min3A_1712 = vector.broadcast %scan3A_123 : f32 to vector<16xf32>
      %min3A_1713 = arith.minimumf %min3A_1712, %get3A_1702 : vector<16xf32>
      %sub3A_1714 = arith.subf %min3A_1711, %max3A_1707 : vector<16xf32>
      %max3A_1715 = arith.constant 0.000000e+00 : f32
      %max3A_1716 = vector.broadcast %max3A_1715 : f32 to vector<16xf32>
      %max3A_1717 = arith.maximumf %sub3A_1714, %max3A_1716 : vector<16xf32>
      %sub3A_1718 = arith.subf %min3A_1713, %max3A_1709 : vector<16xf32>
      %max3A_1719 = arith.constant 0.000000e+00 : f32
      %max3A_1720 = vector.broadcast %max3A_1719 : f32 to vector<16xf32>
      %max3A_1721 = arith.maximumf %sub3A_1718, %max3A_1720 : vector<16xf32>
      %mul3A_1722 = arith.mulf %max3A_1717, %max3A_1721 : vector<16xf32>
      %add3A_1723 = vector.broadcast %scan3A_124 : f32 to vector<16xf32>
      %add3A_1724 = arith.addf %add3A_1723, %get3A_1705 : vector<16xf32>
      %sub3A_1725 = arith.subf %add3A_1724, %mul3A_1722 : vector<16xf32>
      %add3A_1726 = arith.constant 9.99999971E-10 : f32
      %add3A_1727 = vector.broadcast %add3A_1726 : f32 to vector<16xf32>
      %add3A_1728 = arith.addf %sub3A_1725, %add3A_1727 : vector<16xf32>
      %div3A_1729 = arith.divf %mul3A_1722, %add3A_1728 : vector<16xf32>
      %add3A_1730 = arith.constant 400 : i32
      %add3A_1731 = arith.addi %mul3A_21, %add3A_1730 : i32
      %add3A_1732 = vector.broadcast %add3A_1731 : i32 to vector<16xi32>
      %add3A_1733 = arith.addi %add3A_1732, %iota3A : vector<16xi32>
      %gt3A_1734 = arith.constant 4.500000e-01 : f32
      %gt3A_1735 = vector.broadcast %gt3A_1734 : f32 to vector<16xf32>
      %gt3A_1736 = arith.cmpf ogt, %div3A_1729, %gt3A_1735 : vector<16xf32>
      %eq3A_1737 = vector.broadcast %scan3A_125 : i32 to vector<16xi32>
      %eq3A_1738 = arith.cmpi eq, %add3A_1733, %eq3A_1737 : vector<16xi32>
      %or3A_1739 = arith.ori %gt3A_1736, %eq3A_1738 : vector<16xi1>
      %jit3A_1740 = arith.constant 0xFF800000 : f32
      %broadcast_in_dim3A_1741 = vector.broadcast %jit3A_1740 : f32 to vector<16xf32>
      %select_n3A_1742 = arith.select %or3A_1739, %broadcast_in_dim3A_1741, %get3A_1690 : vector<16xi1>, vector<16xf32>
      %swap3A_1743 = arith.constant 400 : index
      %swap3A_1744 = tpu.vector_load %arg4[%swap3A_1743] {strides = array<i32>} : memref<7216xf32, #tpu.memory_space<vmem>>, vector<16xf32>,
      %swap3A_1745 = vector.shape_cast %swap3A_1744 : vector<16xf32> to vector<16xf32>
      %swap3A_1746 = vector.shape_cast %select_n3A_1742 : vector<16xf32> to vector<16xf32>
      tpu.vector_store %arg4[%swap3A_1743], %swap3A_1746 {strides = array<i32>} : memref<7216xf32, #tpu.memory_space<vmem>>, vector<16xf32>,
      %gt3A_1747 = arith.cmpf ogt, %select_n3A_1742, %select_n3A_1686 : vector<16xf32>
      %select_n3A_1748 = arith.select %gt3A_1747, %select_n3A_1742, %select_n3A_1686 : vector<16xi1>, vector<16xf32>
      %select_n3A_1749 = arith.select %gt3A_1747, %add3A_1733, %select_n3A_1687 : vector<16xi1>, vector<16xi32>
      %get3A_1750 = arith.constant 416 : index
      %get3A_1751 = tpu.vector_load %arg4[%get3A_1750] {strides = array<i32>} : memref<7216xf32, #tpu.memory_space<vmem>>, vector<16xf32>,
      %get3A_1752 = vector.shape_cast %get3A_1751 : vector<16xf32> to vector<16xf32>
      %get3A_1753 = arith.constant 1072 : index
      %get3A_1754 = tpu.vector_load %arg4[%get3A_1753] {strides = array<i32>} : memref<7216xf32, #tpu.memory_space<vmem>>, vector<16xf32>,
      %get3A_1755 = vector.shape_cast %get3A_1754 : vector<16xf32> to vector<16xf32>
      %get3A_1756 = arith.constant 1728 : index
      %get3A_1757 = tpu.vector_load %arg4[%get3A_1756] {strides = array<i32>} : memref<7216xf32, #tpu.memory_space<vmem>>, vector<16xf32>,
      %get3A_1758 = vector.shape_cast %get3A_1757 : vector<16xf32> to vector<16xf32>
      %get3A_1759 = arith.constant 2384 : index
      %get3A_1760 = tpu.vector_load %arg4[%get3A_1759] {strides = array<i32>} : memref<7216xf32, #tpu.memory_space<vmem>>, vector<16xf32>,
      %get3A_1761 = vector.shape_cast %get3A_1760 : vector<16xf32> to vector<16xf32>
      %get3A_1762 = arith.constant 3040 : index
      %get3A_1763 = tpu.vector_load %arg4[%get3A_1762] {strides = array<i32>} : memref<7216xf32, #tpu.memory_space<vmem>>, vector<16xf32>,
      %get3A_1764 = vector.shape_cast %get3A_1763 : vector<16xf32> to vector<16xf32>
      %get3A_1765 = arith.constant 3696 : index
      %get3A_1766 = tpu.vector_load %arg4[%get3A_1765] {strides = array<i32>} : memref<7216xf32, #tpu.memory_space<vmem>>, vector<16xf32>,
      %get3A_1767 = vector.shape_cast %get3A_1766 : vector<16xf32> to vector<16xf32>
      %max3A_1768 = vector.broadcast %scan3A_120 : f32 to vector<16xf32>
      %max3A_1769 = arith.maximumf %max3A_1768, %get3A_1755 : vector<16xf32>
      %max3A_1770 = vector.broadcast %scan3A_121 : f32 to vector<16xf32>
      %max3A_1771 = arith.maximumf %max3A_1770, %get3A_1758 : vector<16xf32>
      %min3A_1772 = vector.broadcast %scan3A_122 : f32 to vector<16xf32>
      %min3A_1773 = arith.minimumf %min3A_1772, %get3A_1761 : vector<16xf32>
      %min3A_1774 = vector.broadcast %scan3A_123 : f32 to vector<16xf32>
      %min3A_1775 = arith.minimumf %min3A_1774, %get3A_1764 : vector<16xf32>
      %sub3A_1776 = arith.subf %min3A_1773, %max3A_1769 : vector<16xf32>
      %max3A_1777 = arith.constant 0.000000e+00 : f32
      %max3A_1778 = vector.broadcast %max3A_1777 : f32 to vector<16xf32>
      %max3A_1779 = arith.maximumf %sub3A_1776, %max3A_1778 : vector<16xf32>
      %sub3A_1780 = arith.subf %min3A_1775, %max3A_1771 : vector<16xf32>
      %max3A_1781 = arith.constant 0.000000e+00 : f32
      %max3A_1782 = vector.broadcast %max3A_1781 : f32 to vector<16xf32>
      %max3A_1783 = arith.maximumf %sub3A_1780, %max3A_1782 : vector<16xf32>
      %mul3A_1784 = arith.mulf %max3A_1779, %max3A_1783 : vector<16xf32>
      %add3A_1785 = vector.broadcast %scan3A_124 : f32 to vector<16xf32>
      %add3A_1786 = arith.addf %add3A_1785, %get3A_1767 : vector<16xf32>
      %sub3A_1787 = arith.subf %add3A_1786, %mul3A_1784 : vector<16xf32>
      %add3A_1788 = arith.constant 9.99999971E-10 : f32
      %add3A_1789 = vector.broadcast %add3A_1788 : f32 to vector<16xf32>
      %add3A_1790 = arith.addf %sub3A_1787, %add3A_1789 : vector<16xf32>
      %div3A_1791 = arith.divf %mul3A_1784, %add3A_1790 : vector<16xf32>
      %add3A_1792 = arith.constant 416 : i32
      %add3A_1793 = arith.addi %mul3A_21, %add3A_1792 : i32
      %add3A_1794 = vector.broadcast %add3A_1793 : i32 to vector<16xi32>
      %add3A_1795 = arith.addi %add3A_1794, %iota3A : vector<16xi32>
      %gt3A_1796 = arith.constant 4.500000e-01 : f32
      %gt3A_1797 = vector.broadcast %gt3A_1796 : f32 to vector<16xf32>
      %gt3A_1798 = arith.cmpf ogt, %div3A_1791, %gt3A_1797 : vector<16xf32>
      %eq3A_1799 = vector.broadcast %scan3A_125 : i32 to vector<16xi32>
      %eq3A_1800 = arith.cmpi eq, %add3A_1795, %eq3A_1799 : vector<16xi32>
      %or3A_1801 = arith.ori %gt3A_1798, %eq3A_1800 : vector<16xi1>
      %jit3A_1802 = arith.constant 0xFF800000 : f32
      %broadcast_in_dim3A_1803 = vector.broadcast %jit3A_1802 : f32 to vector<16xf32>
      %select_n3A_1804 = arith.select %or3A_1801, %broadcast_in_dim3A_1803, %get3A_1752 : vector<16xi1>, vector<16xf32>
      %swap3A_1805 = arith.constant 416 : index
      %swap3A_1806 = tpu.vector_load %arg4[%swap3A_1805] {strides = array<i32>} : memref<7216xf32, #tpu.memory_space<vmem>>, vector<16xf32>,
      %swap3A_1807 = vector.shape_cast %swap3A_1806 : vector<16xf32> to vector<16xf32>
      %swap3A_1808 = vector.shape_cast %select_n3A_1804 : vector<16xf32> to vector<16xf32>
      tpu.vector_store %arg4[%swap3A_1805], %swap3A_1808 {strides = array<i32>} : memref<7216xf32, #tpu.memory_space<vmem>>, vector<16xf32>,
      %gt3A_1809 = arith.cmpf ogt, %select_n3A_1804, %select_n3A_1748 : vector<16xf32>
      %select_n3A_1810 = arith.select %gt3A_1809, %select_n3A_1804, %select_n3A_1748 : vector<16xi1>, vector<16xf32>
      %select_n3A_1811 = arith.select %gt3A_1809, %add3A_1795, %select_n3A_1749 : vector<16xi1>, vector<16xi32>
      %get3A_1812 = arith.constant 432 : index
      %get3A_1813 = tpu.vector_load %arg4[%get3A_1812] {strides = array<i32>} : memref<7216xf32, #tpu.memory_space<vmem>>, vector<16xf32>,
      %get3A_1814 = vector.shape_cast %get3A_1813 : vector<16xf32> to vector<16xf32>
      %get3A_1815 = arith.constant 1088 : index
      %get3A_1816 = tpu.vector_load %arg4[%get3A_1815] {strides = array<i32>} : memref<7216xf32, #tpu.memory_space<vmem>>, vector<16xf32>,
      %get3A_1817 = vector.shape_cast %get3A_1816 : vector<16xf32> to vector<16xf32>
      %get3A_1818 = arith.constant 1744 : index
      %get3A_1819 = tpu.vector_load %arg4[%get3A_1818] {strides = array<i32>} : memref<7216xf32, #tpu.memory_space<vmem>>, vector<16xf32>,
      %get3A_1820 = vector.shape_cast %get3A_1819 : vector<16xf32> to vector<16xf32>
      %get3A_1821 = arith.constant 2400 : index
      %get3A_1822 = tpu.vector_load %arg4[%get3A_1821] {strides = array<i32>} : memref<7216xf32, #tpu.memory_space<vmem>>, vector<16xf32>,
      %get3A_1823 = vector.shape_cast %get3A_1822 : vector<16xf32> to vector<16xf32>
      %get3A_1824 = arith.constant 3056 : index
      %get3A_1825 = tpu.vector_load %arg4[%get3A_1824] {strides = array<i32>} : memref<7216xf32, #tpu.memory_space<vmem>>, vector<16xf32>,
      %get3A_1826 = vector.shape_cast %get3A_1825 : vector<16xf32> to vector<16xf32>
      %get3A_1827 = arith.constant 3712 : index
      %get3A_1828 = tpu.vector_load %arg4[%get3A_1827] {strides = array<i32>} : memref<7216xf32, #tpu.memory_space<vmem>>, vector<16xf32>,
      %get3A_1829 = vector.shape_cast %get3A_1828 : vector<16xf32> to vector<16xf32>
      %max3A_1830 = vector.broadcast %scan3A_120 : f32 to vector<16xf32>
      %max3A_1831 = arith.maximumf %max3A_1830, %get3A_1817 : vector<16xf32>
      %max3A_1832 = vector.broadcast %scan3A_121 : f32 to vector<16xf32>
      %max3A_1833 = arith.maximumf %max3A_1832, %get3A_1820 : vector<16xf32>
      %min3A_1834 = vector.broadcast %scan3A_122 : f32 to vector<16xf32>
      %min3A_1835 = arith.minimumf %min3A_1834, %get3A_1823 : vector<16xf32>
      %min3A_1836 = vector.broadcast %scan3A_123 : f32 to vector<16xf32>
      %min3A_1837 = arith.minimumf %min3A_1836, %get3A_1826 : vector<16xf32>
      %sub3A_1838 = arith.subf %min3A_1835, %max3A_1831 : vector<16xf32>
      %max3A_1839 = arith.constant 0.000000e+00 : f32
      %max3A_1840 = vector.broadcast %max3A_1839 : f32 to vector<16xf32>
      %max3A_1841 = arith.maximumf %sub3A_1838, %max3A_1840 : vector<16xf32>
      %sub3A_1842 = arith.subf %min3A_1837, %max3A_1833 : vector<16xf32>
      %max3A_1843 = arith.constant 0.000000e+00 : f32
      %max3A_1844 = vector.broadcast %max3A_1843 : f32 to vector<16xf32>
      %max3A_1845 = arith.maximumf %sub3A_1842, %max3A_1844 : vector<16xf32>
      %mul3A_1846 = arith.mulf %max3A_1841, %max3A_1845 : vector<16xf32>
      %add3A_1847 = vector.broadcast %scan3A_124 : f32 to vector<16xf32>
      %add3A_1848 = arith.addf %add3A_1847, %get3A_1829 : vector<16xf32>
      %sub3A_1849 = arith.subf %add3A_1848, %mul3A_1846 : vector<16xf32>
      %add3A_1850 = arith.constant 9.99999971E-10 : f32
      %add3A_1851 = vector.broadcast %add3A_1850 : f32 to vector<16xf32>
      %add3A_1852 = arith.addf %sub3A_1849, %add3A_1851 : vector<16xf32>
      %div3A_1853 = arith.divf %mul3A_1846, %add3A_1852 : vector<16xf32>
      %add3A_1854 = arith.constant 432 : i32
      %add3A_1855 = arith.addi %mul3A_21, %add3A_1854 : i32
      %add3A_1856 = vector.broadcast %add3A_1855 : i32 to vector<16xi32>
      %add3A_1857 = arith.addi %add3A_1856, %iota3A : vector<16xi32>
      %gt3A_1858 = arith.constant 4.500000e-01 : f32
      %gt3A_1859 = vector.broadcast %gt3A_1858 : f32 to vector<16xf32>
      %gt3A_1860 = arith.cmpf ogt, %div3A_1853, %gt3A_1859 : vector<16xf32>
      %eq3A_1861 = vector.broadcast %scan3A_125 : i32 to vector<16xi32>
      %eq3A_1862 = arith.cmpi eq, %add3A_1857, %eq3A_1861 : vector<16xi32>
      %or3A_1863 = arith.ori %gt3A_1860, %eq3A_1862 : vector<16xi1>
      %jit3A_1864 = arith.constant 0xFF800000 : f32
      %broadcast_in_dim3A_1865 = vector.broadcast %jit3A_1864 : f32 to vector<16xf32>
      %select_n3A_1866 = arith.select %or3A_1863, %broadcast_in_dim3A_1865, %get3A_1814 : vector<16xi1>, vector<16xf32>
      %swap3A_1867 = arith.constant 432 : index
      %swap3A_1868 = tpu.vector_load %arg4[%swap3A_1867] {strides = array<i32>} : memref<7216xf32, #tpu.memory_space<vmem>>, vector<16xf32>,
      %swap3A_1869 = vector.shape_cast %swap3A_1868 : vector<16xf32> to vector<16xf32>
      %swap3A_1870 = vector.shape_cast %select_n3A_1866 : vector<16xf32> to vector<16xf32>
      tpu.vector_store %arg4[%swap3A_1867], %swap3A_1870 {strides = array<i32>} : memref<7216xf32, #tpu.memory_space<vmem>>, vector<16xf32>,
      %gt3A_1871 = arith.cmpf ogt, %select_n3A_1866, %select_n3A_1810 : vector<16xf32>
      %select_n3A_1872 = arith.select %gt3A_1871, %select_n3A_1866, %select_n3A_1810 : vector<16xi1>, vector<16xf32>
      %select_n3A_1873 = arith.select %gt3A_1871, %add3A_1857, %select_n3A_1811 : vector<16xi1>, vector<16xi32>
      %get3A_1874 = arith.constant 448 : index
      %get3A_1875 = tpu.vector_load %arg4[%get3A_1874] {strides = array<i32>} : memref<7216xf32, #tpu.memory_space<vmem>>, vector<16xf32>,
      %get3A_1876 = vector.shape_cast %get3A_1875 : vector<16xf32> to vector<16xf32>
      %get3A_1877 = arith.constant 1104 : index
      %get3A_1878 = tpu.vector_load %arg4[%get3A_1877] {strides = array<i32>} : memref<7216xf32, #tpu.memory_space<vmem>>, vector<16xf32>,
      %get3A_1879 = vector.shape_cast %get3A_1878 : vector<16xf32> to vector<16xf32>
      %get3A_1880 = arith.constant 1760 : index
      %get3A_1881 = tpu.vector_load %arg4[%get3A_1880] {strides = array<i32>} : memref<7216xf32, #tpu.memory_space<vmem>>, vector<16xf32>,
      %get3A_1882 = vector.shape_cast %get3A_1881 : vector<16xf32> to vector<16xf32>
      %get3A_1883 = arith.constant 2416 : index
      %get3A_1884 = tpu.vector_load %arg4[%get3A_1883] {strides = array<i32>} : memref<7216xf32, #tpu.memory_space<vmem>>, vector<16xf32>,
      %get3A_1885 = vector.shape_cast %get3A_1884 : vector<16xf32> to vector<16xf32>
      %get3A_1886 = arith.constant 3072 : index
      %get3A_1887 = tpu.vector_load %arg4[%get3A_1886] {strides = array<i32>} : memref<7216xf32, #tpu.memory_space<vmem>>, vector<16xf32>,
      %get3A_1888 = vector.shape_cast %get3A_1887 : vector<16xf32> to vector<16xf32>
      %get3A_1889 = arith.constant 3728 : index
      %get3A_1890 = tpu.vector_load %arg4[%get3A_1889] {strides = array<i32>} : memref<7216xf32, #tpu.memory_space<vmem>>, vector<16xf32>,
      %get3A_1891 = vector.shape_cast %get3A_1890 : vector<16xf32> to vector<16xf32>
      %max3A_1892 = vector.broadcast %scan3A_120 : f32 to vector<16xf32>
      %max3A_1893 = arith.maximumf %max3A_1892, %get3A_1879 : vector<16xf32>
      %max3A_1894 = vector.broadcast %scan3A_121 : f32 to vector<16xf32>
      %max3A_1895 = arith.maximumf %max3A_1894, %get3A_1882 : vector<16xf32>
      %min3A_1896 = vector.broadcast %scan3A_122 : f32 to vector<16xf32>
      %min3A_1897 = arith.minimumf %min3A_1896, %get3A_1885 : vector<16xf32>
      %min3A_1898 = vector.broadcast %scan3A_123 : f32 to vector<16xf32>
      %min3A_1899 = arith.minimumf %min3A_1898, %get3A_1888 : vector<16xf32>
      %sub3A_1900 = arith.subf %min3A_1897, %max3A_1893 : vector<16xf32>
      %max3A_1901 = arith.constant 0.000000e+00 : f32
      %max3A_1902 = vector.broadcast %max3A_1901 : f32 to vector<16xf32>
      %max3A_1903 = arith.maximumf %sub3A_1900, %max3A_1902 : vector<16xf32>
      %sub3A_1904 = arith.subf %min3A_1899, %max3A_1895 : vector<16xf32>
      %max3A_1905 = arith.constant 0.000000e+00 : f32
      %max3A_1906 = vector.broadcast %max3A_1905 : f32 to vector<16xf32>
      %max3A_1907 = arith.maximumf %sub3A_1904, %max3A_1906 : vector<16xf32>
      %mul3A_1908 = arith.mulf %max3A_1903, %max3A_1907 : vector<16xf32>
      %add3A_1909 = vector.broadcast %scan3A_124 : f32 to vector<16xf32>
      %add3A_1910 = arith.addf %add3A_1909, %get3A_1891 : vector<16xf32>
      %sub3A_1911 = arith.subf %add3A_1910, %mul3A_1908 : vector<16xf32>
      %add3A_1912 = arith.constant 9.99999971E-10 : f32
      %add3A_1913 = vector.broadcast %add3A_1912 : f32 to vector<16xf32>
      %add3A_1914 = arith.addf %sub3A_1911, %add3A_1913 : vector<16xf32>
      %div3A_1915 = arith.divf %mul3A_1908, %add3A_1914 : vector<16xf32>
      %add3A_1916 = arith.constant 448 : i32
      %add3A_1917 = arith.addi %mul3A_21, %add3A_1916 : i32
      %add3A_1918 = vector.broadcast %add3A_1917 : i32 to vector<16xi32>
      %add3A_1919 = arith.addi %add3A_1918, %iota3A : vector<16xi32>
      %gt3A_1920 = arith.constant 4.500000e-01 : f32
      %gt3A_1921 = vector.broadcast %gt3A_1920 : f32 to vector<16xf32>
      %gt3A_1922 = arith.cmpf ogt, %div3A_1915, %gt3A_1921 : vector<16xf32>
      %eq3A_1923 = vector.broadcast %scan3A_125 : i32 to vector<16xi32>
      %eq3A_1924 = arith.cmpi eq, %add3A_1919, %eq3A_1923 : vector<16xi32>
      %or3A_1925 = arith.ori %gt3A_1922, %eq3A_1924 : vector<16xi1>
      %jit3A_1926 = arith.constant 0xFF800000 : f32
      %broadcast_in_dim3A_1927 = vector.broadcast %jit3A_1926 : f32 to vector<16xf32>
      %select_n3A_1928 = arith.select %or3A_1925, %broadcast_in_dim3A_1927, %get3A_1876 : vector<16xi1>, vector<16xf32>
      %swap3A_1929 = arith.constant 448 : index
      %swap3A_1930 = tpu.vector_load %arg4[%swap3A_1929] {strides = array<i32>} : memref<7216xf32, #tpu.memory_space<vmem>>, vector<16xf32>,
      %swap3A_1931 = vector.shape_cast %swap3A_1930 : vector<16xf32> to vector<16xf32>
      %swap3A_1932 = vector.shape_cast %select_n3A_1928 : vector<16xf32> to vector<16xf32>
      tpu.vector_store %arg4[%swap3A_1929], %swap3A_1932 {strides = array<i32>} : memref<7216xf32, #tpu.memory_space<vmem>>, vector<16xf32>,
      %gt3A_1933 = arith.cmpf ogt, %select_n3A_1928, %select_n3A_1872 : vector<16xf32>
      %select_n3A_1934 = arith.select %gt3A_1933, %select_n3A_1928, %select_n3A_1872 : vector<16xi1>, vector<16xf32>
      %select_n3A_1935 = arith.select %gt3A_1933, %add3A_1919, %select_n3A_1873 : vector<16xi1>, vector<16xi32>
      %get3A_1936 = arith.constant 464 : index
      %get3A_1937 = tpu.vector_load %arg4[%get3A_1936] {strides = array<i32>} : memref<7216xf32, #tpu.memory_space<vmem>>, vector<16xf32>,
      %get3A_1938 = vector.shape_cast %get3A_1937 : vector<16xf32> to vector<16xf32>
      %get3A_1939 = arith.constant 1120 : index
      %get3A_1940 = tpu.vector_load %arg4[%get3A_1939] {strides = array<i32>} : memref<7216xf32, #tpu.memory_space<vmem>>, vector<16xf32>,
      %get3A_1941 = vector.shape_cast %get3A_1940 : vector<16xf32> to vector<16xf32>
      %get3A_1942 = arith.constant 1776 : index
      %get3A_1943 = tpu.vector_load %arg4[%get3A_1942] {strides = array<i32>} : memref<7216xf32, #tpu.memory_space<vmem>>, vector<16xf32>,
      %get3A_1944 = vector.shape_cast %get3A_1943 : vector<16xf32> to vector<16xf32>
      %get3A_1945 = arith.constant 2432 : index
      %get3A_1946 = tpu.vector_load %arg4[%get3A_1945] {strides = array<i32>} : memref<7216xf32, #tpu.memory_space<vmem>>, vector<16xf32>,
      %get3A_1947 = vector.shape_cast %get3A_1946 : vector<16xf32> to vector<16xf32>
      %get3A_1948 = arith.constant 3088 : index
      %get3A_1949 = tpu.vector_load %arg4[%get3A_1948] {strides = array<i32>} : memref<7216xf32, #tpu.memory_space<vmem>>, vector<16xf32>,
      %get3A_1950 = vector.shape_cast %get3A_1949 : vector<16xf32> to vector<16xf32>
      %get3A_1951 = arith.constant 3744 : index
      %get3A_1952 = tpu.vector_load %arg4[%get3A_1951] {strides = array<i32>} : memref<7216xf32, #tpu.memory_space<vmem>>, vector<16xf32>,
      %get3A_1953 = vector.shape_cast %get3A_1952 : vector<16xf32> to vector<16xf32>
      %max3A_1954 = vector.broadcast %scan3A_120 : f32 to vector<16xf32>
      %max3A_1955 = arith.maximumf %max3A_1954, %get3A_1941 : vector<16xf32>
      %max3A_1956 = vector.broadcast %scan3A_121 : f32 to vector<16xf32>
      %max3A_1957 = arith.maximumf %max3A_1956, %get3A_1944 : vector<16xf32>
      %min3A_1958 = vector.broadcast %scan3A_122 : f32 to vector<16xf32>
      %min3A_1959 = arith.minimumf %min3A_1958, %get3A_1947 : vector<16xf32>
      %min3A_1960 = vector.broadcast %scan3A_123 : f32 to vector<16xf32>
      %min3A_1961 = arith.minimumf %min3A_1960, %get3A_1950 : vector<16xf32>
      %sub3A_1962 = arith.subf %min3A_1959, %max3A_1955 : vector<16xf32>
      %max3A_1963 = arith.constant 0.000000e+00 : f32
      %max3A_1964 = vector.broadcast %max3A_1963 : f32 to vector<16xf32>
      %max3A_1965 = arith.maximumf %sub3A_1962, %max3A_1964 : vector<16xf32>
      %sub3A_1966 = arith.subf %min3A_1961, %max3A_1957 : vector<16xf32>
      %max3A_1967 = arith.constant 0.000000e+00 : f32
      %max3A_1968 = vector.broadcast %max3A_1967 : f32 to vector<16xf32>
      %max3A_1969 = arith.maximumf %sub3A_1966, %max3A_1968 : vector<16xf32>
      %mul3A_1970 = arith.mulf %max3A_1965, %max3A_1969 : vector<16xf32>
      %add3A_1971 = vector.broadcast %scan3A_124 : f32 to vector<16xf32>
      %add3A_1972 = arith.addf %add3A_1971, %get3A_1953 : vector<16xf32>
      %sub3A_1973 = arith.subf %add3A_1972, %mul3A_1970 : vector<16xf32>
      %add3A_1974 = arith.constant 9.99999971E-10 : f32
      %add3A_1975 = vector.broadcast %add3A_1974 : f32 to vector<16xf32>
      %add3A_1976 = arith.addf %sub3A_1973, %add3A_1975 : vector<16xf32>
      %div3A_1977 = arith.divf %mul3A_1970, %add3A_1976 : vector<16xf32>
      %add3A_1978 = arith.constant 464 : i32
      %add3A_1979 = arith.addi %mul3A_21, %add3A_1978 : i32
      %add3A_1980 = vector.broadcast %add3A_1979 : i32 to vector<16xi32>
      %add3A_1981 = arith.addi %add3A_1980, %iota3A : vector<16xi32>
      %gt3A_1982 = arith.constant 4.500000e-01 : f32
      %gt3A_1983 = vector.broadcast %gt3A_1982 : f32 to vector<16xf32>
      %gt3A_1984 = arith.cmpf ogt, %div3A_1977, %gt3A_1983 : vector<16xf32>
      %eq3A_1985 = vector.broadcast %scan3A_125 : i32 to vector<16xi32>
      %eq3A_1986 = arith.cmpi eq, %add3A_1981, %eq3A_1985 : vector<16xi32>
      %or3A_1987 = arith.ori %gt3A_1984, %eq3A_1986 : vector<16xi1>
      %jit3A_1988 = arith.constant 0xFF800000 : f32
      %broadcast_in_dim3A_1989 = vector.broadcast %jit3A_1988 : f32 to vector<16xf32>
      %select_n3A_1990 = arith.select %or3A_1987, %broadcast_in_dim3A_1989, %get3A_1938 : vector<16xi1>, vector<16xf32>
      %swap3A_1991 = arith.constant 464 : index
      %swap3A_1992 = tpu.vector_load %arg4[%swap3A_1991] {strides = array<i32>} : memref<7216xf32, #tpu.memory_space<vmem>>, vector<16xf32>,
      %swap3A_1993 = vector.shape_cast %swap3A_1992 : vector<16xf32> to vector<16xf32>
      %swap3A_1994 = vector.shape_cast %select_n3A_1990 : vector<16xf32> to vector<16xf32>
      tpu.vector_store %arg4[%swap3A_1991], %swap3A_1994 {strides = array<i32>} : memref<7216xf32, #tpu.memory_space<vmem>>, vector<16xf32>,
      %gt3A_1995 = arith.cmpf ogt, %select_n3A_1990, %select_n3A_1934 : vector<16xf32>
      %select_n3A_1996 = arith.select %gt3A_1995, %select_n3A_1990, %select_n3A_1934 : vector<16xi1>, vector<16xf32>
      %select_n3A_1997 = arith.select %gt3A_1995, %add3A_1981, %select_n3A_1935 : vector<16xi1>, vector<16xi32>
      %broadcast_in_dim3A_1998 = arith.constant 0xFF800000 : f32
      %broadcast_in_dim3A_1999 = vector.broadcast %broadcast_in_dim3A_1998 : f32 to vector<16xf32>
      %add3A_2000 = arith.constant 480 : i32
      %add3A_2001 = arith.addi %mul3A_21, %add3A_2000 : i32
      %add3A_2002 = vector.broadcast %add3A_2001 : i32 to vector<16xi32>
      %add3A_2003 = arith.addi %add3A_2002, %iota3A : vector<16xi32>
      %get3A_2004 = arith.constant 480 : index
      %get3A_2005 = tpu.vector_load %arg4[%get3A_2004] {strides = array<i32>} : memref<7216xf32, #tpu.memory_space<vmem>>, vector<16xf32>,
      %get3A_2006 = vector.shape_cast %get3A_2005 : vector<16xf32> to vector<16xf32>
      %get3A_2007 = arith.constant 1136 : index
      %get3A_2008 = tpu.vector_load %arg4[%get3A_2007] {strides = array<i32>} : memref<7216xf32, #tpu.memory_space<vmem>>, vector<16xf32>,
      %get3A_2009 = vector.shape_cast %get3A_2008 : vector<16xf32> to vector<16xf32>
      %get3A_2010 = arith.constant 1792 : index
      %get3A_2011 = tpu.vector_load %arg4[%get3A_2010] {strides = array<i32>} : memref<7216xf32, #tpu.memory_space<vmem>>, vector<16xf32>,
      %get3A_2012 = vector.shape_cast %get3A_2011 : vector<16xf32> to vector<16xf32>
      %get3A_2013 = arith.constant 2448 : index
      %get3A_2014 = tpu.vector_load %arg4[%get3A_2013] {strides = array<i32>} : memref<7216xf32, #tpu.memory_space<vmem>>, vector<16xf32>,
      %get3A_2015 = vector.shape_cast %get3A_2014 : vector<16xf32> to vector<16xf32>
      %get3A_2016 = arith.constant 3104 : index
      %get3A_2017 = tpu.vector_load %arg4[%get3A_2016] {strides = array<i32>} : memref<7216xf32, #tpu.memory_space<vmem>>, vector<16xf32>,
      %get3A_2018 = vector.shape_cast %get3A_2017 : vector<16xf32> to vector<16xf32>
      %get3A_2019 = arith.constant 3760 : index
      %get3A_2020 = tpu.vector_load %arg4[%get3A_2019] {strides = array<i32>} : memref<7216xf32, #tpu.memory_space<vmem>>, vector<16xf32>,
      %get3A_2021 = vector.shape_cast %get3A_2020 : vector<16xf32> to vector<16xf32>
      %max3A_2022 = vector.broadcast %scan3A_120 : f32 to vector<16xf32>
      %max3A_2023 = arith.maximumf %max3A_2022, %get3A_2009 : vector<16xf32>
      %max3A_2024 = vector.broadcast %scan3A_121 : f32 to vector<16xf32>
      %max3A_2025 = arith.maximumf %max3A_2024, %get3A_2012 : vector<16xf32>
      %min3A_2026 = vector.broadcast %scan3A_122 : f32 to vector<16xf32>
      %min3A_2027 = arith.minimumf %min3A_2026, %get3A_2015 : vector<16xf32>
      %min3A_2028 = vector.broadcast %scan3A_123 : f32 to vector<16xf32>
      %min3A_2029 = arith.minimumf %min3A_2028, %get3A_2018 : vector<16xf32>
      %sub3A_2030 = arith.subf %min3A_2027, %max3A_2023 : vector<16xf32>
      %max3A_2031 = arith.constant 0.000000e+00 : f32
      %max3A_2032 = vector.broadcast %max3A_2031 : f32 to vector<16xf32>
      %max3A_2033 = arith.maximumf %sub3A_2030, %max3A_2032 : vector<16xf32>
      %sub3A_2034 = arith.subf %min3A_2029, %max3A_2025 : vector<16xf32>
      %max3A_2035 = arith.constant 0.000000e+00 : f32
      %max3A_2036 = vector.broadcast %max3A_2035 : f32 to vector<16xf32>
      %max3A_2037 = arith.maximumf %sub3A_2034, %max3A_2036 : vector<16xf32>
      %mul3A_2038 = arith.mulf %max3A_2033, %max3A_2037 : vector<16xf32>
      %add3A_2039 = vector.broadcast %scan3A_124 : f32 to vector<16xf32>
      %add3A_2040 = arith.addf %add3A_2039, %get3A_2021 : vector<16xf32>
      %sub3A_2041 = arith.subf %add3A_2040, %mul3A_2038 : vector<16xf32>
      %add3A_2042 = arith.constant 9.99999971E-10 : f32
      %add3A_2043 = vector.broadcast %add3A_2042 : f32 to vector<16xf32>
      %add3A_2044 = arith.addf %sub3A_2041, %add3A_2043 : vector<16xf32>
      %div3A_2045 = arith.divf %mul3A_2038, %add3A_2044 : vector<16xf32>
      %add3A_2046 = arith.constant 480 : i32
      %add3A_2047 = arith.addi %mul3A_21, %add3A_2046 : i32
      %add3A_2048 = vector.broadcast %add3A_2047 : i32 to vector<16xi32>
      %add3A_2049 = arith.addi %add3A_2048, %iota3A : vector<16xi32>
      %gt3A_2050 = arith.constant 4.500000e-01 : f32
      %gt3A_2051 = vector.broadcast %gt3A_2050 : f32 to vector<16xf32>
      %gt3A_2052 = arith.cmpf ogt, %div3A_2045, %gt3A_2051 : vector<16xf32>
      %eq3A_2053 = vector.broadcast %scan3A_125 : i32 to vector<16xi32>
      %eq3A_2054 = arith.cmpi eq, %add3A_2049, %eq3A_2053 : vector<16xi32>
      %or3A_2055 = arith.ori %gt3A_2052, %eq3A_2054 : vector<16xi1>
      %jit3A_2056 = arith.constant 0xFF800000 : f32
      %broadcast_in_dim3A_2057 = vector.broadcast %jit3A_2056 : f32 to vector<16xf32>
      %select_n3A_2058 = arith.select %or3A_2055, %broadcast_in_dim3A_2057, %get3A_2006 : vector<16xi1>, vector<16xf32>
      %swap3A_2059 = arith.constant 480 : index
      %swap3A_2060 = tpu.vector_load %arg4[%swap3A_2059] {strides = array<i32>} : memref<7216xf32, #tpu.memory_space<vmem>>, vector<16xf32>,
      %swap3A_2061 = vector.shape_cast %swap3A_2060 : vector<16xf32> to vector<16xf32>
      %swap3A_2062 = vector.shape_cast %select_n3A_2058 : vector<16xf32> to vector<16xf32>
      tpu.vector_store %arg4[%swap3A_2059], %swap3A_2062 {strides = array<i32>} : memref<7216xf32, #tpu.memory_space<vmem>>, vector<16xf32>,
      %gt3A_2063 = arith.cmpf ogt, %select_n3A_2058, %broadcast_in_dim3A_1999 : vector<16xf32>
      %select_n3A_2064 = arith.select %gt3A_2063, %select_n3A_2058, %broadcast_in_dim3A_1999 : vector<16xi1>, vector<16xf32>
      %select_n3A_2065 = arith.select %gt3A_2063, %add3A_2049, %add3A_2003 : vector<16xi1>, vector<16xi32>
      %get3A_2066 = arith.constant 496 : index
      %get3A_2067 = tpu.vector_load %arg4[%get3A_2066] {strides = array<i32>} : memref<7216xf32, #tpu.memory_space<vmem>>, vector<16xf32>,
      %get3A_2068 = vector.shape_cast %get3A_2067 : vector<16xf32> to vector<16xf32>
      %get3A_2069 = arith.constant 1152 : index
      %get3A_2070 = tpu.vector_load %arg4[%get3A_2069] {strides = array<i32>} : memref<7216xf32, #tpu.memory_space<vmem>>, vector<16xf32>,
      %get3A_2071 = vector.shape_cast %get3A_2070 : vector<16xf32> to vector<16xf32>
      %get3A_2072 = arith.constant 1808 : index
      %get3A_2073 = tpu.vector_load %arg4[%get3A_2072] {strides = array<i32>} : memref<7216xf32, #tpu.memory_space<vmem>>, vector<16xf32>,
      %get3A_2074 = vector.shape_cast %get3A_2073 : vector<16xf32> to vector<16xf32>
      %get3A_2075 = arith.constant 2464 : index
      %get3A_2076 = tpu.vector_load %arg4[%get3A_2075] {strides = array<i32>} : memref<7216xf32, #tpu.memory_space<vmem>>, vector<16xf32>,
      %get3A_2077 = vector.shape_cast %get3A_2076 : vector<16xf32> to vector<16xf32>
      %get3A_2078 = arith.constant 3120 : index
      %get3A_2079 = tpu.vector_load %arg4[%get3A_2078] {strides = array<i32>} : memref<7216xf32, #tpu.memory_space<vmem>>, vector<16xf32>,
      %get3A_2080 = vector.shape_cast %get3A_2079 : vector<16xf32> to vector<16xf32>
      %get3A_2081 = arith.constant 3776 : index
      %get3A_2082 = tpu.vector_load %arg4[%get3A_2081] {strides = array<i32>} : memref<7216xf32, #tpu.memory_space<vmem>>, vector<16xf32>,
      %get3A_2083 = vector.shape_cast %get3A_2082 : vector<16xf32> to vector<16xf32>
      %max3A_2084 = vector.broadcast %scan3A_120 : f32 to vector<16xf32>
      %max3A_2085 = arith.maximumf %max3A_2084, %get3A_2071 : vector<16xf32>
      %max3A_2086 = vector.broadcast %scan3A_121 : f32 to vector<16xf32>
      %max3A_2087 = arith.maximumf %max3A_2086, %get3A_2074 : vector<16xf32>
      %min3A_2088 = vector.broadcast %scan3A_122 : f32 to vector<16xf32>
      %min3A_2089 = arith.minimumf %min3A_2088, %get3A_2077 : vector<16xf32>
      %min3A_2090 = vector.broadcast %scan3A_123 : f32 to vector<16xf32>
      %min3A_2091 = arith.minimumf %min3A_2090, %get3A_2080 : vector<16xf32>
      %sub3A_2092 = arith.subf %min3A_2089, %max3A_2085 : vector<16xf32>
      %max3A_2093 = arith.constant 0.000000e+00 : f32
      %max3A_2094 = vector.broadcast %max3A_2093 : f32 to vector<16xf32>
      %max3A_2095 = arith.maximumf %sub3A_2092, %max3A_2094 : vector<16xf32>
      %sub3A_2096 = arith.subf %min3A_2091, %max3A_2087 : vector<16xf32>
      %max3A_2097 = arith.constant 0.000000e+00 : f32
      %max3A_2098 = vector.broadcast %max3A_2097 : f32 to vector<16xf32>
      %max3A_2099 = arith.maximumf %sub3A_2096, %max3A_2098 : vector<16xf32>
      %mul3A_2100 = arith.mulf %max3A_2095, %max3A_2099 : vector<16xf32>
      %add3A_2101 = vector.broadcast %scan3A_124 : f32 to vector<16xf32>
      %add3A_2102 = arith.addf %add3A_2101, %get3A_2083 : vector<16xf32>
      %sub3A_2103 = arith.subf %add3A_2102, %mul3A_2100 : vector<16xf32>
      %add3A_2104 = arith.constant 9.99999971E-10 : f32
      %add3A_2105 = vector.broadcast %add3A_2104 : f32 to vector<16xf32>
      %add3A_2106 = arith.addf %sub3A_2103, %add3A_2105 : vector<16xf32>
      %div3A_2107 = arith.divf %mul3A_2100, %add3A_2106 : vector<16xf32>
      %add3A_2108 = arith.constant 496 : i32
      %add3A_2109 = arith.addi %mul3A_21, %add3A_2108 : i32
      %add3A_2110 = vector.broadcast %add3A_2109 : i32 to vector<16xi32>
      %add3A_2111 = arith.addi %add3A_2110, %iota3A : vector<16xi32>
      %gt3A_2112 = arith.constant 4.500000e-01 : f32
      %gt3A_2113 = vector.broadcast %gt3A_2112 : f32 to vector<16xf32>
      %gt3A_2114 = arith.cmpf ogt, %div3A_2107, %gt3A_2113 : vector<16xf32>
      %eq3A_2115 = vector.broadcast %scan3A_125 : i32 to vector<16xi32>
      %eq3A_2116 = arith.cmpi eq, %add3A_2111, %eq3A_2115 : vector<16xi32>
      %or3A_2117 = arith.ori %gt3A_2114, %eq3A_2116 : vector<16xi1>
      %jit3A_2118 = arith.constant 0xFF800000 : f32
      %broadcast_in_dim3A_2119 = vector.broadcast %jit3A_2118 : f32 to vector<16xf32>
      %select_n3A_2120 = arith.select %or3A_2117, %broadcast_in_dim3A_2119, %get3A_2068 : vector<16xi1>, vector<16xf32>
      %swap3A_2121 = arith.constant 496 : index
      %swap3A_2122 = tpu.vector_load %arg4[%swap3A_2121] {strides = array<i32>} : memref<7216xf32, #tpu.memory_space<vmem>>, vector<16xf32>,
      %swap3A_2123 = vector.shape_cast %swap3A_2122 : vector<16xf32> to vector<16xf32>
      %swap3A_2124 = vector.shape_cast %select_n3A_2120 : vector<16xf32> to vector<16xf32>
      tpu.vector_store %arg4[%swap3A_2121], %swap3A_2124 {strides = array<i32>} : memref<7216xf32, #tpu.memory_space<vmem>>, vector<16xf32>,
      %gt3A_2125 = arith.cmpf ogt, %select_n3A_2120, %select_n3A_2064 : vector<16xf32>
      %select_n3A_2126 = arith.select %gt3A_2125, %select_n3A_2120, %select_n3A_2064 : vector<16xi1>, vector<16xf32>
      %select_n3A_2127 = arith.select %gt3A_2125, %add3A_2111, %select_n3A_2065 : vector<16xi1>, vector<16xi32>
      %get3A_2128 = arith.constant 512 : index
      %get3A_2129 = tpu.vector_load %arg4[%get3A_2128] {strides = array<i32>} : memref<7216xf32, #tpu.memory_space<vmem>>, vector<16xf32>,
      %get3A_2130 = vector.shape_cast %get3A_2129 : vector<16xf32> to vector<16xf32>
      %get3A_2131 = arith.constant 1168 : index
      %get3A_2132 = tpu.vector_load %arg4[%get3A_2131] {strides = array<i32>} : memref<7216xf32, #tpu.memory_space<vmem>>, vector<16xf32>,
      %get3A_2133 = vector.shape_cast %get3A_2132 : vector<16xf32> to vector<16xf32>
      %get3A_2134 = arith.constant 1824 : index
      %get3A_2135 = tpu.vector_load %arg4[%get3A_2134] {strides = array<i32>} : memref<7216xf32, #tpu.memory_space<vmem>>, vector<16xf32>,
      %get3A_2136 = vector.shape_cast %get3A_2135 : vector<16xf32> to vector<16xf32>
      %get3A_2137 = arith.constant 2480 : index
      %get3A_2138 = tpu.vector_load %arg4[%get3A_2137] {strides = array<i32>} : memref<7216xf32, #tpu.memory_space<vmem>>, vector<16xf32>,
      %get3A_2139 = vector.shape_cast %get3A_2138 : vector<16xf32> to vector<16xf32>
      %get3A_2140 = arith.constant 3136 : index
      %get3A_2141 = tpu.vector_load %arg4[%get3A_2140] {strides = array<i32>} : memref<7216xf32, #tpu.memory_space<vmem>>, vector<16xf32>,
      %get3A_2142 = vector.shape_cast %get3A_2141 : vector<16xf32> to vector<16xf32>
      %get3A_2143 = arith.constant 3792 : index
      %get3A_2144 = tpu.vector_load %arg4[%get3A_2143] {strides = array<i32>} : memref<7216xf32, #tpu.memory_space<vmem>>, vector<16xf32>,
      %get3A_2145 = vector.shape_cast %get3A_2144 : vector<16xf32> to vector<16xf32>
      %max3A_2146 = vector.broadcast %scan3A_120 : f32 to vector<16xf32>
      %max3A_2147 = arith.maximumf %max3A_2146, %get3A_2133 : vector<16xf32>
      %max3A_2148 = vector.broadcast %scan3A_121 : f32 to vector<16xf32>
      %max3A_2149 = arith.maximumf %max3A_2148, %get3A_2136 : vector<16xf32>
      %min3A_2150 = vector.broadcast %scan3A_122 : f32 to vector<16xf32>
      %min3A_2151 = arith.minimumf %min3A_2150, %get3A_2139 : vector<16xf32>
      %min3A_2152 = vector.broadcast %scan3A_123 : f32 to vector<16xf32>
      %min3A_2153 = arith.minimumf %min3A_2152, %get3A_2142 : vector<16xf32>
      %sub3A_2154 = arith.subf %min3A_2151, %max3A_2147 : vector<16xf32>
      %max3A_2155 = arith.constant 0.000000e+00 : f32
      %max3A_2156 = vector.broadcast %max3A_2155 : f32 to vector<16xf32>
      %max3A_2157 = arith.maximumf %sub3A_2154, %max3A_2156 : vector<16xf32>
      %sub3A_2158 = arith.subf %min3A_2153, %max3A_2149 : vector<16xf32>
      %max3A_2159 = arith.constant 0.000000e+00 : f32
      %max3A_2160 = vector.broadcast %max3A_2159 : f32 to vector<16xf32>
      %max3A_2161 = arith.maximumf %sub3A_2158, %max3A_2160 : vector<16xf32>
      %mul3A_2162 = arith.mulf %max3A_2157, %max3A_2161 : vector<16xf32>
      %add3A_2163 = vector.broadcast %scan3A_124 : f32 to vector<16xf32>
      %add3A_2164 = arith.addf %add3A_2163, %get3A_2145 : vector<16xf32>
      %sub3A_2165 = arith.subf %add3A_2164, %mul3A_2162 : vector<16xf32>
      %add3A_2166 = arith.constant 9.99999971E-10 : f32
      %add3A_2167 = vector.broadcast %add3A_2166 : f32 to vector<16xf32>
      %add3A_2168 = arith.addf %sub3A_2165, %add3A_2167 : vector<16xf32>
      %div3A_2169 = arith.divf %mul3A_2162, %add3A_2168 : vector<16xf32>
      %add3A_2170 = arith.constant 512 : i32
      %add3A_2171 = arith.addi %mul3A_21, %add3A_2170 : i32
      %add3A_2172 = vector.broadcast %add3A_2171 : i32 to vector<16xi32>
      %add3A_2173 = arith.addi %add3A_2172, %iota3A : vector<16xi32>
      %gt3A_2174 = arith.constant 4.500000e-01 : f32
      %gt3A_2175 = vector.broadcast %gt3A_2174 : f32 to vector<16xf32>
      %gt3A_2176 = arith.cmpf ogt, %div3A_2169, %gt3A_2175 : vector<16xf32>
      %eq3A_2177 = vector.broadcast %scan3A_125 : i32 to vector<16xi32>
      %eq3A_2178 = arith.cmpi eq, %add3A_2173, %eq3A_2177 : vector<16xi32>
      %or3A_2179 = arith.ori %gt3A_2176, %eq3A_2178 : vector<16xi1>
      %jit3A_2180 = arith.constant 0xFF800000 : f32
      %broadcast_in_dim3A_2181 = vector.broadcast %jit3A_2180 : f32 to vector<16xf32>
      %select_n3A_2182 = arith.select %or3A_2179, %broadcast_in_dim3A_2181, %get3A_2130 : vector<16xi1>, vector<16xf32>
      %swap3A_2183 = arith.constant 512 : index
      %swap3A_2184 = tpu.vector_load %arg4[%swap3A_2183] {strides = array<i32>} : memref<7216xf32, #tpu.memory_space<vmem>>, vector<16xf32>,
      %swap3A_2185 = vector.shape_cast %swap3A_2184 : vector<16xf32> to vector<16xf32>
      %swap3A_2186 = vector.shape_cast %select_n3A_2182 : vector<16xf32> to vector<16xf32>
      tpu.vector_store %arg4[%swap3A_2183], %swap3A_2186 {strides = array<i32>} : memref<7216xf32, #tpu.memory_space<vmem>>, vector<16xf32>,
      %gt3A_2187 = arith.cmpf ogt, %select_n3A_2182, %select_n3A_2126 : vector<16xf32>
      %select_n3A_2188 = arith.select %gt3A_2187, %select_n3A_2182, %select_n3A_2126 : vector<16xi1>, vector<16xf32>
      %select_n3A_2189 = arith.select %gt3A_2187, %add3A_2173, %select_n3A_2127 : vector<16xi1>, vector<16xi32>
      %get3A_2190 = arith.constant 528 : index
      %get3A_2191 = tpu.vector_load %arg4[%get3A_2190] {strides = array<i32>} : memref<7216xf32, #tpu.memory_space<vmem>>, vector<16xf32>,
      %get3A_2192 = vector.shape_cast %get3A_2191 : vector<16xf32> to vector<16xf32>
      %get3A_2193 = arith.constant 1184 : index
      %get3A_2194 = tpu.vector_load %arg4[%get3A_2193] {strides = array<i32>} : memref<7216xf32, #tpu.memory_space<vmem>>, vector<16xf32>,
      %get3A_2195 = vector.shape_cast %get3A_2194 : vector<16xf32> to vector<16xf32>
      %get3A_2196 = arith.constant 1840 : index
      %get3A_2197 = tpu.vector_load %arg4[%get3A_2196] {strides = array<i32>} : memref<7216xf32, #tpu.memory_space<vmem>>, vector<16xf32>,
      %get3A_2198 = vector.shape_cast %get3A_2197 : vector<16xf32> to vector<16xf32>
      %get3A_2199 = arith.constant 2496 : index
      %get3A_2200 = tpu.vector_load %arg4[%get3A_2199] {strides = array<i32>} : memref<7216xf32, #tpu.memory_space<vmem>>, vector<16xf32>,
      %get3A_2201 = vector.shape_cast %get3A_2200 : vector<16xf32> to vector<16xf32>
      %get3A_2202 = arith.constant 3152 : index
      %get3A_2203 = tpu.vector_load %arg4[%get3A_2202] {strides = array<i32>} : memref<7216xf32, #tpu.memory_space<vmem>>, vector<16xf32>,
      %get3A_2204 = vector.shape_cast %get3A_2203 : vector<16xf32> to vector<16xf32>
      %get3A_2205 = arith.constant 3808 : index
      %get3A_2206 = tpu.vector_load %arg4[%get3A_2205] {strides = array<i32>} : memref<7216xf32, #tpu.memory_space<vmem>>, vector<16xf32>,
      %get3A_2207 = vector.shape_cast %get3A_2206 : vector<16xf32> to vector<16xf32>
      %max3A_2208 = vector.broadcast %scan3A_120 : f32 to vector<16xf32>
      %max3A_2209 = arith.maximumf %max3A_2208, %get3A_2195 : vector<16xf32>
      %max3A_2210 = vector.broadcast %scan3A_121 : f32 to vector<16xf32>
      %max3A_2211 = arith.maximumf %max3A_2210, %get3A_2198 : vector<16xf32>
      %min3A_2212 = vector.broadcast %scan3A_122 : f32 to vector<16xf32>
      %min3A_2213 = arith.minimumf %min3A_2212, %get3A_2201 : vector<16xf32>
      %min3A_2214 = vector.broadcast %scan3A_123 : f32 to vector<16xf32>
      %min3A_2215 = arith.minimumf %min3A_2214, %get3A_2204 : vector<16xf32>
      %sub3A_2216 = arith.subf %min3A_2213, %max3A_2209 : vector<16xf32>
      %max3A_2217 = arith.constant 0.000000e+00 : f32
      %max3A_2218 = vector.broadcast %max3A_2217 : f32 to vector<16xf32>
      %max3A_2219 = arith.maximumf %sub3A_2216, %max3A_2218 : vector<16xf32>
      %sub3A_2220 = arith.subf %min3A_2215, %max3A_2211 : vector<16xf32>
      %max3A_2221 = arith.constant 0.000000e+00 : f32
      %max3A_2222 = vector.broadcast %max3A_2221 : f32 to vector<16xf32>
      %max3A_2223 = arith.maximumf %sub3A_2220, %max3A_2222 : vector<16xf32>
      %mul3A_2224 = arith.mulf %max3A_2219, %max3A_2223 : vector<16xf32>
      %add3A_2225 = vector.broadcast %scan3A_124 : f32 to vector<16xf32>
      %add3A_2226 = arith.addf %add3A_2225, %get3A_2207 : vector<16xf32>
      %sub3A_2227 = arith.subf %add3A_2226, %mul3A_2224 : vector<16xf32>
      %add3A_2228 = arith.constant 9.99999971E-10 : f32
      %add3A_2229 = vector.broadcast %add3A_2228 : f32 to vector<16xf32>
      %add3A_2230 = arith.addf %sub3A_2227, %add3A_2229 : vector<16xf32>
      %div3A_2231 = arith.divf %mul3A_2224, %add3A_2230 : vector<16xf32>
      %add3A_2232 = arith.constant 528 : i32
      %add3A_2233 = arith.addi %mul3A_21, %add3A_2232 : i32
      %add3A_2234 = vector.broadcast %add3A_2233 : i32 to vector<16xi32>
      %add3A_2235 = arith.addi %add3A_2234, %iota3A : vector<16xi32>
      %gt3A_2236 = arith.constant 4.500000e-01 : f32
      %gt3A_2237 = vector.broadcast %gt3A_2236 : f32 to vector<16xf32>
      %gt3A_2238 = arith.cmpf ogt, %div3A_2231, %gt3A_2237 : vector<16xf32>
      %eq3A_2239 = vector.broadcast %scan3A_125 : i32 to vector<16xi32>
      %eq3A_2240 = arith.cmpi eq, %add3A_2235, %eq3A_2239 : vector<16xi32>
      %or3A_2241 = arith.ori %gt3A_2238, %eq3A_2240 : vector<16xi1>
      %jit3A_2242 = arith.constant 0xFF800000 : f32
      %broadcast_in_dim3A_2243 = vector.broadcast %jit3A_2242 : f32 to vector<16xf32>
      %select_n3A_2244 = arith.select %or3A_2241, %broadcast_in_dim3A_2243, %get3A_2192 : vector<16xi1>, vector<16xf32>
      %swap3A_2245 = arith.constant 528 : index
      %swap3A_2246 = tpu.vector_load %arg4[%swap3A_2245] {strides = array<i32>} : memref<7216xf32, #tpu.memory_space<vmem>>, vector<16xf32>,
      %swap3A_2247 = vector.shape_cast %swap3A_2246 : vector<16xf32> to vector<16xf32>
      %swap3A_2248 = vector.shape_cast %select_n3A_2244 : vector<16xf32> to vector<16xf32>
      tpu.vector_store %arg4[%swap3A_2245], %swap3A_2248 {strides = array<i32>} : memref<7216xf32, #tpu.memory_space<vmem>>, vector<16xf32>,
      %gt3A_2249 = arith.cmpf ogt, %select_n3A_2244, %select_n3A_2188 : vector<16xf32>
      %select_n3A_2250 = arith.select %gt3A_2249, %select_n3A_2244, %select_n3A_2188 : vector<16xi1>, vector<16xf32>
      %select_n3A_2251 = arith.select %gt3A_2249, %add3A_2235, %select_n3A_2189 : vector<16xi1>, vector<16xi32>
      %get3A_2252 = arith.constant 544 : index
      %get3A_2253 = tpu.vector_load %arg4[%get3A_2252] {strides = array<i32>} : memref<7216xf32, #tpu.memory_space<vmem>>, vector<16xf32>,
      %get3A_2254 = vector.shape_cast %get3A_2253 : vector<16xf32> to vector<16xf32>
      %get3A_2255 = arith.constant 1200 : index
      %get3A_2256 = tpu.vector_load %arg4[%get3A_2255] {strides = array<i32>} : memref<7216xf32, #tpu.memory_space<vmem>>, vector<16xf32>,
      %get3A_2257 = vector.shape_cast %get3A_2256 : vector<16xf32> to vector<16xf32>
      %get3A_2258 = arith.constant 1856 : index
      %get3A_2259 = tpu.vector_load %arg4[%get3A_2258] {strides = array<i32>} : memref<7216xf32, #tpu.memory_space<vmem>>, vector<16xf32>,
      %get3A_2260 = vector.shape_cast %get3A_2259 : vector<16xf32> to vector<16xf32>
      %get3A_2261 = arith.constant 2512 : index
      %get3A_2262 = tpu.vector_load %arg4[%get3A_2261] {strides = array<i32>} : memref<7216xf32, #tpu.memory_space<vmem>>, vector<16xf32>,
      %get3A_2263 = vector.shape_cast %get3A_2262 : vector<16xf32> to vector<16xf32>
      %get3A_2264 = arith.constant 3168 : index
      %get3A_2265 = tpu.vector_load %arg4[%get3A_2264] {strides = array<i32>} : memref<7216xf32, #tpu.memory_space<vmem>>, vector<16xf32>,
      %get3A_2266 = vector.shape_cast %get3A_2265 : vector<16xf32> to vector<16xf32>
      %get3A_2267 = arith.constant 3824 : index
      %get3A_2268 = tpu.vector_load %arg4[%get3A_2267] {strides = array<i32>} : memref<7216xf32, #tpu.memory_space<vmem>>, vector<16xf32>,
      %get3A_2269 = vector.shape_cast %get3A_2268 : vector<16xf32> to vector<16xf32>
      %max3A_2270 = vector.broadcast %scan3A_120 : f32 to vector<16xf32>
      %max3A_2271 = arith.maximumf %max3A_2270, %get3A_2257 : vector<16xf32>
      %max3A_2272 = vector.broadcast %scan3A_121 : f32 to vector<16xf32>
      %max3A_2273 = arith.maximumf %max3A_2272, %get3A_2260 : vector<16xf32>
      %min3A_2274 = vector.broadcast %scan3A_122 : f32 to vector<16xf32>
      %min3A_2275 = arith.minimumf %min3A_2274, %get3A_2263 : vector<16xf32>
      %min3A_2276 = vector.broadcast %scan3A_123 : f32 to vector<16xf32>
      %min3A_2277 = arith.minimumf %min3A_2276, %get3A_2266 : vector<16xf32>
      %sub3A_2278 = arith.subf %min3A_2275, %max3A_2271 : vector<16xf32>
      %max3A_2279 = arith.constant 0.000000e+00 : f32
      %max3A_2280 = vector.broadcast %max3A_2279 : f32 to vector<16xf32>
      %max3A_2281 = arith.maximumf %sub3A_2278, %max3A_2280 : vector<16xf32>
      %sub3A_2282 = arith.subf %min3A_2277, %max3A_2273 : vector<16xf32>
      %max3A_2283 = arith.constant 0.000000e+00 : f32
      %max3A_2284 = vector.broadcast %max3A_2283 : f32 to vector<16xf32>
      %max3A_2285 = arith.maximumf %sub3A_2282, %max3A_2284 : vector<16xf32>
      %mul3A_2286 = arith.mulf %max3A_2281, %max3A_2285 : vector<16xf32>
      %add3A_2287 = vector.broadcast %scan3A_124 : f32 to vector<16xf32>
      %add3A_2288 = arith.addf %add3A_2287, %get3A_2269 : vector<16xf32>
      %sub3A_2289 = arith.subf %add3A_2288, %mul3A_2286 : vector<16xf32>
      %add3A_2290 = arith.constant 9.99999971E-10 : f32
      %add3A_2291 = vector.broadcast %add3A_2290 : f32 to vector<16xf32>
      %add3A_2292 = arith.addf %sub3A_2289, %add3A_2291 : vector<16xf32>
      %div3A_2293 = arith.divf %mul3A_2286, %add3A_2292 : vector<16xf32>
      %add3A_2294 = arith.constant 544 : i32
      %add3A_2295 = arith.addi %mul3A_21, %add3A_2294 : i32
      %add3A_2296 = vector.broadcast %add3A_2295 : i32 to vector<16xi32>
      %add3A_2297 = arith.addi %add3A_2296, %iota3A : vector<16xi32>
      %gt3A_2298 = arith.constant 4.500000e-01 : f32
      %gt3A_2299 = vector.broadcast %gt3A_2298 : f32 to vector<16xf32>
      %gt3A_2300 = arith.cmpf ogt, %div3A_2293, %gt3A_2299 : vector<16xf32>
      %eq3A_2301 = vector.broadcast %scan3A_125 : i32 to vector<16xi32>
      %eq3A_2302 = arith.cmpi eq, %add3A_2297, %eq3A_2301 : vector<16xi32>
      %or3A_2303 = arith.ori %gt3A_2300, %eq3A_2302 : vector<16xi1>
      %jit3A_2304 = arith.constant 0xFF800000 : f32
      %broadcast_in_dim3A_2305 = vector.broadcast %jit3A_2304 : f32 to vector<16xf32>
      %select_n3A_2306 = arith.select %or3A_2303, %broadcast_in_dim3A_2305, %get3A_2254 : vector<16xi1>, vector<16xf32>
      %swap3A_2307 = arith.constant 544 : index
      %swap3A_2308 = tpu.vector_load %arg4[%swap3A_2307] {strides = array<i32>} : memref<7216xf32, #tpu.memory_space<vmem>>, vector<16xf32>,
      %swap3A_2309 = vector.shape_cast %swap3A_2308 : vector<16xf32> to vector<16xf32>
      %swap3A_2310 = vector.shape_cast %select_n3A_2306 : vector<16xf32> to vector<16xf32>
      tpu.vector_store %arg4[%swap3A_2307], %swap3A_2310 {strides = array<i32>} : memref<7216xf32, #tpu.memory_space<vmem>>, vector<16xf32>,
      %gt3A_2311 = arith.cmpf ogt, %select_n3A_2306, %select_n3A_2250 : vector<16xf32>
      %select_n3A_2312 = arith.select %gt3A_2311, %select_n3A_2306, %select_n3A_2250 : vector<16xi1>, vector<16xf32>
      %select_n3A_2313 = arith.select %gt3A_2311, %add3A_2297, %select_n3A_2251 : vector<16xi1>, vector<16xi32>
      %get3A_2314 = arith.constant 560 : index
      %get3A_2315 = tpu.vector_load %arg4[%get3A_2314] {strides = array<i32>} : memref<7216xf32, #tpu.memory_space<vmem>>, vector<16xf32>,
      %get3A_2316 = vector.shape_cast %get3A_2315 : vector<16xf32> to vector<16xf32>
      %get3A_2317 = arith.constant 1216 : index
      %get3A_2318 = tpu.vector_load %arg4[%get3A_2317] {strides = array<i32>} : memref<7216xf32, #tpu.memory_space<vmem>>, vector<16xf32>,
      %get3A_2319 = vector.shape_cast %get3A_2318 : vector<16xf32> to vector<16xf32>
      %get3A_2320 = arith.constant 1872 : index
      %get3A_2321 = tpu.vector_load %arg4[%get3A_2320] {strides = array<i32>} : memref<7216xf32, #tpu.memory_space<vmem>>, vector<16xf32>,
      %get3A_2322 = vector.shape_cast %get3A_2321 : vector<16xf32> to vector<16xf32>
      %get3A_2323 = arith.constant 2528 : index
      %get3A_2324 = tpu.vector_load %arg4[%get3A_2323] {strides = array<i32>} : memref<7216xf32, #tpu.memory_space<vmem>>, vector<16xf32>,
      %get3A_2325 = vector.shape_cast %get3A_2324 : vector<16xf32> to vector<16xf32>
      %get3A_2326 = arith.constant 3184 : index
      %get3A_2327 = tpu.vector_load %arg4[%get3A_2326] {strides = array<i32>} : memref<7216xf32, #tpu.memory_space<vmem>>, vector<16xf32>,
      %get3A_2328 = vector.shape_cast %get3A_2327 : vector<16xf32> to vector<16xf32>
      %get3A_2329 = arith.constant 3840 : index
      %get3A_2330 = tpu.vector_load %arg4[%get3A_2329] {strides = array<i32>} : memref<7216xf32, #tpu.memory_space<vmem>>, vector<16xf32>,
      %get3A_2331 = vector.shape_cast %get3A_2330 : vector<16xf32> to vector<16xf32>
      %max3A_2332 = vector.broadcast %scan3A_120 : f32 to vector<16xf32>
      %max3A_2333 = arith.maximumf %max3A_2332, %get3A_2319 : vector<16xf32>
      %max3A_2334 = vector.broadcast %scan3A_121 : f32 to vector<16xf32>
      %max3A_2335 = arith.maximumf %max3A_2334, %get3A_2322 : vector<16xf32>
      %min3A_2336 = vector.broadcast %scan3A_122 : f32 to vector<16xf32>
      %min3A_2337 = arith.minimumf %min3A_2336, %get3A_2325 : vector<16xf32>
      %min3A_2338 = vector.broadcast %scan3A_123 : f32 to vector<16xf32>
      %min3A_2339 = arith.minimumf %min3A_2338, %get3A_2328 : vector<16xf32>
      %sub3A_2340 = arith.subf %min3A_2337, %max3A_2333 : vector<16xf32>
      %max3A_2341 = arith.constant 0.000000e+00 : f32
      %max3A_2342 = vector.broadcast %max3A_2341 : f32 to vector<16xf32>
      %max3A_2343 = arith.maximumf %sub3A_2340, %max3A_2342 : vector<16xf32>
      %sub3A_2344 = arith.subf %min3A_2339, %max3A_2335 : vector<16xf32>
      %max3A_2345 = arith.constant 0.000000e+00 : f32
      %max3A_2346 = vector.broadcast %max3A_2345 : f32 to vector<16xf32>
      %max3A_2347 = arith.maximumf %sub3A_2344, %max3A_2346 : vector<16xf32>
      %mul3A_2348 = arith.mulf %max3A_2343, %max3A_2347 : vector<16xf32>
      %add3A_2349 = vector.broadcast %scan3A_124 : f32 to vector<16xf32>
      %add3A_2350 = arith.addf %add3A_2349, %get3A_2331 : vector<16xf32>
      %sub3A_2351 = arith.subf %add3A_2350, %mul3A_2348 : vector<16xf32>
      %add3A_2352 = arith.constant 9.99999971E-10 : f32
      %add3A_2353 = vector.broadcast %add3A_2352 : f32 to vector<16xf32>
      %add3A_2354 = arith.addf %sub3A_2351, %add3A_2353 : vector<16xf32>
      %div3A_2355 = arith.divf %mul3A_2348, %add3A_2354 : vector<16xf32>
      %add3A_2356 = arith.constant 560 : i32
      %add3A_2357 = arith.addi %mul3A_21, %add3A_2356 : i32
      %add3A_2358 = vector.broadcast %add3A_2357 : i32 to vector<16xi32>
      %add3A_2359 = arith.addi %add3A_2358, %iota3A : vector<16xi32>
      %gt3A_2360 = arith.constant 4.500000e-01 : f32
      %gt3A_2361 = vector.broadcast %gt3A_2360 : f32 to vector<16xf32>
      %gt3A_2362 = arith.cmpf ogt, %div3A_2355, %gt3A_2361 : vector<16xf32>
      %eq3A_2363 = vector.broadcast %scan3A_125 : i32 to vector<16xi32>
      %eq3A_2364 = arith.cmpi eq, %add3A_2359, %eq3A_2363 : vector<16xi32>
      %or3A_2365 = arith.ori %gt3A_2362, %eq3A_2364 : vector<16xi1>
      %jit3A_2366 = arith.constant 0xFF800000 : f32
      %broadcast_in_dim3A_2367 = vector.broadcast %jit3A_2366 : f32 to vector<16xf32>
      %select_n3A_2368 = arith.select %or3A_2365, %broadcast_in_dim3A_2367, %get3A_2316 : vector<16xi1>, vector<16xf32>
      %swap3A_2369 = arith.constant 560 : index
      %swap3A_2370 = tpu.vector_load %arg4[%swap3A_2369] {strides = array<i32>} : memref<7216xf32, #tpu.memory_space<vmem>>, vector<16xf32>,
      %swap3A_2371 = vector.shape_cast %swap3A_2370 : vector<16xf32> to vector<16xf32>
      %swap3A_2372 = vector.shape_cast %select_n3A_2368 : vector<16xf32> to vector<16xf32>
      tpu.vector_store %arg4[%swap3A_2369], %swap3A_2372 {strides = array<i32>} : memref<7216xf32, #tpu.memory_space<vmem>>, vector<16xf32>,
      %gt3A_2373 = arith.cmpf ogt, %select_n3A_2368, %select_n3A_2312 : vector<16xf32>
      %select_n3A_2374 = arith.select %gt3A_2373, %select_n3A_2368, %select_n3A_2312 : vector<16xi1>, vector<16xf32>
      %select_n3A_2375 = arith.select %gt3A_2373, %add3A_2359, %select_n3A_2313 : vector<16xi1>, vector<16xi32>
      %get3A_2376 = arith.constant 576 : index
      %get3A_2377 = tpu.vector_load %arg4[%get3A_2376] {strides = array<i32>} : memref<7216xf32, #tpu.memory_space<vmem>>, vector<16xf32>,
      %get3A_2378 = vector.shape_cast %get3A_2377 : vector<16xf32> to vector<16xf32>
      %get3A_2379 = arith.constant 1232 : index
      %get3A_2380 = tpu.vector_load %arg4[%get3A_2379] {strides = array<i32>} : memref<7216xf32, #tpu.memory_space<vmem>>, vector<16xf32>,
      %get3A_2381 = vector.shape_cast %get3A_2380 : vector<16xf32> to vector<16xf32>
      %get3A_2382 = arith.constant 1888 : index
      %get3A_2383 = tpu.vector_load %arg4[%get3A_2382] {strides = array<i32>} : memref<7216xf32, #tpu.memory_space<vmem>>, vector<16xf32>,
      %get3A_2384 = vector.shape_cast %get3A_2383 : vector<16xf32> to vector<16xf32>
      %get3A_2385 = arith.constant 2544 : index
      %get3A_2386 = tpu.vector_load %arg4[%get3A_2385] {strides = array<i32>} : memref<7216xf32, #tpu.memory_space<vmem>>, vector<16xf32>,
      %get3A_2387 = vector.shape_cast %get3A_2386 : vector<16xf32> to vector<16xf32>
      %get3A_2388 = arith.constant 3200 : index
      %get3A_2389 = tpu.vector_load %arg4[%get3A_2388] {strides = array<i32>} : memref<7216xf32, #tpu.memory_space<vmem>>, vector<16xf32>,
      %get3A_2390 = vector.shape_cast %get3A_2389 : vector<16xf32> to vector<16xf32>
      %get3A_2391 = arith.constant 3856 : index
      %get3A_2392 = tpu.vector_load %arg4[%get3A_2391] {strides = array<i32>} : memref<7216xf32, #tpu.memory_space<vmem>>, vector<16xf32>,
      %get3A_2393 = vector.shape_cast %get3A_2392 : vector<16xf32> to vector<16xf32>
      %max3A_2394 = vector.broadcast %scan3A_120 : f32 to vector<16xf32>
      %max3A_2395 = arith.maximumf %max3A_2394, %get3A_2381 : vector<16xf32>
      %max3A_2396 = vector.broadcast %scan3A_121 : f32 to vector<16xf32>
      %max3A_2397 = arith.maximumf %max3A_2396, %get3A_2384 : vector<16xf32>
      %min3A_2398 = vector.broadcast %scan3A_122 : f32 to vector<16xf32>
      %min3A_2399 = arith.minimumf %min3A_2398, %get3A_2387 : vector<16xf32>
      %min3A_2400 = vector.broadcast %scan3A_123 : f32 to vector<16xf32>
      %min3A_2401 = arith.minimumf %min3A_2400, %get3A_2390 : vector<16xf32>
      %sub3A_2402 = arith.subf %min3A_2399, %max3A_2395 : vector<16xf32>
      %max3A_2403 = arith.constant 0.000000e+00 : f32
      %max3A_2404 = vector.broadcast %max3A_2403 : f32 to vector<16xf32>
      %max3A_2405 = arith.maximumf %sub3A_2402, %max3A_2404 : vector<16xf32>
      %sub3A_2406 = arith.subf %min3A_2401, %max3A_2397 : vector<16xf32>
      %max3A_2407 = arith.constant 0.000000e+00 : f32
      %max3A_2408 = vector.broadcast %max3A_2407 : f32 to vector<16xf32>
      %max3A_2409 = arith.maximumf %sub3A_2406, %max3A_2408 : vector<16xf32>
      %mul3A_2410 = arith.mulf %max3A_2405, %max3A_2409 : vector<16xf32>
      %add3A_2411 = vector.broadcast %scan3A_124 : f32 to vector<16xf32>
      %add3A_2412 = arith.addf %add3A_2411, %get3A_2393 : vector<16xf32>
      %sub3A_2413 = arith.subf %add3A_2412, %mul3A_2410 : vector<16xf32>
      %add3A_2414 = arith.constant 9.99999971E-10 : f32
      %add3A_2415 = vector.broadcast %add3A_2414 : f32 to vector<16xf32>
      %add3A_2416 = arith.addf %sub3A_2413, %add3A_2415 : vector<16xf32>
      %div3A_2417 = arith.divf %mul3A_2410, %add3A_2416 : vector<16xf32>
      %add3A_2418 = arith.constant 576 : i32
      %add3A_2419 = arith.addi %mul3A_21, %add3A_2418 : i32
      %add3A_2420 = vector.broadcast %add3A_2419 : i32 to vector<16xi32>
      %add3A_2421 = arith.addi %add3A_2420, %iota3A : vector<16xi32>
      %gt3A_2422 = arith.constant 4.500000e-01 : f32
      %gt3A_2423 = vector.broadcast %gt3A_2422 : f32 to vector<16xf32>
      %gt3A_2424 = arith.cmpf ogt, %div3A_2417, %gt3A_2423 : vector<16xf32>
      %eq3A_2425 = vector.broadcast %scan3A_125 : i32 to vector<16xi32>
      %eq3A_2426 = arith.cmpi eq, %add3A_2421, %eq3A_2425 : vector<16xi32>
      %or3A_2427 = arith.ori %gt3A_2424, %eq3A_2426 : vector<16xi1>
      %jit3A_2428 = arith.constant 0xFF800000 : f32
      %broadcast_in_dim3A_2429 = vector.broadcast %jit3A_2428 : f32 to vector<16xf32>
      %select_n3A_2430 = arith.select %or3A_2427, %broadcast_in_dim3A_2429, %get3A_2378 : vector<16xi1>, vector<16xf32>
      %swap3A_2431 = arith.constant 576 : index
      %swap3A_2432 = tpu.vector_load %arg4[%swap3A_2431] {strides = array<i32>} : memref<7216xf32, #tpu.memory_space<vmem>>, vector<16xf32>,
      %swap3A_2433 = vector.shape_cast %swap3A_2432 : vector<16xf32> to vector<16xf32>
      %swap3A_2434 = vector.shape_cast %select_n3A_2430 : vector<16xf32> to vector<16xf32>
      tpu.vector_store %arg4[%swap3A_2431], %swap3A_2434 {strides = array<i32>} : memref<7216xf32, #tpu.memory_space<vmem>>, vector<16xf32>,
      %gt3A_2435 = arith.cmpf ogt, %select_n3A_2430, %select_n3A_2374 : vector<16xf32>
      %select_n3A_2436 = arith.select %gt3A_2435, %select_n3A_2430, %select_n3A_2374 : vector<16xi1>, vector<16xf32>
      %select_n3A_2437 = arith.select %gt3A_2435, %add3A_2421, %select_n3A_2375 : vector<16xi1>, vector<16xi32>
      %get3A_2438 = arith.constant 592 : index
      %get3A_2439 = tpu.vector_load %arg4[%get3A_2438] {strides = array<i32>} : memref<7216xf32, #tpu.memory_space<vmem>>, vector<16xf32>,
      %get3A_2440 = vector.shape_cast %get3A_2439 : vector<16xf32> to vector<16xf32>
      %get3A_2441 = arith.constant 1248 : index
      %get3A_2442 = tpu.vector_load %arg4[%get3A_2441] {strides = array<i32>} : memref<7216xf32, #tpu.memory_space<vmem>>, vector<16xf32>,
      %get3A_2443 = vector.shape_cast %get3A_2442 : vector<16xf32> to vector<16xf32>
      %get3A_2444 = arith.constant 1904 : index
      %get3A_2445 = tpu.vector_load %arg4[%get3A_2444] {strides = array<i32>} : memref<7216xf32, #tpu.memory_space<vmem>>, vector<16xf32>,
      %get3A_2446 = vector.shape_cast %get3A_2445 : vector<16xf32> to vector<16xf32>
      %get3A_2447 = arith.constant 2560 : index
      %get3A_2448 = tpu.vector_load %arg4[%get3A_2447] {strides = array<i32>} : memref<7216xf32, #tpu.memory_space<vmem>>, vector<16xf32>,
      %get3A_2449 = vector.shape_cast %get3A_2448 : vector<16xf32> to vector<16xf32>
      %get3A_2450 = arith.constant 3216 : index
      %get3A_2451 = tpu.vector_load %arg4[%get3A_2450] {strides = array<i32>} : memref<7216xf32, #tpu.memory_space<vmem>>, vector<16xf32>,
      %get3A_2452 = vector.shape_cast %get3A_2451 : vector<16xf32> to vector<16xf32>
      %get3A_2453 = arith.constant 3872 : index
      %get3A_2454 = tpu.vector_load %arg4[%get3A_2453] {strides = array<i32>} : memref<7216xf32, #tpu.memory_space<vmem>>, vector<16xf32>,
      %get3A_2455 = vector.shape_cast %get3A_2454 : vector<16xf32> to vector<16xf32>
      %max3A_2456 = vector.broadcast %scan3A_120 : f32 to vector<16xf32>
      %max3A_2457 = arith.maximumf %max3A_2456, %get3A_2443 : vector<16xf32>
      %max3A_2458 = vector.broadcast %scan3A_121 : f32 to vector<16xf32>
      %max3A_2459 = arith.maximumf %max3A_2458, %get3A_2446 : vector<16xf32>
      %min3A_2460 = vector.broadcast %scan3A_122 : f32 to vector<16xf32>
      %min3A_2461 = arith.minimumf %min3A_2460, %get3A_2449 : vector<16xf32>
      %min3A_2462 = vector.broadcast %scan3A_123 : f32 to vector<16xf32>
      %min3A_2463 = arith.minimumf %min3A_2462, %get3A_2452 : vector<16xf32>
      %sub3A_2464 = arith.subf %min3A_2461, %max3A_2457 : vector<16xf32>
      %max3A_2465 = arith.constant 0.000000e+00 : f32
      %max3A_2466 = vector.broadcast %max3A_2465 : f32 to vector<16xf32>
      %max3A_2467 = arith.maximumf %sub3A_2464, %max3A_2466 : vector<16xf32>
      %sub3A_2468 = arith.subf %min3A_2463, %max3A_2459 : vector<16xf32>
      %max3A_2469 = arith.constant 0.000000e+00 : f32
      %max3A_2470 = vector.broadcast %max3A_2469 : f32 to vector<16xf32>
      %max3A_2471 = arith.maximumf %sub3A_2468, %max3A_2470 : vector<16xf32>
      %mul3A_2472 = arith.mulf %max3A_2467, %max3A_2471 : vector<16xf32>
      %add3A_2473 = vector.broadcast %scan3A_124 : f32 to vector<16xf32>
      %add3A_2474 = arith.addf %add3A_2473, %get3A_2455 : vector<16xf32>
      %sub3A_2475 = arith.subf %add3A_2474, %mul3A_2472 : vector<16xf32>
      %add3A_2476 = arith.constant 9.99999971E-10 : f32
      %add3A_2477 = vector.broadcast %add3A_2476 : f32 to vector<16xf32>
      %add3A_2478 = arith.addf %sub3A_2475, %add3A_2477 : vector<16xf32>
      %div3A_2479 = arith.divf %mul3A_2472, %add3A_2478 : vector<16xf32>
      %add3A_2480 = arith.constant 592 : i32
      %add3A_2481 = arith.addi %mul3A_21, %add3A_2480 : i32
      %add3A_2482 = vector.broadcast %add3A_2481 : i32 to vector<16xi32>
      %add3A_2483 = arith.addi %add3A_2482, %iota3A : vector<16xi32>
      %gt3A_2484 = arith.constant 4.500000e-01 : f32
      %gt3A_2485 = vector.broadcast %gt3A_2484 : f32 to vector<16xf32>
      %gt3A_2486 = arith.cmpf ogt, %div3A_2479, %gt3A_2485 : vector<16xf32>
      %eq3A_2487 = vector.broadcast %scan3A_125 : i32 to vector<16xi32>
      %eq3A_2488 = arith.cmpi eq, %add3A_2483, %eq3A_2487 : vector<16xi32>
      %or3A_2489 = arith.ori %gt3A_2486, %eq3A_2488 : vector<16xi1>
      %jit3A_2490 = arith.constant 0xFF800000 : f32
      %broadcast_in_dim3A_2491 = vector.broadcast %jit3A_2490 : f32 to vector<16xf32>
      %select_n3A_2492 = arith.select %or3A_2489, %broadcast_in_dim3A_2491, %get3A_2440 : vector<16xi1>, vector<16xf32>
      %swap3A_2493 = arith.constant 592 : index
      %swap3A_2494 = tpu.vector_load %arg4[%swap3A_2493] {strides = array<i32>} : memref<7216xf32, #tpu.memory_space<vmem>>, vector<16xf32>,
      %swap3A_2495 = vector.shape_cast %swap3A_2494 : vector<16xf32> to vector<16xf32>
      %swap3A_2496 = vector.shape_cast %select_n3A_2492 : vector<16xf32> to vector<16xf32>
      tpu.vector_store %arg4[%swap3A_2493], %swap3A_2496 {strides = array<i32>} : memref<7216xf32, #tpu.memory_space<vmem>>, vector<16xf32>,
      %gt3A_2497 = arith.cmpf ogt, %select_n3A_2492, %select_n3A_2436 : vector<16xf32>
      %select_n3A_2498 = arith.select %gt3A_2497, %select_n3A_2492, %select_n3A_2436 : vector<16xi1>, vector<16xf32>
      %select_n3A_2499 = arith.select %gt3A_2497, %add3A_2483, %select_n3A_2437 : vector<16xi1>, vector<16xi32>
      %get3A_2500 = arith.constant 608 : index
      %get3A_2501 = tpu.vector_load %arg4[%get3A_2500] {strides = array<i32>} : memref<7216xf32, #tpu.memory_space<vmem>>, vector<16xf32>,
      %get3A_2502 = vector.shape_cast %get3A_2501 : vector<16xf32> to vector<16xf32>
      %get3A_2503 = arith.constant 1264 : index
      %get3A_2504 = tpu.vector_load %arg4[%get3A_2503] {strides = array<i32>} : memref<7216xf32, #tpu.memory_space<vmem>>, vector<16xf32>,
      %get3A_2505 = vector.shape_cast %get3A_2504 : vector<16xf32> to vector<16xf32>
      %get3A_2506 = arith.constant 1920 : index
      %get3A_2507 = tpu.vector_load %arg4[%get3A_2506] {strides = array<i32>} : memref<7216xf32, #tpu.memory_space<vmem>>, vector<16xf32>,
      %get3A_2508 = vector.shape_cast %get3A_2507 : vector<16xf32> to vector<16xf32>
      %get3A_2509 = arith.constant 2576 : index
      %get3A_2510 = tpu.vector_load %arg4[%get3A_2509] {strides = array<i32>} : memref<7216xf32, #tpu.memory_space<vmem>>, vector<16xf32>,
      %get3A_2511 = vector.shape_cast %get3A_2510 : vector<16xf32> to vector<16xf32>
      %get3A_2512 = arith.constant 3232 : index
      %get3A_2513 = tpu.vector_load %arg4[%get3A_2512] {strides = array<i32>} : memref<7216xf32, #tpu.memory_space<vmem>>, vector<16xf32>,
      %get3A_2514 = vector.shape_cast %get3A_2513 : vector<16xf32> to vector<16xf32>
      %get3A_2515 = arith.constant 3888 : index
      %get3A_2516 = tpu.vector_load %arg4[%get3A_2515] {strides = array<i32>} : memref<7216xf32, #tpu.memory_space<vmem>>, vector<16xf32>,
      %get3A_2517 = vector.shape_cast %get3A_2516 : vector<16xf32> to vector<16xf32>
      %max3A_2518 = vector.broadcast %scan3A_120 : f32 to vector<16xf32>
      %max3A_2519 = arith.maximumf %max3A_2518, %get3A_2505 : vector<16xf32>
      %max3A_2520 = vector.broadcast %scan3A_121 : f32 to vector<16xf32>
      %max3A_2521 = arith.maximumf %max3A_2520, %get3A_2508 : vector<16xf32>
      %min3A_2522 = vector.broadcast %scan3A_122 : f32 to vector<16xf32>
      %min3A_2523 = arith.minimumf %min3A_2522, %get3A_2511 : vector<16xf32>
      %min3A_2524 = vector.broadcast %scan3A_123 : f32 to vector<16xf32>
      %min3A_2525 = arith.minimumf %min3A_2524, %get3A_2514 : vector<16xf32>
      %sub3A_2526 = arith.subf %min3A_2523, %max3A_2519 : vector<16xf32>
      %max3A_2527 = arith.constant 0.000000e+00 : f32
      %max3A_2528 = vector.broadcast %max3A_2527 : f32 to vector<16xf32>
      %max3A_2529 = arith.maximumf %sub3A_2526, %max3A_2528 : vector<16xf32>
      %sub3A_2530 = arith.subf %min3A_2525, %max3A_2521 : vector<16xf32>
      %max3A_2531 = arith.constant 0.000000e+00 : f32
      %max3A_2532 = vector.broadcast %max3A_2531 : f32 to vector<16xf32>
      %max3A_2533 = arith.maximumf %sub3A_2530, %max3A_2532 : vector<16xf32>
      %mul3A_2534 = arith.mulf %max3A_2529, %max3A_2533 : vector<16xf32>
      %add3A_2535 = vector.broadcast %scan3A_124 : f32 to vector<16xf32>
      %add3A_2536 = arith.addf %add3A_2535, %get3A_2517 : vector<16xf32>
      %sub3A_2537 = arith.subf %add3A_2536, %mul3A_2534 : vector<16xf32>
      %add3A_2538 = arith.constant 9.99999971E-10 : f32
      %add3A_2539 = vector.broadcast %add3A_2538 : f32 to vector<16xf32>
      %add3A_2540 = arith.addf %sub3A_2537, %add3A_2539 : vector<16xf32>
      %div3A_2541 = arith.divf %mul3A_2534, %add3A_2540 : vector<16xf32>
      %add3A_2542 = arith.constant 608 : i32
      %add3A_2543 = arith.addi %mul3A_21, %add3A_2542 : i32
      %add3A_2544 = vector.broadcast %add3A_2543 : i32 to vector<16xi32>
      %add3A_2545 = arith.addi %add3A_2544, %iota3A : vector<16xi32>
      %gt3A_2546 = arith.constant 4.500000e-01 : f32
      %gt3A_2547 = vector.broadcast %gt3A_2546 : f32 to vector<16xf32>
      %gt3A_2548 = arith.cmpf ogt, %div3A_2541, %gt3A_2547 : vector<16xf32>
      %eq3A_2549 = vector.broadcast %scan3A_125 : i32 to vector<16xi32>
      %eq3A_2550 = arith.cmpi eq, %add3A_2545, %eq3A_2549 : vector<16xi32>
      %or3A_2551 = arith.ori %gt3A_2548, %eq3A_2550 : vector<16xi1>
      %jit3A_2552 = arith.constant 0xFF800000 : f32
      %broadcast_in_dim3A_2553 = vector.broadcast %jit3A_2552 : f32 to vector<16xf32>
      %select_n3A_2554 = arith.select %or3A_2551, %broadcast_in_dim3A_2553, %get3A_2502 : vector<16xi1>, vector<16xf32>
      %swap3A_2555 = arith.constant 608 : index
      %swap3A_2556 = tpu.vector_load %arg4[%swap3A_2555] {strides = array<i32>} : memref<7216xf32, #tpu.memory_space<vmem>>, vector<16xf32>,
      %swap3A_2557 = vector.shape_cast %swap3A_2556 : vector<16xf32> to vector<16xf32>
      %swap3A_2558 = vector.shape_cast %select_n3A_2554 : vector<16xf32> to vector<16xf32>
      tpu.vector_store %arg4[%swap3A_2555], %swap3A_2558 {strides = array<i32>} : memref<7216xf32, #tpu.memory_space<vmem>>, vector<16xf32>,
      %gt3A_2559 = arith.cmpf ogt, %select_n3A_2554, %select_n3A_2498 : vector<16xf32>
      %select_n3A_2560 = arith.select %gt3A_2559, %select_n3A_2554, %select_n3A_2498 : vector<16xi1>, vector<16xf32>
      %select_n3A_2561 = arith.select %gt3A_2559, %add3A_2545, %select_n3A_2499 : vector<16xi1>, vector<16xi32>
      %get3A_2562 = arith.constant 624 : index
      %get3A_2563 = tpu.vector_load %arg4[%get3A_2562] {strides = array<i32>} : memref<7216xf32, #tpu.memory_space<vmem>>, vector<16xf32>,
      %get3A_2564 = vector.shape_cast %get3A_2563 : vector<16xf32> to vector<16xf32>
      %get3A_2565 = arith.constant 1280 : index
      %get3A_2566 = tpu.vector_load %arg4[%get3A_2565] {strides = array<i32>} : memref<7216xf32, #tpu.memory_space<vmem>>, vector<16xf32>,
      %get3A_2567 = vector.shape_cast %get3A_2566 : vector<16xf32> to vector<16xf32>
      %get3A_2568 = arith.constant 1936 : index
      %get3A_2569 = tpu.vector_load %arg4[%get3A_2568] {strides = array<i32>} : memref<7216xf32, #tpu.memory_space<vmem>>, vector<16xf32>,
      %get3A_2570 = vector.shape_cast %get3A_2569 : vector<16xf32> to vector<16xf32>
      %get3A_2571 = arith.constant 2592 : index
      %get3A_2572 = tpu.vector_load %arg4[%get3A_2571] {strides = array<i32>} : memref<7216xf32, #tpu.memory_space<vmem>>, vector<16xf32>,
      %get3A_2573 = vector.shape_cast %get3A_2572 : vector<16xf32> to vector<16xf32>
      %get3A_2574 = arith.constant 3248 : index
      %get3A_2575 = tpu.vector_load %arg4[%get3A_2574] {strides = array<i32>} : memref<7216xf32, #tpu.memory_space<vmem>>, vector<16xf32>,
      %get3A_2576 = vector.shape_cast %get3A_2575 : vector<16xf32> to vector<16xf32>
      %get3A_2577 = arith.constant 3904 : index
      %get3A_2578 = tpu.vector_load %arg4[%get3A_2577] {strides = array<i32>} : memref<7216xf32, #tpu.memory_space<vmem>>, vector<16xf32>,
      %get3A_2579 = vector.shape_cast %get3A_2578 : vector<16xf32> to vector<16xf32>
      %max3A_2580 = vector.broadcast %scan3A_120 : f32 to vector<16xf32>
      %max3A_2581 = arith.maximumf %max3A_2580, %get3A_2567 : vector<16xf32>
      %max3A_2582 = vector.broadcast %scan3A_121 : f32 to vector<16xf32>
      %max3A_2583 = arith.maximumf %max3A_2582, %get3A_2570 : vector<16xf32>
      %min3A_2584 = vector.broadcast %scan3A_122 : f32 to vector<16xf32>
      %min3A_2585 = arith.minimumf %min3A_2584, %get3A_2573 : vector<16xf32>
      %min3A_2586 = vector.broadcast %scan3A_123 : f32 to vector<16xf32>
      %min3A_2587 = arith.minimumf %min3A_2586, %get3A_2576 : vector<16xf32>
      %sub3A_2588 = arith.subf %min3A_2585, %max3A_2581 : vector<16xf32>
      %max3A_2589 = arith.constant 0.000000e+00 : f32
      %max3A_2590 = vector.broadcast %max3A_2589 : f32 to vector<16xf32>
      %max3A_2591 = arith.maximumf %sub3A_2588, %max3A_2590 : vector<16xf32>
      %sub3A_2592 = arith.subf %min3A_2587, %max3A_2583 : vector<16xf32>
      %max3A_2593 = arith.constant 0.000000e+00 : f32
      %max3A_2594 = vector.broadcast %max3A_2593 : f32 to vector<16xf32>
      %max3A_2595 = arith.maximumf %sub3A_2592, %max3A_2594 : vector<16xf32>
      %mul3A_2596 = arith.mulf %max3A_2591, %max3A_2595 : vector<16xf32>
      %add3A_2597 = vector.broadcast %scan3A_124 : f32 to vector<16xf32>
      %add3A_2598 = arith.addf %add3A_2597, %get3A_2579 : vector<16xf32>
      %sub3A_2599 = arith.subf %add3A_2598, %mul3A_2596 : vector<16xf32>
      %add3A_2600 = arith.constant 9.99999971E-10 : f32
      %add3A_2601 = vector.broadcast %add3A_2600 : f32 to vector<16xf32>
      %add3A_2602 = arith.addf %sub3A_2599, %add3A_2601 : vector<16xf32>
      %div3A_2603 = arith.divf %mul3A_2596, %add3A_2602 : vector<16xf32>
      %add3A_2604 = arith.constant 624 : i32
      %add3A_2605 = arith.addi %mul3A_21, %add3A_2604 : i32
      %add3A_2606 = vector.broadcast %add3A_2605 : i32 to vector<16xi32>
      %add3A_2607 = arith.addi %add3A_2606, %iota3A : vector<16xi32>
      %gt3A_2608 = arith.constant 4.500000e-01 : f32
      %gt3A_2609 = vector.broadcast %gt3A_2608 : f32 to vector<16xf32>
      %gt3A_2610 = arith.cmpf ogt, %div3A_2603, %gt3A_2609 : vector<16xf32>
      %eq3A_2611 = vector.broadcast %scan3A_125 : i32 to vector<16xi32>
      %eq3A_2612 = arith.cmpi eq, %add3A_2607, %eq3A_2611 : vector<16xi32>
      %or3A_2613 = arith.ori %gt3A_2610, %eq3A_2612 : vector<16xi1>
      %jit3A_2614 = arith.constant 0xFF800000 : f32
      %broadcast_in_dim3A_2615 = vector.broadcast %jit3A_2614 : f32 to vector<16xf32>
      %select_n3A_2616 = arith.select %or3A_2613, %broadcast_in_dim3A_2615, %get3A_2564 : vector<16xi1>, vector<16xf32>
      %swap3A_2617 = arith.constant 624 : index
      %swap3A_2618 = tpu.vector_load %arg4[%swap3A_2617] {strides = array<i32>} : memref<7216xf32, #tpu.memory_space<vmem>>, vector<16xf32>,
      %swap3A_2619 = vector.shape_cast %swap3A_2618 : vector<16xf32> to vector<16xf32>
      %swap3A_2620 = vector.shape_cast %select_n3A_2616 : vector<16xf32> to vector<16xf32>
      tpu.vector_store %arg4[%swap3A_2617], %swap3A_2620 {strides = array<i32>} : memref<7216xf32, #tpu.memory_space<vmem>>, vector<16xf32>,
      %gt3A_2621 = arith.cmpf ogt, %select_n3A_2616, %select_n3A_2560 : vector<16xf32>
      %select_n3A_2622 = arith.select %gt3A_2621, %select_n3A_2616, %select_n3A_2560 : vector<16xi1>, vector<16xf32>
      %select_n3A_2623 = arith.select %gt3A_2621, %add3A_2607, %select_n3A_2561 : vector<16xi1>, vector<16xi32>
      %gt3A_2624 = arith.cmpf ogt, %select_n3A_1370, %select_n3A_744 : vector<16xf32>
      %select_n3A_2625 = arith.select %gt3A_2624, %select_n3A_1370, %select_n3A_744 : vector<16xi1>, vector<16xf32>
      %select_n3A_2626 = arith.select %gt3A_2624, %select_n3A_1371, %select_n3A_745 : vector<16xi1>, vector<16xi32>
      %gt3A_2627 = arith.cmpf ogt, %select_n3A_2622, %select_n3A_1996 : vector<16xf32>
      %select_n3A_2628 = arith.select %gt3A_2627, %select_n3A_2622, %select_n3A_1996 : vector<16xi1>, vector<16xf32>
      %select_n3A_2629 = arith.select %gt3A_2627, %select_n3A_2623, %select_n3A_1997 : vector<16xi1>, vector<16xi32>
      %gt3A_2630 = arith.cmpf ogt, %select_n3A_2628, %select_n3A_2625 : vector<16xf32>
      %select_n3A_2631 = arith.select %gt3A_2630, %select_n3A_2628, %select_n3A_2625 : vector<16xi1>, vector<16xf32>
      %select_n3A_2632 = arith.select %gt3A_2630, %select_n3A_2629, %select_n3A_2626 : vector<16xi1>, vector<16xi32>
      %add3A_2633 = arith.constant 8 : i32
      %add3A_2634 = vector.broadcast %add3A_2633 : i32 to vector<16xi32>
      %add3A_2635 = arith.addi %iota3A, %add3A_2634 : vector<16xi32>
      %and3A_2636 = arith.constant 15 : i32
      %and3A_2637 = vector.broadcast %and3A_2636 : i32 to vector<16xi32>
      %and3A_2638 = arith.andi %add3A_2635, %and3A_2637 : vector<16xi32>
      %broadcast_in_dim3A_2639 = vector.shape_cast %and3A_2638 : vector<16xi32> to vector<16x1xi32>
      %gather3A = vector.shape_cast %broadcast_in_dim3A_2639 : vector<16x1xi32> to vector<16xi32>
      %gather3A_2640 = tpu.dynamic_gather %select_n3A_2631[%gather3A] in [0] : vector<16xf32>, vector<16xi32> -> vector<16xf32>
      %add3A_2641 = arith.constant 8 : i32
      %add3A_2642 = vector.broadcast %add3A_2641 : i32 to vector<16xi32>
      %add3A_2643 = arith.addi %iota3A, %add3A_2642 : vector<16xi32>
      %and3A_2644 = arith.constant 15 : i32
      %and3A_2645 = vector.broadcast %and3A_2644 : i32 to vector<16xi32>
      %and3A_2646 = arith.andi %add3A_2643, %and3A_2645 : vector<16xi32>
      %broadcast_in_dim3A_2647 = vector.shape_cast %and3A_2646 : vector<16xi32> to vector<16x1xi32>
      %gather3A_2648 = vector.shape_cast %broadcast_in_dim3A_2647 : vector<16x1xi32> to vector<16xi32>
      %gather3A_2649 = tpu.dynamic_gather %select_n3A_2632[%gather3A_2648] in [0] : vector<16xi32>, vector<16xi32> -> vector<16xi32>
      %gt3A_2650 = arith.cmpf ogt, %gather3A_2640, %select_n3A_2631 : vector<16xf32>
      %eq3A_2651 = arith.cmpf oeq, %gather3A_2640, %select_n3A_2631 : vector<16xf32>
      %lt3A = arith.cmpi slt, %gather3A_2649, %select_n3A_2632 : vector<16xi32>
      %and3A_2652 = arith.andi %eq3A_2651, %lt3A : vector<16xi1>
      %or3A_2653 = arith.ori %gt3A_2650, %and3A_2652 : vector<16xi1>
      %select_n3A_2654 = arith.select %or3A_2653, %gather3A_2640, %select_n3A_2631 : vector<16xi1>, vector<16xf32>
      %select_n3A_2655 = arith.select %or3A_2653, %gather3A_2649, %select_n3A_2632 : vector<16xi1>, vector<16xi32>
      %add3A_2656 = arith.constant 4 : i32
      %add3A_2657 = vector.broadcast %add3A_2656 : i32 to vector<16xi32>
      %add3A_2658 = arith.addi %iota3A, %add3A_2657 : vector<16xi32>
      %and3A_2659 = arith.constant 15 : i32
      %and3A_2660 = vector.broadcast %and3A_2659 : i32 to vector<16xi32>
      %and3A_2661 = arith.andi %add3A_2658, %and3A_2660 : vector<16xi32>
      %broadcast_in_dim3A_2662 = vector.shape_cast %and3A_2661 : vector<16xi32> to vector<16x1xi32>
      %gather3A_2663 = vector.shape_cast %broadcast_in_dim3A_2662 : vector<16x1xi32> to vector<16xi32>
      %gather3A_2664 = tpu.dynamic_gather %select_n3A_2654[%gather3A_2663] in [0] : vector<16xf32>, vector<16xi32> -> vector<16xf32>
      %add3A_2665 = arith.constant 4 : i32
      %add3A_2666 = vector.broadcast %add3A_2665 : i32 to vector<16xi32>
      %add3A_2667 = arith.addi %iota3A, %add3A_2666 : vector<16xi32>
      %and3A_2668 = arith.constant 15 : i32
      %and3A_2669 = vector.broadcast %and3A_2668 : i32 to vector<16xi32>
      %and3A_2670 = arith.andi %add3A_2667, %and3A_2669 : vector<16xi32>
      %broadcast_in_dim3A_2671 = vector.shape_cast %and3A_2670 : vector<16xi32> to vector<16x1xi32>
      %gather3A_2672 = vector.shape_cast %broadcast_in_dim3A_2671 : vector<16x1xi32> to vector<16xi32>
      %gather3A_2673 = tpu.dynamic_gather %select_n3A_2655[%gather3A_2672] in [0] : vector<16xi32>, vector<16xi32> -> vector<16xi32>
      %gt3A_2674 = arith.cmpf ogt, %gather3A_2664, %select_n3A_2654 : vector<16xf32>
      %eq3A_2675 = arith.cmpf oeq, %gather3A_2664, %select_n3A_2654 : vector<16xf32>
      %lt3A_2676 = arith.cmpi slt, %gather3A_2673, %select_n3A_2655 : vector<16xi32>
      %and3A_2677 = arith.andi %eq3A_2675, %lt3A_2676 : vector<16xi1>
      %or3A_2678 = arith.ori %gt3A_2674, %and3A_2677 : vector<16xi1>
      %select_n3A_2679 = arith.select %or3A_2678, %gather3A_2664, %select_n3A_2654 : vector<16xi1>, vector<16xf32>
      %select_n3A_2680 = arith.select %or3A_2678, %gather3A_2673, %select_n3A_2655 : vector<16xi1>, vector<16xi32>
      %add3A_2681 = arith.constant 2 : i32
      %add3A_2682 = vector.broadcast %add3A_2681 : i32 to vector<16xi32>
      %add3A_2683 = arith.addi %iota3A, %add3A_2682 : vector<16xi32>
      %and3A_2684 = arith.constant 15 : i32
      %and3A_2685 = vector.broadcast %and3A_2684 : i32 to vector<16xi32>
      %and3A_2686 = arith.andi %add3A_2683, %and3A_2685 : vector<16xi32>
      %broadcast_in_dim3A_2687 = vector.shape_cast %and3A_2686 : vector<16xi32> to vector<16x1xi32>
      %gather3A_2688 = vector.shape_cast %broadcast_in_dim3A_2687 : vector<16x1xi32> to vector<16xi32>
      %gather3A_2689 = tpu.dynamic_gather %select_n3A_2679[%gather3A_2688] in [0] : vector<16xf32>, vector<16xi32> -> vector<16xf32>
      %add3A_2690 = arith.constant 2 : i32
      %add3A_2691 = vector.broadcast %add3A_2690 : i32 to vector<16xi32>
      %add3A_2692 = arith.addi %iota3A, %add3A_2691 : vector<16xi32>
      %and3A_2693 = arith.constant 15 : i32
      %and3A_2694 = vector.broadcast %and3A_2693 : i32 to vector<16xi32>
      %and3A_2695 = arith.andi %add3A_2692, %and3A_2694 : vector<16xi32>
      %broadcast_in_dim3A_2696 = vector.shape_cast %and3A_2695 : vector<16xi32> to vector<16x1xi32>
      %gather3A_2697 = vector.shape_cast %broadcast_in_dim3A_2696 : vector<16x1xi32> to vector<16xi32>
      %gather3A_2698 = tpu.dynamic_gather %select_n3A_2680[%gather3A_2697] in [0] : vector<16xi32>, vector<16xi32> -> vector<16xi32>
      %gt3A_2699 = arith.cmpf ogt, %gather3A_2689, %select_n3A_2679 : vector<16xf32>
      %eq3A_2700 = arith.cmpf oeq, %gather3A_2689, %select_n3A_2679 : vector<16xf32>
      %lt3A_2701 = arith.cmpi slt, %gather3A_2698, %select_n3A_2680 : vector<16xi32>
      %and3A_2702 = arith.andi %eq3A_2700, %lt3A_2701 : vector<16xi1>
      %or3A_2703 = arith.ori %gt3A_2699, %and3A_2702 : vector<16xi1>
      %select_n3A_2704 = arith.select %or3A_2703, %gather3A_2689, %select_n3A_2679 : vector<16xi1>, vector<16xf32>
      %select_n3A_2705 = arith.select %or3A_2703, %gather3A_2698, %select_n3A_2680 : vector<16xi1>, vector<16xi32>
      %add3A_2706 = arith.constant 1 : i32
      %add3A_2707 = vector.broadcast %add3A_2706 : i32 to vector<16xi32>
      %add3A_2708 = arith.addi %iota3A, %add3A_2707 : vector<16xi32>
      %and3A_2709 = arith.constant 15 : i32
      %and3A_2710 = vector.broadcast %and3A_2709 : i32 to vector<16xi32>
      %and3A_2711 = arith.andi %add3A_2708, %and3A_2710 : vector<16xi32>
      %broadcast_in_dim3A_2712 = vector.shape_cast %and3A_2711 : vector<16xi32> to vector<16x1xi32>
      %gather3A_2713 = vector.shape_cast %broadcast_in_dim3A_2712 : vector<16x1xi32> to vector<16xi32>
      %gather3A_2714 = tpu.dynamic_gather %select_n3A_2704[%gather3A_2713] in [0] : vector<16xf32>, vector<16xi32> -> vector<16xf32>
      %add3A_2715 = arith.constant 1 : i32
      %add3A_2716 = vector.broadcast %add3A_2715 : i32 to vector<16xi32>
      %add3A_2717 = arith.addi %iota3A, %add3A_2716 : vector<16xi32>
      %and3A_2718 = arith.constant 15 : i32
      %and3A_2719 = vector.broadcast %and3A_2718 : i32 to vector<16xi32>
      %and3A_2720 = arith.andi %add3A_2717, %and3A_2719 : vector<16xi32>
      %broadcast_in_dim3A_2721 = vector.shape_cast %and3A_2720 : vector<16xi32> to vector<16x1xi32>
      %gather3A_2722 = vector.shape_cast %broadcast_in_dim3A_2721 : vector<16x1xi32> to vector<16xi32>
      %gather3A_2723 = tpu.dynamic_gather %select_n3A_2705[%gather3A_2722] in [0] : vector<16xi32>, vector<16xi32> -> vector<16xi32>
      %gt3A_2724 = arith.cmpf ogt, %gather3A_2714, %select_n3A_2704 : vector<16xf32>
      %eq3A_2725 = arith.cmpf oeq, %gather3A_2714, %select_n3A_2704 : vector<16xf32>
      %lt3A_2726 = arith.cmpi slt, %gather3A_2723, %select_n3A_2705 : vector<16xi32>
      %and3A_2727 = arith.andi %eq3A_2725, %lt3A_2726 : vector<16xi1>
      %or3A_2728 = arith.ori %gt3A_2724, %and3A_2727 : vector<16xi1>
      %select_n3A_2729 = arith.select %or3A_2728, %gather3A_2714, %select_n3A_2704 : vector<16xi1>, vector<16xf32>
      %select_n3A_2730 = arith.select %or3A_2728, %gather3A_2723, %select_n3A_2705 : vector<16xi1>, vector<16xi32>
      %slice3A = vector.extract_strided_slice %select_n3A_2729 {offsets = [0], sizes = [1], strides = [1]} : vector<16xf32> to vector<1xf32>
      %squeeze3A = vector.extract %slice3A[0] : f32 from vector<1xf32>
      %slice3A_2731 = vector.extract_strided_slice %select_n3A_2730 {offsets = [0], sizes = [1], strides = [1]} : vector<16xi32> to vector<1xi32>
      %squeeze3A_2732 = vector.extract %slice3A_2731[0] : i32 from vector<1xi32>
      %sub3A_2733 = arith.subi %squeeze3A_2732, %mul3A_21 : i32
      %eq3A_2734 = arith.constant 0 : i32
      %eq3A_2735 = vector.broadcast %eq3A_2734 : i32 to vector<16xi32>
      %eq3A_2736 = arith.cmpi eq, %iota3A, %eq3A_2735 : vector<16xi32>
      %jit3A_2737 = arith.constant 0.000000e+00 : f32
      %broadcast_in_dim3A_2738 = vector.broadcast %squeeze3A : f32 to vector<16xf32>
      %broadcast_in_dim3A_2739 = vector.broadcast %jit3A_2737 : f32 to vector<16xf32>
      %select_n3A_2740 = arith.select %eq3A_2736, %broadcast_in_dim3A_2738, %broadcast_in_dim3A_2739 : vector<16xi1>, vector<16xf32>
      %add3A_2741 = arith.constant 656 : i32
      %add3A_2742 = arith.addi %add3A_2741, %sub3A_2733 : i32
      %get3A_2743 = arith.index_cast %add3A_2742 : i32 to index
      %get3A_2744 = tpu.vector_load %arg4[%get3A_2743] {strides = array<i32>} : memref<7216xf32, #tpu.memory_space<vmem>>, vector<16xf32>,
      %get3A_2745 = vector.shape_cast %get3A_2744 : vector<16xf32> to vector<16xf32>
      %slice3A_2746 = vector.extract_strided_slice %get3A_2745 {offsets = [0], sizes = [1], strides = [1]} : vector<16xf32> to vector<1xf32>
      %squeeze3A_2747 = vector.extract %slice3A_2746[0] : f32 from vector<1xf32>
      %eq3A_2748 = arith.constant 1 : i32
      %eq3A_2749 = vector.broadcast %eq3A_2748 : i32 to vector<16xi32>
      %eq3A_2750 = arith.cmpi eq, %iota3A, %eq3A_2749 : vector<16xi32>
      %jit3A_2751 = arith.constant 0.000000e+00 : f32
      %broadcast_in_dim3A_2752 = vector.broadcast %squeeze3A_2747 : f32 to vector<16xf32>
      %broadcast_in_dim3A_2753 = vector.broadcast %jit3A_2751 : f32 to vector<16xf32>
      %select_n3A_2754 = arith.select %eq3A_2750, %broadcast_in_dim3A_2752, %broadcast_in_dim3A_2753 : vector<16xi1>, vector<16xf32>
      %add3A_2755 = arith.constant 1312 : i32
      %add3A_2756 = arith.addi %add3A_2755, %sub3A_2733 : i32
      %get3A_2757 = arith.index_cast %add3A_2756 : i32 to index
      %get3A_2758 = tpu.vector_load %arg4[%get3A_2757] {strides = array<i32>} : memref<7216xf32, #tpu.memory_space<vmem>>, vector<16xf32>,
      %get3A_2759 = vector.shape_cast %get3A_2758 : vector<16xf32> to vector<16xf32>
      %slice3A_2760 = vector.extract_strided_slice %get3A_2759 {offsets = [0], sizes = [1], strides = [1]} : vector<16xf32> to vector<1xf32>
      %squeeze3A_2761 = vector.extract %slice3A_2760[0] : f32 from vector<1xf32>
      %eq3A_2762 = arith.constant 2 : i32
      %eq3A_2763 = vector.broadcast %eq3A_2762 : i32 to vector<16xi32>
      %eq3A_2764 = arith.cmpi eq, %iota3A, %eq3A_2763 : vector<16xi32>
      %jit3A_2765 = arith.constant 0.000000e+00 : f32
      %broadcast_in_dim3A_2766 = vector.broadcast %squeeze3A_2761 : f32 to vector<16xf32>
      %broadcast_in_dim3A_2767 = vector.broadcast %jit3A_2765 : f32 to vector<16xf32>
      %select_n3A_2768 = arith.select %eq3A_2764, %broadcast_in_dim3A_2766, %broadcast_in_dim3A_2767 : vector<16xi1>, vector<16xf32>
      %add3A_2769 = arith.constant 1968 : i32
      %add3A_2770 = arith.addi %add3A_2769, %sub3A_2733 : i32
      %get3A_2771 = arith.index_cast %add3A_2770 : i32 to index
      %get3A_2772 = tpu.vector_load %arg4[%get3A_2771] {strides = array<i32>} : memref<7216xf32, #tpu.memory_space<vmem>>, vector<16xf32>,
      %get3A_2773 = vector.shape_cast %get3A_2772 : vector<16xf32> to vector<16xf32>
      %slice3A_2774 = vector.extract_strided_slice %get3A_2773 {offsets = [0], sizes = [1], strides = [1]} : vector<16xf32> to vector<1xf32>
      %squeeze3A_2775 = vector.extract %slice3A_2774[0] : f32 from vector<1xf32>
      %eq3A_2776 = arith.constant 3 : i32
      %eq3A_2777 = vector.broadcast %eq3A_2776 : i32 to vector<16xi32>
      %eq3A_2778 = arith.cmpi eq, %iota3A, %eq3A_2777 : vector<16xi32>
      %jit3A_2779 = arith.constant 0.000000e+00 : f32
      %broadcast_in_dim3A_2780 = vector.broadcast %squeeze3A_2775 : f32 to vector<16xf32>
      %broadcast_in_dim3A_2781 = vector.broadcast %jit3A_2779 : f32 to vector<16xf32>
      %select_n3A_2782 = arith.select %eq3A_2778, %broadcast_in_dim3A_2780, %broadcast_in_dim3A_2781 : vector<16xi1>, vector<16xf32>
      %add3A_2783 = arith.constant 2624 : i32
      %add3A_2784 = arith.addi %add3A_2783, %sub3A_2733 : i32
      %get3A_2785 = arith.index_cast %add3A_2784 : i32 to index
      %get3A_2786 = tpu.vector_load %arg4[%get3A_2785] {strides = array<i32>} : memref<7216xf32, #tpu.memory_space<vmem>>, vector<16xf32>,
      %get3A_2787 = vector.shape_cast %get3A_2786 : vector<16xf32> to vector<16xf32>
      %slice3A_2788 = vector.extract_strided_slice %get3A_2787 {offsets = [0], sizes = [1], strides = [1]} : vector<16xf32> to vector<1xf32>
      %squeeze3A_2789 = vector.extract %slice3A_2788[0] : f32 from vector<1xf32>
      %eq3A_2790 = arith.constant 4 : i32
      %eq3A_2791 = vector.broadcast %eq3A_2790 : i32 to vector<16xi32>
      %eq3A_2792 = arith.cmpi eq, %iota3A, %eq3A_2791 : vector<16xi32>
      %jit3A_2793 = arith.constant 0.000000e+00 : f32
      %broadcast_in_dim3A_2794 = vector.broadcast %squeeze3A_2789 : f32 to vector<16xf32>
      %broadcast_in_dim3A_2795 = vector.broadcast %jit3A_2793 : f32 to vector<16xf32>
      %select_n3A_2796 = arith.select %eq3A_2792, %broadcast_in_dim3A_2794, %broadcast_in_dim3A_2795 : vector<16xi1>, vector<16xf32>
      %add3A_2797 = arith.constant 3280 : i32
      %add3A_2798 = arith.addi %add3A_2797, %sub3A_2733 : i32
      %get3A_2799 = arith.index_cast %add3A_2798 : i32 to index
      %get3A_2800 = tpu.vector_load %arg4[%get3A_2799] {strides = array<i32>} : memref<7216xf32, #tpu.memory_space<vmem>>, vector<16xf32>,
      %get3A_2801 = vector.shape_cast %get3A_2800 : vector<16xf32> to vector<16xf32>
      %slice3A_2802 = vector.extract_strided_slice %get3A_2801 {offsets = [0], sizes = [1], strides = [1]} : vector<16xf32> to vector<1xf32>
      %squeeze3A_2803 = vector.extract %slice3A_2802[0] : f32 from vector<1xf32>
      %eq3A_2804 = arith.constant 5 : i32
      %eq3A_2805 = vector.broadcast %eq3A_2804 : i32 to vector<16xi32>
      %eq3A_2806 = arith.cmpi eq, %iota3A, %eq3A_2805 : vector<16xi32>
      %jit3A_2807 = arith.constant 0.000000e+00 : f32
      %broadcast_in_dim3A_2808 = vector.broadcast %squeeze3A_2803 : f32 to vector<16xf32>
      %broadcast_in_dim3A_2809 = vector.broadcast %jit3A_2807 : f32 to vector<16xf32>
      %select_n3A_2810 = arith.select %eq3A_2806, %broadcast_in_dim3A_2808, %broadcast_in_dim3A_2809 : vector<16xi1>, vector<16xf32>
      %add3A_2811 = arith.constant 3936 : i32
      %add3A_2812 = arith.addi %add3A_2811, %sub3A_2733 : i32
      %get3A_2813 = arith.index_cast %add3A_2812 : i32 to index
      %get3A_2814 = tpu.vector_load %arg4[%get3A_2813] {strides = array<i32>} : memref<7216xf32, #tpu.memory_space<vmem>>, vector<16xf32>,
      %get3A_2815 = vector.shape_cast %get3A_2814 : vector<16xf32> to vector<16xf32>
      %slice3A_2816 = vector.extract_strided_slice %get3A_2815 {offsets = [0], sizes = [1], strides = [1]} : vector<16xf32> to vector<1xf32>
      %squeeze3A_2817 = vector.extract %slice3A_2816[0] : f32 from vector<1xf32>
      %eq3A_2818 = arith.constant 6 : i32
      %eq3A_2819 = vector.broadcast %eq3A_2818 : i32 to vector<16xi32>
      %eq3A_2820 = arith.cmpi eq, %iota3A, %eq3A_2819 : vector<16xi32>
      %jit3A_2821 = arith.constant 0.000000e+00 : f32
      %broadcast_in_dim3A_2822 = vector.broadcast %squeeze3A_2817 : f32 to vector<16xf32>
      %broadcast_in_dim3A_2823 = vector.broadcast %jit3A_2821 : f32 to vector<16xf32>
      %select_n3A_2824 = arith.select %eq3A_2820, %broadcast_in_dim3A_2822, %broadcast_in_dim3A_2823 : vector<16xi1>, vector<16xf32>
      %add3A_2825 = arith.constant 4592 : i32
      %add3A_2826 = arith.addi %add3A_2825, %sub3A_2733 : i32
      %get3A_2827 = arith.index_cast %add3A_2826 : i32 to index
      %get3A_2828 = tpu.vector_load %arg4[%get3A_2827] {strides = array<i32>} : memref<7216xf32, #tpu.memory_space<vmem>>, vector<16xf32>,
      %get3A_2829 = vector.shape_cast %get3A_2828 : vector<16xf32> to vector<16xf32>
      %slice3A_2830 = vector.extract_strided_slice %get3A_2829 {offsets = [0], sizes = [1], strides = [1]} : vector<16xf32> to vector<1xf32>
      %squeeze3A_2831 = vector.extract %slice3A_2830[0] : f32 from vector<1xf32>
      %eq3A_2832 = arith.constant 7 : i32
      %eq3A_2833 = vector.broadcast %eq3A_2832 : i32 to vector<16xi32>
      %eq3A_2834 = arith.cmpi eq, %iota3A, %eq3A_2833 : vector<16xi32>
      %jit3A_2835 = arith.constant 0.000000e+00 : f32
      %broadcast_in_dim3A_2836 = vector.broadcast %squeeze3A_2831 : f32 to vector<16xf32>
      %broadcast_in_dim3A_2837 = vector.broadcast %jit3A_2835 : f32 to vector<16xf32>
      %select_n3A_2838 = arith.select %eq3A_2834, %broadcast_in_dim3A_2836, %broadcast_in_dim3A_2837 : vector<16xi1>, vector<16xf32>
      %add3A_2839 = arith.constant 5248 : i32
      %add3A_2840 = arith.addi %add3A_2839, %sub3A_2733 : i32
      %get3A_2841 = arith.index_cast %add3A_2840 : i32 to index
      %get3A_2842 = tpu.vector_load %arg4[%get3A_2841] {strides = array<i32>} : memref<7216xf32, #tpu.memory_space<vmem>>, vector<16xf32>,
      %get3A_2843 = vector.shape_cast %get3A_2842 : vector<16xf32> to vector<16xf32>
      %slice3A_2844 = vector.extract_strided_slice %get3A_2843 {offsets = [0], sizes = [1], strides = [1]} : vector<16xf32> to vector<1xf32>
      %squeeze3A_2845 = vector.extract %slice3A_2844[0] : f32 from vector<1xf32>
      %eq3A_2846 = arith.constant 8 : i32
      %eq3A_2847 = vector.broadcast %eq3A_2846 : i32 to vector<16xi32>
      %eq3A_2848 = arith.cmpi eq, %iota3A, %eq3A_2847 : vector<16xi32>
      %jit3A_2849 = arith.constant 0.000000e+00 : f32
      %broadcast_in_dim3A_2850 = vector.broadcast %squeeze3A_2845 : f32 to vector<16xf32>
      %broadcast_in_dim3A_2851 = vector.broadcast %jit3A_2849 : f32 to vector<16xf32>
      %select_n3A_2852 = arith.select %eq3A_2848, %broadcast_in_dim3A_2850, %broadcast_in_dim3A_2851 : vector<16xi1>, vector<16xf32>
      %add3A_2853 = arith.constant 5904 : i32
      %add3A_2854 = arith.addi %add3A_2853, %sub3A_2733 : i32
      %get3A_2855 = arith.index_cast %add3A_2854 : i32 to index
      %get3A_2856 = tpu.vector_load %arg4[%get3A_2855] {strides = array<i32>} : memref<7216xf32, #tpu.memory_space<vmem>>, vector<16xf32>,
      %get3A_2857 = vector.shape_cast %get3A_2856 : vector<16xf32> to vector<16xf32>
      %slice3A_2858 = vector.extract_strided_slice %get3A_2857 {offsets = [0], sizes = [1], strides = [1]} : vector<16xf32> to vector<1xf32>
      %squeeze3A_2859 = vector.extract %slice3A_2858[0] : f32 from vector<1xf32>
      %eq3A_2860 = arith.constant 9 : i32
      %eq3A_2861 = vector.broadcast %eq3A_2860 : i32 to vector<16xi32>
      %eq3A_2862 = arith.cmpi eq, %iota3A, %eq3A_2861 : vector<16xi32>
      %jit3A_2863 = arith.constant 0.000000e+00 : f32
      %broadcast_in_dim3A_2864 = vector.broadcast %squeeze3A_2859 : f32 to vector<16xf32>
      %broadcast_in_dim3A_2865 = vector.broadcast %jit3A_2863 : f32 to vector<16xf32>
      %select_n3A_2866 = arith.select %eq3A_2862, %broadcast_in_dim3A_2864, %broadcast_in_dim3A_2865 : vector<16xi1>, vector<16xf32>
      %add3A_2867 = arith.constant 6560 : i32
      %add3A_2868 = arith.addi %add3A_2867, %sub3A_2733 : i32
      %get3A_2869 = arith.index_cast %add3A_2868 : i32 to index
      %get3A_2870 = tpu.vector_load %arg4[%get3A_2869] {strides = array<i32>} : memref<7216xf32, #tpu.memory_space<vmem>>, vector<16xf32>,
      %get3A_2871 = vector.shape_cast %get3A_2870 : vector<16xf32> to vector<16xf32>
      %slice3A_2872 = vector.extract_strided_slice %get3A_2871 {offsets = [0], sizes = [1], strides = [1]} : vector<16xf32> to vector<1xf32>
      %squeeze3A_2873 = vector.extract %slice3A_2872[0] : f32 from vector<1xf32>
      %eq3A_2874 = arith.constant 10 : i32
      %eq3A_2875 = vector.broadcast %eq3A_2874 : i32 to vector<16xi32>
      %eq3A_2876 = arith.cmpi eq, %iota3A, %eq3A_2875 : vector<16xi32>
      %jit3A_2877 = arith.constant 0.000000e+00 : f32
      %broadcast_in_dim3A_2878 = vector.broadcast %squeeze3A_2873 : f32 to vector<16xf32>
      %broadcast_in_dim3A_2879 = vector.broadcast %jit3A_2877 : f32 to vector<16xf32>
      %select_n3A_2880 = arith.select %eq3A_2876, %broadcast_in_dim3A_2878, %broadcast_in_dim3A_2879 : vector<16xi1>, vector<16xf32>
      %eq3A_2881 = arith.constant 11 : i32
      %eq3A_2882 = vector.broadcast %eq3A_2881 : i32 to vector<16xi32>
      %eq3A_2883 = arith.cmpi eq, %iota3A, %eq3A_2882 : vector<16xi32>
      %convert_element_type3A_2884 = arith.sitofp %squeeze3A_2732 : i32 to f32
      %jit3A_2885 = arith.constant 0.000000e+00 : f32
      %broadcast_in_dim3A_2886 = vector.broadcast %convert_element_type3A_2884 : f32 to vector<16xf32>
      %broadcast_in_dim3A_2887 = vector.broadcast %jit3A_2885 : f32 to vector<16xf32>
      %select_n3A_2888 = arith.select %eq3A_2883, %broadcast_in_dim3A_2886, %broadcast_in_dim3A_2887 : vector<16xi1>, vector<16xf32>
      %add3A_2889 = arith.addf %select_n3A_2740, %select_n3A_2754 : vector<16xf32>
      %add3A_2890 = arith.addf %select_n3A_2768, %select_n3A_2782 : vector<16xf32>
      %add3A_2891 = arith.addf %select_n3A_2796, %select_n3A_2810 : vector<16xf32>
      %add3A_2892 = arith.addf %select_n3A_2824, %select_n3A_2838 : vector<16xf32>
      %add3A_2893 = arith.addf %select_n3A_2852, %select_n3A_2866 : vector<16xf32>
      %add3A_2894 = arith.addf %select_n3A_2880, %select_n3A_2888 : vector<16xf32>
      %add3A_2895 = arith.addf %add3A_2889, %add3A_2890 : vector<16xf32>
      %add3A_2896 = arith.addf %add3A_2891, %add3A_2892 : vector<16xf32>
      %add3A_2897 = arith.addf %add3A_2893, %add3A_2894 : vector<16xf32>
      %add3A_2898 = arith.addf %add3A_2895, %add3A_2896 : vector<16xf32>
      %add3A_2899 = arith.addf %add3A_2898, %add3A_2897 : vector<16xf32>
      %swap3A_2900 = arith.constant 0 : index
      %swap3A_2901 = tpu.vector_load %arg6[%swap3A_2900] {strides = array<i32>} : memref<16xf32, #tpu.memory_space<vmem>>, vector<16xf32>,
      %swap3A_2902 = vector.shape_cast %swap3A_2901 : vector<16xf32> to vector<16xf32>
      %swap3A_2903 = vector.shape_cast %add3A_2899 : vector<16xf32> to vector<16xf32>
      tpu.vector_store %arg6[%swap3A_2900], %swap3A_2903 {strides = array<i32>} : memref<16xf32, #tpu.memory_space<vmem>>, vector<16xf32>,
      %and3A_2904 = arith.constant 1 : i32
      %and3A_2905 = arith.andi %scan3A_119, %and3A_2904 : i32
      %mul3A_2906 = arith.constant 256 : i32
      %mul3A_2907 = arith.muli %and3A_2905, %mul3A_2906 : i32
      %mul3A_2908 = arith.constant 128 : i32
      %mul3A_2909 = arith.muli %select_n3A, %mul3A_2908 : i32
      %add3A_2910 = arith.addi %mul3A_2907, %mul3A_2909 : i32
      %mul3A_2911 = arith.constant 16 : i32
      %mul3A_2912 = arith.muli %sub3A_17, %mul3A_2911 : i32
      %add3A_2913 = arith.addi %add3A_2910, %mul3A_2912 : i32
      "tpu.region"() ({
        %run_scoped3A = tpu.sem_alloc : memref<!tpu.dma_semaphore, #tpu.memory_space<semaphore_mem>>
        %dma_start3A = tpu.memref_slice %arg8[%add3A_2913] : memref<512xf32, #tpu.memory_space<vmem_shared>> -> memref<16xf32, #tpu.memory_space<vmem_shared>>
        %dma_start3A_3007 = tpu.memref_slice %arg8[%add3A_2913] : memref<512xf32, #tpu.memory_space<vmem_shared>> -> memref<16xf32, #tpu.memory_space<vmem_shared>>
        tpu.enqueue_dma source(%arg6 : memref<16xf32, #tpu.memory_space<vmem>>) target(%dma_start3A_3007 : memref<16xf32, #tpu.memory_space<vmem_shared>>) target_semaphore(%run_scoped3A : memref<!tpu.dma_semaphore, #tpu.memory_space<semaphore_mem>>)
        %dma_wait3A = tpu.memref_slice %arg8[%add3A_2913] : memref<512xf32, #tpu.memory_space<vmem_shared>> -> memref<16xf32, #tpu.memory_space<vmem_shared>>
        %dma_wait3A_3008 = tpu.memref_slice %arg8[%add3A_2913] : memref<512xf32, #tpu.memory_space<vmem_shared>> -> memref<16xf32, #tpu.memory_space<vmem_shared>>
        tpu.wait_dma2 semaphore(%run_scoped3A : memref<!tpu.dma_semaphore, #tpu.memory_space<semaphore_mem>>) src(%arg6 : memref<16xf32, #tpu.memory_space<vmem>>) dst(%dma_wait3A_3008 : memref<16xf32, #tpu.memory_space<vmem_shared>>)
        tpu.yield
      }) : () -> ()
      %barrier3A = arith.constant 0 : index
      tpu.barrier barrier_id(%barrier3A)
      %mul3A_2914 = arith.constant 256 : i32
      %mul3A_2915 = arith.muli %and3A_2905, %mul3A_2914 : i32
      %mul3A_2916 = arith.constant 128 : i32
      %mul3A_2917 = arith.muli %select_n3A, %mul3A_2916 : i32
      %add3A_2918 = arith.addi %mul3A_2915, %mul3A_2917 : i32
      "tpu.region"() ({
        %run_scoped3A = tpu.sem_alloc : memref<!tpu.dma_semaphore, #tpu.memory_space<semaphore_mem>>
        %dma_start3A = tpu.memref_slice %arg8[%add3A_2918] : memref<512xf32, #tpu.memory_space<vmem_shared>> -> memref<128xf32, #tpu.memory_space<vmem_shared>>
        %dma_start3A_3007 = tpu.memref_slice %arg8[%add3A_2918] : memref<512xf32, #tpu.memory_space<vmem_shared>> -> memref<128xf32, #tpu.memory_space<vmem_shared>>
        tpu.enqueue_dma source(%dma_start3A_3007 : memref<128xf32, #tpu.memory_space<vmem_shared>>) target(%arg7 : memref<128xf32, #tpu.memory_space<vmem>>) target_semaphore(%run_scoped3A : memref<!tpu.dma_semaphore, #tpu.memory_space<semaphore_mem>>)
        %dma_wait3A = tpu.memref_slice %arg8[%add3A_2918] : memref<512xf32, #tpu.memory_space<vmem_shared>> -> memref<128xf32, #tpu.memory_space<vmem_shared>>
        %dma_wait3A_3008 = tpu.memref_slice %arg8[%add3A_2918] : memref<512xf32, #tpu.memory_space<vmem_shared>> -> memref<128xf32, #tpu.memory_space<vmem_shared>>
        tpu.wait_dma2 semaphore(%run_scoped3A : memref<!tpu.dma_semaphore, #tpu.memory_space<semaphore_mem>>) src(%dma_wait3A_3008 : memref<128xf32, #tpu.memory_space<vmem_shared>>) dst(%arg7 : memref<128xf32, #tpu.memory_space<vmem>>)
        tpu.yield
      }) : () -> ()
      %get3A_2919 = arith.constant 0 : index
      %get3A_2920 = tpu.vector_load %arg7[%get3A_2919] {strides = array<i32>} : memref<128xf32, #tpu.memory_space<vmem>>, vector<16xf32>,
      %get3A_2921 = vector.shape_cast %get3A_2920 : vector<16xf32> to vector<16xf32>
      %get3A_2922 = arith.constant 16 : index
      %get3A_2923 = tpu.vector_load %arg7[%get3A_2922] {strides = array<i32>} : memref<128xf32, #tpu.memory_space<vmem>>, vector<16xf32>,
      %get3A_2924 = vector.shape_cast %get3A_2923 : vector<16xf32> to vector<16xf32>
      %get3A_2925 = arith.constant 32 : index
      %get3A_2926 = tpu.vector_load %arg7[%get3A_2925] {strides = array<i32>} : memref<128xf32, #tpu.memory_space<vmem>>, vector<16xf32>,
      %get3A_2927 = vector.shape_cast %get3A_2926 : vector<16xf32> to vector<16xf32>
      %get3A_2928 = arith.constant 48 : index
      %get3A_2929 = tpu.vector_load %arg7[%get3A_2928] {strides = array<i32>} : memref<128xf32, #tpu.memory_space<vmem>>, vector<16xf32>,
      %get3A_2930 = vector.shape_cast %get3A_2929 : vector<16xf32> to vector<16xf32>
      %get3A_2931 = arith.constant 64 : index
      %get3A_2932 = tpu.vector_load %arg7[%get3A_2931] {strides = array<i32>} : memref<128xf32, #tpu.memory_space<vmem>>, vector<16xf32>,
      %get3A_2933 = vector.shape_cast %get3A_2932 : vector<16xf32> to vector<16xf32>
      %get3A_2934 = arith.constant 80 : index
      %get3A_2935 = tpu.vector_load %arg7[%get3A_2934] {strides = array<i32>} : memref<128xf32, #tpu.memory_space<vmem>>, vector<16xf32>,
      %get3A_2936 = vector.shape_cast %get3A_2935 : vector<16xf32> to vector<16xf32>
      %get3A_2937 = arith.constant 96 : index
      %get3A_2938 = tpu.vector_load %arg7[%get3A_2937] {strides = array<i32>} : memref<128xf32, #tpu.memory_space<vmem>>, vector<16xf32>,
      %get3A_2939 = vector.shape_cast %get3A_2938 : vector<16xf32> to vector<16xf32>
      %get3A_2940 = arith.constant 112 : index
      %get3A_2941 = tpu.vector_load %arg7[%get3A_2940] {strides = array<i32>} : memref<128xf32, #tpu.memory_space<vmem>>, vector<16xf32>,
      %get3A_2942 = vector.shape_cast %get3A_2941 : vector<16xf32> to vector<16xf32>
      %slice3A_2943 = vector.extract_strided_slice %get3A_2924 {offsets = [0], sizes = [1], strides = [1]} : vector<16xf32> to vector<1xf32>
      %squeeze3A_2944 = vector.extract %slice3A_2943[0] : f32 from vector<1xf32>
      %slice3A_2945 = vector.extract_strided_slice %get3A_2921 {offsets = [0], sizes = [1], strides = [1]} : vector<16xf32> to vector<1xf32>
      %squeeze3A_2946 = vector.extract %slice3A_2945[0] : f32 from vector<1xf32>
      %gt3A_2947 = arith.cmpf ogt, %squeeze3A_2944, %squeeze3A_2946 : f32
      %select_n3A_2948 = arith.select %gt3A_2947, %get3A_2924, %get3A_2921 : vector<16xf32>
      %slice3A_2949 = vector.extract_strided_slice %get3A_2930 {offsets = [0], sizes = [1], strides = [1]} : vector<16xf32> to vector<1xf32>
      %squeeze3A_2950 = vector.extract %slice3A_2949[0] : f32 from vector<1xf32>
      %slice3A_2951 = vector.extract_strided_slice %get3A_2927 {offsets = [0], sizes = [1], strides = [1]} : vector<16xf32> to vector<1xf32>
      %squeeze3A_2952 = vector.extract %slice3A_2951[0] : f32 from vector<1xf32>
      %gt3A_2953 = arith.cmpf ogt, %squeeze3A_2950, %squeeze3A_2952 : f32
      %select_n3A_2954 = arith.select %gt3A_2953, %get3A_2930, %get3A_2927 : vector<16xf32>
      %slice3A_2955 = vector.extract_strided_slice %select_n3A_2954 {offsets = [0], sizes = [1], strides = [1]} : vector<16xf32> to vector<1xf32>
      %squeeze3A_2956 = vector.extract %slice3A_2955[0] : f32 from vector<1xf32>
      %slice3A_2957 = vector.extract_strided_slice %select_n3A_2948 {offsets = [0], sizes = [1], strides = [1]} : vector<16xf32> to vector<1xf32>
      %squeeze3A_2958 = vector.extract %slice3A_2957[0] : f32 from vector<1xf32>
      %gt3A_2959 = arith.cmpf ogt, %squeeze3A_2956, %squeeze3A_2958 : f32
      %select_n3A_2960 = arith.select %gt3A_2959, %select_n3A_2954, %select_n3A_2948 : vector<16xf32>
      %slice3A_2961 = vector.extract_strided_slice %get3A_2936 {offsets = [0], sizes = [1], strides = [1]} : vector<16xf32> to vector<1xf32>
      %squeeze3A_2962 = vector.extract %slice3A_2961[0] : f32 from vector<1xf32>
      %slice3A_2963 = vector.extract_strided_slice %get3A_2933 {offsets = [0], sizes = [1], strides = [1]} : vector<16xf32> to vector<1xf32>
      %squeeze3A_2964 = vector.extract %slice3A_2963[0] : f32 from vector<1xf32>
      %gt3A_2965 = arith.cmpf ogt, %squeeze3A_2962, %squeeze3A_2964 : f32
      %select_n3A_2966 = arith.select %gt3A_2965, %get3A_2936, %get3A_2933 : vector<16xf32>
      %slice3A_2967 = vector.extract_strided_slice %get3A_2942 {offsets = [0], sizes = [1], strides = [1]} : vector<16xf32> to vector<1xf32>
      %squeeze3A_2968 = vector.extract %slice3A_2967[0] : f32 from vector<1xf32>
      %slice3A_2969 = vector.extract_strided_slice %get3A_2939 {offsets = [0], sizes = [1], strides = [1]} : vector<16xf32> to vector<1xf32>
      %squeeze3A_2970 = vector.extract %slice3A_2969[0] : f32 from vector<1xf32>
      %gt3A_2971 = arith.cmpf ogt, %squeeze3A_2968, %squeeze3A_2970 : f32
      %select_n3A_2972 = arith.select %gt3A_2971, %get3A_2942, %get3A_2939 : vector<16xf32>
      %slice3A_2973 = vector.extract_strided_slice %select_n3A_2972 {offsets = [0], sizes = [1], strides = [1]} : vector<16xf32> to vector<1xf32>
      %squeeze3A_2974 = vector.extract %slice3A_2973[0] : f32 from vector<1xf32>
      %slice3A_2975 = vector.extract_strided_slice %select_n3A_2966 {offsets = [0], sizes = [1], strides = [1]} : vector<16xf32> to vector<1xf32>
      %squeeze3A_2976 = vector.extract %slice3A_2975[0] : f32 from vector<1xf32>
      %gt3A_2977 = arith.cmpf ogt, %squeeze3A_2974, %squeeze3A_2976 : f32
      %select_n3A_2978 = arith.select %gt3A_2977, %select_n3A_2972, %select_n3A_2966 : vector<16xf32>
      %slice3A_2979 = vector.extract_strided_slice %select_n3A_2978 {offsets = [0], sizes = [1], strides = [1]} : vector<16xf32> to vector<1xf32>
      %squeeze3A_2980 = vector.extract %slice3A_2979[0] : f32 from vector<1xf32>
      %slice3A_2981 = vector.extract_strided_slice %select_n3A_2960 {offsets = [0], sizes = [1], strides = [1]} : vector<16xf32> to vector<1xf32>
      %squeeze3A_2982 = vector.extract %slice3A_2981[0] : f32 from vector<1xf32>
      %gt3A_2983 = arith.cmpf ogt, %squeeze3A_2980, %squeeze3A_2982 : f32
      %select_n3A_2984 = arith.select %gt3A_2983, %select_n3A_2978, %select_n3A_2960 : vector<16xf32>
      %slice3A_2985 = vector.extract_strided_slice %select_n3A_2984 {offsets = [0], sizes = [1], strides = [1]} : vector<16xf32> to vector<1xf32>
      %squeeze3A_2986 = vector.extract %slice3A_2985[0] : f32 from vector<1xf32>
      %slice3A_2987 = vector.extract_strided_slice %select_n3A_2984 {offsets = [1], sizes = [1], strides = [1]} : vector<16xf32> to vector<1xf32>
      %squeeze3A_2988 = vector.extract %slice3A_2987[0] : f32 from vector<1xf32>
      %slice3A_2989 = vector.extract_strided_slice %select_n3A_2984 {offsets = [2], sizes = [1], strides = [1]} : vector<16xf32> to vector<1xf32>
      %squeeze3A_2990 = vector.extract %slice3A_2989[0] : f32 from vector<1xf32>
      %slice3A_2991 = vector.extract_strided_slice %select_n3A_2984 {offsets = [3], sizes = [1], strides = [1]} : vector<16xf32> to vector<1xf32>
      %squeeze3A_2992 = vector.extract %slice3A_2991[0] : f32 from vector<1xf32>
      %slice3A_2993 = vector.extract_strided_slice %select_n3A_2984 {offsets = [4], sizes = [1], strides = [1]} : vector<16xf32> to vector<1xf32>
      %squeeze3A_2994 = vector.extract %slice3A_2993[0] : f32 from vector<1xf32>
      %slice3A_2995 = vector.extract_strided_slice %select_n3A_2984 {offsets = [5], sizes = [1], strides = [1]} : vector<16xf32> to vector<1xf32>
      %squeeze3A_2996 = vector.extract %slice3A_2995[0] : f32 from vector<1xf32>
      %slice3A_2997 = vector.extract_strided_slice %select_n3A_2984 {offsets = [11], sizes = [1], strides = [1]} : vector<16xf32> to vector<1xf32>
      %squeeze3A_2998 = vector.extract %slice3A_2997[0] : f32 from vector<1xf32>
      %convert_element_type3A_2999 = arith.fptosi %squeeze3A_2998 : f32 to i32
      %gt3A_3000 = arith.constant 1.000000e-03 : f32
      %gt3A_3001 = arith.cmpf ogt, %squeeze3A_2986, %gt3A_3000 : f32
      %eq3A_3002 = arith.constant 0 : i32
      %eq3A_3003 = arith.cmpi eq, %sub3A_17, %eq3A_3002 : i32
      %convert_element_type3A_3004 = arith.extui %eq3A_3003 : i1 to i32
      %cond3A_3005 = arith.constant 0 : i32
      %cond3A_3006 = arith.cmpi ne, %convert_element_type3A_3004, %cond3A_3005 : i32
      scf.if %cond3A_3006 {
        %eq3A_3007 = arith.constant 0 : i32
        %eq3A_3008 = vector.broadcast %eq3A_3007 : i32 to vector<16xi32>
        %eq3A_3009 = arith.cmpi eq, %iota3A, %eq3A_3008 : vector<16xi32>
        %slice3A_3010 = vector.extract_strided_slice %select_n3A_2984 {offsets = [6], sizes = [1], strides = [1]} : vector<16xf32> to vector<1xf32>
        %squeeze3A_3011 = vector.extract %slice3A_3010[0] : f32 from vector<1xf32>
        %broadcast_in_dim3A_3012 = vector.broadcast %squeeze3A_3011 : f32 to vector<16xf32>
        %select_n3A_3013 = arith.select %eq3A_3009, %broadcast_in_dim3A_3012, %broadcast_in_dim3A_99 : vector<16xi1>, vector<16xf32>
        %eq3A_3014 = arith.constant 1 : i32
        %eq3A_3015 = vector.broadcast %eq3A_3014 : i32 to vector<16xi32>
        %eq3A_3016 = arith.cmpi eq, %iota3A, %eq3A_3015 : vector<16xi32>
        %slice3A_3017 = vector.extract_strided_slice %select_n3A_2984 {offsets = [7], sizes = [1], strides = [1]} : vector<16xf32> to vector<1xf32>
        %squeeze3A_3018 = vector.extract %slice3A_3017[0] : f32 from vector<1xf32>
        %broadcast_in_dim3A_3019 = vector.broadcast %squeeze3A_3018 : f32 to vector<16xf32>
        %select_n3A_3020 = arith.select %eq3A_3016, %broadcast_in_dim3A_3019, %select_n3A_3013 : vector<16xi1>, vector<16xf32>
        %eq3A_3021 = arith.constant 2 : i32
        %eq3A_3022 = vector.broadcast %eq3A_3021 : i32 to vector<16xi32>
        %eq3A_3023 = arith.cmpi eq, %iota3A, %eq3A_3022 : vector<16xi32>
        %slice3A_3024 = vector.extract_strided_slice %select_n3A_2984 {offsets = [8], sizes = [1], strides = [1]} : vector<16xf32> to vector<1xf32>
        %squeeze3A_3025 = vector.extract %slice3A_3024[0] : f32 from vector<1xf32>
        %broadcast_in_dim3A_3026 = vector.broadcast %squeeze3A_3025 : f32 to vector<16xf32>
        %select_n3A_3027 = arith.select %eq3A_3023, %broadcast_in_dim3A_3026, %select_n3A_3020 : vector<16xi1>, vector<16xf32>
        %eq3A_3028 = arith.constant 3 : i32
        %eq3A_3029 = vector.broadcast %eq3A_3028 : i32 to vector<16xi32>
        %eq3A_3030 = arith.cmpi eq, %iota3A, %eq3A_3029 : vector<16xi32>
        %slice3A_3031 = vector.extract_strided_slice %select_n3A_2984 {offsets = [9], sizes = [1], strides = [1]} : vector<16xf32> to vector<1xf32>
        %squeeze3A_3032 = vector.extract %slice3A_3031[0] : f32 from vector<1xf32>
        %broadcast_in_dim3A_3033 = vector.broadcast %squeeze3A_3032 : f32 to vector<16xf32>
        %select_n3A_3034 = arith.select %eq3A_3030, %broadcast_in_dim3A_3033, %select_n3A_3027 : vector<16xi1>, vector<16xf32>
        %eq3A_3035 = arith.constant 4 : i32
        %eq3A_3036 = vector.broadcast %eq3A_3035 : i32 to vector<16xi32>
        %eq3A_3037 = arith.cmpi eq, %iota3A, %eq3A_3036 : vector<16xi32>
        %broadcast_in_dim3A_3038 = vector.broadcast %squeeze3A_2986 : f32 to vector<16xf32>
        %select_n3A_3039 = arith.select %eq3A_3037, %broadcast_in_dim3A_3038, %select_n3A_3034 : vector<16xi1>, vector<16xf32>
        %eq3A_3040 = arith.constant 5 : i32
        %eq3A_3041 = vector.broadcast %eq3A_3040 : i32 to vector<16xi32>
        %eq3A_3042 = arith.cmpi eq, %iota3A, %eq3A_3041 : vector<16xi32>
        %slice3A_3043 = vector.extract_strided_slice %select_n3A_2984 {offsets = [10], sizes = [1], strides = [1]} : vector<16xf32> to vector<1xf32>
        %squeeze3A_3044 = vector.extract %slice3A_3043[0] : f32 from vector<1xf32>
        %broadcast_in_dim3A_3045 = vector.broadcast %squeeze3A_3044 : f32 to vector<16xf32>
        %select_n3A_3046 = arith.select %eq3A_3042, %broadcast_in_dim3A_3045, %select_n3A_3039 : vector<16xi1>, vector<16xf32>
        %select_n3A_3047 = arith.select %gt3A_3001, %select_n3A_3046, %broadcast_in_dim3A_99 : vector<16xf32>
        %mul3A_3048 = arith.constant 16 : i32
        %mul3A_3049 = arith.muli %scan3A_119, %mul3A_3048 : i32
        %swap3A_3050 = arith.index_cast %mul3A_3049 : i32 to index
        %swap3A_3051 = tpu.vector_load %arg5[%swap3A_3050] {strides = array<i32>} : memref<1600xf32, #tpu.memory_space<vmem>>, vector<16xf32>,
        %swap3A_3052 = vector.shape_cast %swap3A_3051 : vector<16xf32> to vector<16xf32>
        %swap3A_3053 = vector.shape_cast %select_n3A_3047 : vector<16xf32> to vector<16xf32>
        tpu.vector_store %arg5[%swap3A_3050], %swap3A_3053 {strides = array<i32>} : memref<1600xf32, #tpu.memory_space<vmem>>, vector<16xf32>,
      } else {
      }
      scf.yield %squeeze3A_2988, %squeeze3A_2990, %squeeze3A_2992, %squeeze3A_2994, %squeeze3A_2996, %convert_element_type3A_2999 : f32, f32, f32, f32, f32, i32
    }
    %scan3A_116 = arith.constant 100 : i32
    %eq3A = arith.constant 0 : i32
    %eq3A_117 = arith.cmpi eq, %sub3A_17, %eq3A : i32
    %convert_element_type3A = arith.extui %eq3A_117 : i1 to i32
    %cond3A = arith.constant 0 : i32
    %cond3A_118 = arith.cmpi ne, %convert_element_type3A, %cond3A : i32
    scf.if %cond3A_118 {
      %mul3A_119 = arith.constant 100 : i32
      %mul3A_120 = arith.muli %add3A, %mul3A_119 : i32
      %mul3A_121 = arith.constant 16 : i32
      %mul3A_122 = arith.muli %mul3A_120, %mul3A_121 : i32
      "tpu.region"() ({
        %run_scoped3A = tpu.sem_alloc : memref<!tpu.dma_semaphore, #tpu.memory_space<semaphore_mem>>
        %dma_start3A = tpu.memref_slice %arg3[%mul3A_122] : memref<6400xf32, #tpu.memory_space<hbm>> -> memref<1600xf32, #tpu.memory_space<hbm>>
        %dma_start3A_123 = tpu.memref_slice %arg3[%mul3A_122] : memref<6400xf32, #tpu.memory_space<hbm>> -> memref<1600xf32, #tpu.memory_space<hbm>>
        tpu.enqueue_dma source(%arg5 : memref<1600xf32, #tpu.memory_space<vmem>>) target(%dma_start3A_123 : memref<1600xf32, #tpu.memory_space<hbm>>) target_semaphore(%run_scoped3A : memref<!tpu.dma_semaphore, #tpu.memory_space<semaphore_mem>>)
        %dma_wait3A = tpu.memref_slice %arg3[%mul3A_122] : memref<6400xf32, #tpu.memory_space<hbm>> -> memref<1600xf32, #tpu.memory_space<hbm>>
        %dma_wait3A_124 = tpu.memref_slice %arg3[%mul3A_122] : memref<6400xf32, #tpu.memory_space<hbm>> -> memref<1600xf32, #tpu.memory_space<hbm>>
        tpu.wait_dma2 semaphore(%run_scoped3A : memref<!tpu.dma_semaphore, #tpu.memory_space<semaphore_mem>>) src(%arg5 : memref<1600xf32, #tpu.memory_space<vmem>>) dst(%dma_wait3A_124 : memref<1600xf32, #tpu.memory_space<hbm>>)
        tpu.yield
      }) : () -> ()
    } else {
    }
    return
  }
}

module attributes {stable_mosaic.version = 14 : i64} {
  func.func @_prep_body(%arg0: i32, %arg1: memref<1x85x5000xf32, #tpu.memory_space<vmem>>, %arg2: memref<1x11x5120xf32, #tpu.memory_space<vmem>>) attributes {dimension_semantics = [#tpu.dimension_semantics<arbitrary>], iteration_bounds = array<i64: 4>, scalar_prefetch = 0 : i64, scratch_operands = 0 : i64, tpu.core_type = #tpu.core_type<tc>, window_params = [{transform_indices = @transform_0, window_bounds = array<i64: 1, 85, 5000>}, {transform_indices = @transform_1, window_bounds = array<i64: 1, 11, 5120>}]} {
    %get3A = arith.constant 0 : index
    %get3A_0 = arith.constant 0 : index
    %get3A_1 = arith.constant 0 : index
    %get3A_2 = vector.load %arg1[%get3A, %get3A_0, %get3A_1] : memref<1x85x5000xf32, #tpu.memory_space<vmem>>, vector<1x85x5000xf32>
    %broadcast_in_dim3A = arith.constant 0.000000e+00 : f32
    %broadcast_in_dim3A_3 = vector.broadcast %broadcast_in_dim3A : f32 to vector<1x85x120xf32>
    %concatenate3A = tpu.concatenate %get3A_2, %broadcast_in_dim3A_3 in 2 : vector<1x85x5000xf32>, vector<1x85x120xf32> -> vector<1x85x5120xf32>
    %slice3A = vector.extract_strided_slice %concatenate3A {offsets = [0, 0, 0], sizes = [1, 1, 5120], strides = [1, 1, 1]} : vector<1x85x5120xf32> to vector<1x1x5120xf32>
    %squeeze3A = vector.shape_cast %slice3A : vector<1x1x5120xf32> to vector<1x5120xf32>
    %slice3A_4 = vector.extract_strided_slice %concatenate3A {offsets = [0, 1, 0], sizes = [1, 1, 5120], strides = [1, 1, 1]} : vector<1x85x5120xf32> to vector<1x1x5120xf32>
    %squeeze3A_5 = vector.shape_cast %slice3A_4 : vector<1x1x5120xf32> to vector<1x5120xf32>
    %slice3A_6 = vector.extract_strided_slice %concatenate3A {offsets = [0, 2, 0], sizes = [1, 1, 5120], strides = [1, 1, 1]} : vector<1x85x5120xf32> to vector<1x1x5120xf32>
    %squeeze3A_7 = vector.shape_cast %slice3A_6 : vector<1x1x5120xf32> to vector<1x5120xf32>
    %slice3A_8 = vector.extract_strided_slice %concatenate3A {offsets = [0, 3, 0], sizes = [1, 1, 5120], strides = [1, 1, 1]} : vector<1x85x5120xf32> to vector<1x1x5120xf32>
    %squeeze3A_9 = vector.shape_cast %slice3A_8 : vector<1x1x5120xf32> to vector<1x5120xf32>
    %slice3A_10 = vector.extract_strided_slice %concatenate3A {offsets = [0, 4, 0], sizes = [1, 1, 5120], strides = [1, 1, 1]} : vector<1x85x5120xf32> to vector<1x1x5120xf32>
    %squeeze3A_11 = vector.shape_cast %slice3A_10 : vector<1x1x5120xf32> to vector<1x5120xf32>
    %div3A = arith.constant 2.000000e+00 : f32
    %div3A_12 = vector.broadcast %div3A : f32 to vector<1x5120xf32>
    %div3A_13 = arith.divf %squeeze3A_7, %div3A_12 : vector<1x5120xf32>
    %sub3A = arith.subf %squeeze3A, %div3A_13 : vector<1x5120xf32>
    %div3A_14 = arith.constant 2.000000e+00 : f32
    %div3A_15 = vector.broadcast %div3A_14 : f32 to vector<1x5120xf32>
    %div3A_16 = arith.divf %squeeze3A_9, %div3A_15 : vector<1x5120xf32>
    %sub3A_17 = arith.subf %squeeze3A_5, %div3A_16 : vector<1x5120xf32>
    %div3A_18 = arith.constant 2.000000e+00 : f32
    %div3A_19 = vector.broadcast %div3A_18 : f32 to vector<1x5120xf32>
    %div3A_20 = arith.divf %squeeze3A_7, %div3A_19 : vector<1x5120xf32>
    %add3A = arith.addf %squeeze3A, %div3A_20 : vector<1x5120xf32>
    %div3A_21 = arith.constant 2.000000e+00 : f32
    %div3A_22 = vector.broadcast %div3A_21 : f32 to vector<1x5120xf32>
    %div3A_23 = arith.divf %squeeze3A_9, %div3A_22 : vector<1x5120xf32>
    %add3A_24 = arith.addf %squeeze3A_5, %div3A_23 : vector<1x5120xf32>
    %slice3A_25 = vector.extract_strided_slice %concatenate3A {offsets = [0, 5, 0], sizes = [1, 80, 5120], strides = [1, 1, 1]} : vector<1x85x5120xf32> to vector<1x80x5120xf32>
    %broadcast_in_dim3A_26 = vector.shape_cast %squeeze3A_11 : vector<1x5120xf32> to vector<1x1x5120xf32>
    %mul3A = vector.broadcast %broadcast_in_dim3A_26 : vector<1x1x5120xf32> to vector<1x80x5120xf32>
    %mul3A_27 = arith.mulf %slice3A_25, %mul3A : vector<1x80x5120xf32>
    %reduce_max3A = arith.constant dense<0xFF800000> : vector<1x5120xf32>
    %reduce_max3A_28 = vector.multi_reduction <maximumf>, %mul3A_27, %reduce_max3A [1] : vector<1x80x5120xf32> to vector<1x5120xf32>
    %iota3A = tpu.iota {dimensions = array<i32: 1>} : vector<1x80x1xi32>
    %broadcast_in_dim3A_29 = vector.shape_cast %reduce_max3A_28 : vector<1x5120xf32> to vector<1x1x5120xf32>
    %eq3A = vector.broadcast %broadcast_in_dim3A_29 : vector<1x1x5120xf32> to vector<1x80x5120xf32>
    %eq3A_30 = arith.cmpf oeq, %mul3A_27, %eq3A : vector<1x80x5120xf32>
    %jit3A = arith.constant 80 : i32
    %broadcast_in_dim3A_31 = vector.shape_cast %iota3A : vector<1x80x1xi32> to vector<1x80x1xi32>
    %broadcast_in_dim3A_32 = vector.broadcast %broadcast_in_dim3A_31 : vector<1x80x1xi32> to vector<1x80x5120xi32>
    %broadcast_in_dim3A_33 = vector.broadcast %jit3A : i32 to vector<1x80x5120xi32>
    %select_n3A = arith.select %eq3A_30, %broadcast_in_dim3A_32, %broadcast_in_dim3A_33 : vector<1x80x5120xi1>, vector<1x80x5120xi32>
    %reduce_min3A = arith.constant dense<2147483647> : vector<1x5120xi32>
    %reduce_min3A_34 = vector.multi_reduction <minsi>, %select_n3A, %reduce_min3A [1] : vector<1x80x5120xi32> to vector<1x5120xi32>
    %convert_element_type3A = arith.sitofp %reduce_min3A_34 : vector<1x5120xi32> to vector<1x5120xf32>
    %mul3A_35 = arith.constant 4.096000e+03 : f32
    %mul3A_36 = vector.broadcast %mul3A_35 : f32 to vector<1x5120xf32>
    %mul3A_37 = arith.mulf %convert_element_type3A, %mul3A_36 : vector<1x5120xf32>
    %add3A_38 = arith.addf %sub3A, %mul3A_37 : vector<1x5120xf32>
    %add3A_39 = arith.addf %sub3A_17, %mul3A_37 : vector<1x5120xf32>
    %add3A_40 = arith.addf %add3A, %mul3A_37 : vector<1x5120xf32>
    %add3A_41 = arith.addf %add3A_24, %mul3A_37 : vector<1x5120xf32>
    %sub3A_42 = arith.subf %add3A_40, %add3A_38 : vector<1x5120xf32>
    %sub3A_43 = arith.subf %add3A_41, %add3A_39 : vector<1x5120xf32>
    %mul3A_44 = arith.mulf %sub3A_42, %sub3A_43 : vector<1x5120xf32>
    %gt3A = arith.constant 1.000000e-03 : f32
    %gt3A_45 = vector.broadcast %gt3A : f32 to vector<1x5120xf32>
    %gt3A_46 = arith.cmpf ogt, %reduce_max3A_28, %gt3A_45 : vector<1x5120xf32>
    %jit3A_47 = arith.constant 0xFF800000 : f32
    %broadcast_in_dim3A_48 = vector.broadcast %jit3A_47 : f32 to vector<1x5120xf32>
    %select_n3A_49 = arith.select %gt3A_46, %reduce_max3A_28, %broadcast_in_dim3A_48 : vector<1x5120xi1>, vector<1x5120xf32>
    %stack3A = vector.shape_cast %select_n3A_49 : vector<1x5120xf32> to vector<1x1x5120xf32>
    %stack3A_50 = vector.shape_cast %add3A_38 : vector<1x5120xf32> to vector<1x1x5120xf32>
    %stack3A_51 = vector.shape_cast %add3A_39 : vector<1x5120xf32> to vector<1x1x5120xf32>
    %stack3A_52 = vector.shape_cast %add3A_40 : vector<1x5120xf32> to vector<1x1x5120xf32>
    %stack3A_53 = vector.shape_cast %add3A_41 : vector<1x5120xf32> to vector<1x1x5120xf32>
    %stack3A_54 = vector.shape_cast %mul3A_44 : vector<1x5120xf32> to vector<1x1x5120xf32>
    %stack3A_55 = vector.shape_cast %sub3A : vector<1x5120xf32> to vector<1x1x5120xf32>
    %stack3A_56 = vector.shape_cast %sub3A_17 : vector<1x5120xf32> to vector<1x1x5120xf32>
    %stack3A_57 = vector.shape_cast %add3A : vector<1x5120xf32> to vector<1x1x5120xf32>
    %stack3A_58 = vector.shape_cast %add3A_24 : vector<1x5120xf32> to vector<1x1x5120xf32>
    %stack3A_59 = vector.shape_cast %convert_element_type3A : vector<1x5120xf32> to vector<1x1x5120xf32>
    %stack3A_60 = tpu.concatenate %stack3A, %stack3A_50, %stack3A_51, %stack3A_52, %stack3A_53, %stack3A_54, %stack3A_55, %stack3A_56, %stack3A_57, %stack3A_58, %stack3A_59 in 1 : vector<1x1x5120xf32>, vector<1x1x5120xf32>, vector<1x1x5120xf32>, vector<1x1x5120xf32>, vector<1x1x5120xf32>, vector<1x1x5120xf32>, vector<1x1x5120xf32>, vector<1x1x5120xf32>, vector<1x1x5120xf32>, vector<1x1x5120xf32>, vector<1x1x5120xf32> -> vector<1x11x5120xf32>
    %swap3A = arith.constant 0 : index
    %swap3A_61 = arith.constant 0 : index
    %swap3A_62 = arith.constant 0 : index
    %swap3A_63 = vector.load %arg2[%swap3A, %swap3A_61, %swap3A_62] : memref<1x11x5120xf32, #tpu.memory_space<vmem>>, vector<1x11x5120xf32>
    tpu.vector_store %arg2[%swap3A, %swap3A_61, %swap3A_62], %stack3A_60 {strides = array<i32>} : memref<1x11x5120xf32, #tpu.memory_space<vmem>>, vector<1x11x5120xf32>,
    return
  }
  func.func @transform_0(%arg0: i32) -> (i32, i32, i32) {
    %c0_i32 = arith.constant 0 : i32
    %c0_i32_0 = arith.constant 0 : i32
    %c0_i32_1 = arith.constant 0 : i32
    return %arg0, %c0_i32, %c0_i32_0 : i32, i32, i32
  }
  func.func @transform_1(%arg0: i32) -> (i32, i32, i32) {
    %c0_i32 = arith.constant 0 : i32
    %c0_i32_0 = arith.constant 0 : i32
    %c0_i32_1 = arith.constant 0 : i32
    return %arg0, %c0_i32, %c0_i32_0 : i32, i32, i32
  }
}

</mosaic_0001>

<sc_bundles>
// kernel: kernel.4.cloned.1.call-start
scs
__scs_entry_jumppad:
0x0: {  	(pc) =	sbr.rel $0x88, $3  }
0x1: {  	(tag) =	ssettag $0x0;
	lr =	simm.s32 $0x1  }
0x2: {  	[smem:$0x3FA0] =	sst lr;
	_ =	strace $0xD0000000  }
0x3: {  	_ = 	snop  }
0x4: {  	_ = 	snop  }
0x5: {  	_ = 	snop  }
0x6: {  	_ = 	snop  }
0x7: {  	_ = 	snop  }
__scs_overlays_trampoline_lowered:
0x8: {  	[smem:$0x3FAF] =	sst s0  }
0x9: {  	[smem:$0x3FB0] =	sst s1  }
0xa: {  	[smem:$0x3FB1] =	sst s2  }
0xb: {  	[smem:$0x3FB2] =	sst s3  }
0xc: {  	[smem:$0x3FB3] =	sst s4  }
0xd: {  	[smem:$0x3FB4] =	sst s5  }
0xe: {  	[smem:$0x3FB5] =	sst s6  }
0xf: {  	[smem:$0x3FB6] =	sst s7  }
0x10: {  	[smem:$0x3FB7] =	sst s8  }
0x11: {  	[smem:$0x3FB8] =	sst s9;
	s0 =	simm.s32 @!p0 $0x0  }
0x12: {  	s1 =	sld [smem:$0x3F9E];
	s0 =	simm.s32 @p0 $0x1  }
0x13: {  	[smem:$0x3FB9] =	sst s0;
	s0 =	simm.s32 @!p1 $0x0  }
0x14: {  	s2 =	sld [smem:$0x3F9D];
	s0 =	simm.s32 @p1 $0x1  }
0x15: {  	[smem:$0x3FBA] =	sst s0;
	s0 =	simm.s32 @!p2 $0x0  }
0x16: {  	s3 =	sld [smem:$0x3FDB];
	s0 =	simm.s32 @p2 $0x1  }
0x17: {  	s4 =	simm.s32 $0x1BF5;
	[smem:$0x3FBC] =	sst s0  }
0x18: {  	s0 =	sld [smem:$0x3F9F];
	_ =	swait.ge [sflag:s4], $0x0  }
0x19: {  	s7 =	sld [smem:$0x3FA0]  }
0x1a: {  	s8 =	sadd.s32 $0xFFFFE003, lr  }
0x1b: {  	s9 =	sadd.s32 $0xFFFFFEF7, lr;
	s5 =	simm.s32 $0xFFFFFFFF;
	p2 =	slt.u32 s8, $0xFFFFF086  }
0x1c: {  	p1 =	slt.u32 s9, $0xF7A;
	s5 =	simm.s32 @!p2 $0x0  }
0x1d: {  	s5 =	simm.s32 @p1 $0x1;
	p0 =	seq.s32 s7, s2  }
0x1e: {  	s7 =	smul.u32 @!p0 $0xF7A, s2;
	p2 =	seq.s32 @!p0 s5, $0x0  }
0x1f: {  	s9 =	smul.u32 $0xF7A, s1;
	s8 =	simm.s32 @!p0 $0x1BF5;
	p2 =	por !p2, p0  }
0x20: {  	[sflag:s8] =	ssyncset.s32 @!p0 $0xFFFFF086;
	s6 =	sadd.s32 @!p0 s3, s7;
	s7 =	simm.s32 @!p0 $0x108  }
0x21: {  	s3 =	sadd.s32 s3, s9;
	s6 =	sadd.s32 @!p0 $0x88, s6;
	s7 =	simm.s32 @p2 $0x1082  }
0x22: {  	[simem:s7], [sflag:s8] =	dma.local @!p0 [hbm:s6], $0xF7A  }
0x23: {  	s9 =	sor.u32 $0xD0000000, s2;
	s6 =	simm.s32 $0x108;
	_ =	swait.ge @!p0 [sflag:s8], $0x0  }
0x24: {  	s3 =	sadd.s32 $0x88, s3;
	s6 =	simm.s32 @!p1 $0x1082;
	[sflag:s4] =	ssyncset.s32 $0xFFFFF086  }
0x25: {  	[simem:s6], [sflag:s4] =	dma.local [hbm:s3], $0xF7A  }
0x26: {  	[smem:$0x3FA0] =	sst s1;
	(tag) =	ssettag s2;
	_ =	strace s9  }
0x27: {  	s1 =	sld [smem:$0x3FB0]  }
0x28: {  	s2 =	sld [smem:$0x3FB1]  }
0x29: {  	s4 =	sld [smem:$0x3FB3]  }
0x2a: {  	p0 =	seq.s32 s5, $0x0;
	s5 =	sld [smem:$0x3FB4]  }
0x2b: {  	s6 =	sld [smem:$0x3FB5]  }
0x2c: {  	s7 =	sld [smem:$0x3FB6]  }
0x2d: {  	s3 =	simm.s32 $0x108;
	s8 =	sld [smem:$0x3FB7]  }
0x2e: {  	s3 =	simm.s32 @!p0 $0x1082;
	s9 =	sld [smem:$0x3FB8]  }
0x2f: {  	lr =	sadd.s32 s0, s3;
	s0 =	sld [smem:$0x3FAF]  }
0x30: {  	s3 =	sld [smem:$0x3FB2]  }
0x31: {  	[smem:$0x3FBB] =	sst s10  }
0x32: {  	s10 =	sld [smem:$0x3FB9];
	_ =	sdelay $0x3  }
0x33: {  	p0 =	seq.s32 s10, $0x1;
	s10 =	sld [smem:$0x3FBB];
	_ =	sdelay $0x3  }
0x34: {  	[smem:$0x3FBB] =	sst s10  }
0x35: {  	s10 =	sld [smem:$0x3FBA];
	_ =	sdelay $0x3  }
0x36: {  	p1 =	seq.s32 s10, $0x1;
	s10 =	sld [smem:$0x3FBB];
	_ =	sdelay $0x3  }
0x37: {  	[smem:$0x3FBB] =	sst s10  }
0x38: {  	s10 =	sld [smem:$0x3FBC]  }
0x39: {  	_ = 	snop;
	(pc) =	sbr.ind lr, $3  }
0x3a: {  	_ = 	snop  }
0x3b: {  	_ = 	snop  }
0x3c: {  	p2 =	seq.s32 s10, $0x1;
	s10 =	sld [smem:$0x3FBB]  }
0x3d: {  	_ =	shalt  }
0x3e: {  	_ =	shalt  }
0x3f: {  	_ =	shalt  }
0x40: {  	_ =	shalt  }
0x41: {  	_ =	shalt  }
0x42: {  	_ =	shalt  }
0x43: {  	_ =	shalt  }
0x44: {  	_ =	shalt  }
0x45: {  	_ =	shalt  }
0x46: {  	_ =	shalt  }
0x47: {  	_ =	shalt  }
0x48: {  	_ =	shalt  }
0x49: {  	_ =	shalt  }
0x4a: {  	_ =	shalt  }
0x4b: {  	_ =	shalt  }
0x4c: {  	_ =	shalt  }
0x4d: {  	_ =	shalt  }
0x4e: {  	_ =	shalt  }
0x4f: {  	_ =	shalt  }
0x50: {  	_ =	shalt  }
0x51: {  	_ =	shalt  }
0x52: {  	_ =	shalt  }
0x53: {  	_ =	shalt  }
0x54: {  	_ =	shalt  }
0x55: {  	_ =	shalt  }
0x56: {  	_ =	shalt  }
0x57: {  	_ =	shalt  }
0x58: {  	_ =	shalt  }
0x59: {  	_ =	shalt  }
0x5a: {  	_ =	shalt  }
0x5b: {  	_ =	shalt  }
0x5c: {  	_ =	shalt  }
0x5d: {  	_ =	shalt  }
0x5e: {  	_ =	shalt  }
0x5f: {  	_ =	shalt  }
0x60: {  	_ =	shalt  }
0x61: {  	_ =	shalt  }
0x62: {  	_ =	shalt  }
0x63: {  	_ =	shalt  }
0x64: {  	_ =	shalt  }
0x65: {  	_ =	shalt  }
0x66: {  	_ =	shalt  }
0x67: {  	_ =	shalt  }
0x68: {  	_ =	shalt  }
0x69: {  	_ =	shalt  }
0x6a: {  	_ =	shalt  }
0x6b: {  	_ =	shalt  }
0x6c: {  	_ =	shalt  }
0x6d: {  	_ =	shalt  }
0x6e: {  	_ =	shalt  }
0x6f: {  	_ =	shalt  }
0x70: {  	_ =	shalt  }
0x71: {  	_ =	shalt  }
0x72: {  	_ =	shalt  }
0x73: {  	_ =	shalt  }
0x74: {  	_ =	shalt  }
0x75: {  	_ =	shalt  }
0x76: {  	_ =	shalt  }
0x77: {  	_ =	shalt  }
0x78: {  	_ =	shalt  }
0x79: {  	_ =	shalt  }
0x7a: {  	_ =	shalt  }
0x7b: {  	_ =	shalt  }
0x7c: {  	_ =	shalt  }
0x7d: {  	_ =	shalt  }
0x7e: {  	_ =	shalt  }
0x7f: {  	_ =	shalt  }
0x80: {  	_ =	shalt  }
0x81: {  	_ =	shalt  }
0x82: {  	_ =	shalt  }
0x83: {  	_ =	shalt  }
0x84: {  	_ =	shalt  }
0x85: {  	_ =	shalt  }
0x86: {  	_ =	shalt  }
0x87: {  	_ =	shalt  }
.Lfunc_end0:
.L_simem_size_0:
called_computation_lowered:
.L_overlay_start_0:
0x88: {  	s2 =	sld [smem:$0x3FD9]  }
0x89: {  	s3 =	sld [smem:$0x3FFE];
	_ =	sdelay $0x1  }
0x8a: {  	s1 =	srdreg.scid  }
0x8b: {  	s0 =	sand.u32 $0x1, s1  }
0x8c: {  	s16 =	sshll.u32 s0, $0xA;
	s2 =	sadd.s32 s3, s2  }
0x8d: {  	s2 =	sadd.s32 s2, s16  }
0x8e: {  	[smem:$0x3FC7] =	sst s2  }
0x8f: {  	_ = 	snop  }
0x90: {  	(tm) =	ssettm $0x1  }
0x91: {  	s17 =	sld [smem:$0x3FFB];
	_ =	sdelay $0x3  }
0x92: {  	_ =	strace s17  }
0x93: {  	s2 =	sld [smem:$0x3FFC];
	_ =	sdelay $0x3  }
0x94: {  	_ =	strace s2  }
0x95: {  	s2 =	sld [smem:$0x3FFD];
	_ =	sdelay $0x3  }
0x96: {  	_ =	strace s2  }
0x97: {  	_ =	strace $0x8FFFFFFF  }
0x98: {  	s18 =	sld [smem:$0x3FDB];
	_ =	sdelay $0x1  }
0x99: {  	s19 =	simm.s32 $_scs_section_size  }
0x9a: {  	s4 =	simm.s32 $_size__tile_overlayer_lowered;
	s5 =	simm.s32 $_tile_overlayer_lowered  }
0x9b: {  	s22 =	simm.s32 $0x1BFF;
	s21 =	sshll.u32 s5, $0x1;
	s2 =	sadd.s32 s19, s18  }
0x9c: {  	s6 =	simm.s32 $0x0;
	s20 =	sshll.u32 s4, $0x1;
	s4 =	sadd.s32 s21, s2  }
0x9d: {  	[timem:s6], [sflag:s22] =	dma.local [hbm:s4], s20  }
0x9e: {  	_ =	swait.ge [sflag:s22], s20  }
0x9f: {  	s3 =	ssub.s32 $0x0, s20;
	[sflag:s22] =	ssyncset.done $0x0  }
0xa0: {  	[sflag:s22] =	ssyncadd.s32 s3;
	_ =	sdelay $0x1  }
0xa1: {  	s23 =	simm.s32 $0x1B8B  }
0xa2: {  	_ =	swait.ge [sflag:s23], $0x1  }
0xa3: {  	[sflag:s23] =	ssyncset.done $0x0  }
0xa4: {  	s25 =	simm.s32 $0x1B8E;
	s24 =	sld [smem:$0x3FFE];
	[sflag:s23] =	ssyncadd.s32 $0xFFFFFFFF  }
0xa5: {  	s26 =	simm.s32 $execute0_lowered;
	[smem:$0x3FD2] =	sst s25  }
0xa6: {  	s4 =	sshll.u32 s26, $0x1;
	_ =	strace $0x80000046;
	[dreg:$0x1] =	wrdreg $0xFFFFFFFF  }
0xa7: {  	s28 =	simm.s32 $_size_execute0_lowered;
	s2 =	sadd.s32 s2, s4;
	[dreg:$0x0] =	wrdreg $0x0  }
0xa8: {  	s4 =	sshll.u32 s28, $0x1;
	[dreg:$0x2] =	wrdreg s2  }
0xa9: {  	[dreg:$0x3] =	wrdreg s4  }
0xaa: {  	[dreg:$0x4] =	wrdreg $0xC0  }
0xab: {  	_ =	task [dreg:s6], $0x5FFFF  }
0xac: {  	[dreg:$0x1] =	wrdreg $0xFFFFFFFF  }
0xad: {  	[dreg:$0x0] =	wrdreg $0x60  }
0xae: {  	[dreg:$0x2] =	wrdreg s24  }
0xaf: {  	[dreg:$0x3] =	wrdreg $0x24000  }
0xb0: {  	[dreg:$0x4] =	wrdreg $0x9  }
0xb1: {  	_ =	task.clear_ibuf [dreg:s6], $0x5FFFF;
	_ =	strace $0x90000046  }
0xb2: {  	s29 =	simm.s32 $0x9;
	_ =	strace $0x80000048  }
0xb3: {  	_ =	swait.ge [sflag:s29], $0x1  }
0xb4: {  	[sflag:s29] =	ssyncadd.s32 $0xFFFFFFFF  }
0xb5: {  	_ =	strace $0x90000048  }
0xb6: {  	_ =	sfence  }
0xb7: {  	s30 =	sld [smem:$0x0];
	_ =	sdelay $0x2  }
0xb8: {  	s31 =	sshll.u32 s1, $0xD;
	s1 =	sshrl.u32 s1, $0x2  }
0xb9: {  	s3 =	sand.u32 $0x4000, s31;
	s1 =	sadd.s32 s1, s30  }
0xba: {  	s0 =	sor.u32 s3, s0;
	s1 =	sshll.u32 s1, $0x11  }
0xbb: {  	s0 =	sor.u32 s1, s0  }
0xbc: {  	s0 =	sadd.s32 $0x8F2B, s0  }
0xbd: {  	[sflag:s0] =	ssyncadd.remote.s32 $0x1  }
0xbe: {  	_ =	sfence.sel $0xFFFF  }
0xbf: {  	[dreg:$0x0] =	wrdreg $0xFFFFFFFF;
	(pc) =	sbr.abs _section_cstart, $3  }
0xc0: {  	[dreg:$0x1] =	wrdreg $0xFFFFFFFF  }
0xc1: {  	_ =	task.clear_ibuf [dreg:s6], $0x2FFFF;
	_ =	strace $0x9FFFFFFF  }
0xc2: {  	(tm) =	ssettm $0x7FFFFFFF  }
0xc3: {  	_ =	shalt  }
tec
execute0_lowered:
.L_overlay_start_1:
0x0: {  	(tag) =	ssettag $0x1  }
0x1: {  	s8 =	stileid.u32  }
0x2: {  	s0 =	sand.u32 $0x7, s8  }
0x3: {  	s1 =	smul.u32 $0x280, s0  }
0x4: {  	v0 =	vlaneseq.u32  }
0x5: {  	s4 =	sor.u32 $0x10, s1;
	v1 =	vor.u32 s1, v0  }
0x6: {  	s5 =	sor.u32 $0x20, s1;
	[tilespmem:$0x1FDE0] =	vst v1;
	v27 =	vor.u32 s4, v0  }
0x7: {  	s16 =	sor.u32 $0x30, s1;
	v28 =	vor.u32 s5, v0;
	[tilespmem:$0x1FDF0] =	vst v27  }
0x8: {  	s17 =	sor.u32 $0x40, s1;
	v29 =	vor.u32 s16, v0;
	[tilespmem:$0x1FE00] =	vst v28  }
0x9: {  	s6 =	sor.u32 $0x50, s1;
	v30 =	vor.u32 s17, v0;
	[tilespmem:$0x1FE10] =	vst v29  }
0xa: {  	s18 =	sor.u32 $0x60, s1;
	v31 =	vor.u32 s6, v0;
	[tilespmem:$0x1FE20] =	vst v30  }
0xb: {  	s19 =	sor.u32 $0x70, s1;
	v32 =	vor.u32 s18, v0;
	[tilespmem:$0x1FE30] =	vst v31  }
0xc: {  	s20 =	sadd.s32 $0x80, s1;
	v33 =	vor.u32 s19, v0;
	[tilespmem:$0x1FE40] =	vst v32  }
0xd: {  	s21 =	sadd.s32 $0x90, s1;
	v34 =	vor.u32 s20, v0;
	[tilespmem:$0x1FE50] =	vst v33  }
0xe: {  	s22 =	sadd.s32 $0xA0, s1;
	v35 =	vor.u32 s21, v0;
	[tilespmem:$0x1FE60] =	vst v34  }
0xf: {  	s23 =	sadd.s32 $0xB0, s1;
	v36 =	vor.u32 s22, v0;
	[tilespmem:$0x1FE70] =	vst v35  }
0x10: {  	s24 =	sadd.s32 $0xC0, s1;
	v37 =	vor.u32 s23, v0;
	[tilespmem:$0x1FE80] =	vst v36  }
0x11: {  	s25 =	sadd.s32 $0xD0, s1;
	v38 =	vor.u32 s24, v0;
	[tilespmem:$0x1FE90] =	vst v37  }
0x12: {  	s26 =	sadd.s32 $0xE0, s1;
	v39 =	vor.u32 s25, v0;
	[tilespmem:$0x1FEA0] =	vst v38  }
0x13: {  	s28 =	sadd.s32 $0xF0, s1;
	v40 =	vor.u32 s26, v0;
	[tilespmem:$0x1FEB0] =	vst v39  }
0x14: {  	s29 =	sadd.s32 $0x100, s1;
	v41 =	vor.u32 s28, v0;
	[tilespmem:$0x1FEC0] =	vst v40  }
0x15: {  	s30 =	sadd.s32 $0x110, s1;
	v42 =	vor.u32 s29, v0;
	[tilespmem:$0x1FED0] =	vst v41  }
0x16: {  	s7 =	sadd.s32 $0x140, s1;
	v43 =	vor.u32 s30, v0;
	[tilespmem:$0x1FEE0] =	vst v42  }
0x17: {  	s9 =	sadd.s32 $0x150, s1;
	v46 =	vor.u32 s7, v0;
	[tilespmem:$0x1FEF0] =	vst v43  }
0x18: {  	v60 =	vimm.s32 $0x3210FEDC;
	s10 =	sadd.s32 $0x160, s1;
	v47 =	vor.u32 s9, v0;
	[tilespmem:$0x1FF20] =	vst v46  }
0x19: {  	v2 =	vimm.s32 $0xBA987654;
	s11 =	sadd.s32 $0x170, s1;
	v48 =	vor.u32 s10, v0;
	[tilespmem:$0x1FF30] =	vst v47  }
0x1a: {  	v3 =	vimm.s32 $0x76543210;
	s12 =	sadd.s32 $0x180, s1;
	v49 =	vor.u32 s11, v0;
	[tilespmem:$0x1FF40] =	vst v48  }
0x1b: {  	v4 =	vimm.s32 $0x10FEDCBA;
	s13 =	sadd.s32 $0x190, s1;
	v50 =	vor.u32 s12, v0;
	[tilespmem:$0x1FF50] =	vst v49  }
0x1c: {  	s2 =	rddreg [dreg:$0x0];
	v5 =	vimm.s32 $0xFEDCBA98;
	s14 =	sadd.s32 $0x1A0, s1;
	v51 =	vor.u32 s13, v0;
	[tilespmem:$0x1FF60] =	vst v50  }
0x1d: {  	s3 =	srdreg.scid;
	v6 =	vimm.s32 $0x98765432;
	s31 =	simm.s32 $0x2300;
	s15 =	sadd.s32 $0x1B0, s1;
	v52 =	vor.u32 s14, v0;
	[tilespmem:$0x1FF70] =	vst v51  }
0x1e: {  	v7 =	vimm.s32 $0x87654321;
	p0 =	sne.s32 s0, $0x0;
	s5 =	sadd.s32 $0x120, s1;
	s6 =	sadd.s32 $0x130, s1;
	v53 =	vor.u32 s15, v0;
	[tilespmem:$0x1FF80] =	vst v52  }
0x1f: {  	vm0 =	vmmov $0x1;
	vm2 =	vcmask $0xB08;
	s16 =	sadd.s32 $0x1C0, s1;
	s17 =	sadd.s32 $0x1D0, s1;
	s18 =	sadd.s32 $0x1E0, s1;
	v44 =	vor.u32 s5, v0;
	[tilespmem:$0x1FF90] =	vst v53  }
0x20: {  	vm3 =	vcmask $0xF0C;
	vm4 =	vcmask $0x1310;
	s19 =	sadd.s32 $0x1F0, s1;
	s20 =	sadd.s32 $0x200, s1;
	s15 =	rddreg [dreg:$0x1];
	v45 =	vor.u32 s6, v0;
	[tilespmem:$0x1FF00] =	vst v44  }
0x21: {  	vm5 =	vcmask $0x1714;
	vm6 =	vcmask $0x1B18;
	s7 =	sand.u32 $0x1, s3;
	s21 =	sadd.s32 $0x210, s1;
	s23 =	sadd.s32 $0x220, s1;
	v54 =	vor.u32 s16, v0;
	[tilespmem:$0x1FF10] =	vst v45  }
0x22: {  	vm7 =	vcmask $0x1F1C;
	vm8 =	vcmask $0x2320;
	s24 =	sadd.s32 $0x230, s1;
	s25 =	sadd.s32 $0x240, s1;
	s3 =	simm.s32 $0x0;
	v55 =	vor.u32 s17, v0;
	[tilespmem:$0x1FFA0] =	vst v54  }
0x23: {  	vm9 =	vcmask $0x2724;
	vm10 =	vcmask $0x2B28;
	s9 =	sadd.s32 $0x250, s1;
	s13 =	sadd.s32 $0x260, s1;
	s30 =	sshll.u32 s0, $0x6;
	v56 =	vor.u32 s18, v0;
	[tilespmem:$0x1FFB0] =	vst v55  }
0x24: {  	v2 =	vunpack.c.l.s4.s8 v2;
	v4 =	vunpack.c.l.s4.s8 v4;
	s0 =	simm.s32 $0x0;
	v57 =	vor.u32 s19, v0;
	s16 =	sshrl.u32 s8, $0x3;
	s22 =	sshll.u32 s7, $0x1;
	[tilespmem:$0x1FFC0] =	vst v56  }
0x25: {  	v61 =	vunpack.c.l.s4.s8 v6;
	v1 =	vunpack.c.l.s4.s8 v60;
	v58 =	vor.u32 s20, v0;
	[smem:$0x7FF] =	sst s3;
	s29 =	ssub.s32 $0x2, s7;
	[tilespmem:$0x1FFD0] =	vst v57;
	s4 =	sor.u32 s16, s22  }
0x26: {  	v6 =	vimm.s32 $0xFEDCBA9;
	v59 =	vor.u32 s21, v0;
	v36 =	vor.u32 s25, v0;
	s18 =	sadd.s32 $0x270, s1;
	s25 =	sshrl.u32 s30, $0x2;
	[tilespmem:$0x1FFE0] =	vst v58;
	s26 =	smul.u32 $0xDC00, s4  }
0x27: {  	v2 =	vunpack.c.0.s8.s32 v2;
	[tilespmem:$0x1FFF0] =	vst v59;
	v1 =	vunpack.c.0.s8.s32 v1;
	s7 =	sshrl.u32 s29, $0x1;
	v39 =	vor.u32 s18, v0;
	s16 =	sshll.u32 s16, $0x7;
	s18 =	simm.s32 $0x1  }
0x28: {  	v5 =	vunpack.c.l.s4.s8 v5;
	v7 =	vunpack.c.l.s4.s8 v7;
	v6 =	vunpack.c.l.s4.s8 v6;
	s4 =	smul.u32 $0xC8, s4;
	_ =	strace $0x80000047;
	s28 =	sadd.s32 s1, s26  }
0x29: {  	v4 =	vunpack.c.0.s8.s32 v4;
	s17 =	ssub.s32 s29, s7;
	s15 =	sadd.s32 s16, s15;
	v1 =	vcombine.low v2, v1;
	v2 =	vunpack.c.0.s8.s32 v61;
	s5 =	sshrl.u32 s28, $0x3  }
0x2a: {  	vm11 =	vcmask $0x2F2C;
	v3 =	vunpack.c.l.s4.s8 v3;
	v5 =	vunpack.c.0.s8.s32 v5;
	s17 =	smax.u32 s17, $0x1;
	s14 =	sadd.s32 s5, s2;
	s2 =	sadd.s32 s4, s2  }
.Ltmp0:
0x2b: {  	v2 =	vcombine.low v2, v4;
	v4 =	vunpack.c.0.s8.s32 v6;
	v6 =	vunpack.c.0.s8.s32 v7;
	s4 =	sadd.s32 $0x400, s14;
	s5 =	sadd.s32 $0x680, s14;
	(pc) =	sbr.rel .LBB2_1-.Ltmp0, $4  }
0x2c: {  	v62 =	vunpack.c.0.s8.s32 v3;
	v34 =	vor.u32 s23, v0;
	v35 =	vor.u32 s24, v0;
	s6 =	sadd.s32 $0x900, s14;
	s7 =	sadd.s32 $0xB80, s14;
	s8 =	sadd.s32 $0xE00, s14  }
0x2d: {  	v37 =	vor.u32 s9, v0;
	v38 =	vor.u32 s13, v0;
	s9 =	sadd.s32 $0x1080, s14;
	s10 =	sadd.s32 $0x1300, s14;
	s11 =	sadd.s32 $0x1580, s14;
	v63 =	vcombine.low v6, v4  }
0x2e: {  	v42 =	vand.u32 $0xF, v1;
	s12 =	sadd.s32 $0x1800, s14;
	s13 =	sadd.s32 $0x1A80, s14;
	v6 =	vimm.f32 $0.0e+00;
	v4 =	vand.u32 $0xF, v5;
	s2 =	sadd.s32 $0x7200, s2  }
0x2f: {  	s14 =	sadd.s32 $0x1D00, s14;
	v43 =	vand.u32 $0xF, v2;
	[dreg:$0x3] =	wrdreg s2;
	v41 =	vcombine.low v4, v62;
	s2 =	simm.s32 $0x2380;
	v44 =	vand.u32 $0xF, v63  }
.LBB2_10:
0x30: {  	s16 =	rddreg [dreg:$0x3];
	s19 =	simm.s32 $0x1C80  }
0x31: {  	[hbm4b:s16+s3] =	stream.linear.scatter [tilespmem:s19], [sflag:$0x1], $0x640, $0x38;
	[tilespmem:$0x2420] =	vst v63  }
0x32: {  	_ =	swait.ge [sflag:s18], $0x640  }
0x33: {  	[sflag:s18] =	ssyncset.done $0x0  }
0x34: {  	v6 =	vimm.f32 $0.0e+00;
	[sflag:s18] =	ssyncadd.s32 $0xFFFFF9C0  }
.LBB2_11:
0x35: {  	s0 =	sadd.s32 $0x1, s0  }
0x36: {  	p1 =	sne.s32 s0, s17  }
.Ltmp1:
0x37: {  	_ = 	snop;
	(pc) =	sbr.rel @!p1 .LBB2_12-.Ltmp1, $1  }
0x38: {  	_ =	sdelay $0x3  }
.LBB2_1:
0x39: {  	[tilespmem:s3], [sflag:$0x1] =	stream.linear.gather [hbm4b:s4+s3], $0x280, $0x38;
	[tilespmem:$0x2420] =	vst v63  }
0x3a: {  	_ =	swait.ge [sflag:s18], $0x280  }
0x3b: {  	[sflag:s18] =	ssyncset.done $0x0  }
0x3c: {  	s16 =	simm.s32 $0x290;
	[sflag:s18] =	ssyncadd.s32 $0xFFFFFD80  }
0x3d: {  	[tilespmem:s16], [sflag:$0x1] =	stream.linear.gather [hbm4b:s5+s3], $0x280, $0x38;
	[tilespmem:$0x2420] =	vst v63  }
0x3e: {  	_ =	swait.ge [sflag:s18], $0x280  }
0x3f: {  	[sflag:s18] =	ssyncset.done $0x0  }
0x40: {  	s20 =	simm.s32 $0x520;
	[sflag:s18] =	ssyncadd.s32 $0xFFFFFD80  }
0x41: {  	[tilespmem:s20], [sflag:$0x1] =	stream.linear.gather [hbm4b:s6+s3], $0x280, $0x38;
	[tilespmem:$0x2420] =	vst v63  }
0x42: {  	_ =	swait.ge [sflag:s18], $0x280  }
0x43: {  	[sflag:s18] =	ssyncset.done $0x0  }
0x44: {  	s21 =	simm.s32 $0x7B0;
	[sflag:s18] =	ssyncadd.s32 $0xFFFFFD80  }
0x45: {  	[tilespmem:s21], [sflag:$0x1] =	stream.linear.gather [hbm4b:s7+s3], $0x280, $0x38;
	[tilespmem:$0x2420] =	vst v63  }
0x46: {  	_ =	swait.ge [sflag:s18], $0x280  }
0x47: {  	[sflag:s18] =	ssyncset.done $0x0  }
0x48: {  	s22 =	simm.s32 $0xA40;
	[sflag:s18] =	ssyncadd.s32 $0xFFFFFD80  }
0x49: {  	[tilespmem:s22], [sflag:$0x1] =	stream.linear.gather [hbm4b:s8+s3], $0x280, $0x38;
	[tilespmem:$0x2420] =	vst v63  }
0x4a: {  	_ =	swait.ge [sflag:s18], $0x280  }
0x4b: {  	[sflag:s18] =	ssyncset.done $0x0  }
0x4c: {  	s23 =	simm.s32 $0xCD0;
	[sflag:s18] =	ssyncadd.s32 $0xFFFFFD80  }
0x4d: {  	[tilespmem:s23], [sflag:$0x1] =	stream.linear.gather [hbm4b:s9+s3], $0x280, $0x38;
	[tilespmem:$0x2420] =	vst v63  }
0x4e: {  	_ =	swait.ge [sflag:s18], $0x280  }
0x4f: {  	[sflag:s18] =	ssyncset.done $0x0  }
0x50: {  	s24 =	simm.s32 $0xF60;
	[sflag:s18] =	ssyncadd.s32 $0xFFFFFD80  }
0x51: {  	[tilespmem:s24], [sflag:$0x1] =	stream.linear.gather [hbm4b:s10+s3], $0x280, $0x38;
	[tilespmem:$0x2420] =	vst v63  }
0x52: {  	_ =	swait.ge [sflag:s18], $0x280  }
0x53: {  	[sflag:s18] =	ssyncset.done $0x0  }
0x54: {  	s26 =	simm.s32 $0x11F0;
	[sflag:s18] =	ssyncadd.s32 $0xFFFFFD80  }
0x55: {  	[tilespmem:s26], [sflag:$0x1] =	stream.linear.gather [hbm4b:s11+s3], $0x280, $0x38;
	[tilespmem:$0x2420] =	vst v63  }
0x56: {  	_ =	swait.ge [sflag:s18], $0x280  }
0x57: {  	[sflag:s18] =	ssyncset.done $0x0  }
0x58: {  	s28 =	simm.s32 $0x1480;
	[sflag:s18] =	ssyncadd.s32 $0xFFFFFD80  }
0x59: {  	[tilespmem:s28], [sflag:$0x1] =	stream.linear.gather [hbm4b:s12+s3], $0x280, $0x38;
	[tilespmem:$0x2420] =	vst v63  }
0x5a: {  	_ =	swait.ge [sflag:s18], $0x280  }
0x5b: {  	[sflag:s18] =	ssyncset.done $0x0  }
0x5c: {  	s29 =	simm.s32 $0x1710;
	[sflag:s18] =	ssyncadd.s32 $0xFFFFFD80  }
0x5d: {  	[tilespmem:s29], [sflag:$0x1] =	stream.linear.gather [hbm4b:s13+s3], $0x280, $0x38;
	[tilespmem:$0x2420] =	vst v63  }
0x5e: {  	_ =	swait.ge [sflag:s18], $0x280  }
0x5f: {  	[sflag:s18] =	ssyncset.done $0x0  }
0x60: {  	s30 =	simm.s32 $0x19A0;
	[sflag:s18] =	ssyncadd.s32 $0xFFFFFD80  }
0x61: {  	[tilespmem:s30], [sflag:$0x1] =	stream.linear.gather [hbm4b:s14+s3], $0x280, $0x38;
	[tilespmem:$0x2420] =	vst v63  }
0x62: {  	_ =	swait.ge [sflag:s18], $0x280  }
0x63: {  	[sflag:s18] =	ssyncset.done $0x0  }
0x64: {  	s16 =	simm.s32 $0x0;
	[sflag:s18] =	ssyncadd.s32 $0xFFFFFD80  }
.LBB2_2:
0x65: {  	p1 =	sne.s32 s16, $0x18C0  }
.Ltmp2:
0x66: {  	_ = 	snop;
	(pc) =	sbr.rel @p1 .LBB2_2-.Ltmp2, $3  }
0x67: {  	_ =	sdelay $0x1  }
0x68: {  	s19 =	sshra.s32 s16, $0x2  }
0x69: {  	s16 =	sadd.s32 $0x40, s16;
	[tilespmem:s19+$0x1C80] =	vst v6  }
.Ltmp3:
0x6a: {  	(pc) =	sbr.rel .LBB2_4-.Ltmp3, $4  }
0x6b: {  	s24 =	simm.f32 $-1.000000020e+30  }
0x6c: {  	s23 =	simm.f32 $0.0e+00;
	s22 =	simm.s32 $0xFFFFFFFF;
	s16 =	simm.s32 $0x63  }
0x6d: {  	s19 =	simm.s32 $0x1C80;
	s20 =	simm.s32 $0x0;
	s26 =	simm.f32 $-1.000000020e+30  }
0x6e: {  	s28 =	simm.f32 $-1.000000020e+30;
	s29 =	simm.f32 $-1.000000020e+30;
	s21 =	simm.s32 $0x0  }
.LBB2_7:
0x6f: {  	s22 =	scvt.f32.s32 s22  }
0x70: {  	s16 =	sadd.s32 $0xFFFFFFFF, s16;
	s19 =	sadd.s32 $0x10, s19;
	s20 =	sadd.s32 $0x100, s20  }
.LBB2_4:
0x71: {  	v0 =	vld [tilespmem:$0x290]  }
0x72: {  	v1 =	vld [tilespmem:$0x520]  }
0x73: {  	v2 =	vld [tilespmem:$0x7B0]  }
0x74: {  	v3 =	vld [tilespmem:$0xA40]  }
0x75: {  	v4 =	vld [tilespmem:$0xCD0]  }
0x76: {  	v5 =	vld [tilespmem:$0x2A0]  }
0x77: {  	v6 =	vld [tilespmem:$0x530]  }
0x78: {  	v7 =	vld [tilespmem:$0xCE0]  }
0x79: {  	v60 =	vld [tilespmem:$0x2B0]  }
0x7a: {  	v8 =	vld [tilespmem:$0x540]  }
0x7b: {  	v9 =	vld [tilespmem:$0x7D0]  }
0x7c: {  	v10 =	vld [tilespmem:$0xA60]  }
0x7d: {  	v61 =	vld [tilespmem:$0xCF0]  }
0x7e: {  	v62 =	vld [tilespmem:$0x2C0]  }
0x7f: {  	v14 =	vld [tilespmem:$0x550]  }
0x80: {  	v15 =	vld [tilespmem:$0x7E0];
	v0 =	vmax.f32 v0, s29;
	v2 =	vmin.f32 v2, s26  }
0x81: {  	v1 =	vmax.f32 v1, s28;
	v3 =	vmin.f32 v3, s24;
	v0 =	vsub.f32 v2, v0;
	v2 =	vld [tilespmem:$0x7C0]  }
0x82: {  	v1 =	vsub.f32 v3, v1;
	v3 =	vld [tilespmem:$0xA50]  }
0x83: {  	v16 =	vld [tilespmem:$0xD00]  }
0x84: {  	v18 =	vld [tilespmem:$0x2D0];
	v0 =	vmax.f32 v0, $0.0e+00;
	v1 =	vmax.f32 v1, $0.0e+00  }
0x85: {  	v19 =	vld [tilespmem:$0x560];
	v0 =	vmul.f32 v1, v0;
	v1 =	vadd.f32 s23, v4  }
0x86: {  	v20 =	vld [tilespmem:$0x7F0];
	v5 =	vmax.f32 v5, s29;
	v6 =	vmax.f32 v6, s28  }
0x87: {  	v22 =	vld [tilespmem:$0xA80];
	v1 =	vsub.f32 v1, v0;
	v2 =	vmin.f32 v2, s26;
	v3 =	vmin.f32 v3, s24  }
0x88: {  	v23 =	vld [tilespmem:$0x0];
	v2 =	vsub.f32 v2, v5;
	v3 =	vsub.f32 v3, v6  }
0x89: {  	v24 =	vld [tilespmem:$0x10];
	v63 =	vmax.f32 v8, s28;
	v12 =	vmin.f32 v9, s26;
	v13 =	vmin.f32 v10, s24  }
0x8a: {  	v32 =	vld [tilespmem:$0x2F0];
	v1 =	vadd.f32 $9.999999710e-10, v1;
	v2 =	vmax.f32 v2, $0.0e+00;
	v3 =	vmax.f32 v3, $0.0e+00  }
0x8b: {  	v33 =	vld [tilespmem:$0x580];
	v4 =	vmax.f32 v60, s29;
	v2 =	vmul.f32 v3, v2;
	v3 =	vadd.f32 s23, v7  }
0x8c: {  	v25 =	vld [tilespmem:$0x2E0];
	v4 =	vsub.f32 v12, v4;
	v7 =	vsub.f32 v13, v63;
	(erf) = vrcp.f32 v1  }
0x8d: {  	v17 =	vmax.f32 v14, s28;
	v1 =	vsub.f32 v3, v2;
	v3 =	vld [tilespmem:$0xA70]  }
0x8e: {  	v26 =	vld [tilespmem:$0x800];
	v8 =	vmin.f32 v15, s26;
	v4 =	vmax.f32 v4, $0.0e+00;
	v7 =	vmax.f32 v7, $0.0e+00  }
0x8f: {  	v12 =	vld [tilespmem:$0xAB0];
	v5 =	vadd.f32 s23, v61;
	v4 =	vmul.f32 v7, v4;
	v1 =	vadd.f32 $9.999999710e-10, v1  }
0x90: {  	v28 =	vld [tilespmem:$0xA90];
	v9 =	vmin.f32 v20, s26;
	v53 =	vmax.f32 v32, s29;
	v54 =	vmax.f32 v33, s28  }
0x91: {  	v6 =	vmax.f32 v62, s29;
	v62 =	vld [tilespmem:$0xAC0];
	(erf) = vrcp.f32 v1;
	v1 =	vsub.f32 v5, v4  }
0x92: {  	v6 =	vsub.f32 v8, v6;
	v8 =	vmax.f32 v19, s28;
	v13 =	vld [tilespmem:$0x1FDE0];
	v3 =	vmin.f32 v3, s24  }
0x93: {  	v30 =	vld [tilespmem:$0x20];
	v7 =	vmax.f32 v18, s29;
	v3 =	vsub.f32 v3, v17;
	v1 =	vadd.f32 $9.999999710e-10, v1  }
0x94: {  	v14 =	vld [tilespmem:$0x1FDF0];
	v6 =	vmax.f32 v6, $0.0e+00;
	v19 =	vmin.f32 v12, s24;
	v7 =	vsub.f32 v9, v7  }
0x95: {  	v15 =	vld [tilespmem:$0x1FE00];
	v5 =	vmin.f32 v22, s24;
	v21 =	vpop (erf);
	v3 =	vmax.f32 v3, $0.0e+00;
	(erf) = vrcp.f32 v1  }
0x96: {  	v0 =	vmul.f32 v21, v0;
	v21 =	vld [tilespmem:$0x320];
	v1 =	vmul.f32 v3, v6;
	v3 =	vadd.f32 s23, v16  }
0x97: {  	vm14 =	veq.s32 v13, s22;
	v22 =	vmin.f32 v62, s24;
	v5 =	vsub.f32 v5, v8;
	v16 =	vld [tilespmem:$0x1FE10]  }
0x98: {  	v55 =	vld [tilespmem:$0x300];
	v8 =	vmax.f32 v25, s29;
	vm13 =	vgt.f32 v0, $4.499999880e-01;
	v3 =	vsub.f32 v3, v1  }
0x99: {  	v57 =	vld [tilespmem:$0x820];
	v5 =	vmax.f32 v5, $0.0e+00;
	v6 =	vmin.f32 v26, s26;
	vm13 =	vmor vm14, vm13  }
0x9a: {  	vm14 =	veq.s32 v14, s22;
	v45 =	vsel vm13, $0xFF800000, v23;
	v0 =	vadd.f32 $9.999999710e-10, v3;
	v3 =	vld [tilespmem:$0xD10];
	v11 =	vpop (erf)  }
0x9b: {  	v31 =	vld [tilespmem:$0xD20];
	vm15 =	vgt.f32 v45, $-Inf;
	v9 =	vmax.f32 v21, s29;
	v2 =	vmul.f32 v11, v2  }
0x9c: {  	v20 =	vld [tilespmem:$0xD50];
	v29 =	vnsel vm15, $0xFF800000, v45;
	vm15 =	veq.s32 v15, s22;
	vm12 =	veq.s32 v16, s22  }
0x9d: {  	(erf) = vrcp.f32 v0;
	v0 =	vld [tilespmem:$0x570];
	vm13 =	vgt.f32 v2, $4.499999880e-01;
	v2 =	vmax.f32 v7, $0.0e+00  }
0x9e: {  	v52 =	vld [tilespmem:$0xD30];
	v11 =	vmax.f32 v55, s29;
	v7 =	vmin.f32 v57, s26;
	v2 =	vmul.f32 v5, v2  }
0x9f: {  	v23 =	vld [tilespmem:$0x5B0];
	v27 =	vpop (erf);
	vm13 =	vmor vm14, vm13;
	v5 =	vmin.f32 v28, s24;
	v3 =	vadd.f32 s23, v3  }
0xa0: {  	v40 =	vld [tilespmem:$0x810];
	v7 =	vsub.f32 v7, v11;
	v4 =	vmul.f32 v27, v4;
	v46 =	vsel vm13, $0xFF800000, v24  }
0xa1: {  	v50 =	vld [tilespmem:$0xAA0];
	v28 =	vadd.f32 s23, v20;
	vm13 =	vgt.f32 v46, v29;
	v3 =	vsub.f32 v3, v2  }
0xa2: {  	v27 =	vld [tilespmem:$0xD60];
	v7 =	vmax.f32 v7, $0.0e+00;
	vm14 =	vgt.f32 v4, $4.499999880e-01;
	v0 =	vmax.f32 v0, s28  }
0xa3: {  	v51 =	vld [tilespmem:$0x30];
	v48 =	vsel vm13, v46, v29;
	v4 =	vadd.f32 s23, v52;
	v3 =	vadd.f32 $9.999999710e-10, v3  }
0xa4: {  	v59 =	vld [tilespmem:$0x310];
	v60 =	vsel vm13, v14, v13;
	v13 =	vmax.f32 v23, s28;
	v0 =	vsub.f32 v5, v0  }
0xa5: {  	v61 =	vld [tilespmem:$0x830];
	vm14 =	vmor vm15, vm14;
	v5 =	vmin.f32 v40, s26;
	(erf) = vrcp.f32 v3  }
0xa6: {  	v52 =	vld [tilespmem:$0x340];
	v47 =	vsel vm14, $0xFF800000, v30;
	v5 =	vsub.f32 v5, v53;
	v3 =	vsub.f32 v6, v8  }
0xa7: {  	v30 =	vld [tilespmem:$0x850];
	v0 =	vmax.f32 v0, $0.0e+00;
	vm14 =	vgt.f32 v47, v48;
	v40 =	vadd.f32 s23, v27  }
0xa8: {  	v18 =	vld [tilespmem:$0x1FE20];
	v49 =	vpop (erf);
	v8 =	vmin.f32 v50, s24;
	v6 =	vsel vm14, v47, v48;
	v3 =	vmax.f32 v3, $0.0e+00  }
0xa9: {  	v1 =	vmul.f32 v49, v1;
	v0 =	vmul.f32 v0, v3;
	v3 =	vadd.f32 s23, v31;
	v31 =	vld [tilespmem:$0xAE0]  }
0xaa: {  	v24 =	vld [tilespmem:$0x840];
	v5 =	vmax.f32 v5, $0.0e+00;
	v10 =	vsel vm14, v15, v60;
	v8 =	vsub.f32 v8, v54  }
0xab: {  	v29 =	vld [tilespmem:$0x330];
	v62 =	vmax.f32 v52, s29;
	vm15 =	vgt.f32 v1, $4.499999880e-01;
	v3 =	vsub.f32 v3, v0  }
0xac: {  	v1 =	vld [tilespmem:$0x40];
	v8 =	vmax.f32 v8, $0.0e+00;
	v53 =	vmin.f32 v30, s26;
	vm12 =	vmor vm12, vm15  }
0xad: {  	v5 =	vmul.f32 v8, v5;
	v8 =	vmax.f32 v59, s29;
	v59 =	vld [tilespmem:$0x1FE40];
	v3 =	vadd.f32 $9.999999710e-10, v3  }
0xae: {  	vm15 =	veq.s32 v18, s22;
	v48 =	vsel vm12, $0xFF800000, v51;
	v54 =	vmin.f32 v31, s24;
	v31 =	vld [tilespmem:$0x360];
	v58 =	vpop (erf)  }
0xaf: {  	vm12 =	vgt.f32 v48, v6;
	(erf) = vrcp.f32 v3;
	v3 =	vld [tilespmem:$0x5A0];
	v2 =	vmul.f32 v58, v2  }
0xb0: {  	v56 =	vld [tilespmem:$0x590];
	v51 =	vmax.f32 v29, s29;
	v6 =	vsel vm12, v48, v6;
	v10 =	vsel vm12, v16, v10  }
0xb1: {  	vm13 =	vgt.f32 v2, $4.499999880e-01;
	v2 =	vsub.f32 v4, v5;
	v4 =	vmin.f32 v61, s26  }
0xb2: {  	v33 =	vld [tilespmem:$0xD70];
	vm13 =	vmor vm15, vm13;
	v4 =	vsub.f32 v4, v8;
	v8 =	vmin.f32 v24, s26  }
0xb3: {  	v63 =	vld [tilespmem:$0x50];
	vm15 =	veq.s32 v59, s22;
	v11 =	vmax.f32 v31, s29;
	v2 =	vadd.f32 $9.999999710e-10, v2  }
0xb4: {  	v49 =	vsel vm13, $0xFF800000, v1;
	v1 =	vld [tilespmem:$0xD40];
	v3 =	vmax.f32 v3, s28;
	v8 =	vsub.f32 v8, v9  }
0xb5: {  	v61 =	vld [tilespmem:$0xD80];
	v9 =	vsub.f32 v53, v51;
	(erf) = vrcp.f32 v2;
	v2 =	vmax.f32 v56, s28  }
0xb6: {  	v26 =	vld [tilespmem:$0xAD0];
	v3 =	vsub.f32 v22, v3;
	vm13 =	vgt.f32 v49, v6;
	v2 =	vsub.f32 v19, v2  }
0xb7: {  	v4 =	vmax.f32 v4, $0.0e+00;
	v6 =	vsel vm13, v49, v6;
	v32 =	vmax.f32 v8, $0.0e+00;
	v56 =	vld [tilespmem:$0x860]  }
0xb8: {  	v9 =	vmax.f32 v9, $0.0e+00;
	v3 =	vmax.f32 v3, $0.0e+00;
	v19 =	vld [tilespmem:$0x1FE30];
	v25 =	vpop (erf);
	v2 =	vmax.f32 v2, $0.0e+00  }
0xb9: {  	v55 =	vld [tilespmem:$0x5D0];
	v1 =	vadd.f32 s23, v1;
	v0 =	vmul.f32 v25, v0;
	v2 =	vmul.f32 v2, v7  }
0xba: {  	v57 =	vld [tilespmem:$0xAF0];
	v8 =	vadd.f32 s23, v33;
	v21 =	vadd.f32 s23, v61;
	v3 =	vmul.f32 v3, v4  }
0xbb: {  	v7 =	vmin.f32 v26, s24;
	vm12 =	vgt.f32 v0, $4.499999880e-01;
	v0 =	vld [tilespmem:$0x5C0];
	v1 =	vsub.f32 v1, v2  }
0xbc: {  	v23 =	vld [tilespmem:$0x1FE50];
	v60 =	vsel vm13, v18, v10;
	v4 =	vsub.f32 v28, v3;
	v7 =	vsub.f32 v7, v13  }
0xbd: {  	v29 =	vld [tilespmem:$0xD90];
	v12 =	vmin.f32 v56, s26;
	vm14 =	veq.s32 v19, s22;
	v1 =	vadd.f32 $9.999999710e-10, v1  }
0xbe: {  	v16 =	vld [tilespmem:$0x70];
	v10 =	vsub.f32 v12, v62;
	vm12 =	vmor vm14, vm12;
	v7 =	vmax.f32 v7, $0.0e+00  }
0xbf: {  	v58 =	vld [tilespmem:$0x60];
	v50 =	vsel vm12, $0xFF800000, v63;
	v63 =	vmax.f32 v55, s28;
	(erf) = vrcp.f32 v1  }
0xc0: {  	v24 =	vld [tilespmem:$0xB00];
	v17 =	vpop (erf);
	v1 =	vadd.f32 $9.999999710e-10, v4;
	v4 =	vmul.f32 v7, v32;
	v0 =	vmax.f32 v0, s28  }
0xc1: {  	v31 =	vld [tilespmem:$0x620];
	v10 =	vmax.f32 v10, $0.0e+00;
	v5 =	vmul.f32 v17, v5;
	v0 =	vsub.f32 v54, v0  }
0xc2: {  	v22 =	vld [tilespmem:$0x5E0];
	vm12 =	vgt.f32 v50, v6;
	(erf) = vrcp.f32 v1;
	v1 =	vsub.f32 v40, v4  }
0xc3: {  	v18 =	vld [tilespmem:$0x80];
	vm14 =	vgt.f32 v5, $4.499999880e-01;
	v5 =	vmin.f32 v57, s24;
	v0 =	vmax.f32 v0, $0.0e+00  }
0xc4: {  	v62 =	vld [tilespmem:$0xB20];
	vm13 =	vmor vm15, vm14;
	v1 =	vadd.f32 $9.999999710e-10, v1;
	v0 =	vmul.f32 v0, v9  }
0xc5: {  	v6 =	vsel vm12, v50, v6;
	v40 =	vld [tilespmem:$0x880];
	v5 =	vsub.f32 v5, v63;
	v51 =	vsel vm13, $0xFF800000, v58  }
0xc6: {  	v9 =	vsel vm12, v19, v60;
	v19 =	vld [tilespmem:$0x350];
	(erf) = vrcp.f32 v1;
	v1 =	vsub.f32 v8, v0  }
0xc7: {  	vm14 =	veq.s32 v23, s22;
	vm12 =	vgt.f32 v51, v6;
	v8 =	vmax.f32 v22, s28;
	v22 =	vld [tilespmem:$0xDB0]  }
0xc8: {  	v61 =	vld [tilespmem:$0x890];
	v5 =	vmax.f32 v5, $0.0e+00;
	v6 =	vsel vm12, v51, v6;
	v1 =	vadd.f32 $9.999999710e-10, v1;
	v17 =	vpop (erf)  }
0xc9: {  	v25 =	vld [tilespmem:$0x1FE60];
	v26 =	vsel vm12, v59, v9;
	v59 =	vadd.f32 s23, v29;
	v2 =	vmul.f32 v17, v2  }
0xca: {  	v58 =	vld [tilespmem:$0xB10];
	(erf) = vrcp.f32 v1;
	v1 =	vmul.f32 v5, v10;
	v10 =	vmin.f32 v24, s24  }
0xcb: {  	v28 =	vld [tilespmem:$0xA0];
	v30 =	vmax.f32 v19, s29;
	v24 =	vmin.f32 v62, s24;
	v8 =	vsub.f32 v10, v8  }
0xcc: {  	v17 =	vld [tilespmem:$0x1FE70];
	v20 =	vpop (erf);
	v10 =	vmin.f32 v40, s26;
	v29 =	vadd.f32 s23, v22;
	vm13 =	vgt.f32 v2, $4.499999880e-01  }
0xcd: {  	v32 =	vld [tilespmem:$0x5F0];
	v2 =	vmul.f32 v20, v3;
	v5 =	vsub.f32 v21, v1;
	v10 =	vsub.f32 v10, v11  }
0xce: {  	v3 =	vld [tilespmem:$0x870];
	vm13 =	vmor vm14, vm13;
	vm14 =	veq.s32 v25, s22;
	v57 =	vmax.f32 v8, $0.0e+00  }
0xcf: {  	v60 =	vld [tilespmem:$0x370];
	v8 =	vmin.f32 v58, s24;
	v52 =	vsel vm13, $0xFF800000, v16;
	vm13 =	vgt.f32 v2, $4.499999880e-01  }
0xd0: {  	v63 =	vld [tilespmem:$0xB0];
	v5 =	vadd.f32 $9.999999710e-10, v5;
	v10 =	vmax.f32 v10, $0.0e+00;
	vm15 =	vgt.f32 v52, v6  }
0xd1: {  	v16 =	vld [tilespmem:$0x430];
	vm13 =	vmor vm14, vm13;
	v27 =	vpop (erf);
	vm14 =	veq.s32 v17, s22;
	v6 =	vsel vm15, v52, v6  }
0xd2: {  	v2 =	vld [tilespmem:$0x90];
	v53 =	vsel vm13, $0xFF800000, v18;
	v4 =	vmul.f32 v27, v4;
	(erf) = vrcp.f32 v5  }
0xd3: {  	v7 =	vsel vm15, v23, v26;
	v18 =	vld [tilespmem:$0x1FE80];
	v3 =	vmin.f32 v3, s26;
	vm12 =	vgt.f32 v53, v6  }
0xd4: {  	v5 =	vmax.f32 v60, s29;
	v26 =	vld [tilespmem:$0x8A0];
	v3 =	vsub.f32 v3, v30;
	v6 =	vsel vm12, v53, v6  }
0xd5: {  	v19 =	vld [tilespmem:$0x1FE90];
	vm13 =	vgt.f32 v4, $4.499999880e-01;
	v7 =	vsel vm12, v25, v7;
	v4 =	vmin.f32 v61, s26  }
0xd6: {  	v30 =	vld [tilespmem:$0x390];
	v33 =	vpop (erf);
	vm13 =	vmor vm14, vm13;
	v4 =	vsub.f32 v4, v5;
	v16 =	vmax.f32 v16, s29  }
0xd7: {  	v25 =	vld [tilespmem:$0x610];
	v0 =	vmul.f32 v33, v0;
	v3 =	vmax.f32 v3, $0.0e+00;
	v54 =	vsel vm13, $0xFF800000, v2  }
0xd8: {  	v22 =	vld [tilespmem:$0xDD0];
	v3 =	vmul.f32 v57, v3;
	vm15 =	veq.s32 v18, s22;
	vm13 =	vgt.f32 v54, v6  }
0xd9: {  	v4 =	vmax.f32 v4, $0.0e+00;
	v5 =	vmin.f32 v26, s26;
	vm14 =	vgt.f32 v0, $4.499999880e-01;
	v0 =	vld [tilespmem:$0x600]  }
0xda: {  	v23 =	vld [tilespmem:$0x380];
	v57 =	vsel vm13, v54, v6;
	v60 =	vsel vm13, v17, v7;
	v2 =	vsub.f32 v59, v3  }
0xdb: {  	vm14 =	vmor vm15, vm14;
	vm15 =	veq.s32 v19, s22;
	v9 =	vmax.f32 v30, s29;
	v30 =	vld [tilespmem:$0x8C0]  }
0xdc: {  	v12 =	vmax.f32 v25, s28;
	v55 =	vsel vm14, $0xFF800000, v28;
	v28 =	vld [tilespmem:$0xDC0];
	v20 =	vpop (erf);
	v2 =	vadd.f32 $9.999999710e-10, v2  }
0xdd: {  	v25 =	vmax.f32 v31, s28;
	v31 =	vld [tilespmem:$0x1FEA0];
	vm14 =	vgt.f32 v55, $-Inf;
	v1 =	vmul.f32 v20, v1  }
0xde: {  	v21 =	vld [tilespmem:$0xDA0];
	(erf) = vrcp.f32 v2;
	v2 =	vmax.f32 v32, s28;
	v0 =	vmax.f32 v0, s28  }
0xdf: {  	v27 =	vld [tilespmem:$0xB30];
	v6 =	vnsel vm14, $0xFF800000, v55;
	v2 =	vsub.f32 v8, v2;
	v0 =	vsub.f32 v24, v0  }
0xe0: {  	v33 =	vld [tilespmem:$0xB40];
	vm12 =	vgt.f32 v1, $4.499999880e-01;
	v8 =	vmax.f32 v23, s29;
	v61 =	vmin.f32 v30, s26  }
0xe1: {  	v32 =	vld [tilespmem:$0x8B0];
	vm12 =	vmor vm15, vm12;
	v5 =	vsub.f32 v5, v8;
	v23 =	vadd.f32 s23, v28  }
0xe2: {  	v14 =	vld [tilespmem:$0x1FEC0];
	vm15 =	veq.s32 v31, s22;
	v8 =	vadd.f32 s23, v22;
	v2 =	vmax.f32 v2, $0.0e+00  }
0xe3: {  	v30 =	vld [tilespmem:$0x3C0];
	v0 =	vmax.f32 v0, $0.0e+00;
	v1 =	vmul.f32 v2, v10;
	v2 =	vadd.f32 s23, v21  }
0xe4: {  	v13 =	vld [tilespmem:$0x110];
	v56 =	vsel vm12, $0xFF800000, v63;
	v0 =	vmul.f32 v0, v4;
	v10 =	vmin.f32 v27, s24  }
0xe5: {  	vm14 =	vgt.f32 v56, v6;
	v27 =	vmin.f32 v33, s24;
	v33 =	vld [tilespmem:$0xDE0];
	v2 =	vsub.f32 v2, v1  }
0xe6: {  	v24 =	vld [tilespmem:$0x3A0];
	v20 =	vmax.f32 v5, $0.0e+00;
	v58 =	vsub.f32 v10, v12;
	v26 =	vmin.f32 v32, s26  }
0xe7: {  	v32 =	vld [tilespmem:$0xB50];
	v6 =	vsel vm14, v56, v6;
	v63 =	vsel vm14, v19, v18;
	v2 =	vadd.f32 $9.999999710e-10, v2  }
0xe8: {  	v59 =	vld [tilespmem:$0xC0];
	v4 =	vsub.f32 v29, v0;
	v29 =	vsub.f32 v27, v25;
	v12 =	vmax.f32 v30, s29;
	v40 =	vpop (erf)  }
0xe9: {  	v28 =	vld [tilespmem:$0x630];
	v21 =	vmax.f32 v58, $0.0e+00;
	v3 =	vmul.f32 v40, v3;
	(erf) = vrcp.f32 v2  }
0xea: {  	v22 =	vadd.f32 s23, v33;
	v2 =	vadd.f32 $9.999999710e-10, v4;
	v4 =	vmul.f32 v21, v20;
	v20 =	vld [tilespmem:$0x3B0]  }
0xeb: {  	v40 =	vmax.f32 v24, s29;
	v24 =	vld [tilespmem:$0x1FEB0];
	vm12 =	vgt.f32 v3, $4.499999880e-01;
	v3 =	vsub.f32 v26, v9  }
0xec: {  	v62 =	vld [tilespmem:$0xD0];
	v5 =	vmin.f32 v32, s24;
	(erf) = vrcp.f32 v2;
	v2 =	vsub.f32 v23, v4  }
0xed: {  	v9 =	vmax.f32 v29, $0.0e+00;
	v23 =	vld [tilespmem:$0x640];
	vm12 =	vmor vm15, vm12;
	v3 =	vmax.f32 v3, $0.0e+00  }
0xee: {  	v26 =	vld [tilespmem:$0xB60];
	v2 =	vadd.f32 $9.999999710e-10, v2;
	v58 =	vsel vm12, $0xFF800000, v59;
	v59 =	vmax.f32 v28, s28  }
0xef: {  	v29 =	vld [tilespmem:$0xDF0];
	v3 =	vmul.f32 v9, v3;
	vm12 =	vgt.f32 v58, v6;
	v5 =	vsub.f32 v5, v59  }
0xf0: {  	v19 =	vld [tilespmem:$0xE0];
	vm14 =	veq.s32 v24, s22;
	v10 =	vmax.f32 v20, s29;
	(erf) = vrcp.f32 v2  }
0xf1: {  	v6 =	vsel vm12, v58, v6;
	v25 =	vsel vm12, v31, v63;
	v31 =	vld [tilespmem:$0x650];
	v2 =	vsub.f32 v8, v3  }
0xf2: {  	v27 =	vld [tilespmem:$0x100];
	v8 =	vsub.f32 v61, v40;
	v5 =	vmax.f32 v5, $0.0e+00;
	v7 =	vmax.f32 v23, s28;
	v18 =	vpop (erf)  }
0xf3: {  	v30 =	vld [tilespmem:$0xE10];
	v9 =	vmin.f32 v26, s24;
	v2 =	vadd.f32 $9.999999710e-10, v2;
	v1 =	vmul.f32 v18, v1  }
0xf4: {  	v23 =	vadd.f32 s23, v29;
	v7 =	vsub.f32 v9, v7;
	v8 =	vmax.f32 v8, $0.0e+00;
	v18 =	vld [tilespmem:$0x950]  }
0xf5: {  	v32 =	vld [tilespmem:$0x1FED0];
	v21 =	vpop (erf);
	(erf) = vrcp.f32 v2;
	v2 =	vmul.f32 v5, v8;
	vm13 =	vgt.f32 v1, $4.499999880e-01  }
0xf6: {  	v20 =	vld [tilespmem:$0x1FEF0];
	v9 =	vmax.f32 v31, s28;
	v0 =	vmul.f32 v21, v0;
	vm12 =	vmor vm14, vm13  }
0xf7: {  	v1 =	vld [tilespmem:$0x8D0];
	v21 =	vmax.f32 v7, $0.0e+00;
	v5 =	vsub.f32 v22, v2;
	v59 =	vsel vm12, $0xFF800000, v62  }
0xf8: {  	v40 =	vld [tilespmem:$0x8E0];
	vm13 =	veq.s32 v14, s22;
	vm12 =	vgt.f32 v0, $4.499999880e-01;
	vm14 =	vgt.f32 v59, v6  }
0xf9: {  	v22 =	vld [tilespmem:$0xB70];
	vm12 =	vmor vm13, vm12;
	v5 =	vadd.f32 $9.999999710e-10, v5;
	v18 =	vmin.f32 v18, s26  }
0xfa: {  	v26 =	vld [tilespmem:$0x660];
	v28 =	vpop (erf);
	v6 =	vsel vm14, v59, v6;
	v8 =	vsel vm14, v24, v25;
	v61 =	vsel vm12, $0xFF800000, v19  }
0xfb: {  	v31 =	vld [tilespmem:$0x3E0];
	v4 =	vmul.f32 v28, v4;
	vm14 =	veq.s32 v32, s22;
	v16 =	vsub.f32 v18, v16  }
0xfc: {  	v0 =	vld [tilespmem:$0xF0];
	(erf) = vrcp.f32 v5;
	v1 =	vmin.f32 v1, s26;
	vm12 =	vgt.f32 v61, v6  }
0xfd: {  	v25 =	vld [tilespmem:$0x1FEE0];
	v1 =	vsub.f32 v1, v10;
	v6 =	vsel vm12, v61, v6;
	vm13 =	vgt.f32 v4, $4.499999880e-01  }
0xfe: {  	v24 =	vld [tilespmem:$0xE00];
	v8 =	vsel vm12, v14, v8;
	v10 =	vmin.f32 v40, s26;
	v7 =	vmin.f32 v22, s24  }
0xff: {  	v28 =	vld [tilespmem:$0xB80];
	v4 =	vmax.f32 v26, s28;
	v26 =	vadd.f32 s23, v30;
	v16 =	vmax.f32 v16, $0.0e+00  }
0x100: {  	v14 =	vld [tilespmem:$0xE20];
	vm13 =	vmor vm14, vm13;
	v10 =	vsub.f32 v10, v12;
	v7 =	vsub.f32 v7, v9  }
0x101: {  	v30 =	vld [tilespmem:$0x920];
	v9 =	vmax.f32 v31, s29;
	v33 =	vpop (erf);
	v1 =	vmax.f32 v1, $0.0e+00;
	v62 =	vsel vm13, $0xFF800000, v0  }
0x102: {  	v0 =	vld [tilespmem:$0x3D0];
	v3 =	vmul.f32 v33, v3;
	v1 =	vmul.f32 v21, v1;
	vm14 =	veq.s32 v25, s22  }
0x103: {  	vm15 =	vgt.f32 v62, v6;
	v7 =	vmax.f32 v7, $0.0e+00;
	v5 =	vadd.f32 s23, v24;
	v33 =	vld [tilespmem:$0xB90]  }
0x104: {  	v17 =	vmin.f32 v28, s24;
	v24 =	vld [tilespmem:$0x680];
	v6 =	vsel vm15, v62, v6;
	v8 =	vsel vm15, v32, v8  }
0x105: {  	v32 =	vld [tilespmem:$0x900];
	v4 =	vsub.f32 v17, v4;
	vm13 =	vgt.f32 v3, $4.499999880e-01;
	v3 =	vsub.f32 v23, v1  }
0x106: {  	v21 =	vadd.f32 s23, v14;
	v14 =	vld [tilespmem:$0xE70];
	vm13 =	vmor vm14, vm13;
	vm14 =	veq.s32 v20, s22  }
0x107: {  	v4 =	vmax.f32 v4, $0.0e+00;
	v63 =	vsel vm13, $0xFF800000, v27;
	v27 =	vld [tilespmem:$0x8F0];
	v3 =	vadd.f32 $9.999999710e-10, v3;
	v29 =	vpop (erf)  }
0x108: {  	v23 =	vld [tilespmem:$0x3F0];
	v0 =	vmax.f32 v0, s29;
	vm13 =	vgt.f32 v63, v6;
	v2 =	vmul.f32 v29, v2  }
0x109: {  	v12 =	vmax.f32 v24, s28;
	v6 =	vsel vm13, v63, v6;
	(erf) = vrcp.f32 v3;
	v3 =	vld [tilespmem:$0x670]  }
0x10a: {  	v8 =	vsel vm13, v25, v8;
	v25 =	vld [tilespmem:$0x910];
	vm12 =	vgt.f32 v2, $4.499999880e-01;
	v2 =	vmax.f32 v10, $0.0e+00  }
0x10b: {  	v29 =	vld [tilespmem:$0x690];
	v14 =	vadd.f32 s23, v14;
	v10 =	vmin.f32 v32, s26;
	v2 =	vmul.f32 v7, v2  }
0x10c: {  	v22 =	vld [tilespmem:$0xE40];
	v11 =	vmin.f32 v27, s26;
	vm12 =	vmor vm14, vm12;
	v7 =	vmin.f32 v33, s24  }
0x10d: {  	v24 =	vld [tilespmem:$0x410];
	v9 =	vsub.f32 v10, v9;
	v0 =	vsub.f32 v11, v0;
	v40 =	vsel vm12, $0xFF800000, v13  }
0x10e: {  	v32 =	vld [tilespmem:$0xBB0];
	v11 =	vmax.f32 v23, s29;
	v5 =	vsub.f32 v5, v2;
	vm13 =	vgt.f32 v40, v6  }
0x10f: {  	v27 =	vld [tilespmem:$0x400];
	v3 =	vmax.f32 v3, s28;
	v9 =	vmax.f32 v9, $0.0e+00;
	v13 =	vmin.f32 v25, s26  }
0x110: {  	v33 =	vld [tilespmem:$0xE30];
	v10 =	vmax.f32 v29, s28;
	v0 =	vmax.f32 v0, $0.0e+00;
	v6 =	vsel vm13, v40, v6  }
0x111: {  	v25 =	vld [tilespmem:$0x6A0];
	v3 =	vsub.f32 v7, v3;
	v11 =	vsub.f32 v13, v11;
	v7 =	vmin.f32 v30, s26  }
0x112: {  	v30 =	vadd.f32 s23, v22;
	v22 =	vld [tilespmem:$0x940];
	v8 =	vsel vm13, v20, v8;
	v5 =	vadd.f32 $9.999999710e-10, v5  }
0x113: {  	v4 =	vmul.f32 v4, v0;
	v0 =	vld [tilespmem:$0xBA0];
	v15 =	vmin.f32 v32, s24;
	v3 =	vmax.f32 v3, $0.0e+00  }
0x114: {  	v32 =	vld [tilespmem:$0x6B0];
	v11 =	vmax.f32 v11, $0.0e+00;
	v23 =	vmax.f32 v27, s29;
	v10 =	vsub.f32 v15, v10  }
0x115: {  	v27 =	vld [tilespmem:$0xBC0];
	v28 =	vpop (erf);
	(erf) = vrcp.f32 v5;
	v31 =	vsub.f32 v26, v4;
	v7 =	vsub.f32 v7, v23  }
0x116: {  	v3 =	vmul.f32 v3, v9;
	v26 =	vld [tilespmem:$0x930];
	v1 =	vmul.f32 v28, v1;
	v10 =	vmax.f32 v10, $0.0e+00  }
0x117: {  	v17 =	vmax.f32 v25, s28;
	v25 =	vld [tilespmem:$0xE60];
	v5 =	vadd.f32 $9.999999710e-10, v31;
	v7 =	vmax.f32 v7, $0.0e+00  }
0x118: {  	v28 =	vsub.f32 v21, v3;
	v31 =	vld [tilespmem:$0x420];
	v0 =	vmin.f32 v0, s24;
	v7 =	vmul.f32 v10, v7  }
0x119: {  	v23 =	vld [tilespmem:$0xBD0];
	vm12 =	vgt.f32 v1, $4.499999880e-01;
	v0 =	vsub.f32 v0, v12;
	(erf) = vrcp.f32 v5  }
0x11a: {  	v1 =	vadd.f32 $9.999999710e-10, v28;
	v9 =	vmin.f32 v27, s24;
	v10 =	vsub.f32 v30, v7  }
0x11b: {  	v21 =	vld [tilespmem:$0x1FF00];
	v12 =	vmin.f32 v26, s26;
	v9 =	vsub.f32 v9, v17;
	v0 =	vmax.f32 v0, $0.0e+00  }
0x11c: {  	v17 =	vld [tilespmem:$0x6C0];
	v30 =	vadd.f32 s23, v25;
	v5 =	vmul.f32 v0, v11;
	v0 =	vadd.f32 s23, v33  }
0x11d: {  	v33 =	vmax.f32 v24, s29;
	v26 =	vmax.f32 v31, s29;
	v31 =	vmin.f32 v22, s26;
	v22 =	vld [tilespmem:$0x1FF20]  }
0x11e: {  	v10 =	vadd.f32 $9.999999710e-10, v10;
	v11 =	vmax.f32 v32, s28;
	v32 =	vmin.f32 v23, s24;
	v23 =	vld [tilespmem:$0x1FF30]  }
0x11f: {  	(erf) = vrcp.f32 v1;
	v1 =	vsub.f32 v12, v33;
	v13 =	vsub.f32 v31, v26  }
0x120: {  	v29 =	vld [tilespmem:$0xE50];
	vm14 =	veq.s32 v21, s22;
	v11 =	vsub.f32 v32, v11;
	v0 =	vsub.f32 v0, v5;
	v27 =	vpop (erf)  }
0x121: {  	v24 =	vld [tilespmem:$0x120];
	vm12 =	vmor vm14, vm12;
	v28 =	vmax.f32 v13, $0.0e+00;
	v2 =	vmul.f32 v27, v2  }
0x122: {  	v11 =	vmax.f32 v11, $0.0e+00;
	v17 =	vmax.f32 v17, s28;
	v27 =	vld [tilespmem:$0xC20];
	v0 =	vadd.f32 $9.999999710e-10, v0  }
0x123: {  	v19 =	vld [tilespmem:$0x140];
	vm14 =	veq.s32 v22, s22;
	vm15 =	vgt.f32 v2, $4.499999880e-01;
	vm1 =	veq.s32 v23, s22  }
0x124: {  	v25 =	vld [tilespmem:$0x1FF10];
	(erf) = vrcp.f32 v0;
	v0 =	vmax.f32 v1, $0.0e+00;
	v1 =	vmax.f32 v9, $0.0e+00;
	v33 =	vpop (erf)  }
0x125: {  	v26 =	vld [tilespmem:$0x1FF50];
	v9 =	vmul.f32 v1, v0;
	v1 =	vadd.f32 s23, v29;
	v4 =	vmul.f32 v33, v4  }
0x126: {  	v18 =	vld [tilespmem:$0xE90];
	v0 =	vsel vm12, $0xFF800000, v24;
	(erf) = vrcp.f32 v10;
	v10 =	vmul.f32 v11, v28  }
0x127: {  	v20 =	vld [tilespmem:$0x440];
	vm13 =	vgt.f32 v0, v6;
	v27 =	vmin.f32 v27, s24;
	v1 =	vsub.f32 v1, v9  }
0x128: {  	v29 =	vld [tilespmem:$0x130];
	v32 =	vpop (erf);
	v6 =	vsel vm13, v0, v6;
	vm12 =	vgt.f32 v4, $4.499999880e-01;
	v11 =	vsub.f32 v30, v10  }
0x129: {  	v31 =	vld [tilespmem:$0x150];
	v2 =	vmul.f32 v32, v3;
	v8 =	vsel vm13, v21, v8;
	v1 =	vadd.f32 $9.999999710e-10, v1  }
0x12a: {  	v24 =	vld [tilespmem:$0x1FF40];
	vm13 =	veq.s32 v26, s22;
	vm12 =	vmor vm14, vm12;
	vm14 =	veq.s32 v25, s22  }
0x12b: {  	v15 =	vld [tilespmem:$0x180];
	v3 =	vadd.f32 $9.999999710e-10, v11;
	(erf) = vrcp.f32 v1;
	v1 =	vsel vm12, $0xFF800000, v19  }
0x12c: {  	vm12 =	vmor vm14, vm15;
	vm15 =	vgt.f32 v2, $4.499999880e-01;
	v19 =	vld [tilespmem:$0xBE0];
	vm14 =	vgt.f32 v1, $-Inf  }
0x12d: {  	v33 =	vld [tilespmem:$0x160];
	vm1 =	vmor vm1, vm15;
	v2 =	vpop (erf);
	(erf) = vrcp.f32 v3;
	v3 =	vsel vm12, $0xFF800000, v29  }
0x12e: {  	v28 =	vld [tilespmem:$0x170];
	v29 =	vnsel vm14, $0xFF800000, v1;
	v5 =	vmul.f32 v2, v5;
	v2 =	vsel vm1, $0xFF800000, v31  }
0x12f: {  	v11 =	vld [tilespmem:$0x190];
	vm12 =	veq.s32 v24, s22;
	vm14 =	vgt.f32 v3, v6;
	vm15 =	vgt.f32 v2, v29  }
0x130: {  	v30 =	vpop (erf);
	vm1 =	vgt.f32 v5, $4.499999880e-01;
	v13 =	vsel vm15, v2, v29;
	v32 =	vsel vm15, v23, v22;
	v22 =	vld [tilespmem:$0x960]  }
0x131: {  	v5 =	vmul.f32 v30, v7;
	v29 =	vld [tilespmem:$0x1FF60];
	v19 =	vmin.f32 v19, s24;
	vm1 =	vmor vm12, vm1  }
0x132: {  	v8 =	vsel vm14, v25, v8;
	v23 =	vld [tilespmem:$0x6E0];
	v17 =	vsub.f32 v19, v17;
	v4 =	vsel vm1, $0xFF800000, v33  }
0x133: {  	v25 =	vld [tilespmem:$0xC00];
	v7 =	vsel vm14, v3, v6;
	vm12 =	vgt.f32 v5, $4.499999880e-01;
	vm1 =	vgt.f32 v4, v13  }
0x134: {  	v33 =	vld [tilespmem:$0xBF0];
	vm12 =	vmor vm13, vm12;
	v17 =	vmax.f32 v17, $0.0e+00;
	v13 =	vsel vm1, v4, v13  }
0x135: {  	v31 =	vpop (erf);
	v5 =	vsel vm12, $0xFF800000, v28;
	v21 =	vsel vm1, v24, v32;
	v24 =	vld [tilespmem:$0xE80];
	v16 =	vmul.f32 v17, v16  }
0x136: {  	v28 =	vld [tilespmem:$0xC10];
	v6 =	vmul.f32 v31, v9;
	vm13 =	veq.s32 v29, s22;
	vm1 =	vgt.f32 v5, v13  }
0x137: {  	v9 =	vld [tilespmem:$0x6D0];
	v31 =	vmax.f32 v20, s29;
	v32 =	vmin.f32 v22, s26;
	v23 =	vmax.f32 v23, s28  }
0x138: {  	v22 =	vld [tilespmem:$0x460];
	v30 =	vpop (erf);
	v13 =	vsel vm1, v5, v13;
	v21 =	vsel vm1, v26, v21;
	v19 =	vsub.f32 v32, v31  }
0x139: {  	v20 =	vld [tilespmem:$0x6F0];
	v14 =	vsub.f32 v14, v16;
	vm12 =	vgt.f32 v6, $4.499999880e-01;
	v10 =	vmul.f32 v30, v10  }
0x13a: {  	v30 =	vld [tilespmem:$0x1FF70];
	v12 =	vmin.f32 v33, s24;
	vm12 =	vmor vm13, vm12;
	v33 =	vmax.f32 v19, $0.0e+00  }
0x13b: {  	v14 =	vadd.f32 $9.999999710e-10, v14;
	v6 =	vsel vm12, $0xFF800000, v15;
	v15 =	vld [tilespmem:$0x450];
	vm1 =	vgt.f32 v10, $4.499999880e-01  }
0x13c: {  	v10 =	vld [tilespmem:$0x970];
	v32 =	vadd.f32 s23, v24;
	v19 =	vmin.f32 v28, s24;
	v28 =	vadd.f32 s23, v18  }
0x13d: {  	v24 =	vld [tilespmem:$0x990];
	vm13 =	vgt.f32 v6, v13;
	v9 =	vmax.f32 v9, s28;
	v22 =	vmax.f32 v22, s29  }
0x13e: {  	v18 =	vld [tilespmem:$0x710];
	v20 =	vmax.f32 v20, s28;
	(erf) = vrcp.f32 v14;
	v9 =	vsub.f32 v12, v9  }
0x13f: {  	v13 =	vsel vm13, v6, v13;
	v12 =	vld [tilespmem:$0x980];
	v19 =	vsub.f32 v19, v20;
	vm12 =	veq.s32 v30, s22  }
0x140: {  	v26 =	vld [tilespmem:$0xEA0];
	v21 =	vsel vm13, v29, v21;
	vm14 =	vmor vm12, vm1;
	v9 =	vmax.f32 v9, $0.0e+00  }
0x141: {  	v20 =	vld [tilespmem:$0x480];
	v19 =	vmax.f32 v19, $0.0e+00;
	v15 =	vmax.f32 v15, s29;
	v10 =	vmin.f32 v10, s26  }
0x142: {  	v17 =	vmul.f32 v9, v33;
	v33 =	vmin.f32 v25, s24;
	v31 =	vsub.f32 v10, v15  }
0x143: {  	v24 =	vmin.f32 v24, s26;
	v18 =	vmax.f32 v18, s28;
	v10 =	vld [tilespmem:$0x470];
	v23 =	vsub.f32 v33, v23  }
0x144: {  	v25 =	vld [tilespmem:$0x700];
	v12 =	vmin.f32 v12, s26;
	v15 =	vsub.f32 v32, v17;
	v9 =	vmax.f32 v31, $0.0e+00  }
0x145: {  	v23 =	vmax.f32 v23, $0.0e+00;
	v12 =	vsub.f32 v12, v22;
	v31 =	vadd.f32 s23, v26;
	v26 =	vld [tilespmem:$0xC30]  }
0x146: {  	v20 =	vmax.f32 v20, s29;
	v22 =	vmul.f32 v23, v9;
	v23 =	vld [tilespmem:$0x9A0];
	v9 =	vsel vm14, $0xFF800000, v11  }
0x147: {  	v32 =	vadd.f32 $9.999999710e-10, v15;
	v12 =	vmax.f32 v12, $0.0e+00;
	vm1 =	vgt.f32 v9, v13  }
0x148: {  	v28 =	vsub.f32 v28, v22;
	v12 =	vmul.f32 v19, v12;
	v10 =	vmax.f32 v10, s29;
	v19 =	vld [tilespmem:$0xEB0]  }
0x149: {  	v25 =	vmax.f32 v25, s28;
	v21 =	vsel vm1, v30, v21;
	v30 =	vld [tilespmem:$0x1FF80];
	v10 =	vsub.f32 v24, v10  }
0x14a: {  	(erf) = vrcp.f32 v32;
	v24 =	vld [tilespmem:$0x720];
	v14 =	vadd.f32 $9.999999710e-10, v28;
	v33 =	vsub.f32 v31, v12  }
0x14b: {  	v28 =	vsub.f32 v27, v25;
	v31 =	vld [tilespmem:$0xEC0];
	v26 =	vmin.f32 v26, s24;
	v23 =	vmin.f32 v23, s26  }
0x14c: {  	v18 =	vsub.f32 v26, v18;
	v10 =	vmax.f32 v10, $0.0e+00;
	v32 =	vsub.f32 v23, v20;
	v20 =	vld [tilespmem:$0x490]  }
0x14d: {  	v15 =	vadd.f32 $9.999999710e-10, v33;
	v33 =	vmax.f32 v28, $0.0e+00;
	(erf) = vrcp.f32 v14;
	v14 =	vld [tilespmem:$0xED0]  }
0x14e: {  	v23 =	vmul.f32 v33, v10;
	v19 =	vadd.f32 s23, v19;
	v33 =	vld [tilespmem:$0xC40]  }
0x14f: {  	v27 =	vmax.f32 v18, $0.0e+00;
	v18 =	vld [tilespmem:$0x9B0]  }
0x150: {  	v26 =	vmax.f32 v32, $0.0e+00;
	v32 =	vsub.f32 v19, v23;
	v19 =	vld [tilespmem:$0x4A0]  }
0x151: {  	v13 =	vsel vm1, v9, v13;
	v11 =	vmul.f32 v27, v26;
	v28 =	vadd.f32 s23, v31;
	v31 =	vpop (erf);
	v26 =	vld [tilespmem:$0x730]  }
0x152: {  	(erf) = vrcp.f32 v15;
	v24 =	vmax.f32 v24, s28;
	v27 =	vld [tilespmem:$0x9C0];
	v16 =	vmul.f32 v31, v16  }
0x153: {  	v10 =	vsub.f32 v28, v11;
	v15 =	vadd.f32 $9.999999710e-10, v32;
	v28 =	vld [tilespmem:$0xC50];
	v25 =	vmin.f32 v33, s24  }
0x154: {  	v20 =	vmax.f32 v20, s29;
	v14 =	vadd.f32 s23, v14;
	v33 =	vsub.f32 v25, v24;
	v24 =	vld [tilespmem:$0xEE0]  }
0x155: {  	v18 =	vmin.f32 v18, s26;
	vm1 =	vgt.f32 v16, $4.499999880e-01;
	(erf) = vrcp.f32 v15;
	v15 =	vld [tilespmem:$0x4B0]  }
0x156: {  	v10 =	vadd.f32 $9.999999710e-10, v10;
	v18 =	vsub.f32 v18, v20;
	v20 =	vld [tilespmem:$0x9D0];
	v16 =	vpop (erf);
	v31 =	vmax.f32 v19, s29  }
0x157: {  	v32 =	vmin.f32 v27, s26;
	v26 =	vmax.f32 v26, s28;
	v19 =	vld [tilespmem:$0xC60];
	v16 =	vmul.f32 v16, v17  }
0x158: {  	(erf) = vrcp.f32 v10;
	v25 =	vmax.f32 v18, $0.0e+00;
	v29 =	vmax.f32 v33, $0.0e+00;
	v18 =	vld [tilespmem:$0x740]  }
0x159: {  	v27 =	vld [tilespmem:$0x4C0];
	v10 =	vsub.f32 v32, v31;
	v17 =	vmul.f32 v29, v25;
	v33 =	vmin.f32 v28, s24  }
0x15a: {  	vm12 =	veq.s32 v30, s22;
	v32 =	vld [tilespmem:$0x1A0];
	v26 =	vsub.f32 v33, v26  }
0x15b: {  	v29 =	vld [tilespmem:$0x750];
	vm14 =	vgt.f32 v16, $4.499999880e-01;
	v10 =	vmax.f32 v10, $0.0e+00;
	v25 =	vpop (erf);
	v14 =	vsub.f32 v14, v17  }
0x15c: {  	v16 =	vld [tilespmem:$0x1B0];
	v24 =	vadd.f32 s23, v24;
	v15 =	vmax.f32 v15, s29;
	v22 =	vmul.f32 v25, v22  }
0x15d: {  	v33 =	vpop (erf);
	v31 =	vmax.f32 v26, $0.0e+00;
	v26 =	vld [tilespmem:$0xEF0];
	v19 =	vmin.f32 v19, s24;
	v18 =	vmax.f32 v18, s28  }
0x15e: {  	v20 =	vmin.f32 v20, s26;
	v12 =	vmul.f32 v33, v12;
	v18 =	vsub.f32 v19, v18;
	v19 =	vld [tilespmem:$0x9E0]  }
0x15f: {  	v15 =	vsub.f32 v20, v15;
	v25 =	vmul.f32 v31, v10;
	vm15 =	vgt.f32 v22, $4.499999880e-01;
	v22 =	vld [tilespmem:$0xC80]  }
0x160: {  	vm1 =	vmor vm12, vm1;
	vm13 =	vgt.f32 v12, $4.499999880e-01;
	v12 =	vadd.f32 $9.999999710e-10, v14;
	v14 =	vld [tilespmem:$0xC70]  }
0x161: {  	v10 =	vsel vm1, $0xFF800000, v32;
	v15 =	vmax.f32 v15, $0.0e+00;
	v32 =	vpop (erf);
	v33 =	vsub.f32 v24, v25;
	v24 =	vld [tilespmem:$0xF00]  }
0x162: {  	v18 =	vmax.f32 v18, $0.0e+00;
	v20 =	vmul.f32 v32, v23;
	v32 =	vmax.f32 v27, s29;
	v27 =	vld [tilespmem:$0x9F0]  }
0x163: {  	vm1 =	vgt.f32 v10, v13;
	v28 =	vpop (erf);
	v15 =	vmul.f32 v18, v15;
	v31 =	vadd.f32 s23, v26;
	v26 =	vld [tilespmem:$0x4D0]  }
0x164: {  	v13 =	vsel vm1, v10, v13;
	(erf) = vrcp.f32 v12;
	v12 =	vld [tilespmem:$0x760];
	v23 =	vmul.f32 v28, v11  }
0x165: {  	v11 =	vadd.f32 $9.999999710e-10, v33;
	v28 =	vld [tilespmem:$0xF10];
	v18 =	vsub.f32 v31, v15;
	v19 =	vmin.f32 v19, s26  }
0x166: {  	v33 =	vmax.f32 v29, s28;
	v31 =	vld [tilespmem:$0x1FF90];
	v14 =	vmin.f32 v14, s24;
	v19 =	vsub.f32 v19, v32  }
0x167: {  	v29 =	vld [tilespmem:$0x4E0];
	v22 =	vmin.f32 v22, s24;
	v18 =	vadd.f32 $9.999999710e-10, v18;
	v14 =	vsub.f32 v14, v33  }
0x168: {  	(erf) = vrcp.f32 v11;
	v32 =	vmax.f32 v19, $0.0e+00;
	v33 =	vmax.f32 v26, s29;
	v26 =	vld [tilespmem:$0xA00]  }
0x169: {  	v12 =	vmax.f32 v12, s28;
	(erf) = vrcp.f32 v18;
	v14 =	vmax.f32 v14, $0.0e+00;
	v18 =	vld [tilespmem:$0x770]  }
0x16a: {  	v12 =	vsub.f32 v22, v12;
	v19 =	vmul.f32 v14, v32;
	v32 =	vmin.f32 v27, s26;
	v27 =	vld [tilespmem:$0xC90]  }
0x16b: {  	v21 =	vsel vm1, v30, v21;
	vm12 =	veq.s32 v31, s22;
	v14 =	vsub.f32 v32, v33;
	v32 =	vld [tilespmem:$0x1FFA0]  }
0x16c: {  	v29 =	vmax.f32 v29, s29;
	vm12 =	vmor vm12, vm14;
	v12 =	vmax.f32 v12, $0.0e+00  }
0x16d: {  	v22 =	vld [tilespmem:$0x1C0];
	v11 =	vsel vm12, $0xFF800000, v16;
	v16 =	vadd.f32 s23, v24;
	v14 =	vmax.f32 v14, $0.0e+00  }
0x16e: {  	v33 =	vadd.f32 s23, v28;
	v26 =	vmin.f32 v26, s26;
	v24 =	vmul.f32 v12, v14  }
0x16f: {  	v28 =	vld [tilespmem:$0xF20];
	v18 =	vmax.f32 v18, s28;
	v16 =	vsub.f32 v16, v19;
	v27 =	vmin.f32 v27, s24  }
0x170: {  	v30 =	vsub.f32 v26, v29;
	vm14 =	veq.s32 v32, s22;
	v18 =	vsub.f32 v27, v18  }
0x171: {  	v26 =	vld [tilespmem:$0x4F0];
	v14 =	vsub.f32 v33, v24;
	v16 =	vadd.f32 $9.999999710e-10, v16;
	vm1 =	vmor vm14, vm15  }
0x172: {  	vm15 =	vgt.f32 v20, $4.499999880e-01;
	vm14 =	vgt.f32 v23, $4.499999880e-01;
	v20 =	vld [tilespmem:$0x780];
	v12 =	vsel vm1, $0xFF800000, v22  }
0x173: {  	v23 =	vld [tilespmem:$0xA10];
	v22 =	vmax.f32 v30, $0.0e+00;
	v18 =	vmax.f32 v18, $0.0e+00;
	vm1 =	vgt.f32 v11, v13  }
0x174: {  	v33 =	vpop (erf);
	v14 =	vadd.f32 $9.999999710e-10, v14;
	v22 =	vmul.f32 v18, v22;
	v18 =	vadd.f32 s23, v28;
	v28 =	vld [tilespmem:$0xCA0]  }
0x175: {  	v17 =	vmul.f32 v33, v17;
	v30 =	vpop (erf);
	(erf) = vrcp.f32 v16;
	v21 =	vsel vm1, v31, v21;
	v31 =	vld [tilespmem:$0x1FFC0]  }
0x176: {  	v25 =	vmul.f32 v30, v25;
	v33 =	vpop (erf);
	(erf) = vrcp.f32 v14;
	v14 =	vld [tilespmem:$0x790]  }
0x177: {  	v27 =	vmul.f32 v33, v15;
	v33 =	vmax.f32 v26, s29;
	v26 =	vld [tilespmem:$0xA20];
	v30 =	vsub.f32 v18, v22  }
0x178: {  	v18 =	vld [tilespmem:$0x500];
	v23 =	vmin.f32 v23, s26;
	v20 =	vmax.f32 v20, s28  }
0x179: {  	v15 =	vadd.f32 $9.999999710e-10, v30;
	v16 =	vsub.f32 v23, v33;
	v23 =	vld [tilespmem:$0xCB0];
	v28 =	vmin.f32 v28, s24  }
0x17a: {  	v13 =	vsel vm1, v11, v13;
	v20 =	vsub.f32 v28, v20;
	v28 =	vld [tilespmem:$0x1E0]  }
0x17b: {  	vm1 =	vgt.f32 v12, v13;
	(erf) = vrcp.f32 v15;
	v15 =	vld [tilespmem:$0xF30]  }
0x17c: {  	v21 =	vsel vm1, v32, v21;
	v30 =	vmax.f32 v16, $0.0e+00;
	v16 =	vld [tilespmem:$0x1F0];
	v32 =	vmax.f32 v20, $0.0e+00  }
0x17d: {  	v29 =	vsel vm1, v12, v13;
	v20 =	vmul.f32 v32, v30;
	v30 =	vld [tilespmem:$0x1FFB0]  }
0x17e: {  	vm1 =	veq.s32 v31, s22;
	v26 =	vmin.f32 v26, s26;
	v33 =	vmax.f32 v18, s29;
	v32 =	vld [tilespmem:$0x1FFD0]  }
0x17f: {  	v14 =	vmax.f32 v14, s28;
	v18 =	vsub.f32 v26, v33;
	v26 =	vld [tilespmem:$0xF40];
	v23 =	vmin.f32 v23, s24  }
0x180: {  	vm1 =	vmor vm1, vm15;
	vm15 =	vgt.f32 v17, $4.499999880e-01;
	v33 =	vld [tilespmem:$0x1FFE0];
	v14 =	vsub.f32 v23, v14  }
0x181: {  	v23 =	vld [tilespmem:$0x1D0];
	v18 =	vmax.f32 v18, $0.0e+00;
	v13 =	vsel vm1, $0xFF800000, v28;
	v15 =	vadd.f32 s23, v15  }
0x182: {  	vm1 =	vgt.f32 v13, $-Inf;
	v14 =	vmax.f32 v14, $0.0e+00;
	vm12 =	veq.s32 v30, s22  }
0x183: {  	v28 =	vmul.f32 v14, v18;
	v18 =	vld [tilespmem:$0x200];
	vm12 =	vmor vm12, vm13;
	vm13 =	veq.s32 v32, s22  }
0x184: {  	v15 =	vsub.f32 v15, v20;
	v17 =	vnsel vm1, $0xFF800000, v13;
	vm1 =	vmor vm13, vm14  }
0x185: {  	v26 =	vadd.f32 s23, v26;
	v14 =	vsel vm1, $0xFF800000, v16  }
0x186: {  	v16 =	vadd.f32 $9.999999710e-10, v15;
	v15 =	vsel vm12, $0xFF800000, v23;
	vm12 =	veq.s32 v33, s22  }
0x187: {  	v26 =	vsub.f32 v26, v28;
	vm12 =	vmor vm12, vm15  }
0x188: {  	vm1 =	vgt.f32 v14, v17;
	(erf) = vrcp.f32 v16;
	v16 =	vsel vm12, $0xFF800000, v18;
	v18 =	vpop (erf)  }
0x189: {  	v18 =	vmul.f32 v18, v19;
	v19 =	vadd.f32 $9.999999710e-10, v26;
	v26 =	vsel vm1, v32, v31;
	v31 =	vld [tilespmem:$0x1FFF0];
	_ =	sdelay $0x1  }
0x18a: {  	v23 =	vld [tilespmem:$0x210];
	v17 =	vsel vm1, v14, v17  }
0x18b: {  	vm1 =	vgt.f32 v16, v17  }
0x18c: {  	vm13 =	vgt.f32 v27, $4.499999880e-01;
	vm12 =	vgt.f32 v25, $4.499999880e-01;
	v25 =	vld [tilespmem:$0x220];
	v27 =	vsel vm1, v16, v17  }
0x18d: {  	v32 =	vpop (erf);
	v26 =	vsel vm1, v33, v26;
	(erf) = vrcp.f32 v19;
	vm14 =	veq.s32 v31, s22  }
0x18e: {  	vm1 =	veq.s32 v35, s22;
	v19 =	vmul.f32 v32, v24;
	v32 =	vpop (erf);
	vm12 =	vmor vm14, vm12  }
0x18f: {  	v22 =	vmul.f32 v32, v22;
	v17 =	vsel vm12, $0xFF800000, v23;
	vm12 =	veq.s32 v34, s22;
	v23 =	vld [tilespmem:$0x230]  }
0x190: {  	vm14 =	vgt.f32 v18, $4.499999880e-01;
	vm12 =	vmor vm12, vm13;
	vm13 =	vgt.f32 v17, v27  }
0x191: {  	v24 =	vpop (erf);
	v27 =	vsel vm13, v17, v27;
	v18 =	vsel vm12, $0xFF800000, v25;
	vm12 =	vgt.f32 v19, $4.499999880e-01;
	v19 =	vld [tilespmem:$0x240]  }
0x192: {  	v32 =	vsel vm13, v31, v26;
	v20 =	vmul.f32 v24, v20;
	vm13 =	vgt.f32 v18, v27  }
0x193: {  	vm1 =	vmor vm1, vm14;
	v31 =	vld [tilespmem:$0x250];
	v33 =	vsel vm13, v18, v27;
	v25 =	vsel vm13, v34, v32  }
0x194: {  	vm13 =	veq.s32 v36, s22;
	vm14 =	vgt.f32 v20, $4.499999880e-01;
	v23 =	vsel vm1, $0xFF800000, v23  }
0x195: {  	vm12 =	vmor vm13, vm12;
	vm13 =	vgt.f32 v22, $4.499999880e-01;
	v22 =	vld [tilespmem:$0x260];
	vm1 =	vgt.f32 v23, v33  }
0x196: {  	v32 =	vpop (erf);
	v26 =	vsel vm1, v23, v33;
	v19 =	vsel vm12, $0xFF800000, v19;
	vm12 =	veq.s32 v37, s22  }
0x197: {  	v20 =	vmul.f32 v32, v28;
	v33 =	vld [tilespmem:$0x270];
	vm12 =	vmor vm12, vm13;
	vm13 =	vgt.f32 v19, v26  }
0x198: {  	v26 =	vsel vm13, v19, v26;
	v24 =	vsel vm12, $0xFF800000, v31;
	vm12 =	veq.s32 v38, s22  }
0x199: {  	vm15 =	vgt.f32 v20, $4.499999880e-01;
	vm12 =	vmor vm12, vm14;
	vm14 =	vgt.f32 v24, v26  }
0x19a: {  	v31 =	vsel vm14, v24, v26;
	v22 =	vsel vm12, $0xFF800000, v22;
	vm12 =	veq.s32 v39, s22  }
0x19b: {  	v25 =	vsel vm1, v35, v25;
	vm1 =	vmor vm12, vm15;
	vm12 =	vgt.f32 v22, v31  }
0x19c: {  	v25 =	vsel vm13, v36, v25;
	v32 =	vsel vm1, $0xFF800000, v33;
	v20 =	vsel vm12, v22, v31  }
0x19d: {  	v25 =	vsel vm14, v37, v25;
	vm1 =	vgt.f32 v15, v29;
	vm13 =	vgt.f32 v32, v20  }
0x19e: {  	v25 =	vsel vm12, v38, v25;
	v33 =	vsel vm1, v15, v29;
	v20 =	vsel vm13, v32, v20  }
0x19f: {  	v21 =	vsel vm1, v30, v21;
	vm1 =	vgt.f32 v7, v57;
	vm12 =	vgt.f32 v20, v33  }
0x1a0: {  	v7 =	vsel vm1, v7, v57;
	v25 =	vsel vm13, v39, v25;
	v20 =	vsel vm12, v20, v33  }
0x1a1: {  	v8 =	vsel vm1, v8, v60;
	v21 =	vsel vm12, v25, v21;
	vm1 =	vgt.f32 v20, v7  }
0x1a2: {  	v7 =	vsel vm1, v20, v7;
	v8 =	vsel vm1, v21, v8  }
0x1a3: {  	v20 =	vperm.xlane v7, v41;
	v21 =	vperm.xlane v8, v41  }
0x1a4: {  	[tilespmem:$0x0] =	vst v45  }
0x1a5: {  	[tilespmem:$0x10] =	vst v46;
	vm1 =	veq.f32 v20, v7;
	vm12 =	vlt.s32 v21, v8  }
0x1a6: {  	[tilespmem:$0x20] =	vst v47;
	vm1 =	vmand vm1, vm12;
	vm12 =	vgt.f32 v20, v7  }
0x1a7: {  	[tilespmem:$0x30] =	vst v48;
	vm1 =	vmor vm12, vm1  }
0x1a8: {  	[tilespmem:$0x40] =	vst v49;
	v7 =	vsel vm1, v20, v7;
	v8 =	vsel vm1, v21, v8  }
0x1a9: {  	[tilespmem:$0x50] =	vst v50;
	v20 =	vperm.xlane v7, v42;
	v21 =	vperm.xlane v8, v42  }
0x1aa: {  	[tilespmem:$0x60] =	vst v51  }
0x1ab: {  	[tilespmem:$0x70] =	vst v52;
	vm1 =	veq.f32 v20, v7;
	vm12 =	vlt.s32 v21, v8  }
0x1ac: {  	[tilespmem:$0x80] =	vst v53;
	vm1 =	vmand vm1, vm12;
	vm12 =	vgt.f32 v20, v7  }
0x1ad: {  	[tilespmem:$0x90] =	vst v54;
	vm1 =	vmor vm12, vm1  }
0x1ae: {  	[tilespmem:$0xA0] =	vst v55;
	v7 =	vsel vm1, v20, v7;
	v8 =	vsel vm1, v21, v8  }
0x1af: {  	[tilespmem:$0xB0] =	vst v56;
	v20 =	vperm.xlane v7, v43;
	v21 =	vperm.xlane v8, v43  }
0x1b0: {  	[tilespmem:$0xC0] =	vst v58  }
0x1b1: {  	[tilespmem:$0xD0] =	vst v59;
	vm1 =	veq.f32 v20, v7;
	vm12 =	vlt.s32 v21, v8  }
0x1b2: {  	[tilespmem:$0xE0] =	vst v61;
	vm1 =	vmand vm1, vm12;
	vm12 =	vgt.f32 v20, v7  }
0x1b3: {  	[tilespmem:$0xF0] =	vst v62;
	vm1 =	vmor vm12, vm1  }
0x1b4: {  	[tilespmem:$0x100] =	vst v63;
	v7 =	vsel vm1, v20, v7;
	v8 =	vsel vm1, v21, v8  }
0x1b5: {  	[tilespmem:$0x110] =	vst v40;
	v20 =	vperm.xlane v7, v44;
	v21 =	vperm.xlane v8, v44  }
0x1b6: {  	[tilespmem:$0x120] =	vst v0  }
0x1b7: {  	[tilespmem:$0x140] =	vst v1;
	vm1 =	veq.f32 v20, v7;
	vm12 =	vlt.s32 v21, v8  }
0x1b8: {  	[tilespmem:$0x130] =	vst v3;
	vm1 =	vmand vm1, vm12;
	vm12 =	vgt.f32 v20, v7  }
0x1b9: {  	[tilespmem:$0x150] =	vst v2;
	vm13 =	vmor vm12, vm1  }
0x1ba: {  	[tilespmem:$0x160] =	vst v4;
	v0 =	vsel vm13, v21, v8  }
0x1bb: {  	[tilespmem:$0x170] =	vst v5;
	(v2sf) =	vpush v0, $0x0  }
0x1bc: {  	[tilespmem:$0x180] =	vst v6  }
0x1bd: {  	[tilespmem:$0x190] =	vst v9  }
0x1be: {  	[tilespmem:$0x1A0] =	vst v10  }
0x1bf: {  	[tilespmem:$0x1B0] =	vst v11  }
0x1c0: {  	[tilespmem:$0x1C0] =	vst v12  }
0x1c1: {  	[tilespmem:$0x1E0] =	vst v13  }
0x1c2: {  	[tilespmem:$0x1D0] =	vst v15  }
0x1c3: {  	[tilespmem:$0x1F0] =	vst v14  }
0x1c4: {  	[tilespmem:$0x200] =	vst v16  }
0x1c5: {  	[tilespmem:$0x210] =	vst v17  }
0x1c6: {  	[tilespmem:$0x220] =	vst v18  }
0x1c7: {  	[tilespmem:$0x230] =	vst v23  }
0x1c8: {  	[tilespmem:$0x240] =	vst v19  }
0x1c9: {  	[tilespmem:$0x250] =	vst v24  }
0x1ca: {  	[tilespmem:$0x260] =	vst v22;
	s22 =	spop (v2sf)  }
0x1cb: {  	[tilespmem:$0x270] =	vst v32;
	s23 =	ssub.s32 s22, s1  }
0x1cc: {  	v0 =	vld.msk [tilespmem:s23+$0x290 ss:$0x0], $0xffff  }
0x1cd: {  	v1 =	vld.msk [tilespmem:s23+$0x520 ss:$0x0], $0xffff  }
0x1ce: {  	v2 =	vld.msk [tilespmem:s23+$0x7B0 ss:$0x0], $0xffff  }
0x1cf: {  	v3 =	vld.msk [tilespmem:s23+$0xA40 ss:$0x0], $0xffff  }
0x1d0: {  	v4 =	vld.msk [tilespmem:s23+$0xCD0 ss:$0x0], $0xffff  }
0x1d1: {  	v5 =	vld.msk [tilespmem:s23+$0xF60 ss:$0x0], $0xffff  }
0x1d2: {  	v6 =	vld.msk [tilespmem:s23+$0x11F0 ss:$0x0], $0xffff  }
0x1d3: {  	v9 =	vld.msk [tilespmem:s23+$0x1710 ss:$0x0], $0xffff  }
0x1d4: {  	s30 =	sand.u32 $0x7F, s22;
	s22 =	scvt.s32.f32 s22;
	s26 =	sand.u32 $0xFFFFFF80, s23;
	v10 =	vld.msk [tilespmem:s23+$0x19A0 ss:$0x0], $0xffff  }
0x1d5: {  	v7 =	vsel vm13, v20, v7;
	s24 =	sor.u32 s30, s26  }
0x1d6: {  	vm1 =	vcmask $0x704;
	v7 =	vnsel vm0, $0x0, v7;
	v58 =	vmov s22;
	v57 =	vld.msk [tilespmem:s24+$0x1480 ss:$0x0], $0xffff  }
0x1d7: {  	v0 =	vnsel vm1, $0x0, v0;
	v1 =	vnsel vm2, $0x0, v1;
	v2 =	vnsel vm3, $0x0, v2  }
0x1d8: {  	v3 =	vnsel vm4, $0x0, v3;
	v4 =	vnsel vm5, $0x0, v4;
	v5 =	vnsel vm6, $0x0, v5  }
0x1d9: {  	v6 =	vnsel vm7, $0x0, v6;
	v9 =	vnsel vm9, $0x0, v9;
	v10 =	vnsel vm10, $0x0, v10  }
0x1da: {  	v0 =	vadd.f32 v7, v0;
	v1 =	vadd.f32 v2, v1;
	v2 =	vnsel vm11, $0x0, v58  }
0x1db: {  	v3 =	vadd.f32 v4, v3;
	v59 =	vadd.f32 v6, v5;
	v8 =	vnsel vm8, $0x0, v57  }
0x1dc: {  	v2 =	vadd.f32 v2, v10;
	v60 =	vadd.f32 v9, v8  }
0x1dd: {  	v0 =	vadd.f32 v0, v1;
	v1 =	vadd.f32 v59, v3;
	_ =	sdelay $0x1  }
0x1de: {  	v2 =	vadd.f32 v2, v60;
	v0 =	vadd.f32 v0, v1;
	_ =	sdelay $0x1  }
0x1df: {  	s23 =	sand.u32 $0x100, s20;
	v0 =	vadd.f32 v2, v0  }
0x1e0: {  	s22 =	sadd.s32 s23, s15  }
0x1e1: {  	s24 =	sadd.s32 s25, s22;
	[tilespmem:$0x2300] =	vst v0  }
0x1e2: {  	[spmem:s24] =	stream.linear.scatter [tilespmem:s31], [sflag:$0x1], $0x10, $0x38;
	[tilespmem:$0x2420] =	vst v63  }
0x1e3: {  	_ =	swait.ge [sflag:s18], $0x10  }
0x1e4: {  	[sflag:s18] =	ssyncset.done $0x0  }
0x1e5: {  	[sflag:s18] =	ssyncadd.s32 $0xFFFFFFF0  }
0x1e6: {  	[bflag:$0x0] =	sbarrier.arrive $0xFFFF  }
0x1e7: {  	[tilespmem:s2], [sflag:$0x1] =	stream.linear.gather [spmem:s22], $0x80, $0x38;
	[tilespmem:$0x2420] =	vst v63  }
0x1e8: {  	_ =	swait.ge [sflag:s18], $0x80  }
0x1e9: {  	[sflag:s18] =	ssyncset.done $0x0  }
0x1ea: {  	[sflag:s18] =	ssyncadd.s32 $0xFFFFFF80  }
0x1eb: {  	v0 =	vld [tilespmem:$0x2390]  }
0x1ec: {  	v1 =	vld [tilespmem:$0x2380]  }
0x1ed: {  	v2 =	vld [tilespmem:$0x23B0]  }
0x1ee: {  	v3 =	vld [tilespmem:$0x23A0];
	_ =	sdelay $0x1  }
0x1ef: {  	(v2sf) =	vpush v0, $0x0  }
0x1f0: {  	(v2sf) =	vpush v1, $0x0  }
0x1f1: {  	(v2sf) =	vpush v2, $0x0  }
0x1f2: {  	(v2sf) =	vpush v3, $0x0;
	_ =	sdelay $0xb  }
0x1f3: {  	s22 =	spop (v2sf)  }
0x1f4: {  	s23 =	spop (v2sf)  }
0x1f5: {  	s26 =	spop (v2sf)  }
0x1f6: {  	s30 =	spop (v2sf)  }
0x1f7: {  	v61 =	vld [tilespmem:$0x23D0];
	p1 =	sgt.f32 s26, s30  }
0x1f8: {  	v62 =	vld [tilespmem:$0x23C0];
	p2 =	sgt.f32 s22, s23  }
0x1f9: {  	v63 =	vld [tilespmem:$0x23F0];
	v2 =	vpsel p1, v2, v3  }
0x1fa: {  	v0 =	vpsel p2, v0, v1;
	v3 =	vld [tilespmem:$0x23E0];
	(v2sf) =	vpush v2, $0x0  }
0x1fb: {  	(v2sf) =	vpush v0, $0x0  }
0x1fc: {  	(v2sf) =	vpush v61, $0x0  }
0x1fd: {  	(v2sf) =	vpush v62, $0x0  }
0x1fe: {  	(v2sf) =	vpush v63, $0x0  }
0x1ff: {  	(v2sf) =	vpush v3, $0x0;
	_ =	sdelay $0x9  }
0x200: {  	s22 =	spop (v2sf)  }
0x201: {  	s23 =	spop (v2sf)  }
0x202: {  	s26 =	spop (v2sf)  }
0x203: {  	s30 =	spop (v2sf)  }
0x204: {  	s28 =	spop (v2sf)  }
0x205: {  	s29 =	spop (v2sf)  }
0x206: {  	p2 =	sgt.f32 s28, s29  }
0x207: {  	p3 =	sgt.f32 s26, s30  }
0x208: {  	v1 =	vpsel p2, v63, v3  }
0x209: {  	v3 =	vpsel p3, v61, v62;
	(v2sf) =	vpush v1, $0x0  }
0x20a: {  	(v2sf) =	vpush v3, $0x0;
	_ =	sdelay $0xd  }
0x20b: {  	s26 =	spop (v2sf)  }
0x20c: {  	s30 =	spop (v2sf)  }
0x20d: {  	p4 =	sgt.f32 s26, s30  }
0x20e: {  	p5 =	sgt.f32 s22, s23  }
0x20f: {  	v1 =	vpsel p4, v1, v3  }
0x210: {  	v0 =	vpsel p5, v2, v0;
	(v2sf) =	vpush v1, $0x0  }
0x211: {  	(v2sf) =	vpush v0, $0x0;
	_ =	sdelay $0xd  }
0x212: {  	s26 =	spop (v2sf)  }
0x213: {  	s30 =	spop (v2sf)  }
0x214: {  	p6 =	sgt.f32 s26, s30;
	_ =	sdelay $0x1  }
0x215: {  	v0 =	vpsel p6, v1, v0  }
0x216: {  	(v2sf) =	vpush v0, $0x1  }
0x217: {  	(v2sf) =	vpush v0, $0x2  }
0x218: {  	(v2sf) =	vpush v0, $0x3  }
0x219: {  	(v2sf) =	vpush v0, $0x4  }
0x21a: {  	(v2sf) =	vpush v0, $0x5  }
0x21b: {  	(v2sf) =	vpush v0, $0xB;
	_ =	sdelay $0x9  }
0x21c: {  	s29 =	spop (v2sf)  }
.Ltmp4:
0x21d: {  	s28 =	spop (v2sf);
	(pc) =	sbr.rel @!p0 .LBB2_5-.Ltmp4, $4  }
0x21e: {  	s26 =	spop (v2sf)  }
0x21f: {  	s24 =	spop (v2sf)  }
0x220: {  	s23 =	spop (v2sf)  }
0x221: {  	s22 =	spop (v2sf)  }
0x222: {  	p1 =	seq.s32 s16, $0x0  }
.Ltmp5:
0x223: {  	_ = 	snop;
	(pc) =	sbr.rel @p1 .LBB2_11-.Ltmp5, $2  }
0x224: {  	_ =	sdelay $0x2  }
0x225: {  	v6 =	vimm.f32 $0.0e+00  }
.Ltmp6:
0x226: {  	(pc) =	sbr.rel .LBB2_7-.Ltmp6, $2  }
0x227: {  	_ =	sdelay $0x2  }
0x228: {  	s21 =	sadd.s32 $0x1, s21  }
.LBB2_5:
0x229: {  	(v2sf) =	vpush v0, $0x0;
	_ =	sdelay $0x9  }
0x22a: {  	v1 =	vbroadcast v0, $0x6  }
0x22b: {  	v2 =	vbroadcast v0, $0x7  }
0x22c: {  	v3 =	vbroadcast v0, $0x8;
	vm1 =	vcmask $0x318;
	v1 =	vnsel vm0, $0x0, v1  }
0x22d: {  	v61 =	vbroadcast v0, $0x9;
	v1 =	vsel vm1, v1, v2;
	vm1 =	vcmask $0x718  }
0x22e: {  	v62 =	vbroadcast v0, $0x0;
	v1 =	vsel vm1, v1, v3;
	vm1 =	vcmask $0xB18  }
0x22f: {  	v63 =	vbroadcast v0, $0xA;
	v1 =	vsel vm1, v1, v61;
	vm1 =	vcmask $0xF18;
	s30 =	spop (v2sf)  }
0x230: {  	v1 =	vsel vm1, v1, v62;
	vm1 =	vcmask $0x1318;
	p1 =	sgt.f32 s30, $1.000000050e-03  }
0x231: {  	v0 =	vsel vm1, v1, v63  }
0x232: {  	v0 =	vpsel !p1, $0x0, v0;
	p1 =	seq.s32 s16, $0x0  }
.Ltmp7:
0x233: {  	_ = 	snop;
	(pc) =	sbr.rel @p1 .LBB2_10-.Ltmp7, $2  }
0x234: {  	_ =	sdelay $0x2  }
0x235: {  	[tilespmem:s19+$0x0] =	vst v0  }
.Ltmp8:
0x236: {  	(pc) =	sbr.rel .LBB2_7-.Ltmp8, $2  }
0x237: {  	_ =	sdelay $0x2  }
0x238: {  	s21 =	sadd.s32 $0x1, s21  }
.LBB2_12:
0x239: {  	_ =	sfence.sel $0x180000  }
0x23a: {  	[bflag:$0x0] =	sbarrier.arrive $0xFFFF  }
0x23b: {  	_ =	strace $0x90000047  }
0x23c: {  	s0 =	stileid.u32;
	[bflag:$0x2] =	sbarrier.arrive $0xFFFF  }
0x23d: {  	p0 =	sne.s32 s0, $0x0;
	s0 =	rddreg [dreg:$0x2]  }
0x23e: {  	s0 =	sadd.s32 @!p0 $0x100000, s0  }
0x23f: {  	[sflag:s0] =	ssyncadd.tile.s32 @!p0 $0x1;
	_ =	shalt  }
.Lfunc_end2:
_tile_overlayer_lowered:
.L_overlay_start_2:
0x240: {  	(tag) =	ssettag $0x2  }
0x241: {  	s0 =	rddreg [dreg:$0x0];
	s2 =	stileid.u32  }
0x242: {  	s1 =	rddreg [dreg:$0x1];
	p0 =	sne.s32 s2, $0x0  }
0x243: {  	s3 =	rddreg [dreg:$0x2];
	[bflag:$0x3] =	sbarrier.arrive $0xFFFF;
	s2 =	simm.s32 @!p0 $0x1C01  }
0x244: {  	[timem:s3], [sflag:s2] =	dma.local @!p0 [hbm:s0], s1  }
0x245: {  	s0 =	simm.s32 @!p0 $0x1  }
0x246: {  	_ =	swait.ge @!p0 [sflag:s0], s1  }
0x247: {  	s1 =	ssub.s32 @!p0 $0x0, s1;
	[sflag:s0] =	ssyncset.done @!p0 $0x0  }
0x248: {  	[sflag:s0] =	ssyncadd.s32 @!p0 s1  }
0x249: {  	[bflag:$0x3] =	sbarrier.arrive $0xFFFF  }
0x24a: {  	_ =	shalt  }

</sc_bundles>
